<compile_context>
chip_gen: v7x
topology: tpu7x:2x2x1
jax: 0.10.2.dev20260603
libtpu: 0.0.44.dev20260713+nightly
codegen_flags: <defaults>
</compile_context>

<pallas_src>
import functools

import jax
import jax.numpy as jnp
import numpy as np
from jax import lax
from jax.experimental import pallas as pl
from jax.experimental.pallas import tpu as pltpu
from jax.experimental.pallas import tpu_sc as plsc

ROWS, COLS = 128, 32768
N = ROWS * COLS
NC, NS = 2, 16
NW = NC * NS
PER_W = N // NW
CHUNK = 32768
NCHUNK = PER_W // CHUNK
ROWCH = COLS // CHUNK
VECS = CHUNK // 16

B1 = 1024
SHIFT1 = 22
U1 = 2
H1 = U1 * 16 * B1

B2 = 256
SHIFT2 = 14
U2 = 2
NT = 4
REG = 16 * B2
H2 = (NT + 1) * U2 * REG

_SIGN = np.uint32(0x80000000)
_MININT = np.int32(-0x80000000)


def _mono_key(v):
    ki = plsc.bitcast(v, jnp.int32)
    flip = (ki >> 31) | _MININT
    return plsc.bitcast(ki ^ flip, jnp.uint32)


def _zero(ref, nwords):
    z = jnp.zeros((16,), jnp.int32)

    @plsc.parallel_loop(0, nwords // 16)
    def _(i):
        ref[pl.ds(i * 16, 16)] = z


def _fold_rows(hist, base, nrows, width):

    @plsc.parallel_loop(0, width // 16)
    def _(j):
        off = base + j * 16
        acc = hist[pl.ds(off, 16)]
        for r in range(1, nrows):
            acc = acc + hist[pl.ds(off + r * width, 16)]
        hist[pl.ds(off, 16)] = acc


def _stream_chunks(x_hbm, buf, sems, wid, unroll, compute_vec, prelude):
    def copy_in(ci, b):
        row = wid * (NCHUNK // ROWCH) + ci // ROWCH
        col = (ci % ROWCH) * CHUNK
        return pltpu.async_copy(
            x_hbm.at[row, pl.ds(col, CHUNK)], buf.at[b], sems[b])

    handles = [copy_in(0, 0), copy_in(1, 1)]
    prelude()
    for ci in range(NCHUNK):
        b = ci % 2
        handles[b].wait()

        @plsc.parallel_loop(0, VECS // unroll, unroll=8 // unroll)
        def _(i, _b=b):
            for u in range(unroll):
                compute_vec(u, buf[_b, pl.ds((i * unroll + u) * 16, 16)])

        if ci + 2 < NCHUNK:
            handles[b] = copy_in(ci + 2, b)


def _pass1_body(x_hbm, out_hbm, hist, buf, sem0, sem1):
    wid = lax.axis_index("s") * NC + lax.axis_index("c")
    lane_base = lax.iota(jnp.int32, 16) * B1
    ones = jnp.ones((16,), jnp.int32)

    def compute_vec(u, v):
        key = _mono_key(v)
        bucket = plsc.bitcast(key >> np.uint32(SHIFT1), jnp.int32)
        plsc.addupdate_scatter(hist, [(lane_base + u * 16 * B1) + bucket],
                               ones)

    _stream_chunks(x_hbm, buf, (sem0, sem1), wid, U1, compute_vec,
                   prelude=lambda: _zero(hist, H1))
    _fold_rows(hist, 0, U1 * 16, B1)
    pltpu.sync_copy(hist.at[pl.ds(0, B1)], out_hbm.at[pl.ds(wid * B1, B1)])


def _pass2_body(x_hbm, pref_hbm, out_hbm, hist, buf, lut, pbuf, sem0, sem1):
    wid = lax.axis_index("s") * NC + lax.axis_index("c")
    lane = lax.iota(jnp.int32, 16)
    lane_base = lane * B2
    ones = jnp.ones((16,), jnp.int32)

    def prelude():
        _zero(hist, NT * U2 * REG)
        pltpu.sync_copy(pref_hbm, pbuf)

        trash = jnp.full((16,), NT * U2 * REG, jnp.int32)

        @plsc.parallel_loop(0, B1 // 16)
        def _(i):
            lut[pl.ds(i * 16, 16)] = trash

        lane0 = lane == 0
        for t in range(NT - 1, -1, -1):
            plsc.store_scatter(lut, [pbuf[t]],
                               jnp.full((16,), t * U2 * REG, jnp.int32),
                               mask=lane0)

    def compute_vec(u, v):
        key = _mono_key(v)
        hi = plsc.bitcast(key >> np.uint32(SHIFT1), jnp.int32)
        bucket = plsc.bitcast(
            (key >> np.uint32(SHIFT2)) & np.uint32(B2 - 1), jnp.int32)
        base = plsc.load_gather(lut, [hi])
        plsc.addupdate_scatter(
            hist, [base + ((lane_base + u * REG) + bucket)], ones)

    _stream_chunks(x_hbm, buf, (sem0, sem1), wid, U2, compute_vec, prelude)
    for t in range(NT):
        _fold_rows(hist, t * U2 * REG, U2 * 16, B2)
        pltpu.sync_copy(hist.at[pl.ds(t * U2 * REG, B2)],
                        out_hbm.at[pl.ds((wid * NT + t) * B2, B2)])


_mesh = plsc.VectorSubcoreMesh(core_axis_name="c", subcore_axis_name="s")
_params = pltpu.CompilerParams(needs_layout_passes=False)

_pass1 = functools.partial(
    pl.kernel,
    out_type=jax.ShapeDtypeStruct((NW * B1,), jnp.int32),
    scratch_types=[
        pltpu.VMEM((H1,), jnp.int32),
        pltpu.VMEM((2, CHUNK), jnp.float32),
        pltpu.SemaphoreType.DMA,
        pltpu.SemaphoreType.DMA,
    ],
    mesh=_mesh,
    compiler_params=_params,
)(_pass1_body)

_pass2 = functools.partial(
    pl.kernel,
    out_type=jax.ShapeDtypeStruct((NW * NT * B2,), jnp.int32),
    scratch_types=[
        pltpu.VMEM((H2,), jnp.int32),
        pltpu.VMEM((2, CHUNK), jnp.float32),
        pltpu.VMEM((B1,), jnp.int32),
        pltpu.VMEM((NT, 16), jnp.int32),
        pltpu.SemaphoreType.DMA,
        pltpu.SemaphoreType.DMA,
    ],
    mesh=_mesh,
    compiler_params=_params,
)(_pass2_body)

_POS_LO = 0.05 * (N - 1)
_POS_HI = 0.95 * (N - 1)
_K_LO = int(_POS_LO)
_K_HI = int(_POS_HI)
_F_LO = _POS_LO - _K_LO
_F_HI = _POS_HI - _K_HI
_RANKS = (_K_LO, _K_LO + 1, _K_HI, _K_HI + 1)


def kernel(x, low, high):
    x = lax.stop_gradient(x)

    out1 = _pass1(x)
    hist1 = out1.reshape(NW, B1).sum(axis=0)
    c1 = jnp.cumsum(hist1)
    ranks = jnp.array(_RANKS, jnp.int32)
    p1 = jnp.sum(c1[None, :] <= ranks[:, None], axis=1).astype(jnp.int32)
    below = jnp.where(p1 > 0, c1[jnp.maximum(p1 - 1, 0)], 0)
    r = ranks - below

    prefs = jnp.broadcast_to(p1[:, None], (NT, 16)).astype(jnp.int32)
    out2 = _pass2(x, prefs)
    hist2 = out2.reshape(NW, NT, B2).sum(axis=0)
    first = jnp.argmax(p1[None, :] == p1[:, None], axis=1)
    hist_eff = hist2[first]
    c2 = jnp.cumsum(hist_eff, axis=1)
    b2 = jnp.sum(c2 <= r[:, None], axis=1).astype(jnp.uint32)

    key_mid = ((((p1.astype(jnp.uint32) << 8) | b2) << 14)
               | jnp.uint32(1 << 13))
    orig = jnp.where(key_mid >= _SIGN, key_mid ^ _SIGN, ~key_mid)
    vals = lax.bitcast_convert_type(orig, jnp.float32)

    q_lo = vals[0] + jnp.float32(_F_LO) * (vals[1] - vals[0])
    q_hi = vals[2] + jnp.float32(_F_HI) * (vals[3] - vals[2])

    decay = jnp.float32(0.99)
    new_low = decay * low + (1.0 - decay) * q_lo
    new_high = decay * high + (1.0 - decay) * q_hi
    inverse_scale = jnp.maximum(jnp.float32(1.0), new_high - new_low)
    return (new_low, inverse_scale)

# --- scband reference (transcript-rebuilt; emitter-appended) ---
"""Pipeline reference for scband-moments-45518063403470 (READ-ONLY COPY).

The authoritative reference and input builder live on the scoring server;
editing this copy changes nothing except your own understanding.
"""

import jax, jax.numpy as jnp
import numpy as np


def setup_inputs(seed: int = 0) -> dict:
    key = jax.random.key(seed)
    x = jax.random.normal(key, (128, 32768), dtype=jnp.float32)
    # registered buffers (EMA state), initialized to zeros as in the torch module
    low = jnp.zeros((), dtype=jnp.float32)
    high = jnp.zeros((), dtype=jnp.float32)
    return {"x": x, "low": low, "high": high}


def reference(x, low, high):
    decay = jnp.float32(0.99)
    min_ = jnp.float32(1.0)
    p_low = 0.05
    p_high = 0.95

    x = jax.lax.stop_gradient(x)  # x = x.detach()
    q_low = jnp.quantile(x, p_low)    # torch.quantile default linear interpolation
    q_high = jnp.quantile(x, p_high)

    new_low = decay * low + (1.0 - decay) * q_low
    new_high = decay * high + (1.0 - decay) * q_high
    inverse_scale = jnp.maximum(min_, new_high - new_low)
    return (jax.lax.stop_gradient(new_low), jax.lax.stop_gradient(inverse_scale))

if __name__ == "__main__":
    import jax
    _d = setup_inputs()
    print(jax.jit(kernel)(*tuple(_d.values())))

</pallas_src>

<mosaic_0001>
#map = affine_map<(d0, d1) -> (0, 0)>
#map1 = affine_map<(d0, d1) -> (0)>
module attributes {stable_mosaic.version = 14 : i64} {
  func.func @_pass1_body(%arg0: i32, %arg1: i32, %arg2: memref<128x32768xf32, #tpu.memory_space<hbm>>, %arg3: memref<32768xi32, #tpu.memory_space<hbm>>, %arg4: memref<32768xi32, #tpu.memory_space<vmem>>, %arg5: memref<2x32768xf32, #tpu.memory_space<vmem>>, %arg6: memref<!tpu.dma_semaphore, #tpu.memory_space<semaphore_mem>>, %arg7: memref<!tpu.dma_semaphore, #tpu.memory_space<semaphore_mem>>) attributes {dimension_semantics = [#tpu.dimension_semantics<core_parallel>, #tpu.dimension_semantics<subcore_parallel>], iteration_bounds = array<i64: 2, 16>, scalar_prefetch = 0 : i64, scratch_operands = 4 : i64, tpu.core_type = #tpu.core_type<sc_vector_subcore>, window_params = [{transform_indices = #map}, {transform_indices = #map1}]} {
    %mul3A = arith.constant 2 : i32
    %mul3A_0 = arith.muli %arg1, %mul3A : i32
    %add3A = arith.addi %mul3A_0, %arg0 : i32
    %iota3A = tpu.iota {dimensions = array<i32: 0>} : vector<16xi32>
    %mul3A_1 = arith.constant 1024 : i32
    %mul3A_2 = vector.broadcast %mul3A_1 : i32 to vector<16xi32>
    %mul3A_3 = arith.muli %iota3A, %mul3A_2 : vector<16xi32>
    %broadcast_in_dim3A = arith.constant 1 : i32
    %broadcast_in_dim3A_4 = vector.broadcast %broadcast_in_dim3A : i32 to vector<16xi32>
    %mul3A_5 = arith.constant 4 : i32
    %mul3A_6 = arith.muli %add3A, %mul3A_5 : i32
    %add3A_7 = arith.constant 0 : i32
    %add3A_8 = arith.addi %mul3A_6, %add3A_7 : i32
    %dma_start3A = arith.constant 0 : i32
    %dma_start3A_9 = arith.constant 0 : i32
    %dma_start3A_10 = tpu.memref_slice %arg5[%dma_start3A, %dma_start3A_9] : memref<2x32768xf32, #tpu.memory_space<vmem>> -> memref<1x32768xf32, #tpu.memory_space<vmem>>
    %dma_start3A_11 = tpu.memref_squeeze %dma_start3A_10 : memref<1x32768xf32, #tpu.memory_space<vmem>> -> memref<32768xf32, #tpu.memory_space<vmem>>
    %dma_start3A_12 = arith.constant 0 : i32
    %dma_start3A_13 = tpu.memref_slice %arg2[%add3A_8, %dma_start3A_12] : memref<128x32768xf32, #tpu.memory_space<hbm>> -> memref<1x32768xf32, #tpu.memory_space<hbm>>
    %dma_start3A_14 = tpu.memref_squeeze %dma_start3A_13 : memref<1x32768xf32, #tpu.memory_space<hbm>> -> memref<32768xf32, #tpu.memory_space<hbm>>
    %dma_start3A_15 = arith.constant 0 : i32
    %dma_start3A_16 = tpu.memref_slice %arg5[%dma_start3A, %dma_start3A_15] : memref<2x32768xf32, #tpu.memory_space<vmem>> -> memref<1x32768xf32, #tpu.memory_space<vmem>>
    %dma_start3A_17 = tpu.memref_squeeze %dma_start3A_16 : memref<1x32768xf32, #tpu.memory_space<vmem>> -> memref<32768xf32, #tpu.memory_space<vmem>>
    %dma_start3A_18 = arith.constant 0 : i32
    %dma_start3A_19 = tpu.memref_slice %arg2[%add3A_8, %dma_start3A_18] : memref<128x32768xf32, #tpu.memory_space<hbm>> -> memref<1x32768xf32, #tpu.memory_space<hbm>>
    %dma_start3A_20 = tpu.memref_squeeze %dma_start3A_19 : memref<1x32768xf32, #tpu.memory_space<hbm>> -> memref<32768xf32, #tpu.memory_space<hbm>>
    tpu.enqueue_dma source(%dma_start3A_20 : memref<32768xf32, #tpu.memory_space<hbm>>) target(%dma_start3A_17 : memref<32768xf32, #tpu.memory_space<vmem>>) target_semaphore(%arg6 : memref<!tpu.dma_semaphore, #tpu.memory_space<semaphore_mem>>)
    %mul3A_21 = arith.constant 4 : i32
    %mul3A_22 = arith.muli %add3A, %mul3A_21 : i32
    %add3A_23 = arith.constant 1 : i32
    %add3A_24 = arith.addi %mul3A_22, %add3A_23 : i32
    %dma_start3A_25 = arith.constant 1 : i32
    %dma_start3A_26 = arith.constant 0 : i32
    %dma_start3A_27 = tpu.memref_slice %arg5[%dma_start3A_25, %dma_start3A_26] : memref<2x32768xf32, #tpu.memory_space<vmem>> -> memref<1x32768xf32, #tpu.memory_space<vmem>>
    %dma_start3A_28 = tpu.memref_squeeze %dma_start3A_27 : memref<1x32768xf32, #tpu.memory_space<vmem>> -> memref<32768xf32, #tpu.memory_space<vmem>>
    %dma_start3A_29 = arith.constant 0 : i32
    %dma_start3A_30 = tpu.memref_slice %arg2[%add3A_24, %dma_start3A_29] : memref<128x32768xf32, #tpu.memory_space<hbm>> -> memref<1x32768xf32, #tpu.memory_space<hbm>>
    %dma_start3A_31 = tpu.memref_squeeze %dma_start3A_30 : memref<1x32768xf32, #tpu.memory_space<hbm>> -> memref<32768xf32, #tpu.memory_space<hbm>>
    %dma_start3A_32 = arith.constant 0 : i32
    %dma_start3A_33 = tpu.memref_slice %arg5[%dma_start3A_25, %dma_start3A_32] : memref<2x32768xf32, #tpu.memory_space<vmem>> -> memref<1x32768xf32, #tpu.memory_space<vmem>>
    %dma_start3A_34 = tpu.memref_squeeze %dma_start3A_33 : memref<1x32768xf32, #tpu.memory_space<vmem>> -> memref<32768xf32, #tpu.memory_space<vmem>>
    %dma_start3A_35 = arith.constant 0 : i32
    %dma_start3A_36 = tpu.memref_slice %arg2[%add3A_24, %dma_start3A_35] : memref<128x32768xf32, #tpu.memory_space<hbm>> -> memref<1x32768xf32, #tpu.memory_space<hbm>>
    %dma_start3A_37 = tpu.memref_squeeze %dma_start3A_36 : memref<1x32768xf32, #tpu.memory_space<hbm>> -> memref<32768xf32, #tpu.memory_space<hbm>>
    tpu.enqueue_dma source(%dma_start3A_37 : memref<32768xf32, #tpu.memory_space<hbm>>) target(%dma_start3A_34 : memref<32768xf32, #tpu.memory_space<vmem>>) target_semaphore(%arg7 : memref<!tpu.dma_semaphore, #tpu.memory_space<semaphore_mem>>)
    %broadcast_in_dim3A_38 = arith.constant 0 : i32
    %broadcast_in_dim3A_39 = vector.broadcast %broadcast_in_dim3A_38 : i32 to vector<16xi32>
    %parallel_loop3A = arith.constant 0 : i32
    %parallel_loop3A_40 = arith.constant 2048 : i32
    %parallel_loop3A_41 = arith.constant 1 : i32
    scf.for %parallel_loop3A_144 = %parallel_loop3A to %parallel_loop3A_40 step %parallel_loop3A_41  : i32 {
      %parallel_loop3A_145 = arith.constant 16 : i32
      %parallel_loop3A_146 = arith.muli %parallel_loop3A_144, %parallel_loop3A_145 : i32
      %parallel_loop3A_147 = arith.index_cast %parallel_loop3A_146 : i32 to index
      %parallel_loop3A_148 = tpu.vector_load %arg4[%parallel_loop3A_147] {strides = array<i32>} : memref<32768xi32, #tpu.memory_space<vmem>>, vector<16xi32>,
      tpu.vector_store %arg4[%parallel_loop3A_147], %broadcast_in_dim3A_39 {strides = array<i32>} : memref<32768xi32, #tpu.memory_space<vmem>>, vector<16xi32>,
    } {sc.loop_unroll_factor = 1 : i64, sc.parallel_access}
    %dma_wait3A = arith.constant 0 : i32
    %dma_wait3A_42 = arith.constant 0 : i32
    %dma_wait3A_43 = tpu.memref_slice %arg5[%dma_wait3A, %dma_wait3A_42] : memref<2x32768xf32, #tpu.memory_space<vmem>> -> memref<1x32768xf32, #tpu.memory_space<vmem>>
    %dma_wait3A_44 = tpu.memref_squeeze %dma_wait3A_43 : memref<1x32768xf32, #tpu.memory_space<vmem>> -> memref<32768xf32, #tpu.memory_space<vmem>>
    %dma_wait3A_45 = arith.constant 0 : i32
    %dma_wait3A_46 = tpu.memref_slice %arg2[%add3A_8, %dma_wait3A_45] : memref<128x32768xf32, #tpu.memory_space<hbm>> -> memref<1x32768xf32, #tpu.memory_space<hbm>>
    %dma_wait3A_47 = tpu.memref_squeeze %dma_wait3A_46 : memref<1x32768xf32, #tpu.memory_space<hbm>> -> memref<32768xf32, #tpu.memory_space<hbm>>
    %dma_wait3A_48 = arith.constant 0 : i32
    %dma_wait3A_49 = tpu.memref_slice %arg5[%dma_wait3A, %dma_wait3A_48] : memref<2x32768xf32, #tpu.memory_space<vmem>> -> memref<1x32768xf32, #tpu.memory_space<vmem>>
    %dma_wait3A_50 = tpu.memref_squeeze %dma_wait3A_49 : memref<1x32768xf32, #tpu.memory_space<vmem>> -> memref<32768xf32, #tpu.memory_space<vmem>>
    %dma_wait3A_51 = arith.constant 0 : i32
    %dma_wait3A_52 = tpu.memref_slice %arg2[%add3A_8, %dma_wait3A_51] : memref<128x32768xf32, #tpu.memory_space<hbm>> -> memref<1x32768xf32, #tpu.memory_space<hbm>>
    %dma_wait3A_53 = tpu.memref_squeeze %dma_wait3A_52 : memref<1x32768xf32, #tpu.memory_space<hbm>> -> memref<32768xf32, #tpu.memory_space<hbm>>
    tpu.wait_dma2 semaphore(%arg6 : memref<!tpu.dma_semaphore, #tpu.memory_space<semaphore_mem>>) src(%dma_wait3A_53 : memref<32768xf32, #tpu.memory_space<hbm>>) dst(%dma_wait3A_50 : memref<32768xf32, #tpu.memory_space<vmem>>)
    %parallel_loop3A_54 = arith.constant 0 : i32
    %parallel_loop3A_55 = arith.constant 1024 : i32
    %parallel_loop3A_56 = arith.constant 1 : i32
    scf.for %parallel_loop3A_144 = %parallel_loop3A_54 to %parallel_loop3A_55 step %parallel_loop3A_56  : i32 {
      %parallel_loop3A_145 = arith.constant 2 : i32
      %parallel_loop3A_146 = arith.muli %parallel_loop3A_144, %parallel_loop3A_145 : i32
      %parallel_loop3A_147 = arith.constant 0 : i32
      %parallel_loop3A_148 = arith.addi %parallel_loop3A_146, %parallel_loop3A_147 : i32
      %parallel_loop3A_149 = arith.constant 16 : i32
      %parallel_loop3A_150 = arith.muli %parallel_loop3A_148, %parallel_loop3A_149 : i32
      %parallel_loop3A_151 = arith.constant 0 : i32
      %parallel_loop3A_152 = arith.index_cast %parallel_loop3A_151 : i32 to index
      %parallel_loop3A_153 = arith.index_cast %parallel_loop3A_150 : i32 to index
      %parallel_loop3A_154 = tpu.vector_load %arg5[%parallel_loop3A_152, %parallel_loop3A_153] {strides = array<i32>} : memref<2x32768xf32, #tpu.memory_space<vmem>>, vector<16xf32>,
      %parallel_loop3A_155 = vector.bitcast %parallel_loop3A_154 : vector<16xf32> to vector<16xi32>
      %parallel_loop3A_156 = arith.constant 31 : i32
      %parallel_loop3A_157 = vector.broadcast %parallel_loop3A_156 : i32 to vector<16xi32>
      %parallel_loop3A_158 = arith.shrsi %parallel_loop3A_155, %parallel_loop3A_157 : vector<16xi32>
      %parallel_loop3A_159 = arith.constant -2147483648 : i32
      %parallel_loop3A_160 = vector.broadcast %parallel_loop3A_159 : i32 to vector<16xi32>
      %parallel_loop3A_161 = arith.ori %parallel_loop3A_158, %parallel_loop3A_160 : vector<16xi32>
      %parallel_loop3A_162 = arith.xori %parallel_loop3A_155, %parallel_loop3A_161 : vector<16xi32>
      %parallel_loop3A_163 = vector.bitcast %parallel_loop3A_162 : vector<16xi32> to vector<16xi32>
      %parallel_loop3A_164 = arith.constant 22 : i32
      %parallel_loop3A_165 = vector.broadcast %parallel_loop3A_164 : i32 to vector<16xi32>
      %parallel_loop3A_166 = arith.shrui %parallel_loop3A_163, %parallel_loop3A_165 : vector<16xi32>
      %parallel_loop3A_167 = vector.bitcast %parallel_loop3A_166 : vector<16xi32> to vector<16xi32>
      %parallel_loop3A_168 = arith.constant 0 : i32
      %parallel_loop3A_169 = vector.broadcast %parallel_loop3A_168 : i32 to vector<16xi32>
      %parallel_loop3A_170 = arith.addi %mul3A_3, %parallel_loop3A_169 : vector<16xi32>
      %parallel_loop3A_171 = arith.addi %parallel_loop3A_170, %parallel_loop3A_167 : vector<16xi32>
      tpu.vector_store_idx %arg4[%parallel_loop3A_171], %broadcast_in_dim3A_4 {add = true} : memref<32768xi32, #tpu.memory_space<vmem>>[vector<16xi32>], vector<16xi32>,
      %parallel_loop3A_172 = arith.constant 2 : i32
      %parallel_loop3A_173 = arith.muli %parallel_loop3A_144, %parallel_loop3A_172 : i32
      %parallel_loop3A_174 = arith.constant 1 : i32
      %parallel_loop3A_175 = arith.addi %parallel_loop3A_173, %parallel_loop3A_174 : i32
      %parallel_loop3A_176 = arith.constant 16 : i32
      %parallel_loop3A_177 = arith.muli %parallel_loop3A_175, %parallel_loop3A_176 : i32
      %parallel_loop3A_178 = arith.constant 0 : i32
      %parallel_loop3A_179 = arith.index_cast %parallel_loop3A_178 : i32 to index
      %parallel_loop3A_180 = arith.index_cast %parallel_loop3A_177 : i32 to index
      %parallel_loop3A_181 = tpu.vector_load %arg5[%parallel_loop3A_179, %parallel_loop3A_180] {strides = array<i32>} : memref<2x32768xf32, #tpu.memory_space<vmem>>, vector<16xf32>,
      %parallel_loop3A_182 = vector.bitcast %parallel_loop3A_181 : vector<16xf32> to vector<16xi32>
      %parallel_loop3A_183 = arith.constant 31 : i32
      %parallel_loop3A_184 = vector.broadcast %parallel_loop3A_183 : i32 to vector<16xi32>
      %parallel_loop3A_185 = arith.shrsi %parallel_loop3A_182, %parallel_loop3A_184 : vector<16xi32>
      %parallel_loop3A_186 = arith.constant -2147483648 : i32
      %parallel_loop3A_187 = vector.broadcast %parallel_loop3A_186 : i32 to vector<16xi32>
      %parallel_loop3A_188 = arith.ori %parallel_loop3A_185, %parallel_loop3A_187 : vector<16xi32>
      %parallel_loop3A_189 = arith.xori %parallel_loop3A_182, %parallel_loop3A_188 : vector<16xi32>
      %parallel_loop3A_190 = vector.bitcast %parallel_loop3A_189 : vector<16xi32> to vector<16xi32>
      %parallel_loop3A_191 = arith.constant 22 : i32
      %parallel_loop3A_192 = vector.broadcast %parallel_loop3A_191 : i32 to vector<16xi32>
      %parallel_loop3A_193 = arith.shrui %parallel_loop3A_190, %parallel_loop3A_192 : vector<16xi32>
      %parallel_loop3A_194 = vector.bitcast %parallel_loop3A_193 : vector<16xi32> to vector<16xi32>
      %parallel_loop3A_195 = arith.constant 16384 : i32
      %parallel_loop3A_196 = vector.broadcast %parallel_loop3A_195 : i32 to vector<16xi32>
      %parallel_loop3A_197 = arith.addi %mul3A_3, %parallel_loop3A_196 : vector<16xi32>
      %parallel_loop3A_198 = arith.addi %parallel_loop3A_197, %parallel_loop3A_194 : vector<16xi32>
      tpu.vector_store_idx %arg4[%parallel_loop3A_198], %broadcast_in_dim3A_4 {add = true} : memref<32768xi32, #tpu.memory_space<vmem>>[vector<16xi32>], vector<16xi32>,
    } {sc.loop_unroll_factor = 4 : i64, sc.parallel_access}
    %mul3A_57 = arith.constant 4 : i32
    %mul3A_58 = arith.muli %add3A, %mul3A_57 : i32
    %add3A_59 = arith.constant 2 : i32
    %add3A_60 = arith.addi %mul3A_58, %add3A_59 : i32
    %dma_start3A_61 = arith.constant 0 : i32
    %dma_start3A_62 = arith.constant 0 : i32
    %dma_start3A_63 = tpu.memref_slice %arg5[%dma_start3A_61, %dma_start3A_62] : memref<2x32768xf32, #tpu.memory_space<vmem>> -> memref<1x32768xf32, #tpu.memory_space<vmem>>
    %dma_start3A_64 = tpu.memref_squeeze %dma_start3A_63 : memref<1x32768xf32, #tpu.memory_space<vmem>> -> memref<32768xf32, #tpu.memory_space<vmem>>
    %dma_start3A_65 = arith.constant 0 : i32
    %dma_start3A_66 = tpu.memref_slice %arg2[%add3A_60, %dma_start3A_65] : memref<128x32768xf32, #tpu.memory_space<hbm>> -> memref<1x32768xf32, #tpu.memory_space<hbm>>
    %dma_start3A_67 = tpu.memref_squeeze %dma_start3A_66 : memref<1x32768xf32, #tpu.memory_space<hbm>> -> memref<32768xf32, #tpu.memory_space<hbm>>
    %dma_start3A_68 = arith.constant 0 : i32
    %dma_start3A_69 = tpu.memref_slice %arg5[%dma_start3A_61, %dma_start3A_68] : memref<2x32768xf32, #tpu.memory_space<vmem>> -> memref<1x32768xf32, #tpu.memory_space<vmem>>
    %dma_start3A_70 = tpu.memref_squeeze %dma_start3A_69 : memref<1x32768xf32, #tpu.memory_space<vmem>> -> memref<32768xf32, #tpu.memory_space<vmem>>
    %dma_start3A_71 = arith.constant 0 : i32
    %dma_start3A_72 = tpu.memref_slice %arg2[%add3A_60, %dma_start3A_71] : memref<128x32768xf32, #tpu.memory_space<hbm>> -> memref<1x32768xf32, #tpu.memory_space<hbm>>
    %dma_start3A_73 = tpu.memref_squeeze %dma_start3A_72 : memref<1x32768xf32, #tpu.memory_space<hbm>> -> memref<32768xf32, #tpu.memory_space<hbm>>
    tpu.enqueue_dma source(%dma_start3A_73 : memref<32768xf32, #tpu.memory_space<hbm>>) target(%dma_start3A_70 : memref<32768xf32, #tpu.memory_space<vmem>>) target_semaphore(%arg6 : memref<!tpu.dma_semaphore, #tpu.memory_space<semaphore_mem>>)
    %dma_wait3A_74 = arith.constant 1 : i32
    %dma_wait3A_75 = arith.constant 0 : i32
    %dma_wait3A_76 = tpu.memref_slice %arg5[%dma_wait3A_74, %dma_wait3A_75] : memref<2x32768xf32, #tpu.memory_space<vmem>> -> memref<1x32768xf32, #tpu.memory_space<vmem>>
    %dma_wait3A_77 = tpu.memref_squeeze %dma_wait3A_76 : memref<1x32768xf32, #tpu.memory_space<vmem>> -> memref<32768xf32, #tpu.memory_space<vmem>>
    %dma_wait3A_78 = arith.constant 0 : i32
    %dma_wait3A_79 = tpu.memref_slice %arg2[%add3A_24, %dma_wait3A_78] : memref<128x32768xf32, #tpu.memory_space<hbm>> -> memref<1x32768xf32, #tpu.memory_space<hbm>>
    %dma_wait3A_80 = tpu.memref_squeeze %dma_wait3A_79 : memref<1x32768xf32, #tpu.memory_space<hbm>> -> memref<32768xf32, #tpu.memory_space<hbm>>
    %dma_wait3A_81 = arith.constant 0 : i32
    %dma_wait3A_82 = tpu.memref_slice %arg5[%dma_wait3A_74, %dma_wait3A_81] : memref<2x32768xf32, #tpu.memory_space<vmem>> -> memref<1x32768xf32, #tpu.memory_space<vmem>>
    %dma_wait3A_83 = tpu.memref_squeeze %dma_wait3A_82 : memref<1x32768xf32, #tpu.memory_space<vmem>> -> memref<32768xf32, #tpu.memory_space<vmem>>
    %dma_wait3A_84 = arith.constant 0 : i32
    %dma_wait3A_85 = tpu.memref_slice %arg2[%add3A_24, %dma_wait3A_84] : memref<128x32768xf32, #tpu.memory_space<hbm>> -> memref<1x32768xf32, #tpu.memory_space<hbm>>
    %dma_wait3A_86 = tpu.memref_squeeze %dma_wait3A_85 : memref<1x32768xf32, #tpu.memory_space<hbm>> -> memref<32768xf32, #tpu.memory_space<hbm>>
    tpu.wait_dma2 semaphore(%arg7 : memref<!tpu.dma_semaphore, #tpu.memory_space<semaphore_mem>>) src(%dma_wait3A_86 : memref<32768xf32, #tpu.memory_space<hbm>>) dst(%dma_wait3A_83 : memref<32768xf32, #tpu.memory_space<vmem>>)
    %parallel_loop3A_87 = arith.constant 0 : i32
    %parallel_loop3A_88 = arith.constant 1024 : i32
    %parallel_loop3A_89 = arith.constant 1 : i32
    scf.for %parallel_loop3A_144 = %parallel_loop3A_87 to %parallel_loop3A_88 step %parallel_loop3A_89  : i32 {
      %parallel_loop3A_145 = arith.constant 2 : i32
      %parallel_loop3A_146 = arith.muli %parallel_loop3A_144, %parallel_loop3A_145 : i32
      %parallel_loop3A_147 = arith.constant 0 : i32
      %parallel_loop3A_148 = arith.addi %parallel_loop3A_146, %parallel_loop3A_147 : i32
      %parallel_loop3A_149 = arith.constant 16 : i32
      %parallel_loop3A_150 = arith.muli %parallel_loop3A_148, %parallel_loop3A_149 : i32
      %parallel_loop3A_151 = arith.constant 1 : i32
      %parallel_loop3A_152 = arith.index_cast %parallel_loop3A_151 : i32 to index
      %parallel_loop3A_153 = arith.index_cast %parallel_loop3A_150 : i32 to index
      %parallel_loop3A_154 = tpu.vector_load %arg5[%parallel_loop3A_152, %parallel_loop3A_153] {strides = array<i32>} : memref<2x32768xf32, #tpu.memory_space<vmem>>, vector<16xf32>,
      %parallel_loop3A_155 = vector.bitcast %parallel_loop3A_154 : vector<16xf32> to vector<16xi32>
      %parallel_loop3A_156 = arith.constant 31 : i32
      %parallel_loop3A_157 = vector.broadcast %parallel_loop3A_156 : i32 to vector<16xi32>
      %parallel_loop3A_158 = arith.shrsi %parallel_loop3A_155, %parallel_loop3A_157 : vector<16xi32>
      %parallel_loop3A_159 = arith.constant -2147483648 : i32
      %parallel_loop3A_160 = vector.broadcast %parallel_loop3A_159 : i32 to vector<16xi32>
      %parallel_loop3A_161 = arith.ori %parallel_loop3A_158, %parallel_loop3A_160 : vector<16xi32>
      %parallel_loop3A_162 = arith.xori %parallel_loop3A_155, %parallel_loop3A_161 : vector<16xi32>
      %parallel_loop3A_163 = vector.bitcast %parallel_loop3A_162 : vector<16xi32> to vector<16xi32>
      %parallel_loop3A_164 = arith.constant 22 : i32
      %parallel_loop3A_165 = vector.broadcast %parallel_loop3A_164 : i32 to vector<16xi32>
      %parallel_loop3A_166 = arith.shrui %parallel_loop3A_163, %parallel_loop3A_165 : vector<16xi32>
      %parallel_loop3A_167 = vector.bitcast %parallel_loop3A_166 : vector<16xi32> to vector<16xi32>
      %parallel_loop3A_168 = arith.constant 0 : i32
      %parallel_loop3A_169 = vector.broadcast %parallel_loop3A_168 : i32 to vector<16xi32>
      %parallel_loop3A_170 = arith.addi %mul3A_3, %parallel_loop3A_169 : vector<16xi32>
      %parallel_loop3A_171 = arith.addi %parallel_loop3A_170, %parallel_loop3A_167 : vector<16xi32>
      tpu.vector_store_idx %arg4[%parallel_loop3A_171], %broadcast_in_dim3A_4 {add = true} : memref<32768xi32, #tpu.memory_space<vmem>>[vector<16xi32>], vector<16xi32>,
      %parallel_loop3A_172 = arith.constant 2 : i32
      %parallel_loop3A_173 = arith.muli %parallel_loop3A_144, %parallel_loop3A_172 : i32
      %parallel_loop3A_174 = arith.constant 1 : i32
      %parallel_loop3A_175 = arith.addi %parallel_loop3A_173, %parallel_loop3A_174 : i32
      %parallel_loop3A_176 = arith.constant 16 : i32
      %parallel_loop3A_177 = arith.muli %parallel_loop3A_175, %parallel_loop3A_176 : i32
      %parallel_loop3A_178 = arith.constant 1 : i32
      %parallel_loop3A_179 = arith.index_cast %parallel_loop3A_178 : i32 to index
      %parallel_loop3A_180 = arith.index_cast %parallel_loop3A_177 : i32 to index
      %parallel_loop3A_181 = tpu.vector_load %arg5[%parallel_loop3A_179, %parallel_loop3A_180] {strides = array<i32>} : memref<2x32768xf32, #tpu.memory_space<vmem>>, vector<16xf32>,
      %parallel_loop3A_182 = vector.bitcast %parallel_loop3A_181 : vector<16xf32> to vector<16xi32>
      %parallel_loop3A_183 = arith.constant 31 : i32
      %parallel_loop3A_184 = vector.broadcast %parallel_loop3A_183 : i32 to vector<16xi32>
      %parallel_loop3A_185 = arith.shrsi %parallel_loop3A_182, %parallel_loop3A_184 : vector<16xi32>
      %parallel_loop3A_186 = arith.constant -2147483648 : i32
      %parallel_loop3A_187 = vector.broadcast %parallel_loop3A_186 : i32 to vector<16xi32>
      %parallel_loop3A_188 = arith.ori %parallel_loop3A_185, %parallel_loop3A_187 : vector<16xi32>
      %parallel_loop3A_189 = arith.xori %parallel_loop3A_182, %parallel_loop3A_188 : vector<16xi32>
      %parallel_loop3A_190 = vector.bitcast %parallel_loop3A_189 : vector<16xi32> to vector<16xi32>
      %parallel_loop3A_191 = arith.constant 22 : i32
      %parallel_loop3A_192 = vector.broadcast %parallel_loop3A_191 : i32 to vector<16xi32>
      %parallel_loop3A_193 = arith.shrui %parallel_loop3A_190, %parallel_loop3A_192 : vector<16xi32>
      %parallel_loop3A_194 = vector.bitcast %parallel_loop3A_193 : vector<16xi32> to vector<16xi32>
      %parallel_loop3A_195 = arith.constant 16384 : i32
      %parallel_loop3A_196 = vector.broadcast %parallel_loop3A_195 : i32 to vector<16xi32>
      %parallel_loop3A_197 = arith.addi %mul3A_3, %parallel_loop3A_196 : vector<16xi32>
      %parallel_loop3A_198 = arith.addi %parallel_loop3A_197, %parallel_loop3A_194 : vector<16xi32>
      tpu.vector_store_idx %arg4[%parallel_loop3A_198], %broadcast_in_dim3A_4 {add = true} : memref<32768xi32, #tpu.memory_space<vmem>>[vector<16xi32>], vector<16xi32>,
    } {sc.loop_unroll_factor = 4 : i64, sc.parallel_access}
    %mul3A_90 = arith.constant 4 : i32
    %mul3A_91 = arith.muli %add3A, %mul3A_90 : i32
    %add3A_92 = arith.constant 3 : i32
    %add3A_93 = arith.addi %mul3A_91, %add3A_92 : i32
    %dma_start3A_94 = arith.constant 1 : i32
    %dma_start3A_95 = arith.constant 0 : i32
    %dma_start3A_96 = tpu.memref_slice %arg5[%dma_start3A_94, %dma_start3A_95] : memref<2x32768xf32, #tpu.memory_space<vmem>> -> memref<1x32768xf32, #tpu.memory_space<vmem>>
    %dma_start3A_97 = tpu.memref_squeeze %dma_start3A_96 : memref<1x32768xf32, #tpu.memory_space<vmem>> -> memref<32768xf32, #tpu.memory_space<vmem>>
    %dma_start3A_98 = arith.constant 0 : i32
    %dma_start3A_99 = tpu.memref_slice %arg2[%add3A_93, %dma_start3A_98] : memref<128x32768xf32, #tpu.memory_space<hbm>> -> memref<1x32768xf32, #tpu.memory_space<hbm>>
    %dma_start3A_100 = tpu.memref_squeeze %dma_start3A_99 : memref<1x32768xf32, #tpu.memory_space<hbm>> -> memref<32768xf32, #tpu.memory_space<hbm>>
    %dma_start3A_101 = arith.constant 0 : i32
    %dma_start3A_102 = tpu.memref_slice %arg5[%dma_start3A_94, %dma_start3A_101] : memref<2x32768xf32, #tpu.memory_space<vmem>> -> memref<1x32768xf32, #tpu.memory_space<vmem>>
    %dma_start3A_103 = tpu.memref_squeeze %dma_start3A_102 : memref<1x32768xf32, #tpu.memory_space<vmem>> -> memref<32768xf32, #tpu.memory_space<vmem>>
    %dma_start3A_104 = arith.constant 0 : i32
    %dma_start3A_105 = tpu.memref_slice %arg2[%add3A_93, %dma_start3A_104] : memref<128x32768xf32, #tpu.memory_space<hbm>> -> memref<1x32768xf32, #tpu.memory_space<hbm>>
    %dma_start3A_106 = tpu.memref_squeeze %dma_start3A_105 : memref<1x32768xf32, #tpu.memory_space<hbm>> -> memref<32768xf32, #tpu.memory_space<hbm>>
    tpu.enqueue_dma source(%dma_start3A_106 : memref<32768xf32, #tpu.memory_space<hbm>>) target(%dma_start3A_103 : memref<32768xf32, #tpu.memory_space<vmem>>) target_semaphore(%arg7 : memref<!tpu.dma_semaphore, #tpu.memory_space<semaphore_mem>>)
    %dma_wait3A_107 = arith.constant 0 : i32
    %dma_wait3A_108 = arith.constant 0 : i32
    %dma_wait3A_109 = tpu.memref_slice %arg5[%dma_wait3A_107, %dma_wait3A_108] : memref<2x32768xf32, #tpu.memory_space<vmem>> -> memref<1x32768xf32, #tpu.memory_space<vmem>>
    %dma_wait3A_110 = tpu.memref_squeeze %dma_wait3A_109 : memref<1x32768xf32, #tpu.memory_space<vmem>> -> memref<32768xf32, #tpu.memory_space<vmem>>
    %dma_wait3A_111 = arith.constant 0 : i32
    %dma_wait3A_112 = tpu.memref_slice %arg2[%add3A_60, %dma_wait3A_111] : memref<128x32768xf32, #tpu.memory_space<hbm>> -> memref<1x32768xf32, #tpu.memory_space<hbm>>
    %dma_wait3A_113 = tpu.memref_squeeze %dma_wait3A_112 : memref<1x32768xf32, #tpu.memory_space<hbm>> -> memref<32768xf32, #tpu.memory_space<hbm>>
    %dma_wait3A_114 = arith.constant 0 : i32
    %dma_wait3A_115 = tpu.memref_slice %arg5[%dma_wait3A_107, %dma_wait3A_114] : memref<2x32768xf32, #tpu.memory_space<vmem>> -> memref<1x32768xf32, #tpu.memory_space<vmem>>
    %dma_wait3A_116 = tpu.memref_squeeze %dma_wait3A_115 : memref<1x32768xf32, #tpu.memory_space<vmem>> -> memref<32768xf32, #tpu.memory_space<vmem>>
    %dma_wait3A_117 = arith.constant 0 : i32
    %dma_wait3A_118 = tpu.memref_slice %arg2[%add3A_60, %dma_wait3A_117] : memref<128x32768xf32, #tpu.memory_space<hbm>> -> memref<1x32768xf32, #tpu.memory_space<hbm>>
    %dma_wait3A_119 = tpu.memref_squeeze %dma_wait3A_118 : memref<1x32768xf32, #tpu.memory_space<hbm>> -> memref<32768xf32, #tpu.memory_space<hbm>>
    tpu.wait_dma2 semaphore(%arg6 : memref<!tpu.dma_semaphore, #tpu.memory_space<semaphore_mem>>) src(%dma_wait3A_119 : memref<32768xf32, #tpu.memory_space<hbm>>) dst(%dma_wait3A_116 : memref<32768xf32, #tpu.memory_space<vmem>>)
    %parallel_loop3A_120 = arith.constant 0 : i32
    %parallel_loop3A_121 = arith.constant 1024 : i32
    %parallel_loop3A_122 = arith.constant 1 : i32
    scf.for %parallel_loop3A_144 = %parallel_loop3A_120 to %parallel_loop3A_121 step %parallel_loop3A_122  : i32 {
      %parallel_loop3A_145 = arith.constant 2 : i32
      %parallel_loop3A_146 = arith.muli %parallel_loop3A_144, %parallel_loop3A_145 : i32
      %parallel_loop3A_147 = arith.constant 0 : i32
      %parallel_loop3A_148 = arith.addi %parallel_loop3A_146, %parallel_loop3A_147 : i32
      %parallel_loop3A_149 = arith.constant 16 : i32
      %parallel_loop3A_150 = arith.muli %parallel_loop3A_148, %parallel_loop3A_149 : i32
      %parallel_loop3A_151 = arith.constant 0 : i32
      %parallel_loop3A_152 = arith.index_cast %parallel_loop3A_151 : i32 to index
      %parallel_loop3A_153 = arith.index_cast %parallel_loop3A_150 : i32 to index
      %parallel_loop3A_154 = tpu.vector_load %arg5[%parallel_loop3A_152, %parallel_loop3A_153] {strides = array<i32>} : memref<2x32768xf32, #tpu.memory_space<vmem>>, vector<16xf32>,
      %parallel_loop3A_155 = vector.bitcast %parallel_loop3A_154 : vector<16xf32> to vector<16xi32>
      %parallel_loop3A_156 = arith.constant 31 : i32
      %parallel_loop3A_157 = vector.broadcast %parallel_loop3A_156 : i32 to vector<16xi32>
      %parallel_loop3A_158 = arith.shrsi %parallel_loop3A_155, %parallel_loop3A_157 : vector<16xi32>
      %parallel_loop3A_159 = arith.constant -2147483648 : i32
      %parallel_loop3A_160 = vector.broadcast %parallel_loop3A_159 : i32 to vector<16xi32>
      %parallel_loop3A_161 = arith.ori %parallel_loop3A_158, %parallel_loop3A_160 : vector<16xi32>
      %parallel_loop3A_162 = arith.xori %parallel_loop3A_155, %parallel_loop3A_161 : vector<16xi32>
      %parallel_loop3A_163 = vector.bitcast %parallel_loop3A_162 : vector<16xi32> to vector<16xi32>
      %parallel_loop3A_164 = arith.constant 22 : i32
      %parallel_loop3A_165 = vector.broadcast %parallel_loop3A_164 : i32 to vector<16xi32>
      %parallel_loop3A_166 = arith.shrui %parallel_loop3A_163, %parallel_loop3A_165 : vector<16xi32>
      %parallel_loop3A_167 = vector.bitcast %parallel_loop3A_166 : vector<16xi32> to vector<16xi32>
      %parallel_loop3A_168 = arith.constant 0 : i32
      %parallel_loop3A_169 = vector.broadcast %parallel_loop3A_168 : i32 to vector<16xi32>
      %parallel_loop3A_170 = arith.addi %mul3A_3, %parallel_loop3A_169 : vector<16xi32>
      %parallel_loop3A_171 = arith.addi %parallel_loop3A_170, %parallel_loop3A_167 : vector<16xi32>
      tpu.vector_store_idx %arg4[%parallel_loop3A_171], %broadcast_in_dim3A_4 {add = true} : memref<32768xi32, #tpu.memory_space<vmem>>[vector<16xi32>], vector<16xi32>,
      %parallel_loop3A_172 = arith.constant 2 : i32
      %parallel_loop3A_173 = arith.muli %parallel_loop3A_144, %parallel_loop3A_172 : i32
      %parallel_loop3A_174 = arith.constant 1 : i32
      %parallel_loop3A_175 = arith.addi %parallel_loop3A_173, %parallel_loop3A_174 : i32
      %parallel_loop3A_176 = arith.constant 16 : i32
      %parallel_loop3A_177 = arith.muli %parallel_loop3A_175, %parallel_loop3A_176 : i32
      %parallel_loop3A_178 = arith.constant 0 : i32
      %parallel_loop3A_179 = arith.index_cast %parallel_loop3A_178 : i32 to index
      %parallel_loop3A_180 = arith.index_cast %parallel_loop3A_177 : i32 to index
      %parallel_loop3A_181 = tpu.vector_load %arg5[%parallel_loop3A_179, %parallel_loop3A_180] {strides = array<i32>} : memref<2x32768xf32, #tpu.memory_space<vmem>>, vector<16xf32>,
      %parallel_loop3A_182 = vector.bitcast %parallel_loop3A_181 : vector<16xf32> to vector<16xi32>
      %parallel_loop3A_183 = arith.constant 31 : i32
      %parallel_loop3A_184 = vector.broadcast %parallel_loop3A_183 : i32 to vector<16xi32>
      %parallel_loop3A_185 = arith.shrsi %parallel_loop3A_182, %parallel_loop3A_184 : vector<16xi32>
      %parallel_loop3A_186 = arith.constant -2147483648 : i32
      %parallel_loop3A_187 = vector.broadcast %parallel_loop3A_186 : i32 to vector<16xi32>
      %parallel_loop3A_188 = arith.ori %parallel_loop3A_185, %parallel_loop3A_187 : vector<16xi32>
      %parallel_loop3A_189 = arith.xori %parallel_loop3A_182, %parallel_loop3A_188 : vector<16xi32>
      %parallel_loop3A_190 = vector.bitcast %parallel_loop3A_189 : vector<16xi32> to vector<16xi32>
      %parallel_loop3A_191 = arith.constant 22 : i32
      %parallel_loop3A_192 = vector.broadcast %parallel_loop3A_191 : i32 to vector<16xi32>
      %parallel_loop3A_193 = arith.shrui %parallel_loop3A_190, %parallel_loop3A_192 : vector<16xi32>
      %parallel_loop3A_194 = vector.bitcast %parallel_loop3A_193 : vector<16xi32> to vector<16xi32>
      %parallel_loop3A_195 = arith.constant 16384 : i32
      %parallel_loop3A_196 = vector.broadcast %parallel_loop3A_195 : i32 to vector<16xi32>
      %parallel_loop3A_197 = arith.addi %mul3A_3, %parallel_loop3A_196 : vector<16xi32>
      %parallel_loop3A_198 = arith.addi %parallel_loop3A_197, %parallel_loop3A_194 : vector<16xi32>
      tpu.vector_store_idx %arg4[%parallel_loop3A_198], %broadcast_in_dim3A_4 {add = true} : memref<32768xi32, #tpu.memory_space<vmem>>[vector<16xi32>], vector<16xi32>,
    } {sc.loop_unroll_factor = 4 : i64, sc.parallel_access}
    %dma_wait3A_123 = arith.constant 1 : i32
    %dma_wait3A_124 = arith.constant 0 : i32
    %dma_wait3A_125 = tpu.memref_slice %arg5[%dma_wait3A_123, %dma_wait3A_124] : memref<2x32768xf32, #tpu.memory_space<vmem>> -> memref<1x32768xf32, #tpu.memory_space<vmem>>
    %dma_wait3A_126 = tpu.memref_squeeze %dma_wait3A_125 : memref<1x32768xf32, #tpu.memory_space<vmem>> -> memref<32768xf32, #tpu.memory_space<vmem>>
    %dma_wait3A_127 = arith.constant 0 : i32
    %dma_wait3A_128 = tpu.memref_slice %arg2[%add3A_93, %dma_wait3A_127] : memref<128x32768xf32, #tpu.memory_space<hbm>> -> memref<1x32768xf32, #tpu.memory_space<hbm>>
    %dma_wait3A_129 = tpu.memref_squeeze %dma_wait3A_128 : memref<1x32768xf32, #tpu.memory_space<hbm>> -> memref<32768xf32, #tpu.memory_space<hbm>>
    %dma_wait3A_130 = arith.constant 0 : i32
    %dma_wait3A_131 = tpu.memref_slice %arg5[%dma_wait3A_123, %dma_wait3A_130] : memref<2x32768xf32, #tpu.memory_space<vmem>> -> memref<1x32768xf32, #tpu.memory_space<vmem>>
    %dma_wait3A_132 = tpu.memref_squeeze %dma_wait3A_131 : memref<1x32768xf32, #tpu.memory_space<vmem>> -> memref<32768xf32, #tpu.memory_space<vmem>>
    %dma_wait3A_133 = arith.constant 0 : i32
    %dma_wait3A_134 = tpu.memref_slice %arg2[%add3A_93, %dma_wait3A_133] : memref<128x32768xf32, #tpu.memory_space<hbm>> -> memref<1x32768xf32, #tpu.memory_space<hbm>>
    %dma_wait3A_135 = tpu.memref_squeeze %dma_wait3A_134 : memref<1x32768xf32, #tpu.memory_space<hbm>> -> memref<32768xf32, #tpu.memory_space<hbm>>
    tpu.wait_dma2 semaphore(%arg7 : memref<!tpu.dma_semaphore, #tpu.memory_space<semaphore_mem>>) src(%dma_wait3A_135 : memref<32768xf32, #tpu.memory_space<hbm>>) dst(%dma_wait3A_132 : memref<32768xf32, #tpu.memory_space<vmem>>)
    %parallel_loop3A_136 = arith.constant 0 : i32
    %parallel_loop3A_137 = arith.constant 1024 : i32
    %parallel_loop3A_138 = arith.constant 1 : i32
    scf.for %parallel_loop3A_144 = %parallel_loop3A_136 to %parallel_loop3A_137 step %parallel_loop3A_138  : i32 {
      %parallel_loop3A_145 = arith.constant 2 : i32
      %parallel_loop3A_146 = arith.muli %parallel_loop3A_144, %parallel_loop3A_145 : i32
      %parallel_loop3A_147 = arith.constant 0 : i32
      %parallel_loop3A_148 = arith.addi %parallel_loop3A_146, %parallel_loop3A_147 : i32
      %parallel_loop3A_149 = arith.constant 16 : i32
      %parallel_loop3A_150 = arith.muli %parallel_loop3A_148, %parallel_loop3A_149 : i32
      %parallel_loop3A_151 = arith.constant 1 : i32
      %parallel_loop3A_152 = arith.index_cast %parallel_loop3A_151 : i32 to index
      %parallel_loop3A_153 = arith.index_cast %parallel_loop3A_150 : i32 to index
      %parallel_loop3A_154 = tpu.vector_load %arg5[%parallel_loop3A_152, %parallel_loop3A_153] {strides = array<i32>} : memref<2x32768xf32, #tpu.memory_space<vmem>>, vector<16xf32>,
      %parallel_loop3A_155 = vector.bitcast %parallel_loop3A_154 : vector<16xf32> to vector<16xi32>
      %parallel_loop3A_156 = arith.constant 31 : i32
      %parallel_loop3A_157 = vector.broadcast %parallel_loop3A_156 : i32 to vector<16xi32>
      %parallel_loop3A_158 = arith.shrsi %parallel_loop3A_155, %parallel_loop3A_157 : vector<16xi32>
      %parallel_loop3A_159 = arith.constant -2147483648 : i32
      %parallel_loop3A_160 = vector.broadcast %parallel_loop3A_159 : i32 to vector<16xi32>
      %parallel_loop3A_161 = arith.ori %parallel_loop3A_158, %parallel_loop3A_160 : vector<16xi32>
      %parallel_loop3A_162 = arith.xori %parallel_loop3A_155, %parallel_loop3A_161 : vector<16xi32>
      %parallel_loop3A_163 = vector.bitcast %parallel_loop3A_162 : vector<16xi32> to vector<16xi32>
      %parallel_loop3A_164 = arith.constant 22 : i32
      %parallel_loop3A_165 = vector.broadcast %parallel_loop3A_164 : i32 to vector<16xi32>
      %parallel_loop3A_166 = arith.shrui %parallel_loop3A_163, %parallel_loop3A_165 : vector<16xi32>
      %parallel_loop3A_167 = vector.bitcast %parallel_loop3A_166 : vector<16xi32> to vector<16xi32>
      %parallel_loop3A_168 = arith.constant 0 : i32
      %parallel_loop3A_169 = vector.broadcast %parallel_loop3A_168 : i32 to vector<16xi32>
      %parallel_loop3A_170 = arith.addi %mul3A_3, %parallel_loop3A_169 : vector<16xi32>
      %parallel_loop3A_171 = arith.addi %parallel_loop3A_170, %parallel_loop3A_167 : vector<16xi32>
      tpu.vector_store_idx %arg4[%parallel_loop3A_171], %broadcast_in_dim3A_4 {add = true} : memref<32768xi32, #tpu.memory_space<vmem>>[vector<16xi32>], vector<16xi32>,
      %parallel_loop3A_172 = arith.constant 2 : i32
      %parallel_loop3A_173 = arith.muli %parallel_loop3A_144, %parallel_loop3A_172 : i32
      %parallel_loop3A_174 = arith.constant 1 : i32
      %parallel_loop3A_175 = arith.addi %parallel_loop3A_173, %parallel_loop3A_174 : i32
      %parallel_loop3A_176 = arith.constant 16 : i32
      %parallel_loop3A_177 = arith.muli %parallel_loop3A_175, %parallel_loop3A_176 : i32
      %parallel_loop3A_178 = arith.constant 1 : i32
      %parallel_loop3A_179 = arith.index_cast %parallel_loop3A_178 : i32 to index
      %parallel_loop3A_180 = arith.index_cast %parallel_loop3A_177 : i32 to index
      %parallel_loop3A_181 = tpu.vector_load %arg5[%parallel_loop3A_179, %parallel_loop3A_180] {strides = array<i32>} : memref<2x32768xf32, #tpu.memory_space<vmem>>, vector<16xf32>,
      %parallel_loop3A_182 = vector.bitcast %parallel_loop3A_181 : vector<16xf32> to vector<16xi32>
      %parallel_loop3A_183 = arith.constant 31 : i32
      %parallel_loop3A_184 = vector.broadcast %parallel_loop3A_183 : i32 to vector<16xi32>
      %parallel_loop3A_185 = arith.shrsi %parallel_loop3A_182, %parallel_loop3A_184 : vector<16xi32>
      %parallel_loop3A_186 = arith.constant -2147483648 : i32
      %parallel_loop3A_187 = vector.broadcast %parallel_loop3A_186 : i32 to vector<16xi32>
      %parallel_loop3A_188 = arith.ori %parallel_loop3A_185, %parallel_loop3A_187 : vector<16xi32>
      %parallel_loop3A_189 = arith.xori %parallel_loop3A_182, %parallel_loop3A_188 : vector<16xi32>
      %parallel_loop3A_190 = vector.bitcast %parallel_loop3A_189 : vector<16xi32> to vector<16xi32>
      %parallel_loop3A_191 = arith.constant 22 : i32
      %parallel_loop3A_192 = vector.broadcast %parallel_loop3A_191 : i32 to vector<16xi32>
      %parallel_loop3A_193 = arith.shrui %parallel_loop3A_190, %parallel_loop3A_192 : vector<16xi32>
      %parallel_loop3A_194 = vector.bitcast %parallel_loop3A_193 : vector<16xi32> to vector<16xi32>
      %parallel_loop3A_195 = arith.constant 16384 : i32
      %parallel_loop3A_196 = vector.broadcast %parallel_loop3A_195 : i32 to vector<16xi32>
      %parallel_loop3A_197 = arith.addi %mul3A_3, %parallel_loop3A_196 : vector<16xi32>
      %parallel_loop3A_198 = arith.addi %parallel_loop3A_197, %parallel_loop3A_194 : vector<16xi32>
      tpu.vector_store_idx %arg4[%parallel_loop3A_198], %broadcast_in_dim3A_4 {add = true} : memref<32768xi32, #tpu.memory_space<vmem>>[vector<16xi32>], vector<16xi32>,
    } {sc.loop_unroll_factor = 4 : i64, sc.parallel_access}
    %parallel_loop3A_139 = arith.constant 0 : i32
    %parallel_loop3A_140 = arith.constant 64 : i32
    %parallel_loop3A_141 = arith.constant 1 : i32
    scf.for %parallel_loop3A_144 = %parallel_loop3A_139 to %parallel_loop3A_140 step %parallel_loop3A_141  : i32 {
      %parallel_loop3A_145 = arith.constant 16 : i32
      %parallel_loop3A_146 = arith.muli %parallel_loop3A_144, %parallel_loop3A_145 : i32
      %parallel_loop3A_147 = arith.constant 0 : i32
      %parallel_loop3A_148 = arith.addi %parallel_loop3A_147, %parallel_loop3A_146 : i32
      %parallel_loop3A_149 = arith.index_cast %parallel_loop3A_148 : i32 to index
      %parallel_loop3A_150 = tpu.vector_load %arg4[%parallel_loop3A_149] {strides = array<i32>} : memref<32768xi32, #tpu.memory_space<vmem>>, vector<16xi32>,
      %parallel_loop3A_151 = arith.constant 1024 : i32
      %parallel_loop3A_152 = arith.addi %parallel_loop3A_148, %parallel_loop3A_151 : i32
      %parallel_loop3A_153 = arith.index_cast %parallel_loop3A_152 : i32 to index
      %parallel_loop3A_154 = tpu.vector_load %arg4[%parallel_loop3A_153] {strides = array<i32>} : memref<32768xi32, #tpu.memory_space<vmem>>, vector<16xi32>,
      %parallel_loop3A_155 = arith.addi %parallel_loop3A_150, %parallel_loop3A_154 : vector<16xi32>
      %parallel_loop3A_156 = arith.constant 2048 : i32
      %parallel_loop3A_157 = arith.addi %parallel_loop3A_148, %parallel_loop3A_156 : i32
      %parallel_loop3A_158 = arith.index_cast %parallel_loop3A_157 : i32 to index
      %parallel_loop3A_159 = tpu.vector_load %arg4[%parallel_loop3A_158] {strides = array<i32>} : memref<32768xi32, #tpu.memory_space<vmem>>, vector<16xi32>,
      %parallel_loop3A_160 = arith.addi %parallel_loop3A_155, %parallel_loop3A_159 : vector<16xi32>
      %parallel_loop3A_161 = arith.constant 3072 : i32
      %parallel_loop3A_162 = arith.addi %parallel_loop3A_148, %parallel_loop3A_161 : i32
      %parallel_loop3A_163 = arith.index_cast %parallel_loop3A_162 : i32 to index
      %parallel_loop3A_164 = tpu.vector_load %arg4[%parallel_loop3A_163] {strides = array<i32>} : memref<32768xi32, #tpu.memory_space<vmem>>, vector<16xi32>,
      %parallel_loop3A_165 = arith.addi %parallel_loop3A_160, %parallel_loop3A_164 : vector<16xi32>
      %parallel_loop3A_166 = arith.constant 4096 : i32
      %parallel_loop3A_167 = arith.addi %parallel_loop3A_148, %parallel_loop3A_166 : i32
      %parallel_loop3A_168 = arith.index_cast %parallel_loop3A_167 : i32 to index
      %parallel_loop3A_169 = tpu.vector_load %arg4[%parallel_loop3A_168] {strides = array<i32>} : memref<32768xi32, #tpu.memory_space<vmem>>, vector<16xi32>,
      %parallel_loop3A_170 = arith.addi %parallel_loop3A_165, %parallel_loop3A_169 : vector<16xi32>
      %parallel_loop3A_171 = arith.constant 5120 : i32
      %parallel_loop3A_172 = arith.addi %parallel_loop3A_148, %parallel_loop3A_171 : i32
      %parallel_loop3A_173 = arith.index_cast %parallel_loop3A_172 : i32 to index
      %parallel_loop3A_174 = tpu.vector_load %arg4[%parallel_loop3A_173] {strides = array<i32>} : memref<32768xi32, #tpu.memory_space<vmem>>, vector<16xi32>,
      %parallel_loop3A_175 = arith.addi %parallel_loop3A_170, %parallel_loop3A_174 : vector<16xi32>
      %parallel_loop3A_176 = arith.constant 6144 : i32
      %parallel_loop3A_177 = arith.addi %parallel_loop3A_148, %parallel_loop3A_176 : i32
      %parallel_loop3A_178 = arith.index_cast %parallel_loop3A_177 : i32 to index
      %parallel_loop3A_179 = tpu.vector_load %arg4[%parallel_loop3A_178] {strides = array<i32>} : memref<32768xi32, #tpu.memory_space<vmem>>, vector<16xi32>,
      %parallel_loop3A_180 = arith.addi %parallel_loop3A_175, %parallel_loop3A_179 : vector<16xi32>
      %parallel_loop3A_181 = arith.constant 7168 : i32
      %parallel_loop3A_182 = arith.addi %parallel_loop3A_148, %parallel_loop3A_181 : i32
      %parallel_loop3A_183 = arith.index_cast %parallel_loop3A_182 : i32 to index
      %parallel_loop3A_184 = tpu.vector_load %arg4[%parallel_loop3A_183] {strides = array<i32>} : memref<32768xi32, #tpu.memory_space<vmem>>, vector<16xi32>,
      %parallel_loop3A_185 = arith.addi %parallel_loop3A_180, %parallel_loop3A_184 : vector<16xi32>
      %parallel_loop3A_186 = arith.constant 8192 : i32
      %parallel_loop3A_187 = arith.addi %parallel_loop3A_148, %parallel_loop3A_186 : i32
      %parallel_loop3A_188 = arith.index_cast %parallel_loop3A_187 : i32 to index
      %parallel_loop3A_189 = tpu.vector_load %arg4[%parallel_loop3A_188] {strides = array<i32>} : memref<32768xi32, #tpu.memory_space<vmem>>, vector<16xi32>,
      %parallel_loop3A_190 = arith.addi %parallel_loop3A_185, %parallel_loop3A_189 : vector<16xi32>
      %parallel_loop3A_191 = arith.constant 9216 : i32
      %parallel_loop3A_192 = arith.addi %parallel_loop3A_148, %parallel_loop3A_191 : i32
      %parallel_loop3A_193 = arith.index_cast %parallel_loop3A_192 : i32 to index
      %parallel_loop3A_194 = tpu.vector_load %arg4[%parallel_loop3A_193] {strides = array<i32>} : memref<32768xi32, #tpu.memory_space<vmem>>, vector<16xi32>,
      %parallel_loop3A_195 = arith.addi %parallel_loop3A_190, %parallel_loop3A_194 : vector<16xi32>
      %parallel_loop3A_196 = arith.constant 10240 : i32
      %parallel_loop3A_197 = arith.addi %parallel_loop3A_148, %parallel_loop3A_196 : i32
      %parallel_loop3A_198 = arith.index_cast %parallel_loop3A_197 : i32 to index
      %parallel_loop3A_199 = tpu.vector_load %arg4[%parallel_loop3A_198] {strides = array<i32>} : memref<32768xi32, #tpu.memory_space<vmem>>, vector<16xi32>,
      %parallel_loop3A_200 = arith.addi %parallel_loop3A_195, %parallel_loop3A_199 : vector<16xi32>
      %parallel_loop3A_201 = arith.constant 11264 : i32
      %parallel_loop3A_202 = arith.addi %parallel_loop3A_148, %parallel_loop3A_201 : i32
      %parallel_loop3A_203 = arith.index_cast %parallel_loop3A_202 : i32 to index
      %parallel_loop3A_204 = tpu.vector_load %arg4[%parallel_loop3A_203] {strides = array<i32>} : memref<32768xi32, #tpu.memory_space<vmem>>, vector<16xi32>,
      %parallel_loop3A_205 = arith.addi %parallel_loop3A_200, %parallel_loop3A_204 : vector<16xi32>
      %parallel_loop3A_206 = arith.constant 12288 : i32
      %parallel_loop3A_207 = arith.addi %parallel_loop3A_148, %parallel_loop3A_206 : i32
      %parallel_loop3A_208 = arith.index_cast %parallel_loop3A_207 : i32 to index
      %parallel_loop3A_209 = tpu.vector_load %arg4[%parallel_loop3A_208] {strides = array<i32>} : memref<32768xi32, #tpu.memory_space<vmem>>, vector<16xi32>,
      %parallel_loop3A_210 = arith.addi %parallel_loop3A_205, %parallel_loop3A_209 : vector<16xi32>
      %parallel_loop3A_211 = arith.constant 13312 : i32
      %parallel_loop3A_212 = arith.addi %parallel_loop3A_148, %parallel_loop3A_211 : i32
      %parallel_loop3A_213 = arith.index_cast %parallel_loop3A_212 : i32 to index
      %parallel_loop3A_214 = tpu.vector_load %arg4[%parallel_loop3A_213] {strides = array<i32>} : memref<32768xi32, #tpu.memory_space<vmem>>, vector<16xi32>,
      %parallel_loop3A_215 = arith.addi %parallel_loop3A_210, %parallel_loop3A_214 : vector<16xi32>
      %parallel_loop3A_216 = arith.constant 14336 : i32
      %parallel_loop3A_217 = arith.addi %parallel_loop3A_148, %parallel_loop3A_216 : i32
      %parallel_loop3A_218 = arith.index_cast %parallel_loop3A_217 : i32 to index
      %parallel_loop3A_219 = tpu.vector_load %arg4[%parallel_loop3A_218] {strides = array<i32>} : memref<32768xi32, #tpu.memory_space<vmem>>, vector<16xi32>,
      %parallel_loop3A_220 = arith.addi %parallel_loop3A_215, %parallel_loop3A_219 : vector<16xi32>
      %parallel_loop3A_221 = arith.constant 15360 : i32
      %parallel_loop3A_222 = arith.addi %parallel_loop3A_148, %parallel_loop3A_221 : i32
      %parallel_loop3A_223 = arith.index_cast %parallel_loop3A_222 : i32 to index
      %parallel_loop3A_224 = tpu.vector_load %arg4[%parallel_loop3A_223] {strides = array<i32>} : memref<32768xi32, #tpu.memory_space<vmem>>, vector<16xi32>,
      %parallel_loop3A_225 = arith.addi %parallel_loop3A_220, %parallel_loop3A_224 : vector<16xi32>
      %parallel_loop3A_226 = arith.constant 16384 : i32
      %parallel_loop3A_227 = arith.addi %parallel_loop3A_148, %parallel_loop3A_226 : i32
      %parallel_loop3A_228 = arith.index_cast %parallel_loop3A_227 : i32 to index
      %parallel_loop3A_229 = tpu.vector_load %arg4[%parallel_loop3A_228] {strides = array<i32>} : memref<32768xi32, #tpu.memory_space<vmem>>, vector<16xi32>,
      %parallel_loop3A_230 = arith.addi %parallel_loop3A_225, %parallel_loop3A_229 : vector<16xi32>
      %parallel_loop3A_231 = arith.constant 17408 : i32
      %parallel_loop3A_232 = arith.addi %parallel_loop3A_148, %parallel_loop3A_231 : i32
      %parallel_loop3A_233 = arith.index_cast %parallel_loop3A_232 : i32 to index
      %parallel_loop3A_234 = tpu.vector_load %arg4[%parallel_loop3A_233] {strides = array<i32>} : memref<32768xi32, #tpu.memory_space<vmem>>, vector<16xi32>,
      %parallel_loop3A_235 = arith.addi %parallel_loop3A_230, %parallel_loop3A_234 : vector<16xi32>
      %parallel_loop3A_236 = arith.constant 18432 : i32
      %parallel_loop3A_237 = arith.addi %parallel_loop3A_148, %parallel_loop3A_236 : i32
      %parallel_loop3A_238 = arith.index_cast %parallel_loop3A_237 : i32 to index
      %parallel_loop3A_239 = tpu.vector_load %arg4[%parallel_loop3A_238] {strides = array<i32>} : memref<32768xi32, #tpu.memory_space<vmem>>, vector<16xi32>,
      %parallel_loop3A_240 = arith.addi %parallel_loop3A_235, %parallel_loop3A_239 : vector<16xi32>
      %parallel_loop3A_241 = arith.constant 19456 : i32
      %parallel_loop3A_242 = arith.addi %parallel_loop3A_148, %parallel_loop3A_241 : i32
      %parallel_loop3A_243 = arith.index_cast %parallel_loop3A_242 : i32 to index
      %parallel_loop3A_244 = tpu.vector_load %arg4[%parallel_loop3A_243] {strides = array<i32>} : memref<32768xi32, #tpu.memory_space<vmem>>, vector<16xi32>,
      %parallel_loop3A_245 = arith.addi %parallel_loop3A_240, %parallel_loop3A_244 : vector<16xi32>
      %parallel_loop3A_246 = arith.constant 20480 : i32
      %parallel_loop3A_247 = arith.addi %parallel_loop3A_148, %parallel_loop3A_246 : i32
      %parallel_loop3A_248 = arith.index_cast %parallel_loop3A_247 : i32 to index
      %parallel_loop3A_249 = tpu.vector_load %arg4[%parallel_loop3A_248] {strides = array<i32>} : memref<32768xi32, #tpu.memory_space<vmem>>, vector<16xi32>,
      %parallel_loop3A_250 = arith.addi %parallel_loop3A_245, %parallel_loop3A_249 : vector<16xi32>
      %parallel_loop3A_251 = arith.constant 21504 : i32
      %parallel_loop3A_252 = arith.addi %parallel_loop3A_148, %parallel_loop3A_251 : i32
      %parallel_loop3A_253 = arith.index_cast %parallel_loop3A_252 : i32 to index
      %parallel_loop3A_254 = tpu.vector_load %arg4[%parallel_loop3A_253] {strides = array<i32>} : memref<32768xi32, #tpu.memory_space<vmem>>, vector<16xi32>,
      %parallel_loop3A_255 = arith.addi %parallel_loop3A_250, %parallel_loop3A_254 : vector<16xi32>
      %parallel_loop3A_256 = arith.constant 22528 : i32
      %parallel_loop3A_257 = arith.addi %parallel_loop3A_148, %parallel_loop3A_256 : i32
      %parallel_loop3A_258 = arith.index_cast %parallel_loop3A_257 : i32 to index
      %parallel_loop3A_259 = tpu.vector_load %arg4[%parallel_loop3A_258] {strides = array<i32>} : memref<32768xi32, #tpu.memory_space<vmem>>, vector<16xi32>,
      %parallel_loop3A_260 = arith.addi %parallel_loop3A_255, %parallel_loop3A_259 : vector<16xi32>
      %parallel_loop3A_261 = arith.constant 23552 : i32
      %parallel_loop3A_262 = arith.addi %parallel_loop3A_148, %parallel_loop3A_261 : i32
      %parallel_loop3A_263 = arith.index_cast %parallel_loop3A_262 : i32 to index
      %parallel_loop3A_264 = tpu.vector_load %arg4[%parallel_loop3A_263] {strides = array<i32>} : memref<32768xi32, #tpu.memory_space<vmem>>, vector<16xi32>,
      %parallel_loop3A_265 = arith.addi %parallel_loop3A_260, %parallel_loop3A_264 : vector<16xi32>
      %parallel_loop3A_266 = arith.constant 24576 : i32
      %parallel_loop3A_267 = arith.addi %parallel_loop3A_148, %parallel_loop3A_266 : i32
      %parallel_loop3A_268 = arith.index_cast %parallel_loop3A_267 : i32 to index
      %parallel_loop3A_269 = tpu.vector_load %arg4[%parallel_loop3A_268] {strides = array<i32>} : memref<32768xi32, #tpu.memory_space<vmem>>, vector<16xi32>,
      %parallel_loop3A_270 = arith.addi %parallel_loop3A_265, %parallel_loop3A_269 : vector<16xi32>
      %parallel_loop3A_271 = arith.constant 25600 : i32
      %parallel_loop3A_272 = arith.addi %parallel_loop3A_148, %parallel_loop3A_271 : i32
      %parallel_loop3A_273 = arith.index_cast %parallel_loop3A_272 : i32 to index
      %parallel_loop3A_274 = tpu.vector_load %arg4[%parallel_loop3A_273] {strides = array<i32>} : memref<32768xi32, #tpu.memory_space<vmem>>, vector<16xi32>,
      %parallel_loop3A_275 = arith.addi %parallel_loop3A_270, %parallel_loop3A_274 : vector<16xi32>
      %parallel_loop3A_276 = arith.constant 26624 : i32
      %parallel_loop3A_277 = arith.addi %parallel_loop3A_148, %parallel_loop3A_276 : i32
      %parallel_loop3A_278 = arith.index_cast %parallel_loop3A_277 : i32 to index
      %parallel_loop3A_279 = tpu.vector_load %arg4[%parallel_loop3A_278] {strides = array<i32>} : memref<32768xi32, #tpu.memory_space<vmem>>, vector<16xi32>,
      %parallel_loop3A_280 = arith.addi %parallel_loop3A_275, %parallel_loop3A_279 : vector<16xi32>
      %parallel_loop3A_281 = arith.constant 27648 : i32
      %parallel_loop3A_282 = arith.addi %parallel_loop3A_148, %parallel_loop3A_281 : i32
      %parallel_loop3A_283 = arith.index_cast %parallel_loop3A_282 : i32 to index
      %parallel_loop3A_284 = tpu.vector_load %arg4[%parallel_loop3A_283] {strides = array<i32>} : memref<32768xi32, #tpu.memory_space<vmem>>, vector<16xi32>,
      %parallel_loop3A_285 = arith.addi %parallel_loop3A_280, %parallel_loop3A_284 : vector<16xi32>
      %parallel_loop3A_286 = arith.constant 28672 : i32
      %parallel_loop3A_287 = arith.addi %parallel_loop3A_148, %parallel_loop3A_286 : i32
      %parallel_loop3A_288 = arith.index_cast %parallel_loop3A_287 : i32 to index
      %parallel_loop3A_289 = tpu.vector_load %arg4[%parallel_loop3A_288] {strides = array<i32>} : memref<32768xi32, #tpu.memory_space<vmem>>, vector<16xi32>,
      %parallel_loop3A_290 = arith.addi %parallel_loop3A_285, %parallel_loop3A_289 : vector<16xi32>
      %parallel_loop3A_291 = arith.constant 29696 : i32
      %parallel_loop3A_292 = arith.addi %parallel_loop3A_148, %parallel_loop3A_291 : i32
      %parallel_loop3A_293 = arith.index_cast %parallel_loop3A_292 : i32 to index
      %parallel_loop3A_294 = tpu.vector_load %arg4[%parallel_loop3A_293] {strides = array<i32>} : memref<32768xi32, #tpu.memory_space<vmem>>, vector<16xi32>,
      %parallel_loop3A_295 = arith.addi %parallel_loop3A_290, %parallel_loop3A_294 : vector<16xi32>
      %parallel_loop3A_296 = arith.constant 30720 : i32
      %parallel_loop3A_297 = arith.addi %parallel_loop3A_148, %parallel_loop3A_296 : i32
      %parallel_loop3A_298 = arith.index_cast %parallel_loop3A_297 : i32 to index
      %parallel_loop3A_299 = tpu.vector_load %arg4[%parallel_loop3A_298] {strides = array<i32>} : memref<32768xi32, #tpu.memory_space<vmem>>, vector<16xi32>,
      %parallel_loop3A_300 = arith.addi %parallel_loop3A_295, %parallel_loop3A_299 : vector<16xi32>
      %parallel_loop3A_301 = arith.constant 31744 : i32
      %parallel_loop3A_302 = arith.addi %parallel_loop3A_148, %parallel_loop3A_301 : i32
      %parallel_loop3A_303 = arith.index_cast %parallel_loop3A_302 : i32 to index
      %parallel_loop3A_304 = tpu.vector_load %arg4[%parallel_loop3A_303] {strides = array<i32>} : memref<32768xi32, #tpu.memory_space<vmem>>, vector<16xi32>,
      %parallel_loop3A_305 = arith.addi %parallel_loop3A_300, %parallel_loop3A_304 : vector<16xi32>
      %parallel_loop3A_306 = arith.index_cast %parallel_loop3A_148 : i32 to index
      %parallel_loop3A_307 = tpu.vector_load %arg4[%parallel_loop3A_306] {strides = array<i32>} : memref<32768xi32, #tpu.memory_space<vmem>>, vector<16xi32>,
      tpu.vector_store %arg4[%parallel_loop3A_306], %parallel_loop3A_305 {strides = array<i32>} : memref<32768xi32, #tpu.memory_space<vmem>>, vector<16xi32>,
    } {sc.loop_unroll_factor = 1 : i64, sc.parallel_access}
    %mul3A_142 = arith.constant 1024 : i32
    %mul3A_143 = arith.muli %add3A, %mul3A_142 : i32
    "tpu.region"() ({
      %run_scoped3A = tpu.sem_alloc : memref<!tpu.dma_semaphore, #tpu.memory_space<semaphore_mem>>
      %dma_start3A_144 = arith.constant 0 : i32
      %dma_start3A_145 = tpu.memref_slice %arg4[%dma_start3A_144] : memref<32768xi32, #tpu.memory_space<vmem>> -> memref<1024xi32, #tpu.memory_space<vmem>>
      %dma_start3A_146 = tpu.memref_slice %arg3[%mul3A_143] : memref<32768xi32, #tpu.memory_space<hbm>> -> memref<1024xi32, #tpu.memory_space<hbm>>
      %dma_start3A_147 = tpu.memref_slice %arg3[%mul3A_143] : memref<32768xi32, #tpu.memory_space<hbm>> -> memref<1024xi32, #tpu.memory_space<hbm>>
      %dma_start3A_148 = arith.constant 0 : i32
      %dma_start3A_149 = tpu.memref_slice %arg4[%dma_start3A_148] : memref<32768xi32, #tpu.memory_space<vmem>> -> memref<1024xi32, #tpu.memory_space<vmem>>
      tpu.enqueue_dma source(%dma_start3A_149 : memref<1024xi32, #tpu.memory_space<vmem>>) target(%dma_start3A_147 : memref<1024xi32, #tpu.memory_space<hbm>>) target_semaphore(%run_scoped3A : memref<!tpu.dma_semaphore, #tpu.memory_space<semaphore_mem>>)
      %dma_wait3A_150 = arith.constant 0 : i32
      %dma_wait3A_151 = tpu.memref_slice %arg4[%dma_wait3A_150] : memref<32768xi32, #tpu.memory_space<vmem>> -> memref<1024xi32, #tpu.memory_space<vmem>>
      %dma_wait3A_152 = tpu.memref_slice %arg3[%mul3A_143] : memref<32768xi32, #tpu.memory_space<hbm>> -> memref<1024xi32, #tpu.memory_space<hbm>>
      %dma_wait3A_153 = tpu.memref_slice %arg3[%mul3A_143] : memref<32768xi32, #tpu.memory_space<hbm>> -> memref<1024xi32, #tpu.memory_space<hbm>>
      %dma_wait3A_154 = arith.constant 0 : i32
      %dma_wait3A_155 = tpu.memref_slice %arg4[%dma_wait3A_154] : memref<32768xi32, #tpu.memory_space<vmem>> -> memref<1024xi32, #tpu.memory_space<vmem>>
      tpu.wait_dma2 semaphore(%run_scoped3A : memref<!tpu.dma_semaphore, #tpu.memory_space<semaphore_mem>>) src(%dma_wait3A_155 : memref<1024xi32, #tpu.memory_space<vmem>>) dst(%dma_wait3A_153 : memref<1024xi32, #tpu.memory_space<hbm>>)
      tpu.yield
    }) : () -> ()
    return
  }
}

#map = affine_map<(d0, d1) -> (0, 0)>
#map1 = affine_map<(d0, d1) -> (0)>
module attributes {stable_mosaic.version = 14 : i64} {
  func.func @_pass2_body(%arg0: i32, %arg1: i32, %arg2: memref<128x32768xf32, #tpu.memory_space<hbm>>, %arg3: memref<4x16xi32, #tpu.memory_space<hbm>>, %arg4: memref<32768xi32, #tpu.memory_space<hbm>>, %arg5: memref<40960xi32, #tpu.memory_space<vmem>>, %arg6: memref<2x32768xf32, #tpu.memory_space<vmem>>, %arg7: memref<1024xi32, #tpu.memory_space<vmem>>, %arg8: memref<4x16xi32, #tpu.memory_space<vmem>>, %arg9: memref<!tpu.dma_semaphore, #tpu.memory_space<semaphore_mem>>, %arg10: memref<!tpu.dma_semaphore, #tpu.memory_space<semaphore_mem>>) attributes {dimension_semantics = [#tpu.dimension_semantics<core_parallel>, #tpu.dimension_semantics<subcore_parallel>], iteration_bounds = array<i64: 2, 16>, scalar_prefetch = 0 : i64, scratch_operands = 6 : i64, tpu.core_type = #tpu.core_type<sc_vector_subcore>, window_params = [{transform_indices = #map}, {transform_indices = #map}, {transform_indices = #map1}]} {
    %mul3A = arith.constant 2 : i32
    %mul3A_0 = arith.muli %arg1, %mul3A : i32
    %add3A = arith.addi %mul3A_0, %arg0 : i32
    %iota3A = tpu.iota {dimensions = array<i32: 0>} : vector<16xi32>
    %mul3A_1 = arith.constant 256 : i32
    %mul3A_2 = vector.broadcast %mul3A_1 : i32 to vector<16xi32>
    %mul3A_3 = arith.muli %iota3A, %mul3A_2 : vector<16xi32>
    %broadcast_in_dim3A = arith.constant 1 : i32
    %broadcast_in_dim3A_4 = vector.broadcast %broadcast_in_dim3A : i32 to vector<16xi32>
    %mul3A_5 = arith.constant 4 : i32
    %mul3A_6 = arith.muli %add3A, %mul3A_5 : i32
    %add3A_7 = arith.constant 0 : i32
    %add3A_8 = arith.addi %mul3A_6, %add3A_7 : i32
    %dma_start3A = arith.constant 0 : i32
    %dma_start3A_9 = arith.constant 0 : i32
    %dma_start3A_10 = tpu.memref_slice %arg6[%dma_start3A, %dma_start3A_9] : memref<2x32768xf32, #tpu.memory_space<vmem>> -> memref<1x32768xf32, #tpu.memory_space<vmem>>
    %dma_start3A_11 = tpu.memref_squeeze %dma_start3A_10 : memref<1x32768xf32, #tpu.memory_space<vmem>> -> memref<32768xf32, #tpu.memory_space<vmem>>
    %dma_start3A_12 = arith.constant 0 : i32
    %dma_start3A_13 = tpu.memref_slice %arg2[%add3A_8, %dma_start3A_12] : memref<128x32768xf32, #tpu.memory_space<hbm>> -> memref<1x32768xf32, #tpu.memory_space<hbm>>
    %dma_start3A_14 = tpu.memref_squeeze %dma_start3A_13 : memref<1x32768xf32, #tpu.memory_space<hbm>> -> memref<32768xf32, #tpu.memory_space<hbm>>
    %dma_start3A_15 = arith.constant 0 : i32
    %dma_start3A_16 = tpu.memref_slice %arg6[%dma_start3A, %dma_start3A_15] : memref<2x32768xf32, #tpu.memory_space<vmem>> -> memref<1x32768xf32, #tpu.memory_space<vmem>>
    %dma_start3A_17 = tpu.memref_squeeze %dma_start3A_16 : memref<1x32768xf32, #tpu.memory_space<vmem>> -> memref<32768xf32, #tpu.memory_space<vmem>>
    %dma_start3A_18 = arith.constant 0 : i32
    %dma_start3A_19 = tpu.memref_slice %arg2[%add3A_8, %dma_start3A_18] : memref<128x32768xf32, #tpu.memory_space<hbm>> -> memref<1x32768xf32, #tpu.memory_space<hbm>>
    %dma_start3A_20 = tpu.memref_squeeze %dma_start3A_19 : memref<1x32768xf32, #tpu.memory_space<hbm>> -> memref<32768xf32, #tpu.memory_space<hbm>>
    tpu.enqueue_dma source(%dma_start3A_20 : memref<32768xf32, #tpu.memory_space<hbm>>) target(%dma_start3A_17 : memref<32768xf32, #tpu.memory_space<vmem>>) target_semaphore(%arg9 : memref<!tpu.dma_semaphore, #tpu.memory_space<semaphore_mem>>)
    %mul3A_21 = arith.constant 4 : i32
    %mul3A_22 = arith.muli %add3A, %mul3A_21 : i32
    %add3A_23 = arith.constant 1 : i32
    %add3A_24 = arith.addi %mul3A_22, %add3A_23 : i32
    %dma_start3A_25 = arith.constant 1 : i32
    %dma_start3A_26 = arith.constant 0 : i32
    %dma_start3A_27 = tpu.memref_slice %arg6[%dma_start3A_25, %dma_start3A_26] : memref<2x32768xf32, #tpu.memory_space<vmem>> -> memref<1x32768xf32, #tpu.memory_space<vmem>>
    %dma_start3A_28 = tpu.memref_squeeze %dma_start3A_27 : memref<1x32768xf32, #tpu.memory_space<vmem>> -> memref<32768xf32, #tpu.memory_space<vmem>>
    %dma_start3A_29 = arith.constant 0 : i32
    %dma_start3A_30 = tpu.memref_slice %arg2[%add3A_24, %dma_start3A_29] : memref<128x32768xf32, #tpu.memory_space<hbm>> -> memref<1x32768xf32, #tpu.memory_space<hbm>>
    %dma_start3A_31 = tpu.memref_squeeze %dma_start3A_30 : memref<1x32768xf32, #tpu.memory_space<hbm>> -> memref<32768xf32, #tpu.memory_space<hbm>>
    %dma_start3A_32 = arith.constant 0 : i32
    %dma_start3A_33 = tpu.memref_slice %arg6[%dma_start3A_25, %dma_start3A_32] : memref<2x32768xf32, #tpu.memory_space<vmem>> -> memref<1x32768xf32, #tpu.memory_space<vmem>>
    %dma_start3A_34 = tpu.memref_squeeze %dma_start3A_33 : memref<1x32768xf32, #tpu.memory_space<vmem>> -> memref<32768xf32, #tpu.memory_space<vmem>>
    %dma_start3A_35 = arith.constant 0 : i32
    %dma_start3A_36 = tpu.memref_slice %arg2[%add3A_24, %dma_start3A_35] : memref<128x32768xf32, #tpu.memory_space<hbm>> -> memref<1x32768xf32, #tpu.memory_space<hbm>>
    %dma_start3A_37 = tpu.memref_squeeze %dma_start3A_36 : memref<1x32768xf32, #tpu.memory_space<hbm>> -> memref<32768xf32, #tpu.memory_space<hbm>>
    tpu.enqueue_dma source(%dma_start3A_37 : memref<32768xf32, #tpu.memory_space<hbm>>) target(%dma_start3A_34 : memref<32768xf32, #tpu.memory_space<vmem>>) target_semaphore(%arg10 : memref<!tpu.dma_semaphore, #tpu.memory_space<semaphore_mem>>)
    %broadcast_in_dim3A_38 = arith.constant 0 : i32
    %broadcast_in_dim3A_39 = vector.broadcast %broadcast_in_dim3A_38 : i32 to vector<16xi32>
    %parallel_loop3A = arith.constant 0 : i32
    %parallel_loop3A_40 = arith.constant 2048 : i32
    %parallel_loop3A_41 = arith.constant 1 : i32
    scf.for %parallel_loop3A_205 = %parallel_loop3A to %parallel_loop3A_40 step %parallel_loop3A_41  : i32 {
      %parallel_loop3A_206 = arith.constant 16 : i32
      %parallel_loop3A_207 = arith.muli %parallel_loop3A_205, %parallel_loop3A_206 : i32
      %parallel_loop3A_208 = arith.index_cast %parallel_loop3A_207 : i32 to index
      %parallel_loop3A_209 = tpu.vector_load %arg5[%parallel_loop3A_208] {strides = array<i32>} : memref<40960xi32, #tpu.memory_space<vmem>>, vector<16xi32>,
      tpu.vector_store %arg5[%parallel_loop3A_208], %broadcast_in_dim3A_39 {strides = array<i32>} : memref<40960xi32, #tpu.memory_space<vmem>>, vector<16xi32>,
    } {sc.loop_unroll_factor = 1 : i64, sc.parallel_access}
    "tpu.region"() ({
      %run_scoped3A = tpu.sem_alloc : memref<!tpu.dma_semaphore, #tpu.memory_space<semaphore_mem>>
      tpu.enqueue_dma source(%arg3 : memref<4x16xi32, #tpu.memory_space<hbm>>) target(%arg8 : memref<4x16xi32, #tpu.memory_space<vmem>>) target_semaphore(%run_scoped3A : memref<!tpu.dma_semaphore, #tpu.memory_space<semaphore_mem>>)
      tpu.wait_dma2 semaphore(%run_scoped3A : memref<!tpu.dma_semaphore, #tpu.memory_space<semaphore_mem>>) src(%arg3 : memref<4x16xi32, #tpu.memory_space<hbm>>) dst(%arg8 : memref<4x16xi32, #tpu.memory_space<vmem>>)
      tpu.yield
    }) : () -> ()
    %broadcast_in_dim3A_42 = arith.constant 32768 : i32
    %broadcast_in_dim3A_43 = vector.broadcast %broadcast_in_dim3A_42 : i32 to vector<16xi32>
    %parallel_loop3A_44 = arith.constant 0 : i32
    %parallel_loop3A_45 = arith.constant 64 : i32
    %parallel_loop3A_46 = arith.constant 1 : i32
    scf.for %parallel_loop3A_205 = %parallel_loop3A_44 to %parallel_loop3A_45 step %parallel_loop3A_46  : i32 {
      %parallel_loop3A_206 = arith.constant 16 : i32
      %parallel_loop3A_207 = arith.muli %parallel_loop3A_205, %parallel_loop3A_206 : i32
      %parallel_loop3A_208 = arith.index_cast %parallel_loop3A_207 : i32 to index
      %parallel_loop3A_209 = tpu.vector_load %arg7[%parallel_loop3A_208] {strides = array<i32>} : memref<1024xi32, #tpu.memory_space<vmem>>, vector<16xi32>,
      tpu.vector_store %arg7[%parallel_loop3A_208], %broadcast_in_dim3A_43 {strides = array<i32>} : memref<1024xi32, #tpu.memory_space<vmem>>, vector<16xi32>,
    } {sc.loop_unroll_factor = 1 : i64, sc.parallel_access}
    %eq3A = arith.constant 0 : i32
    %eq3A_47 = vector.broadcast %eq3A : i32 to vector<16xi32>
    %eq3A_48 = arith.cmpi eq, %iota3A, %eq3A_47 : vector<16xi32>
    %get3A = arith.constant 3 : i32
    %get3A_49 = arith.index_cast %get3A : i32 to index
    %get3A_50 = arith.constant 0 : index
    %get3A_51 = tpu.vector_load %arg8[%get3A_49, %get3A_50] {strides = array<i32>} : memref<4x16xi32, #tpu.memory_space<vmem>>, vector<16xi32>,
    %broadcast_in_dim3A_52 = arith.constant 24576 : i32
    %broadcast_in_dim3A_53 = vector.broadcast %broadcast_in_dim3A_52 : i32 to vector<16xi32>
    tpu.vector_store_idx %arg7[%get3A_51], %broadcast_in_dim3A_53 masked %eq3A_48 : memref<1024xi32, #tpu.memory_space<vmem>>[vector<16xi32>], vector<16xi32>, vector<16xi1>
    %get3A_54 = arith.constant 2 : i32
    %get3A_55 = arith.index_cast %get3A_54 : i32 to index
    %get3A_56 = arith.constant 0 : index
    %get3A_57 = tpu.vector_load %arg8[%get3A_55, %get3A_56] {strides = array<i32>} : memref<4x16xi32, #tpu.memory_space<vmem>>, vector<16xi32>,
    %broadcast_in_dim3A_58 = arith.constant 16384 : i32
    %broadcast_in_dim3A_59 = vector.broadcast %broadcast_in_dim3A_58 : i32 to vector<16xi32>
    tpu.vector_store_idx %arg7[%get3A_57], %broadcast_in_dim3A_59 masked %eq3A_48 : memref<1024xi32, #tpu.memory_space<vmem>>[vector<16xi32>], vector<16xi32>, vector<16xi1>
    %get3A_60 = arith.constant 1 : i32
    %get3A_61 = arith.index_cast %get3A_60 : i32 to index
    %get3A_62 = arith.constant 0 : index
    %get3A_63 = tpu.vector_load %arg8[%get3A_61, %get3A_62] {strides = array<i32>} : memref<4x16xi32, #tpu.memory_space<vmem>>, vector<16xi32>,
    %broadcast_in_dim3A_64 = arith.constant 8192 : i32
    %broadcast_in_dim3A_65 = vector.broadcast %broadcast_in_dim3A_64 : i32 to vector<16xi32>
    tpu.vector_store_idx %arg7[%get3A_63], %broadcast_in_dim3A_65 masked %eq3A_48 : memref<1024xi32, #tpu.memory_space<vmem>>[vector<16xi32>], vector<16xi32>, vector<16xi1>
    %get3A_66 = arith.constant 0 : i32
    %get3A_67 = arith.index_cast %get3A_66 : i32 to index
    %get3A_68 = arith.constant 0 : index
    %get3A_69 = tpu.vector_load %arg8[%get3A_67, %get3A_68] {strides = array<i32>} : memref<4x16xi32, #tpu.memory_space<vmem>>, vector<16xi32>,
    %broadcast_in_dim3A_70 = arith.constant 0 : i32
    %broadcast_in_dim3A_71 = vector.broadcast %broadcast_in_dim3A_70 : i32 to vector<16xi32>
    tpu.vector_store_idx %arg7[%get3A_69], %broadcast_in_dim3A_71 masked %eq3A_48 : memref<1024xi32, #tpu.memory_space<vmem>>[vector<16xi32>], vector<16xi32>, vector<16xi1>
    %dma_wait3A = arith.constant 0 : i32
    %dma_wait3A_72 = arith.constant 0 : i32
    %dma_wait3A_73 = tpu.memref_slice %arg6[%dma_wait3A, %dma_wait3A_72] : memref<2x32768xf32, #tpu.memory_space<vmem>> -> memref<1x32768xf32, #tpu.memory_space<vmem>>
    %dma_wait3A_74 = tpu.memref_squeeze %dma_wait3A_73 : memref<1x32768xf32, #tpu.memory_space<vmem>> -> memref<32768xf32, #tpu.memory_space<vmem>>
    %dma_wait3A_75 = arith.constant 0 : i32
    %dma_wait3A_76 = tpu.memref_slice %arg2[%add3A_8, %dma_wait3A_75] : memref<128x32768xf32, #tpu.memory_space<hbm>> -> memref<1x32768xf32, #tpu.memory_space<hbm>>
    %dma_wait3A_77 = tpu.memref_squeeze %dma_wait3A_76 : memref<1x32768xf32, #tpu.memory_space<hbm>> -> memref<32768xf32, #tpu.memory_space<hbm>>
    %dma_wait3A_78 = arith.constant 0 : i32
    %dma_wait3A_79 = tpu.memref_slice %arg6[%dma_wait3A, %dma_wait3A_78] : memref<2x32768xf32, #tpu.memory_space<vmem>> -> memref<1x32768xf32, #tpu.memory_space<vmem>>
    %dma_wait3A_80 = tpu.memref_squeeze %dma_wait3A_79 : memref<1x32768xf32, #tpu.memory_space<vmem>> -> memref<32768xf32, #tpu.memory_space<vmem>>
    %dma_wait3A_81 = arith.constant 0 : i32
    %dma_wait3A_82 = tpu.memref_slice %arg2[%add3A_8, %dma_wait3A_81] : memref<128x32768xf32, #tpu.memory_space<hbm>> -> memref<1x32768xf32, #tpu.memory_space<hbm>>
    %dma_wait3A_83 = tpu.memref_squeeze %dma_wait3A_82 : memref<1x32768xf32, #tpu.memory_space<hbm>> -> memref<32768xf32, #tpu.memory_space<hbm>>
    tpu.wait_dma2 semaphore(%arg9 : memref<!tpu.dma_semaphore, #tpu.memory_space<semaphore_mem>>) src(%dma_wait3A_83 : memref<32768xf32, #tpu.memory_space<hbm>>) dst(%dma_wait3A_80 : memref<32768xf32, #tpu.memory_space<vmem>>)
    %parallel_loop3A_84 = arith.constant 0 : i32
    %parallel_loop3A_85 = arith.constant 1024 : i32
    %parallel_loop3A_86 = arith.constant 1 : i32
    scf.for %parallel_loop3A_205 = %parallel_loop3A_84 to %parallel_loop3A_85 step %parallel_loop3A_86  : i32 {
      %parallel_loop3A_206 = arith.constant 2 : i32
      %parallel_loop3A_207 = arith.muli %parallel_loop3A_205, %parallel_loop3A_206 : i32
      %parallel_loop3A_208 = arith.constant 0 : i32
      %parallel_loop3A_209 = arith.addi %parallel_loop3A_207, %parallel_loop3A_208 : i32
      %parallel_loop3A_210 = arith.constant 16 : i32
      %parallel_loop3A_211 = arith.muli %parallel_loop3A_209, %parallel_loop3A_210 : i32
      %parallel_loop3A_212 = arith.constant 0 : i32
      %parallel_loop3A_213 = arith.index_cast %parallel_loop3A_212 : i32 to index
      %parallel_loop3A_214 = arith.index_cast %parallel_loop3A_211 : i32 to index
      %parallel_loop3A_215 = tpu.vector_load %arg6[%parallel_loop3A_213, %parallel_loop3A_214] {strides = array<i32>} : memref<2x32768xf32, #tpu.memory_space<vmem>>, vector<16xf32>,
      %parallel_loop3A_216 = vector.bitcast %parallel_loop3A_215 : vector<16xf32> to vector<16xi32>
      %parallel_loop3A_217 = arith.constant 31 : i32
      %parallel_loop3A_218 = vector.broadcast %parallel_loop3A_217 : i32 to vector<16xi32>
      %parallel_loop3A_219 = arith.shrsi %parallel_loop3A_216, %parallel_loop3A_218 : vector<16xi32>
      %parallel_loop3A_220 = arith.constant -2147483648 : i32
      %parallel_loop3A_221 = vector.broadcast %parallel_loop3A_220 : i32 to vector<16xi32>
      %parallel_loop3A_222 = arith.ori %parallel_loop3A_219, %parallel_loop3A_221 : vector<16xi32>
      %parallel_loop3A_223 = arith.xori %parallel_loop3A_216, %parallel_loop3A_222 : vector<16xi32>
      %parallel_loop3A_224 = vector.bitcast %parallel_loop3A_223 : vector<16xi32> to vector<16xi32>
      %parallel_loop3A_225 = arith.constant 22 : i32
      %parallel_loop3A_226 = vector.broadcast %parallel_loop3A_225 : i32 to vector<16xi32>
      %parallel_loop3A_227 = arith.shrui %parallel_loop3A_224, %parallel_loop3A_226 : vector<16xi32>
      %parallel_loop3A_228 = vector.bitcast %parallel_loop3A_227 : vector<16xi32> to vector<16xi32>
      %parallel_loop3A_229 = arith.constant 14 : i32
      %parallel_loop3A_230 = vector.broadcast %parallel_loop3A_229 : i32 to vector<16xi32>
      %parallel_loop3A_231 = arith.shrui %parallel_loop3A_224, %parallel_loop3A_230 : vector<16xi32>
      %parallel_loop3A_232 = arith.constant 255 : i32
      %parallel_loop3A_233 = vector.broadcast %parallel_loop3A_232 : i32 to vector<16xi32>
      %parallel_loop3A_234 = arith.andi %parallel_loop3A_231, %parallel_loop3A_233 : vector<16xi32>
      %parallel_loop3A_235 = vector.bitcast %parallel_loop3A_234 : vector<16xi32> to vector<16xi32>
      %parallel_loop3A_236 = tpu.vector_load_idx %arg7[%parallel_loop3A_228] : memref<1024xi32, #tpu.memory_space<vmem>>[vector<16xi32>], vector<16xi32>,
      %parallel_loop3A_237 = arith.constant 0 : i32
      %parallel_loop3A_238 = vector.broadcast %parallel_loop3A_237 : i32 to vector<16xi32>
      %parallel_loop3A_239 = arith.addi %mul3A_3, %parallel_loop3A_238 : vector<16xi32>
      %parallel_loop3A_240 = arith.addi %parallel_loop3A_239, %parallel_loop3A_235 : vector<16xi32>
      %parallel_loop3A_241 = arith.addi %parallel_loop3A_236, %parallel_loop3A_240 : vector<16xi32>
      tpu.vector_store_idx %arg5[%parallel_loop3A_241], %broadcast_in_dim3A_4 {add = true} : memref<40960xi32, #tpu.memory_space<vmem>>[vector<16xi32>], vector<16xi32>,
      %parallel_loop3A_242 = arith.constant 2 : i32
      %parallel_loop3A_243 = arith.muli %parallel_loop3A_205, %parallel_loop3A_242 : i32
      %parallel_loop3A_244 = arith.constant 1 : i32
      %parallel_loop3A_245 = arith.addi %parallel_loop3A_243, %parallel_loop3A_244 : i32
      %parallel_loop3A_246 = arith.constant 16 : i32
      %parallel_loop3A_247 = arith.muli %parallel_loop3A_245, %parallel_loop3A_246 : i32
      %parallel_loop3A_248 = arith.constant 0 : i32
      %parallel_loop3A_249 = arith.index_cast %parallel_loop3A_248 : i32 to index
      %parallel_loop3A_250 = arith.index_cast %parallel_loop3A_247 : i32 to index
      %parallel_loop3A_251 = tpu.vector_load %arg6[%parallel_loop3A_249, %parallel_loop3A_250] {strides = array<i32>} : memref<2x32768xf32, #tpu.memory_space<vmem>>, vector<16xf32>,
      %parallel_loop3A_252 = vector.bitcast %parallel_loop3A_251 : vector<16xf32> to vector<16xi32>
      %parallel_loop3A_253 = arith.constant 31 : i32
      %parallel_loop3A_254 = vector.broadcast %parallel_loop3A_253 : i32 to vector<16xi32>
      %parallel_loop3A_255 = arith.shrsi %parallel_loop3A_252, %parallel_loop3A_254 : vector<16xi32>
      %parallel_loop3A_256 = arith.constant -2147483648 : i32
      %parallel_loop3A_257 = vector.broadcast %parallel_loop3A_256 : i32 to vector<16xi32>
      %parallel_loop3A_258 = arith.ori %parallel_loop3A_255, %parallel_loop3A_257 : vector<16xi32>
      %parallel_loop3A_259 = arith.xori %parallel_loop3A_252, %parallel_loop3A_258 : vector<16xi32>
      %parallel_loop3A_260 = vector.bitcast %parallel_loop3A_259 : vector<16xi32> to vector<16xi32>
      %parallel_loop3A_261 = arith.constant 22 : i32
      %parallel_loop3A_262 = vector.broadcast %parallel_loop3A_261 : i32 to vector<16xi32>
      %parallel_loop3A_263 = arith.shrui %parallel_loop3A_260, %parallel_loop3A_262 : vector<16xi32>
      %parallel_loop3A_264 = vector.bitcast %parallel_loop3A_263 : vector<16xi32> to vector<16xi32>
      %parallel_loop3A_265 = arith.constant 14 : i32
      %parallel_loop3A_266 = vector.broadcast %parallel_loop3A_265 : i32 to vector<16xi32>
      %parallel_loop3A_267 = arith.shrui %parallel_loop3A_260, %parallel_loop3A_266 : vector<16xi32>
      %parallel_loop3A_268 = arith.constant 255 : i32
      %parallel_loop3A_269 = vector.broadcast %parallel_loop3A_268 : i32 to vector<16xi32>
      %parallel_loop3A_270 = arith.andi %parallel_loop3A_267, %parallel_loop3A_269 : vector<16xi32>
      %parallel_loop3A_271 = vector.bitcast %parallel_loop3A_270 : vector<16xi32> to vector<16xi32>
      %parallel_loop3A_272 = tpu.vector_load_idx %arg7[%parallel_loop3A_264] : memref<1024xi32, #tpu.memory_space<vmem>>[vector<16xi32>], vector<16xi32>,
      %parallel_loop3A_273 = arith.constant 4096 : i32
      %parallel_loop3A_274 = vector.broadcast %parallel_loop3A_273 : i32 to vector<16xi32>
      %parallel_loop3A_275 = arith.addi %mul3A_3, %parallel_loop3A_274 : vector<16xi32>
      %parallel_loop3A_276 = arith.addi %parallel_loop3A_275, %parallel_loop3A_271 : vector<16xi32>
      %parallel_loop3A_277 = arith.addi %parallel_loop3A_272, %parallel_loop3A_276 : vector<16xi32>
      tpu.vector_store_idx %arg5[%parallel_loop3A_277], %broadcast_in_dim3A_4 {add = true} : memref<40960xi32, #tpu.memory_space<vmem>>[vector<16xi32>], vector<16xi32>,
    } {sc.loop_unroll_factor = 4 : i64, sc.parallel_access}
    %mul3A_87 = arith.constant 4 : i32
    %mul3A_88 = arith.muli %add3A, %mul3A_87 : i32
    %add3A_89 = arith.constant 2 : i32
    %add3A_90 = arith.addi %mul3A_88, %add3A_89 : i32
    %dma_start3A_91 = arith.constant 0 : i32
    %dma_start3A_92 = arith.constant 0 : i32
    %dma_start3A_93 = tpu.memref_slice %arg6[%dma_start3A_91, %dma_start3A_92] : memref<2x32768xf32, #tpu.memory_space<vmem>> -> memref<1x32768xf32, #tpu.memory_space<vmem>>
    %dma_start3A_94 = tpu.memref_squeeze %dma_start3A_93 : memref<1x32768xf32, #tpu.memory_space<vmem>> -> memref<32768xf32, #tpu.memory_space<vmem>>
    %dma_start3A_95 = arith.constant 0 : i32
    %dma_start3A_96 = tpu.memref_slice %arg2[%add3A_90, %dma_start3A_95] : memref<128x32768xf32, #tpu.memory_space<hbm>> -> memref<1x32768xf32, #tpu.memory_space<hbm>>
    %dma_start3A_97 = tpu.memref_squeeze %dma_start3A_96 : memref<1x32768xf32, #tpu.memory_space<hbm>> -> memref<32768xf32, #tpu.memory_space<hbm>>
    %dma_start3A_98 = arith.constant 0 : i32
    %dma_start3A_99 = tpu.memref_slice %arg6[%dma_start3A_91, %dma_start3A_98] : memref<2x32768xf32, #tpu.memory_space<vmem>> -> memref<1x32768xf32, #tpu.memory_space<vmem>>
    %dma_start3A_100 = tpu.memref_squeeze %dma_start3A_99 : memref<1x32768xf32, #tpu.memory_space<vmem>> -> memref<32768xf32, #tpu.memory_space<vmem>>
    %dma_start3A_101 = arith.constant 0 : i32
    %dma_start3A_102 = tpu.memref_slice %arg2[%add3A_90, %dma_start3A_101] : memref<128x32768xf32, #tpu.memory_space<hbm>> -> memref<1x32768xf32, #tpu.memory_space<hbm>>
    %dma_start3A_103 = tpu.memref_squeeze %dma_start3A_102 : memref<1x32768xf32, #tpu.memory_space<hbm>> -> memref<32768xf32, #tpu.memory_space<hbm>>
    tpu.enqueue_dma source(%dma_start3A_103 : memref<32768xf32, #tpu.memory_space<hbm>>) target(%dma_start3A_100 : memref<32768xf32, #tpu.memory_space<vmem>>) target_semaphore(%arg9 : memref<!tpu.dma_semaphore, #tpu.memory_space<semaphore_mem>>)
    %dma_wait3A_104 = arith.constant 1 : i32
    %dma_wait3A_105 = arith.constant 0 : i32
    %dma_wait3A_106 = tpu.memref_slice %arg6[%dma_wait3A_104, %dma_wait3A_105] : memref<2x32768xf32, #tpu.memory_space<vmem>> -> memref<1x32768xf32, #tpu.memory_space<vmem>>
    %dma_wait3A_107 = tpu.memref_squeeze %dma_wait3A_106 : memref<1x32768xf32, #tpu.memory_space<vmem>> -> memref<32768xf32, #tpu.memory_space<vmem>>
    %dma_wait3A_108 = arith.constant 0 : i32
    %dma_wait3A_109 = tpu.memref_slice %arg2[%add3A_24, %dma_wait3A_108] : memref<128x32768xf32, #tpu.memory_space<hbm>> -> memref<1x32768xf32, #tpu.memory_space<hbm>>
    %dma_wait3A_110 = tpu.memref_squeeze %dma_wait3A_109 : memref<1x32768xf32, #tpu.memory_space<hbm>> -> memref<32768xf32, #tpu.memory_space<hbm>>
    %dma_wait3A_111 = arith.constant 0 : i32
    %dma_wait3A_112 = tpu.memref_slice %arg6[%dma_wait3A_104, %dma_wait3A_111] : memref<2x32768xf32, #tpu.memory_space<vmem>> -> memref<1x32768xf32, #tpu.memory_space<vmem>>
    %dma_wait3A_113 = tpu.memref_squeeze %dma_wait3A_112 : memref<1x32768xf32, #tpu.memory_space<vmem>> -> memref<32768xf32, #tpu.memory_space<vmem>>
    %dma_wait3A_114 = arith.constant 0 : i32
    %dma_wait3A_115 = tpu.memref_slice %arg2[%add3A_24, %dma_wait3A_114] : memref<128x32768xf32, #tpu.memory_space<hbm>> -> memref<1x32768xf32, #tpu.memory_space<hbm>>
    %dma_wait3A_116 = tpu.memref_squeeze %dma_wait3A_115 : memref<1x32768xf32, #tpu.memory_space<hbm>> -> memref<32768xf32, #tpu.memory_space<hbm>>
    tpu.wait_dma2 semaphore(%arg10 : memref<!tpu.dma_semaphore, #tpu.memory_space<semaphore_mem>>) src(%dma_wait3A_116 : memref<32768xf32, #tpu.memory_space<hbm>>) dst(%dma_wait3A_113 : memref<32768xf32, #tpu.memory_space<vmem>>)
    %parallel_loop3A_117 = arith.constant 0 : i32
    %parallel_loop3A_118 = arith.constant 1024 : i32
    %parallel_loop3A_119 = arith.constant 1 : i32
    scf.for %parallel_loop3A_205 = %parallel_loop3A_117 to %parallel_loop3A_118 step %parallel_loop3A_119  : i32 {
      %parallel_loop3A_206 = arith.constant 2 : i32
      %parallel_loop3A_207 = arith.muli %parallel_loop3A_205, %parallel_loop3A_206 : i32
      %parallel_loop3A_208 = arith.constant 0 : i32
      %parallel_loop3A_209 = arith.addi %parallel_loop3A_207, %parallel_loop3A_208 : i32
      %parallel_loop3A_210 = arith.constant 16 : i32
      %parallel_loop3A_211 = arith.muli %parallel_loop3A_209, %parallel_loop3A_210 : i32
      %parallel_loop3A_212 = arith.constant 1 : i32
      %parallel_loop3A_213 = arith.index_cast %parallel_loop3A_212 : i32 to index
      %parallel_loop3A_214 = arith.index_cast %parallel_loop3A_211 : i32 to index
      %parallel_loop3A_215 = tpu.vector_load %arg6[%parallel_loop3A_213, %parallel_loop3A_214] {strides = array<i32>} : memref<2x32768xf32, #tpu.memory_space<vmem>>, vector<16xf32>,
      %parallel_loop3A_216 = vector.bitcast %parallel_loop3A_215 : vector<16xf32> to vector<16xi32>
      %parallel_loop3A_217 = arith.constant 31 : i32
      %parallel_loop3A_218 = vector.broadcast %parallel_loop3A_217 : i32 to vector<16xi32>
      %parallel_loop3A_219 = arith.shrsi %parallel_loop3A_216, %parallel_loop3A_218 : vector<16xi32>
      %parallel_loop3A_220 = arith.constant -2147483648 : i32
      %parallel_loop3A_221 = vector.broadcast %parallel_loop3A_220 : i32 to vector<16xi32>
      %parallel_loop3A_222 = arith.ori %parallel_loop3A_219, %parallel_loop3A_221 : vector<16xi32>
      %parallel_loop3A_223 = arith.xori %parallel_loop3A_216, %parallel_loop3A_222 : vector<16xi32>
      %parallel_loop3A_224 = vector.bitcast %parallel_loop3A_223 : vector<16xi32> to vector<16xi32>
      %parallel_loop3A_225 = arith.constant 22 : i32
      %parallel_loop3A_226 = vector.broadcast %parallel_loop3A_225 : i32 to vector<16xi32>
      %parallel_loop3A_227 = arith.shrui %parallel_loop3A_224, %parallel_loop3A_226 : vector<16xi32>
      %parallel_loop3A_228 = vector.bitcast %parallel_loop3A_227 : vector<16xi32> to vector<16xi32>
      %parallel_loop3A_229 = arith.constant 14 : i32
      %parallel_loop3A_230 = vector.broadcast %parallel_loop3A_229 : i32 to vector<16xi32>
      %parallel_loop3A_231 = arith.shrui %parallel_loop3A_224, %parallel_loop3A_230 : vector<16xi32>
      %parallel_loop3A_232 = arith.constant 255 : i32
      %parallel_loop3A_233 = vector.broadcast %parallel_loop3A_232 : i32 to vector<16xi32>
      %parallel_loop3A_234 = arith.andi %parallel_loop3A_231, %parallel_loop3A_233 : vector<16xi32>
      %parallel_loop3A_235 = vector.bitcast %parallel_loop3A_234 : vector<16xi32> to vector<16xi32>
      %parallel_loop3A_236 = tpu.vector_load_idx %arg7[%parallel_loop3A_228] : memref<1024xi32, #tpu.memory_space<vmem>>[vector<16xi32>], vector<16xi32>,
      %parallel_loop3A_237 = arith.constant 0 : i32
      %parallel_loop3A_238 = vector.broadcast %parallel_loop3A_237 : i32 to vector<16xi32>
      %parallel_loop3A_239 = arith.addi %mul3A_3, %parallel_loop3A_238 : vector<16xi32>
      %parallel_loop3A_240 = arith.addi %parallel_loop3A_239, %parallel_loop3A_235 : vector<16xi32>
      %parallel_loop3A_241 = arith.addi %parallel_loop3A_236, %parallel_loop3A_240 : vector<16xi32>
      tpu.vector_store_idx %arg5[%parallel_loop3A_241], %broadcast_in_dim3A_4 {add = true} : memref<40960xi32, #tpu.memory_space<vmem>>[vector<16xi32>], vector<16xi32>,
      %parallel_loop3A_242 = arith.constant 2 : i32
      %parallel_loop3A_243 = arith.muli %parallel_loop3A_205, %parallel_loop3A_242 : i32
      %parallel_loop3A_244 = arith.constant 1 : i32
      %parallel_loop3A_245 = arith.addi %parallel_loop3A_243, %parallel_loop3A_244 : i32
      %parallel_loop3A_246 = arith.constant 16 : i32
      %parallel_loop3A_247 = arith.muli %parallel_loop3A_245, %parallel_loop3A_246 : i32
      %parallel_loop3A_248 = arith.constant 1 : i32
      %parallel_loop3A_249 = arith.index_cast %parallel_loop3A_248 : i32 to index
      %parallel_loop3A_250 = arith.index_cast %parallel_loop3A_247 : i32 to index
      %parallel_loop3A_251 = tpu.vector_load %arg6[%parallel_loop3A_249, %parallel_loop3A_250] {strides = array<i32>} : memref<2x32768xf32, #tpu.memory_space<vmem>>, vector<16xf32>,
      %parallel_loop3A_252 = vector.bitcast %parallel_loop3A_251 : vector<16xf32> to vector<16xi32>
      %parallel_loop3A_253 = arith.constant 31 : i32
      %parallel_loop3A_254 = vector.broadcast %parallel_loop3A_253 : i32 to vector<16xi32>
      %parallel_loop3A_255 = arith.shrsi %parallel_loop3A_252, %parallel_loop3A_254 : vector<16xi32>
      %parallel_loop3A_256 = arith.constant -2147483648 : i32
      %parallel_loop3A_257 = vector.broadcast %parallel_loop3A_256 : i32 to vector<16xi32>
      %parallel_loop3A_258 = arith.ori %parallel_loop3A_255, %parallel_loop3A_257 : vector<16xi32>
      %parallel_loop3A_259 = arith.xori %parallel_loop3A_252, %parallel_loop3A_258 : vector<16xi32>
      %parallel_loop3A_260 = vector.bitcast %parallel_loop3A_259 : vector<16xi32> to vector<16xi32>
      %parallel_loop3A_261 = arith.constant 22 : i32
      %parallel_loop3A_262 = vector.broadcast %parallel_loop3A_261 : i32 to vector<16xi32>
      %parallel_loop3A_263 = arith.shrui %parallel_loop3A_260, %parallel_loop3A_262 : vector<16xi32>
      %parallel_loop3A_264 = vector.bitcast %parallel_loop3A_263 : vector<16xi32> to vector<16xi32>
      %parallel_loop3A_265 = arith.constant 14 : i32
      %parallel_loop3A_266 = vector.broadcast %parallel_loop3A_265 : i32 to vector<16xi32>
      %parallel_loop3A_267 = arith.shrui %parallel_loop3A_260, %parallel_loop3A_266 : vector<16xi32>
      %parallel_loop3A_268 = arith.constant 255 : i32
      %parallel_loop3A_269 = vector.broadcast %parallel_loop3A_268 : i32 to vector<16xi32>
      %parallel_loop3A_270 = arith.andi %parallel_loop3A_267, %parallel_loop3A_269 : vector<16xi32>
      %parallel_loop3A_271 = vector.bitcast %parallel_loop3A_270 : vector<16xi32> to vector<16xi32>
      %parallel_loop3A_272 = tpu.vector_load_idx %arg7[%parallel_loop3A_264] : memref<1024xi32, #tpu.memory_space<vmem>>[vector<16xi32>], vector<16xi32>,
      %parallel_loop3A_273 = arith.constant 4096 : i32
      %parallel_loop3A_274 = vector.broadcast %parallel_loop3A_273 : i32 to vector<16xi32>
      %parallel_loop3A_275 = arith.addi %mul3A_3, %parallel_loop3A_274 : vector<16xi32>
      %parallel_loop3A_276 = arith.addi %parallel_loop3A_275, %parallel_loop3A_271 : vector<16xi32>
      %parallel_loop3A_277 = arith.addi %parallel_loop3A_272, %parallel_loop3A_276 : vector<16xi32>
      tpu.vector_store_idx %arg5[%parallel_loop3A_277], %broadcast_in_dim3A_4 {add = true} : memref<40960xi32, #tpu.memory_space<vmem>>[vector<16xi32>], vector<16xi32>,
    } {sc.loop_unroll_factor = 4 : i64, sc.parallel_access}
    %mul3A_120 = arith.constant 4 : i32
    %mul3A_121 = arith.muli %add3A, %mul3A_120 : i32
    %add3A_122 = arith.constant 3 : i32
    %add3A_123 = arith.addi %mul3A_121, %add3A_122 : i32
    %dma_start3A_124 = arith.constant 1 : i32
    %dma_start3A_125 = arith.constant 0 : i32
    %dma_start3A_126 = tpu.memref_slice %arg6[%dma_start3A_124, %dma_start3A_125] : memref<2x32768xf32, #tpu.memory_space<vmem>> -> memref<1x32768xf32, #tpu.memory_space<vmem>>
    %dma_start3A_127 = tpu.memref_squeeze %dma_start3A_126 : memref<1x32768xf32, #tpu.memory_space<vmem>> -> memref<32768xf32, #tpu.memory_space<vmem>>
    %dma_start3A_128 = arith.constant 0 : i32
    %dma_start3A_129 = tpu.memref_slice %arg2[%add3A_123, %dma_start3A_128] : memref<128x32768xf32, #tpu.memory_space<hbm>> -> memref<1x32768xf32, #tpu.memory_space<hbm>>
    %dma_start3A_130 = tpu.memref_squeeze %dma_start3A_129 : memref<1x32768xf32, #tpu.memory_space<hbm>> -> memref<32768xf32, #tpu.memory_space<hbm>>
    %dma_start3A_131 = arith.constant 0 : i32
    %dma_start3A_132 = tpu.memref_slice %arg6[%dma_start3A_124, %dma_start3A_131] : memref<2x32768xf32, #tpu.memory_space<vmem>> -> memref<1x32768xf32, #tpu.memory_space<vmem>>
    %dma_start3A_133 = tpu.memref_squeeze %dma_start3A_132 : memref<1x32768xf32, #tpu.memory_space<vmem>> -> memref<32768xf32, #tpu.memory_space<vmem>>
    %dma_start3A_134 = arith.constant 0 : i32
    %dma_start3A_135 = tpu.memref_slice %arg2[%add3A_123, %dma_start3A_134] : memref<128x32768xf32, #tpu.memory_space<hbm>> -> memref<1x32768xf32, #tpu.memory_space<hbm>>
    %dma_start3A_136 = tpu.memref_squeeze %dma_start3A_135 : memref<1x32768xf32, #tpu.memory_space<hbm>> -> memref<32768xf32, #tpu.memory_space<hbm>>
    tpu.enqueue_dma source(%dma_start3A_136 : memref<32768xf32, #tpu.memory_space<hbm>>) target(%dma_start3A_133 : memref<32768xf32, #tpu.memory_space<vmem>>) target_semaphore(%arg10 : memref<!tpu.dma_semaphore, #tpu.memory_space<semaphore_mem>>)
    %dma_wait3A_137 = arith.constant 0 : i32
    %dma_wait3A_138 = arith.constant 0 : i32
    %dma_wait3A_139 = tpu.memref_slice %arg6[%dma_wait3A_137, %dma_wait3A_138] : memref<2x32768xf32, #tpu.memory_space<vmem>> -> memref<1x32768xf32, #tpu.memory_space<vmem>>
    %dma_wait3A_140 = tpu.memref_squeeze %dma_wait3A_139 : memref<1x32768xf32, #tpu.memory_space<vmem>> -> memref<32768xf32, #tpu.memory_space<vmem>>
    %dma_wait3A_141 = arith.constant 0 : i32
    %dma_wait3A_142 = tpu.memref_slice %arg2[%add3A_90, %dma_wait3A_141] : memref<128x32768xf32, #tpu.memory_space<hbm>> -> memref<1x32768xf32, #tpu.memory_space<hbm>>
    %dma_wait3A_143 = tpu.memref_squeeze %dma_wait3A_142 : memref<1x32768xf32, #tpu.memory_space<hbm>> -> memref<32768xf32, #tpu.memory_space<hbm>>
    %dma_wait3A_144 = arith.constant 0 : i32
    %dma_wait3A_145 = tpu.memref_slice %arg6[%dma_wait3A_137, %dma_wait3A_144] : memref<2x32768xf32, #tpu.memory_space<vmem>> -> memref<1x32768xf32, #tpu.memory_space<vmem>>
    %dma_wait3A_146 = tpu.memref_squeeze %dma_wait3A_145 : memref<1x32768xf32, #tpu.memory_space<vmem>> -> memref<32768xf32, #tpu.memory_space<vmem>>
    %dma_wait3A_147 = arith.constant 0 : i32
    %dma_wait3A_148 = tpu.memref_slice %arg2[%add3A_90, %dma_wait3A_147] : memref<128x32768xf32, #tpu.memory_space<hbm>> -> memref<1x32768xf32, #tpu.memory_space<hbm>>
    %dma_wait3A_149 = tpu.memref_squeeze %dma_wait3A_148 : memref<1x32768xf32, #tpu.memory_space<hbm>> -> memref<32768xf32, #tpu.memory_space<hbm>>
    tpu.wait_dma2 semaphore(%arg9 : memref<!tpu.dma_semaphore, #tpu.memory_space<semaphore_mem>>) src(%dma_wait3A_149 : memref<32768xf32, #tpu.memory_space<hbm>>) dst(%dma_wait3A_146 : memref<32768xf32, #tpu.memory_space<vmem>>)
    %parallel_loop3A_150 = arith.constant 0 : i32
    %parallel_loop3A_151 = arith.constant 1024 : i32
    %parallel_loop3A_152 = arith.constant 1 : i32
    scf.for %parallel_loop3A_205 = %parallel_loop3A_150 to %parallel_loop3A_151 step %parallel_loop3A_152  : i32 {
      %parallel_loop3A_206 = arith.constant 2 : i32
      %parallel_loop3A_207 = arith.muli %parallel_loop3A_205, %parallel_loop3A_206 : i32
      %parallel_loop3A_208 = arith.constant 0 : i32
      %parallel_loop3A_209 = arith.addi %parallel_loop3A_207, %parallel_loop3A_208 : i32
      %parallel_loop3A_210 = arith.constant 16 : i32
      %parallel_loop3A_211 = arith.muli %parallel_loop3A_209, %parallel_loop3A_210 : i32
      %parallel_loop3A_212 = arith.constant 0 : i32
      %parallel_loop3A_213 = arith.index_cast %parallel_loop3A_212 : i32 to index
      %parallel_loop3A_214 = arith.index_cast %parallel_loop3A_211 : i32 to index
      %parallel_loop3A_215 = tpu.vector_load %arg6[%parallel_loop3A_213, %parallel_loop3A_214] {strides = array<i32>} : memref<2x32768xf32, #tpu.memory_space<vmem>>, vector<16xf32>,
      %parallel_loop3A_216 = vector.bitcast %parallel_loop3A_215 : vector<16xf32> to vector<16xi32>
      %parallel_loop3A_217 = arith.constant 31 : i32
      %parallel_loop3A_218 = vector.broadcast %parallel_loop3A_217 : i32 to vector<16xi32>
      %parallel_loop3A_219 = arith.shrsi %parallel_loop3A_216, %parallel_loop3A_218 : vector<16xi32>
      %parallel_loop3A_220 = arith.constant -2147483648 : i32
      %parallel_loop3A_221 = vector.broadcast %parallel_loop3A_220 : i32 to vector<16xi32>
      %parallel_loop3A_222 = arith.ori %parallel_loop3A_219, %parallel_loop3A_221 : vector<16xi32>
      %parallel_loop3A_223 = arith.xori %parallel_loop3A_216, %parallel_loop3A_222 : vector<16xi32>
      %parallel_loop3A_224 = vector.bitcast %parallel_loop3A_223 : vector<16xi32> to vector<16xi32>
      %parallel_loop3A_225 = arith.constant 22 : i32
      %parallel_loop3A_226 = vector.broadcast %parallel_loop3A_225 : i32 to vector<16xi32>
      %parallel_loop3A_227 = arith.shrui %parallel_loop3A_224, %parallel_loop3A_226 : vector<16xi32>
      %parallel_loop3A_228 = vector.bitcast %parallel_loop3A_227 : vector<16xi32> to vector<16xi32>
      %parallel_loop3A_229 = arith.constant 14 : i32
      %parallel_loop3A_230 = vector.broadcast %parallel_loop3A_229 : i32 to vector<16xi32>
      %parallel_loop3A_231 = arith.shrui %parallel_loop3A_224, %parallel_loop3A_230 : vector<16xi32>
      %parallel_loop3A_232 = arith.constant 255 : i32
      %parallel_loop3A_233 = vector.broadcast %parallel_loop3A_232 : i32 to vector<16xi32>
      %parallel_loop3A_234 = arith.andi %parallel_loop3A_231, %parallel_loop3A_233 : vector<16xi32>
      %parallel_loop3A_235 = vector.bitcast %parallel_loop3A_234 : vector<16xi32> to vector<16xi32>
      %parallel_loop3A_236 = tpu.vector_load_idx %arg7[%parallel_loop3A_228] : memref<1024xi32, #tpu.memory_space<vmem>>[vector<16xi32>], vector<16xi32>,
      %parallel_loop3A_237 = arith.constant 0 : i32
      %parallel_loop3A_238 = vector.broadcast %parallel_loop3A_237 : i32 to vector<16xi32>
      %parallel_loop3A_239 = arith.addi %mul3A_3, %parallel_loop3A_238 : vector<16xi32>
      %parallel_loop3A_240 = arith.addi %parallel_loop3A_239, %parallel_loop3A_235 : vector<16xi32>
      %parallel_loop3A_241 = arith.addi %parallel_loop3A_236, %parallel_loop3A_240 : vector<16xi32>
      tpu.vector_store_idx %arg5[%parallel_loop3A_241], %broadcast_in_dim3A_4 {add = true} : memref<40960xi32, #tpu.memory_space<vmem>>[vector<16xi32>], vector<16xi32>,
      %parallel_loop3A_242 = arith.constant 2 : i32
      %parallel_loop3A_243 = arith.muli %parallel_loop3A_205, %parallel_loop3A_242 : i32
      %parallel_loop3A_244 = arith.constant 1 : i32
      %parallel_loop3A_245 = arith.addi %parallel_loop3A_243, %parallel_loop3A_244 : i32
      %parallel_loop3A_246 = arith.constant 16 : i32
      %parallel_loop3A_247 = arith.muli %parallel_loop3A_245, %parallel_loop3A_246 : i32
      %parallel_loop3A_248 = arith.constant 0 : i32
      %parallel_loop3A_249 = arith.index_cast %parallel_loop3A_248 : i32 to index
      %parallel_loop3A_250 = arith.index_cast %parallel_loop3A_247 : i32 to index
      %parallel_loop3A_251 = tpu.vector_load %arg6[%parallel_loop3A_249, %parallel_loop3A_250] {strides = array<i32>} : memref<2x32768xf32, #tpu.memory_space<vmem>>, vector<16xf32>,
      %parallel_loop3A_252 = vector.bitcast %parallel_loop3A_251 : vector<16xf32> to vector<16xi32>
      %parallel_loop3A_253 = arith.constant 31 : i32
      %parallel_loop3A_254 = vector.broadcast %parallel_loop3A_253 : i32 to vector<16xi32>
      %parallel_loop3A_255 = arith.shrsi %parallel_loop3A_252, %parallel_loop3A_254 : vector<16xi32>
      %parallel_loop3A_256 = arith.constant -2147483648 : i32
      %parallel_loop3A_257 = vector.broadcast %parallel_loop3A_256 : i32 to vector<16xi32>
      %parallel_loop3A_258 = arith.ori %parallel_loop3A_255, %parallel_loop3A_257 : vector<16xi32>
      %parallel_loop3A_259 = arith.xori %parallel_loop3A_252, %parallel_loop3A_258 : vector<16xi32>
      %parallel_loop3A_260 = vector.bitcast %parallel_loop3A_259 : vector<16xi32> to vector<16xi32>
      %parallel_loop3A_261 = arith.constant 22 : i32
      %parallel_loop3A_262 = vector.broadcast %parallel_loop3A_261 : i32 to vector<16xi32>
      %parallel_loop3A_263 = arith.shrui %parallel_loop3A_260, %parallel_loop3A_262 : vector<16xi32>
      %parallel_loop3A_264 = vector.bitcast %parallel_loop3A_263 : vector<16xi32> to vector<16xi32>
      %parallel_loop3A_265 = arith.constant 14 : i32
      %parallel_loop3A_266 = vector.broadcast %parallel_loop3A_265 : i32 to vector<16xi32>
      %parallel_loop3A_267 = arith.shrui %parallel_loop3A_260, %parallel_loop3A_266 : vector<16xi32>
      %parallel_loop3A_268 = arith.constant 255 : i32
      %parallel_loop3A_269 = vector.broadcast %parallel_loop3A_268 : i32 to vector<16xi32>
      %parallel_loop3A_270 = arith.andi %parallel_loop3A_267, %parallel_loop3A_269 : vector<16xi32>
      %parallel_loop3A_271 = vector.bitcast %parallel_loop3A_270 : vector<16xi32> to vector<16xi32>
      %parallel_loop3A_272 = tpu.vector_load_idx %arg7[%parallel_loop3A_264] : memref<1024xi32, #tpu.memory_space<vmem>>[vector<16xi32>], vector<16xi32>,
      %parallel_loop3A_273 = arith.constant 4096 : i32
      %parallel_loop3A_274 = vector.broadcast %parallel_loop3A_273 : i32 to vector<16xi32>
      %parallel_loop3A_275 = arith.addi %mul3A_3, %parallel_loop3A_274 : vector<16xi32>
      %parallel_loop3A_276 = arith.addi %parallel_loop3A_275, %parallel_loop3A_271 : vector<16xi32>
      %parallel_loop3A_277 = arith.addi %parallel_loop3A_272, %parallel_loop3A_276 : vector<16xi32>
      tpu.vector_store_idx %arg5[%parallel_loop3A_277], %broadcast_in_dim3A_4 {add = true} : memref<40960xi32, #tpu.memory_space<vmem>>[vector<16xi32>], vector<16xi32>,
    } {sc.loop_unroll_factor = 4 : i64, sc.parallel_access}
    %dma_wait3A_153 = arith.constant 1 : i32
    %dma_wait3A_154 = arith.constant 0 : i32
    %dma_wait3A_155 = tpu.memref_slice %arg6[%dma_wait3A_153, %dma_wait3A_154] : memref<2x32768xf32, #tpu.memory_space<vmem>> -> memref<1x32768xf32, #tpu.memory_space<vmem>>
    %dma_wait3A_156 = tpu.memref_squeeze %dma_wait3A_155 : memref<1x32768xf32, #tpu.memory_space<vmem>> -> memref<32768xf32, #tpu.memory_space<vmem>>
    %dma_wait3A_157 = arith.constant 0 : i32
    %dma_wait3A_158 = tpu.memref_slice %arg2[%add3A_123, %dma_wait3A_157] : memref<128x32768xf32, #tpu.memory_space<hbm>> -> memref<1x32768xf32, #tpu.memory_space<hbm>>
    %dma_wait3A_159 = tpu.memref_squeeze %dma_wait3A_158 : memref<1x32768xf32, #tpu.memory_space<hbm>> -> memref<32768xf32, #tpu.memory_space<hbm>>
    %dma_wait3A_160 = arith.constant 0 : i32
    %dma_wait3A_161 = tpu.memref_slice %arg6[%dma_wait3A_153, %dma_wait3A_160] : memref<2x32768xf32, #tpu.memory_space<vmem>> -> memref<1x32768xf32, #tpu.memory_space<vmem>>
    %dma_wait3A_162 = tpu.memref_squeeze %dma_wait3A_161 : memref<1x32768xf32, #tpu.memory_space<vmem>> -> memref<32768xf32, #tpu.memory_space<vmem>>
    %dma_wait3A_163 = arith.constant 0 : i32
    %dma_wait3A_164 = tpu.memref_slice %arg2[%add3A_123, %dma_wait3A_163] : memref<128x32768xf32, #tpu.memory_space<hbm>> -> memref<1x32768xf32, #tpu.memory_space<hbm>>
    %dma_wait3A_165 = tpu.memref_squeeze %dma_wait3A_164 : memref<1x32768xf32, #tpu.memory_space<hbm>> -> memref<32768xf32, #tpu.memory_space<hbm>>
    tpu.wait_dma2 semaphore(%arg10 : memref<!tpu.dma_semaphore, #tpu.memory_space<semaphore_mem>>) src(%dma_wait3A_165 : memref<32768xf32, #tpu.memory_space<hbm>>) dst(%dma_wait3A_162 : memref<32768xf32, #tpu.memory_space<vmem>>)
    %parallel_loop3A_166 = arith.constant 0 : i32
    %parallel_loop3A_167 = arith.constant 1024 : i32
    %parallel_loop3A_168 = arith.constant 1 : i32
    scf.for %parallel_loop3A_205 = %parallel_loop3A_166 to %parallel_loop3A_167 step %parallel_loop3A_168  : i32 {
      %parallel_loop3A_206 = arith.constant 2 : i32
      %parallel_loop3A_207 = arith.muli %parallel_loop3A_205, %parallel_loop3A_206 : i32
      %parallel_loop3A_208 = arith.constant 0 : i32
      %parallel_loop3A_209 = arith.addi %parallel_loop3A_207, %parallel_loop3A_208 : i32
      %parallel_loop3A_210 = arith.constant 16 : i32
      %parallel_loop3A_211 = arith.muli %parallel_loop3A_209, %parallel_loop3A_210 : i32
      %parallel_loop3A_212 = arith.constant 1 : i32
      %parallel_loop3A_213 = arith.index_cast %parallel_loop3A_212 : i32 to index
      %parallel_loop3A_214 = arith.index_cast %parallel_loop3A_211 : i32 to index
      %parallel_loop3A_215 = tpu.vector_load %arg6[%parallel_loop3A_213, %parallel_loop3A_214] {strides = array<i32>} : memref<2x32768xf32, #tpu.memory_space<vmem>>, vector<16xf32>,
      %parallel_loop3A_216 = vector.bitcast %parallel_loop3A_215 : vector<16xf32> to vector<16xi32>
      %parallel_loop3A_217 = arith.constant 31 : i32
      %parallel_loop3A_218 = vector.broadcast %parallel_loop3A_217 : i32 to vector<16xi32>
      %parallel_loop3A_219 = arith.shrsi %parallel_loop3A_216, %parallel_loop3A_218 : vector<16xi32>
      %parallel_loop3A_220 = arith.constant -2147483648 : i32
      %parallel_loop3A_221 = vector.broadcast %parallel_loop3A_220 : i32 to vector<16xi32>
      %parallel_loop3A_222 = arith.ori %parallel_loop3A_219, %parallel_loop3A_221 : vector<16xi32>
      %parallel_loop3A_223 = arith.xori %parallel_loop3A_216, %parallel_loop3A_222 : vector<16xi32>
      %parallel_loop3A_224 = vector.bitcast %parallel_loop3A_223 : vector<16xi32> to vector<16xi32>
      %parallel_loop3A_225 = arith.constant 22 : i32
      %parallel_loop3A_226 = vector.broadcast %parallel_loop3A_225 : i32 to vector<16xi32>
      %parallel_loop3A_227 = arith.shrui %parallel_loop3A_224, %parallel_loop3A_226 : vector<16xi32>
      %parallel_loop3A_228 = vector.bitcast %parallel_loop3A_227 : vector<16xi32> to vector<16xi32>
      %parallel_loop3A_229 = arith.constant 14 : i32
      %parallel_loop3A_230 = vector.broadcast %parallel_loop3A_229 : i32 to vector<16xi32>
      %parallel_loop3A_231 = arith.shrui %parallel_loop3A_224, %parallel_loop3A_230 : vector<16xi32>
      %parallel_loop3A_232 = arith.constant 255 : i32
      %parallel_loop3A_233 = vector.broadcast %parallel_loop3A_232 : i32 to vector<16xi32>
      %parallel_loop3A_234 = arith.andi %parallel_loop3A_231, %parallel_loop3A_233 : vector<16xi32>
      %parallel_loop3A_235 = vector.bitcast %parallel_loop3A_234 : vector<16xi32> to vector<16xi32>
      %parallel_loop3A_236 = tpu.vector_load_idx %arg7[%parallel_loop3A_228] : memref<1024xi32, #tpu.memory_space<vmem>>[vector<16xi32>], vector<16xi32>,
      %parallel_loop3A_237 = arith.constant 0 : i32
      %parallel_loop3A_238 = vector.broadcast %parallel_loop3A_237 : i32 to vector<16xi32>
      %parallel_loop3A_239 = arith.addi %mul3A_3, %parallel_loop3A_238 : vector<16xi32>
      %parallel_loop3A_240 = arith.addi %parallel_loop3A_239, %parallel_loop3A_235 : vector<16xi32>
      %parallel_loop3A_241 = arith.addi %parallel_loop3A_236, %parallel_loop3A_240 : vector<16xi32>
      tpu.vector_store_idx %arg5[%parallel_loop3A_241], %broadcast_in_dim3A_4 {add = true} : memref<40960xi32, #tpu.memory_space<vmem>>[vector<16xi32>], vector<16xi32>,
      %parallel_loop3A_242 = arith.constant 2 : i32
      %parallel_loop3A_243 = arith.muli %parallel_loop3A_205, %parallel_loop3A_242 : i32
      %parallel_loop3A_244 = arith.constant 1 : i32
      %parallel_loop3A_245 = arith.addi %parallel_loop3A_243, %parallel_loop3A_244 : i32
      %parallel_loop3A_246 = arith.constant 16 : i32
      %parallel_loop3A_247 = arith.muli %parallel_loop3A_245, %parallel_loop3A_246 : i32
      %parallel_loop3A_248 = arith.constant 1 : i32
      %parallel_loop3A_249 = arith.index_cast %parallel_loop3A_248 : i32 to index
      %parallel_loop3A_250 = arith.index_cast %parallel_loop3A_247 : i32 to index
      %parallel_loop3A_251 = tpu.vector_load %arg6[%parallel_loop3A_249, %parallel_loop3A_250] {strides = array<i32>} : memref<2x32768xf32, #tpu.memory_space<vmem>>, vector<16xf32>,
      %parallel_loop3A_252 = vector.bitcast %parallel_loop3A_251 : vector<16xf32> to vector<16xi32>
      %parallel_loop3A_253 = arith.constant 31 : i32
      %parallel_loop3A_254 = vector.broadcast %parallel_loop3A_253 : i32 to vector<16xi32>
      %parallel_loop3A_255 = arith.shrsi %parallel_loop3A_252, %parallel_loop3A_254 : vector<16xi32>
      %parallel_loop3A_256 = arith.constant -2147483648 : i32
      %parallel_loop3A_257 = vector.broadcast %parallel_loop3A_256 : i32 to vector<16xi32>
      %parallel_loop3A_258 = arith.ori %parallel_loop3A_255, %parallel_loop3A_257 : vector<16xi32>
      %parallel_loop3A_259 = arith.xori %parallel_loop3A_252, %parallel_loop3A_258 : vector<16xi32>
      %parallel_loop3A_260 = vector.bitcast %parallel_loop3A_259 : vector<16xi32> to vector<16xi32>
      %parallel_loop3A_261 = arith.constant 22 : i32
      %parallel_loop3A_262 = vector.broadcast %parallel_loop3A_261 : i32 to vector<16xi32>
      %parallel_loop3A_263 = arith.shrui %parallel_loop3A_260, %parallel_loop3A_262 : vector<16xi32>
      %parallel_loop3A_264 = vector.bitcast %parallel_loop3A_263 : vector<16xi32> to vector<16xi32>
      %parallel_loop3A_265 = arith.constant 14 : i32
      %parallel_loop3A_266 = vector.broadcast %parallel_loop3A_265 : i32 to vector<16xi32>
      %parallel_loop3A_267 = arith.shrui %parallel_loop3A_260, %parallel_loop3A_266 : vector<16xi32>
      %parallel_loop3A_268 = arith.constant 255 : i32
      %parallel_loop3A_269 = vector.broadcast %parallel_loop3A_268 : i32 to vector<16xi32>
      %parallel_loop3A_270 = arith.andi %parallel_loop3A_267, %parallel_loop3A_269 : vector<16xi32>
      %parallel_loop3A_271 = vector.bitcast %parallel_loop3A_270 : vector<16xi32> to vector<16xi32>
      %parallel_loop3A_272 = tpu.vector_load_idx %arg7[%parallel_loop3A_264] : memref<1024xi32, #tpu.memory_space<vmem>>[vector<16xi32>], vector<16xi32>,
      %parallel_loop3A_273 = arith.constant 4096 : i32
      %parallel_loop3A_274 = vector.broadcast %parallel_loop3A_273 : i32 to vector<16xi32>
      %parallel_loop3A_275 = arith.addi %mul3A_3, %parallel_loop3A_274 : vector<16xi32>
      %parallel_loop3A_276 = arith.addi %parallel_loop3A_275, %parallel_loop3A_271 : vector<16xi32>
      %parallel_loop3A_277 = arith.addi %parallel_loop3A_272, %parallel_loop3A_276 : vector<16xi32>
      tpu.vector_store_idx %arg5[%parallel_loop3A_277], %broadcast_in_dim3A_4 {add = true} : memref<40960xi32, #tpu.memory_space<vmem>>[vector<16xi32>], vector<16xi32>,
    } {sc.loop_unroll_factor = 4 : i64, sc.parallel_access}
    %parallel_loop3A_169 = arith.constant 0 : i32
    %parallel_loop3A_170 = arith.constant 16 : i32
    %parallel_loop3A_171 = arith.constant 1 : i32
    scf.for %parallel_loop3A_205 = %parallel_loop3A_169 to %parallel_loop3A_170 step %parallel_loop3A_171  : i32 {
      %parallel_loop3A_206 = arith.constant 16 : i32
      %parallel_loop3A_207 = arith.muli %parallel_loop3A_205, %parallel_loop3A_206 : i32
      %parallel_loop3A_208 = arith.constant 0 : i32
      %parallel_loop3A_209 = arith.addi %parallel_loop3A_208, %parallel_loop3A_207 : i32
      %parallel_loop3A_210 = arith.index_cast %parallel_loop3A_209 : i32 to index
      %parallel_loop3A_211 = tpu.vector_load %arg5[%parallel_loop3A_210] {strides = array<i32>} : memref<40960xi32, #tpu.memory_space<vmem>>, vector<16xi32>,
      %parallel_loop3A_212 = arith.constant 256 : i32
      %parallel_loop3A_213 = arith.addi %parallel_loop3A_209, %parallel_loop3A_212 : i32
      %parallel_loop3A_214 = arith.index_cast %parallel_loop3A_213 : i32 to index
      %parallel_loop3A_215 = tpu.vector_load %arg5[%parallel_loop3A_214] {strides = array<i32>} : memref<40960xi32, #tpu.memory_space<vmem>>, vector<16xi32>,
      %parallel_loop3A_216 = arith.addi %parallel_loop3A_211, %parallel_loop3A_215 : vector<16xi32>
      %parallel_loop3A_217 = arith.constant 512 : i32
      %parallel_loop3A_218 = arith.addi %parallel_loop3A_209, %parallel_loop3A_217 : i32
      %parallel_loop3A_219 = arith.index_cast %parallel_loop3A_218 : i32 to index
      %parallel_loop3A_220 = tpu.vector_load %arg5[%parallel_loop3A_219] {strides = array<i32>} : memref<40960xi32, #tpu.memory_space<vmem>>, vector<16xi32>,
      %parallel_loop3A_221 = arith.addi %parallel_loop3A_216, %parallel_loop3A_220 : vector<16xi32>
      %parallel_loop3A_222 = arith.constant 768 : i32
      %parallel_loop3A_223 = arith.addi %parallel_loop3A_209, %parallel_loop3A_222 : i32
      %parallel_loop3A_224 = arith.index_cast %parallel_loop3A_223 : i32 to index
      %parallel_loop3A_225 = tpu.vector_load %arg5[%parallel_loop3A_224] {strides = array<i32>} : memref<40960xi32, #tpu.memory_space<vmem>>, vector<16xi32>,
      %parallel_loop3A_226 = arith.addi %parallel_loop3A_221, %parallel_loop3A_225 : vector<16xi32>
      %parallel_loop3A_227 = arith.constant 1024 : i32
      %parallel_loop3A_228 = arith.addi %parallel_loop3A_209, %parallel_loop3A_227 : i32
      %parallel_loop3A_229 = arith.index_cast %parallel_loop3A_228 : i32 to index
      %parallel_loop3A_230 = tpu.vector_load %arg5[%parallel_loop3A_229] {strides = array<i32>} : memref<40960xi32, #tpu.memory_space<vmem>>, vector<16xi32>,
      %parallel_loop3A_231 = arith.addi %parallel_loop3A_226, %parallel_loop3A_230 : vector<16xi32>
      %parallel_loop3A_232 = arith.constant 1280 : i32
      %parallel_loop3A_233 = arith.addi %parallel_loop3A_209, %parallel_loop3A_232 : i32
      %parallel_loop3A_234 = arith.index_cast %parallel_loop3A_233 : i32 to index
      %parallel_loop3A_235 = tpu.vector_load %arg5[%parallel_loop3A_234] {strides = array<i32>} : memref<40960xi32, #tpu.memory_space<vmem>>, vector<16xi32>,
      %parallel_loop3A_236 = arith.addi %parallel_loop3A_231, %parallel_loop3A_235 : vector<16xi32>
      %parallel_loop3A_237 = arith.constant 1536 : i32
      %parallel_loop3A_238 = arith.addi %parallel_loop3A_209, %parallel_loop3A_237 : i32
      %parallel_loop3A_239 = arith.index_cast %parallel_loop3A_238 : i32 to index
      %parallel_loop3A_240 = tpu.vector_load %arg5[%parallel_loop3A_239] {strides = array<i32>} : memref<40960xi32, #tpu.memory_space<vmem>>, vector<16xi32>,
      %parallel_loop3A_241 = arith.addi %parallel_loop3A_236, %parallel_loop3A_240 : vector<16xi32>
      %parallel_loop3A_242 = arith.constant 1792 : i32
      %parallel_loop3A_243 = arith.addi %parallel_loop3A_209, %parallel_loop3A_242 : i32
      %parallel_loop3A_244 = arith.index_cast %parallel_loop3A_243 : i32 to index
      %parallel_loop3A_245 = tpu.vector_load %arg5[%parallel_loop3A_244] {strides = array<i32>} : memref<40960xi32, #tpu.memory_space<vmem>>, vector<16xi32>,
      %parallel_loop3A_246 = arith.addi %parallel_loop3A_241, %parallel_loop3A_245 : vector<16xi32>
      %parallel_loop3A_247 = arith.constant 2048 : i32
      %parallel_loop3A_248 = arith.addi %parallel_loop3A_209, %parallel_loop3A_247 : i32
      %parallel_loop3A_249 = arith.index_cast %parallel_loop3A_248 : i32 to index
      %parallel_loop3A_250 = tpu.vector_load %arg5[%parallel_loop3A_249] {strides = array<i32>} : memref<40960xi32, #tpu.memory_space<vmem>>, vector<16xi32>,
      %parallel_loop3A_251 = arith.addi %parallel_loop3A_246, %parallel_loop3A_250 : vector<16xi32>
      %parallel_loop3A_252 = arith.constant 2304 : i32
      %parallel_loop3A_253 = arith.addi %parallel_loop3A_209, %parallel_loop3A_252 : i32
      %parallel_loop3A_254 = arith.index_cast %parallel_loop3A_253 : i32 to index
      %parallel_loop3A_255 = tpu.vector_load %arg5[%parallel_loop3A_254] {strides = array<i32>} : memref<40960xi32, #tpu.memory_space<vmem>>, vector<16xi32>,
      %parallel_loop3A_256 = arith.addi %parallel_loop3A_251, %parallel_loop3A_255 : vector<16xi32>
      %parallel_loop3A_257 = arith.constant 2560 : i32
      %parallel_loop3A_258 = arith.addi %parallel_loop3A_209, %parallel_loop3A_257 : i32
      %parallel_loop3A_259 = arith.index_cast %parallel_loop3A_258 : i32 to index
      %parallel_loop3A_260 = tpu.vector_load %arg5[%parallel_loop3A_259] {strides = array<i32>} : memref<40960xi32, #tpu.memory_space<vmem>>, vector<16xi32>,
      %parallel_loop3A_261 = arith.addi %parallel_loop3A_256, %parallel_loop3A_260 : vector<16xi32>
      %parallel_loop3A_262 = arith.constant 2816 : i32
      %parallel_loop3A_263 = arith.addi %parallel_loop3A_209, %parallel_loop3A_262 : i32
      %parallel_loop3A_264 = arith.index_cast %parallel_loop3A_263 : i32 to index
      %parallel_loop3A_265 = tpu.vector_load %arg5[%parallel_loop3A_264] {strides = array<i32>} : memref<40960xi32, #tpu.memory_space<vmem>>, vector<16xi32>,
      %parallel_loop3A_266 = arith.addi %parallel_loop3A_261, %parallel_loop3A_265 : vector<16xi32>
      %parallel_loop3A_267 = arith.constant 3072 : i32
      %parallel_loop3A_268 = arith.addi %parallel_loop3A_209, %parallel_loop3A_267 : i32
      %parallel_loop3A_269 = arith.index_cast %parallel_loop3A_268 : i32 to index
      %parallel_loop3A_270 = tpu.vector_load %arg5[%parallel_loop3A_269] {strides = array<i32>} : memref<40960xi32, #tpu.memory_space<vmem>>, vector<16xi32>,
      %parallel_loop3A_271 = arith.addi %parallel_loop3A_266, %parallel_loop3A_270 : vector<16xi32>
      %parallel_loop3A_272 = arith.constant 3328 : i32
      %parallel_loop3A_273 = arith.addi %parallel_loop3A_209, %parallel_loop3A_272 : i32
      %parallel_loop3A_274 = arith.index_cast %parallel_loop3A_273 : i32 to index
      %parallel_loop3A_275 = tpu.vector_load %arg5[%parallel_loop3A_274] {strides = array<i32>} : memref<40960xi32, #tpu.memory_space<vmem>>, vector<16xi32>,
      %parallel_loop3A_276 = arith.addi %parallel_loop3A_271, %parallel_loop3A_275 : vector<16xi32>
      %parallel_loop3A_277 = arith.constant 3584 : i32
      %parallel_loop3A_278 = arith.addi %parallel_loop3A_209, %parallel_loop3A_277 : i32
      %parallel_loop3A_279 = arith.index_cast %parallel_loop3A_278 : i32 to index
      %parallel_loop3A_280 = tpu.vector_load %arg5[%parallel_loop3A_279] {strides = array<i32>} : memref<40960xi32, #tpu.memory_space<vmem>>, vector<16xi32>,
      %parallel_loop3A_281 = arith.addi %parallel_loop3A_276, %parallel_loop3A_280 : vector<16xi32>
      %parallel_loop3A_282 = arith.constant 3840 : i32
      %parallel_loop3A_283 = arith.addi %parallel_loop3A_209, %parallel_loop3A_282 : i32
      %parallel_loop3A_284 = arith.index_cast %parallel_loop3A_283 : i32 to index
      %parallel_loop3A_285 = tpu.vector_load %arg5[%parallel_loop3A_284] {strides = array<i32>} : memref<40960xi32, #tpu.memory_space<vmem>>, vector<16xi32>,
      %parallel_loop3A_286 = arith.addi %parallel_loop3A_281, %parallel_loop3A_285 : vector<16xi32>
      %parallel_loop3A_287 = arith.constant 4096 : i32
      %parallel_loop3A_288 = arith.addi %parallel_loop3A_209, %parallel_loop3A_287 : i32
      %parallel_loop3A_289 = arith.index_cast %parallel_loop3A_288 : i32 to index
      %parallel_loop3A_290 = tpu.vector_load %arg5[%parallel_loop3A_289] {strides = array<i32>} : memref<40960xi32, #tpu.memory_space<vmem>>, vector<16xi32>,
      %parallel_loop3A_291 = arith.addi %parallel_loop3A_286, %parallel_loop3A_290 : vector<16xi32>
      %parallel_loop3A_292 = arith.constant 4352 : i32
      %parallel_loop3A_293 = arith.addi %parallel_loop3A_209, %parallel_loop3A_292 : i32
      %parallel_loop3A_294 = arith.index_cast %parallel_loop3A_293 : i32 to index
      %parallel_loop3A_295 = tpu.vector_load %arg5[%parallel_loop3A_294] {strides = array<i32>} : memref<40960xi32, #tpu.memory_space<vmem>>, vector<16xi32>,
      %parallel_loop3A_296 = arith.addi %parallel_loop3A_291, %parallel_loop3A_295 : vector<16xi32>
      %parallel_loop3A_297 = arith.constant 4608 : i32
      %parallel_loop3A_298 = arith.addi %parallel_loop3A_209, %parallel_loop3A_297 : i32
      %parallel_loop3A_299 = arith.index_cast %parallel_loop3A_298 : i32 to index
      %parallel_loop3A_300 = tpu.vector_load %arg5[%parallel_loop3A_299] {strides = array<i32>} : memref<40960xi32, #tpu.memory_space<vmem>>, vector<16xi32>,
      %parallel_loop3A_301 = arith.addi %parallel_loop3A_296, %parallel_loop3A_300 : vector<16xi32>
      %parallel_loop3A_302 = arith.constant 4864 : i32
      %parallel_loop3A_303 = arith.addi %parallel_loop3A_209, %parallel_loop3A_302 : i32
      %parallel_loop3A_304 = arith.index_cast %parallel_loop3A_303 : i32 to index
      %parallel_loop3A_305 = tpu.vector_load %arg5[%parallel_loop3A_304] {strides = array<i32>} : memref<40960xi32, #tpu.memory_space<vmem>>, vector<16xi32>,
      %parallel_loop3A_306 = arith.addi %parallel_loop3A_301, %parallel_loop3A_305 : vector<16xi32>
      %parallel_loop3A_307 = arith.constant 5120 : i32
      %parallel_loop3A_308 = arith.addi %parallel_loop3A_209, %parallel_loop3A_307 : i32
      %parallel_loop3A_309 = arith.index_cast %parallel_loop3A_308 : i32 to index
      %parallel_loop3A_310 = tpu.vector_load %arg5[%parallel_loop3A_309] {strides = array<i32>} : memref<40960xi32, #tpu.memory_space<vmem>>, vector<16xi32>,
      %parallel_loop3A_311 = arith.addi %parallel_loop3A_306, %parallel_loop3A_310 : vector<16xi32>
      %parallel_loop3A_312 = arith.constant 5376 : i32
      %parallel_loop3A_313 = arith.addi %parallel_loop3A_209, %parallel_loop3A_312 : i32
      %parallel_loop3A_314 = arith.index_cast %parallel_loop3A_313 : i32 to index
      %parallel_loop3A_315 = tpu.vector_load %arg5[%parallel_loop3A_314] {strides = array<i32>} : memref<40960xi32, #tpu.memory_space<vmem>>, vector<16xi32>,
      %parallel_loop3A_316 = arith.addi %parallel_loop3A_311, %parallel_loop3A_315 : vector<16xi32>
      %parallel_loop3A_317 = arith.constant 5632 : i32
      %parallel_loop3A_318 = arith.addi %parallel_loop3A_209, %parallel_loop3A_317 : i32
      %parallel_loop3A_319 = arith.index_cast %parallel_loop3A_318 : i32 to index
      %parallel_loop3A_320 = tpu.vector_load %arg5[%parallel_loop3A_319] {strides = array<i32>} : memref<40960xi32, #tpu.memory_space<vmem>>, vector<16xi32>,
      %parallel_loop3A_321 = arith.addi %parallel_loop3A_316, %parallel_loop3A_320 : vector<16xi32>
      %parallel_loop3A_322 = arith.constant 5888 : i32
      %parallel_loop3A_323 = arith.addi %parallel_loop3A_209, %parallel_loop3A_322 : i32
      %parallel_loop3A_324 = arith.index_cast %parallel_loop3A_323 : i32 to index
      %parallel_loop3A_325 = tpu.vector_load %arg5[%parallel_loop3A_324] {strides = array<i32>} : memref<40960xi32, #tpu.memory_space<vmem>>, vector<16xi32>,
      %parallel_loop3A_326 = arith.addi %parallel_loop3A_321, %parallel_loop3A_325 : vector<16xi32>
      %parallel_loop3A_327 = arith.constant 6144 : i32
      %parallel_loop3A_328 = arith.addi %parallel_loop3A_209, %parallel_loop3A_327 : i32
      %parallel_loop3A_329 = arith.index_cast %parallel_loop3A_328 : i32 to index
      %parallel_loop3A_330 = tpu.vector_load %arg5[%parallel_loop3A_329] {strides = array<i32>} : memref<40960xi32, #tpu.memory_space<vmem>>, vector<16xi32>,
      %parallel_loop3A_331 = arith.addi %parallel_loop3A_326, %parallel_loop3A_330 : vector<16xi32>
      %parallel_loop3A_332 = arith.constant 6400 : i32
      %parallel_loop3A_333 = arith.addi %parallel_loop3A_209, %parallel_loop3A_332 : i32
      %parallel_loop3A_334 = arith.index_cast %parallel_loop3A_333 : i32 to index
      %parallel_loop3A_335 = tpu.vector_load %arg5[%parallel_loop3A_334] {strides = array<i32>} : memref<40960xi32, #tpu.memory_space<vmem>>, vector<16xi32>,
      %parallel_loop3A_336 = arith.addi %parallel_loop3A_331, %parallel_loop3A_335 : vector<16xi32>
      %parallel_loop3A_337 = arith.constant 6656 : i32
      %parallel_loop3A_338 = arith.addi %parallel_loop3A_209, %parallel_loop3A_337 : i32
      %parallel_loop3A_339 = arith.index_cast %parallel_loop3A_338 : i32 to index
      %parallel_loop3A_340 = tpu.vector_load %arg5[%parallel_loop3A_339] {strides = array<i32>} : memref<40960xi32, #tpu.memory_space<vmem>>, vector<16xi32>,
      %parallel_loop3A_341 = arith.addi %parallel_loop3A_336, %parallel_loop3A_340 : vector<16xi32>
      %parallel_loop3A_342 = arith.constant 6912 : i32
      %parallel_loop3A_343 = arith.addi %parallel_loop3A_209, %parallel_loop3A_342 : i32
      %parallel_loop3A_344 = arith.index_cast %parallel_loop3A_343 : i32 to index
      %parallel_loop3A_345 = tpu.vector_load %arg5[%parallel_loop3A_344] {strides = array<i32>} : memref<40960xi32, #tpu.memory_space<vmem>>, vector<16xi32>,
      %parallel_loop3A_346 = arith.addi %parallel_loop3A_341, %parallel_loop3A_345 : vector<16xi32>
      %parallel_loop3A_347 = arith.constant 7168 : i32
      %parallel_loop3A_348 = arith.addi %parallel_loop3A_209, %parallel_loop3A_347 : i32
      %parallel_loop3A_349 = arith.index_cast %parallel_loop3A_348 : i32 to index
      %parallel_loop3A_350 = tpu.vector_load %arg5[%parallel_loop3A_349] {strides = array<i32>} : memref<40960xi32, #tpu.memory_space<vmem>>, vector<16xi32>,
      %parallel_loop3A_351 = arith.addi %parallel_loop3A_346, %parallel_loop3A_350 : vector<16xi32>
      %parallel_loop3A_352 = arith.constant 7424 : i32
      %parallel_loop3A_353 = arith.addi %parallel_loop3A_209, %parallel_loop3A_352 : i32
      %parallel_loop3A_354 = arith.index_cast %parallel_loop3A_353 : i32 to index
      %parallel_loop3A_355 = tpu.vector_load %arg5[%parallel_loop3A_354] {strides = array<i32>} : memref<40960xi32, #tpu.memory_space<vmem>>, vector<16xi32>,
      %parallel_loop3A_356 = arith.addi %parallel_loop3A_351, %parallel_loop3A_355 : vector<16xi32>
      %parallel_loop3A_357 = arith.constant 7680 : i32
      %parallel_loop3A_358 = arith.addi %parallel_loop3A_209, %parallel_loop3A_357 : i32
      %parallel_loop3A_359 = arith.index_cast %parallel_loop3A_358 : i32 to index
      %parallel_loop3A_360 = tpu.vector_load %arg5[%parallel_loop3A_359] {strides = array<i32>} : memref<40960xi32, #tpu.memory_space<vmem>>, vector<16xi32>,
      %parallel_loop3A_361 = arith.addi %parallel_loop3A_356, %parallel_loop3A_360 : vector<16xi32>
      %parallel_loop3A_362 = arith.constant 7936 : i32
      %parallel_loop3A_363 = arith.addi %parallel_loop3A_209, %parallel_loop3A_362 : i32
      %parallel_loop3A_364 = arith.index_cast %parallel_loop3A_363 : i32 to index
      %parallel_loop3A_365 = tpu.vector_load %arg5[%parallel_loop3A_364] {strides = array<i32>} : memref<40960xi32, #tpu.memory_space<vmem>>, vector<16xi32>,
      %parallel_loop3A_366 = arith.addi %parallel_loop3A_361, %parallel_loop3A_365 : vector<16xi32>
      %parallel_loop3A_367 = arith.index_cast %parallel_loop3A_209 : i32 to index
      %parallel_loop3A_368 = tpu.vector_load %arg5[%parallel_loop3A_367] {strides = array<i32>} : memref<40960xi32, #tpu.memory_space<vmem>>, vector<16xi32>,
      tpu.vector_store %arg5[%parallel_loop3A_367], %parallel_loop3A_366 {strides = array<i32>} : memref<40960xi32, #tpu.memory_space<vmem>>, vector<16xi32>,
    } {sc.loop_unroll_factor = 1 : i64, sc.parallel_access}
    %mul3A_172 = arith.constant 4 : i32
    %mul3A_173 = arith.muli %add3A, %mul3A_172 : i32
    %add3A_174 = arith.constant 0 : i32
    %add3A_175 = arith.addi %mul3A_173, %add3A_174 : i32
    %mul3A_176 = arith.constant 256 : i32
    %mul3A_177 = arith.muli %add3A_175, %mul3A_176 : i32
    "tpu.region"() ({
      %run_scoped3A = tpu.sem_alloc : memref<!tpu.dma_semaphore, #tpu.memory_space<semaphore_mem>>
      %dma_start3A_205 = arith.constant 0 : i32
      %dma_start3A_206 = tpu.memref_slice %arg5[%dma_start3A_205] : memref<40960xi32, #tpu.memory_space<vmem>> -> memref<256xi32, #tpu.memory_space<vmem>>
      %dma_start3A_207 = tpu.memref_slice %arg4[%mul3A_177] : memref<32768xi32, #tpu.memory_space<hbm>> -> memref<256xi32, #tpu.memory_space<hbm>>
      %dma_start3A_208 = tpu.memref_slice %arg4[%mul3A_177] : memref<32768xi32, #tpu.memory_space<hbm>> -> memref<256xi32, #tpu.memory_space<hbm>>
      %dma_start3A_209 = arith.constant 0 : i32
      %dma_start3A_210 = tpu.memref_slice %arg5[%dma_start3A_209] : memref<40960xi32, #tpu.memory_space<vmem>> -> memref<256xi32, #tpu.memory_space<vmem>>
      tpu.enqueue_dma source(%dma_start3A_210 : memref<256xi32, #tpu.memory_space<vmem>>) target(%dma_start3A_208 : memref<256xi32, #tpu.memory_space<hbm>>) target_semaphore(%run_scoped3A : memref<!tpu.dma_semaphore, #tpu.memory_space<semaphore_mem>>)
      %dma_wait3A_211 = arith.constant 0 : i32
      %dma_wait3A_212 = tpu.memref_slice %arg5[%dma_wait3A_211] : memref<40960xi32, #tpu.memory_space<vmem>> -> memref<256xi32, #tpu.memory_space<vmem>>
      %dma_wait3A_213 = tpu.memref_slice %arg4[%mul3A_177] : memref<32768xi32, #tpu.memory_space<hbm>> -> memref<256xi32, #tpu.memory_space<hbm>>
      %dma_wait3A_214 = tpu.memref_slice %arg4[%mul3A_177] : memref<32768xi32, #tpu.memory_space<hbm>> -> memref<256xi32, #tpu.memory_space<hbm>>
      %dma_wait3A_215 = arith.constant 0 : i32
      %dma_wait3A_216 = tpu.memref_slice %arg5[%dma_wait3A_215] : memref<40960xi32, #tpu.memory_space<vmem>> -> memref<256xi32, #tpu.memory_space<vmem>>
      tpu.wait_dma2 semaphore(%run_scoped3A : memref<!tpu.dma_semaphore, #tpu.memory_space<semaphore_mem>>) src(%dma_wait3A_216 : memref<256xi32, #tpu.memory_space<vmem>>) dst(%dma_wait3A_214 : memref<256xi32, #tpu.memory_space<hbm>>)
      tpu.yield
    }) : () -> ()
    %parallel_loop3A_178 = arith.constant 0 : i32
    %parallel_loop3A_179 = arith.constant 16 : i32
    %parallel_loop3A_180 = arith.constant 1 : i32
    scf.for %parallel_loop3A_205 = %parallel_loop3A_178 to %parallel_loop3A_179 step %parallel_loop3A_180  : i32 {
      %parallel_loop3A_206 = arith.constant 16 : i32
      %parallel_loop3A_207 = arith.muli %parallel_loop3A_205, %parallel_loop3A_206 : i32
      %parallel_loop3A_208 = arith.constant 8192 : i32
      %parallel_loop3A_209 = arith.addi %parallel_loop3A_208, %parallel_loop3A_207 : i32
      %parallel_loop3A_210 = arith.index_cast %parallel_loop3A_209 : i32 to index
      %parallel_loop3A_211 = tpu.vector_load %arg5[%parallel_loop3A_210] {strides = array<i32>} : memref<40960xi32, #tpu.memory_space<vmem>>, vector<16xi32>,
      %parallel_loop3A_212 = arith.constant 256 : i32
      %parallel_loop3A_213 = arith.addi %parallel_loop3A_209, %parallel_loop3A_212 : i32
      %parallel_loop3A_214 = arith.index_cast %parallel_loop3A_213 : i32 to index
      %parallel_loop3A_215 = tpu.vector_load %arg5[%parallel_loop3A_214] {strides = array<i32>} : memref<40960xi32, #tpu.memory_space<vmem>>, vector<16xi32>,
      %parallel_loop3A_216 = arith.addi %parallel_loop3A_211, %parallel_loop3A_215 : vector<16xi32>
      %parallel_loop3A_217 = arith.constant 512 : i32
      %parallel_loop3A_218 = arith.addi %parallel_loop3A_209, %parallel_loop3A_217 : i32
      %parallel_loop3A_219 = arith.index_cast %parallel_loop3A_218 : i32 to index
      %parallel_loop3A_220 = tpu.vector_load %arg5[%parallel_loop3A_219] {strides = array<i32>} : memref<40960xi32, #tpu.memory_space<vmem>>, vector<16xi32>,
      %parallel_loop3A_221 = arith.addi %parallel_loop3A_216, %parallel_loop3A_220 : vector<16xi32>
      %parallel_loop3A_222 = arith.constant 768 : i32
      %parallel_loop3A_223 = arith.addi %parallel_loop3A_209, %parallel_loop3A_222 : i32
      %parallel_loop3A_224 = arith.index_cast %parallel_loop3A_223 : i32 to index
      %parallel_loop3A_225 = tpu.vector_load %arg5[%parallel_loop3A_224] {strides = array<i32>} : memref<40960xi32, #tpu.memory_space<vmem>>, vector<16xi32>,
      %parallel_loop3A_226 = arith.addi %parallel_loop3A_221, %parallel_loop3A_225 : vector<16xi32>
      %parallel_loop3A_227 = arith.constant 1024 : i32
      %parallel_loop3A_228 = arith.addi %parallel_loop3A_209, %parallel_loop3A_227 : i32
      %parallel_loop3A_229 = arith.index_cast %parallel_loop3A_228 : i32 to index
      %parallel_loop3A_230 = tpu.vector_load %arg5[%parallel_loop3A_229] {strides = array<i32>} : memref<40960xi32, #tpu.memory_space<vmem>>, vector<16xi32>,
      %parallel_loop3A_231 = arith.addi %parallel_loop3A_226, %parallel_loop3A_230 : vector<16xi32>
      %parallel_loop3A_232 = arith.constant 1280 : i32
      %parallel_loop3A_233 = arith.addi %parallel_loop3A_209, %parallel_loop3A_232 : i32
      %parallel_loop3A_234 = arith.index_cast %parallel_loop3A_233 : i32 to index
      %parallel_loop3A_235 = tpu.vector_load %arg5[%parallel_loop3A_234] {strides = array<i32>} : memref<40960xi32, #tpu.memory_space<vmem>>, vector<16xi32>,
      %parallel_loop3A_236 = arith.addi %parallel_loop3A_231, %parallel_loop3A_235 : vector<16xi32>
      %parallel_loop3A_237 = arith.constant 1536 : i32
      %parallel_loop3A_238 = arith.addi %parallel_loop3A_209, %parallel_loop3A_237 : i32
      %parallel_loop3A_239 = arith.index_cast %parallel_loop3A_238 : i32 to index
      %parallel_loop3A_240 = tpu.vector_load %arg5[%parallel_loop3A_239] {strides = array<i32>} : memref<40960xi32, #tpu.memory_space<vmem>>, vector<16xi32>,
      %parallel_loop3A_241 = arith.addi %parallel_loop3A_236, %parallel_loop3A_240 : vector<16xi32>
      %parallel_loop3A_242 = arith.constant 1792 : i32
      %parallel_loop3A_243 = arith.addi %parallel_loop3A_209, %parallel_loop3A_242 : i32
      %parallel_loop3A_244 = arith.index_cast %parallel_loop3A_243 : i32 to index
      %parallel_loop3A_245 = tpu.vector_load %arg5[%parallel_loop3A_244] {strides = array<i32>} : memref<40960xi32, #tpu.memory_space<vmem>>, vector<16xi32>,
      %parallel_loop3A_246 = arith.addi %parallel_loop3A_241, %parallel_loop3A_245 : vector<16xi32>
      %parallel_loop3A_247 = arith.constant 2048 : i32
      %parallel_loop3A_248 = arith.addi %parallel_loop3A_209, %parallel_loop3A_247 : i32
      %parallel_loop3A_249 = arith.index_cast %parallel_loop3A_248 : i32 to index
      %parallel_loop3A_250 = tpu.vector_load %arg5[%parallel_loop3A_249] {strides = array<i32>} : memref<40960xi32, #tpu.memory_space<vmem>>, vector<16xi32>,
      %parallel_loop3A_251 = arith.addi %parallel_loop3A_246, %parallel_loop3A_250 : vector<16xi32>
      %parallel_loop3A_252 = arith.constant 2304 : i32
      %parallel_loop3A_253 = arith.addi %parallel_loop3A_209, %parallel_loop3A_252 : i32
      %parallel_loop3A_254 = arith.index_cast %parallel_loop3A_253 : i32 to index
      %parallel_loop3A_255 = tpu.vector_load %arg5[%parallel_loop3A_254] {strides = array<i32>} : memref<40960xi32, #tpu.memory_space<vmem>>, vector<16xi32>,
      %parallel_loop3A_256 = arith.addi %parallel_loop3A_251, %parallel_loop3A_255 : vector<16xi32>
      %parallel_loop3A_257 = arith.constant 2560 : i32
      %parallel_loop3A_258 = arith.addi %parallel_loop3A_209, %parallel_loop3A_257 : i32
      %parallel_loop3A_259 = arith.index_cast %parallel_loop3A_258 : i32 to index
      %parallel_loop3A_260 = tpu.vector_load %arg5[%parallel_loop3A_259] {strides = array<i32>} : memref<40960xi32, #tpu.memory_space<vmem>>, vector<16xi32>,
      %parallel_loop3A_261 = arith.addi %parallel_loop3A_256, %parallel_loop3A_260 : vector<16xi32>
      %parallel_loop3A_262 = arith.constant 2816 : i32
      %parallel_loop3A_263 = arith.addi %parallel_loop3A_209, %parallel_loop3A_262 : i32
      %parallel_loop3A_264 = arith.index_cast %parallel_loop3A_263 : i32 to index
      %parallel_loop3A_265 = tpu.vector_load %arg5[%parallel_loop3A_264] {strides = array<i32>} : memref<40960xi32, #tpu.memory_space<vmem>>, vector<16xi32>,
      %parallel_loop3A_266 = arith.addi %parallel_loop3A_261, %parallel_loop3A_265 : vector<16xi32>
      %parallel_loop3A_267 = arith.constant 3072 : i32
      %parallel_loop3A_268 = arith.addi %parallel_loop3A_209, %parallel_loop3A_267 : i32
      %parallel_loop3A_269 = arith.index_cast %parallel_loop3A_268 : i32 to index
      %parallel_loop3A_270 = tpu.vector_load %arg5[%parallel_loop3A_269] {strides = array<i32>} : memref<40960xi32, #tpu.memory_space<vmem>>, vector<16xi32>,
      %parallel_loop3A_271 = arith.addi %parallel_loop3A_266, %parallel_loop3A_270 : vector<16xi32>
      %parallel_loop3A_272 = arith.constant 3328 : i32
      %parallel_loop3A_273 = arith.addi %parallel_loop3A_209, %parallel_loop3A_272 : i32
      %parallel_loop3A_274 = arith.index_cast %parallel_loop3A_273 : i32 to index
      %parallel_loop3A_275 = tpu.vector_load %arg5[%parallel_loop3A_274] {strides = array<i32>} : memref<40960xi32, #tpu.memory_space<vmem>>, vector<16xi32>,
      %parallel_loop3A_276 = arith.addi %parallel_loop3A_271, %parallel_loop3A_275 : vector<16xi32>
      %parallel_loop3A_277 = arith.constant 3584 : i32
      %parallel_loop3A_278 = arith.addi %parallel_loop3A_209, %parallel_loop3A_277 : i32
      %parallel_loop3A_279 = arith.index_cast %parallel_loop3A_278 : i32 to index
      %parallel_loop3A_280 = tpu.vector_load %arg5[%parallel_loop3A_279] {strides = array<i32>} : memref<40960xi32, #tpu.memory_space<vmem>>, vector<16xi32>,
      %parallel_loop3A_281 = arith.addi %parallel_loop3A_276, %parallel_loop3A_280 : vector<16xi32>
      %parallel_loop3A_282 = arith.constant 3840 : i32
      %parallel_loop3A_283 = arith.addi %parallel_loop3A_209, %parallel_loop3A_282 : i32
      %parallel_loop3A_284 = arith.index_cast %parallel_loop3A_283 : i32 to index
      %parallel_loop3A_285 = tpu.vector_load %arg5[%parallel_loop3A_284] {strides = array<i32>} : memref<40960xi32, #tpu.memory_space<vmem>>, vector<16xi32>,
      %parallel_loop3A_286 = arith.addi %parallel_loop3A_281, %parallel_loop3A_285 : vector<16xi32>
      %parallel_loop3A_287 = arith.constant 4096 : i32
      %parallel_loop3A_288 = arith.addi %parallel_loop3A_209, %parallel_loop3A_287 : i32
      %parallel_loop3A_289 = arith.index_cast %parallel_loop3A_288 : i32 to index
      %parallel_loop3A_290 = tpu.vector_load %arg5[%parallel_loop3A_289] {strides = array<i32>} : memref<40960xi32, #tpu.memory_space<vmem>>, vector<16xi32>,
      %parallel_loop3A_291 = arith.addi %parallel_loop3A_286, %parallel_loop3A_290 : vector<16xi32>
      %parallel_loop3A_292 = arith.constant 4352 : i32
      %parallel_loop3A_293 = arith.addi %parallel_loop3A_209, %parallel_loop3A_292 : i32
      %parallel_loop3A_294 = arith.index_cast %parallel_loop3A_293 : i32 to index
      %parallel_loop3A_295 = tpu.vector_load %arg5[%parallel_loop3A_294] {strides = array<i32>} : memref<40960xi32, #tpu.memory_space<vmem>>, vector<16xi32>,
      %parallel_loop3A_296 = arith.addi %parallel_loop3A_291, %parallel_loop3A_295 : vector<16xi32>
      %parallel_loop3A_297 = arith.constant 4608 : i32
      %parallel_loop3A_298 = arith.addi %parallel_loop3A_209, %parallel_loop3A_297 : i32
      %parallel_loop3A_299 = arith.index_cast %parallel_loop3A_298 : i32 to index
      %parallel_loop3A_300 = tpu.vector_load %arg5[%parallel_loop3A_299] {strides = array<i32>} : memref<40960xi32, #tpu.memory_space<vmem>>, vector<16xi32>,
      %parallel_loop3A_301 = arith.addi %parallel_loop3A_296, %parallel_loop3A_300 : vector<16xi32>
      %parallel_loop3A_302 = arith.constant 4864 : i32
      %parallel_loop3A_303 = arith.addi %parallel_loop3A_209, %parallel_loop3A_302 : i32
      %parallel_loop3A_304 = arith.index_cast %parallel_loop3A_303 : i32 to index
      %parallel_loop3A_305 = tpu.vector_load %arg5[%parallel_loop3A_304] {strides = array<i32>} : memref<40960xi32, #tpu.memory_space<vmem>>, vector<16xi32>,
      %parallel_loop3A_306 = arith.addi %parallel_loop3A_301, %parallel_loop3A_305 : vector<16xi32>
      %parallel_loop3A_307 = arith.constant 5120 : i32
      %parallel_loop3A_308 = arith.addi %parallel_loop3A_209, %parallel_loop3A_307 : i32
      %parallel_loop3A_309 = arith.index_cast %parallel_loop3A_308 : i32 to index
      %parallel_loop3A_310 = tpu.vector_load %arg5[%parallel_loop3A_309] {strides = array<i32>} : memref<40960xi32, #tpu.memory_space<vmem>>, vector<16xi32>,
      %parallel_loop3A_311 = arith.addi %parallel_loop3A_306, %parallel_loop3A_310 : vector<16xi32>
      %parallel_loop3A_312 = arith.constant 5376 : i32
      %parallel_loop3A_313 = arith.addi %parallel_loop3A_209, %parallel_loop3A_312 : i32
      %parallel_loop3A_314 = arith.index_cast %parallel_loop3A_313 : i32 to index
      %parallel_loop3A_315 = tpu.vector_load %arg5[%parallel_loop3A_314] {strides = array<i32>} : memref<40960xi32, #tpu.memory_space<vmem>>, vector<16xi32>,
      %parallel_loop3A_316 = arith.addi %parallel_loop3A_311, %parallel_loop3A_315 : vector<16xi32>
      %parallel_loop3A_317 = arith.constant 5632 : i32
      %parallel_loop3A_318 = arith.addi %parallel_loop3A_209, %parallel_loop3A_317 : i32
      %parallel_loop3A_319 = arith.index_cast %parallel_loop3A_318 : i32 to index
      %parallel_loop3A_320 = tpu.vector_load %arg5[%parallel_loop3A_319] {strides = array<i32>} : memref<40960xi32, #tpu.memory_space<vmem>>, vector<16xi32>,
      %parallel_loop3A_321 = arith.addi %parallel_loop3A_316, %parallel_loop3A_320 : vector<16xi32>
      %parallel_loop3A_322 = arith.constant 5888 : i32
      %parallel_loop3A_323 = arith.addi %parallel_loop3A_209, %parallel_loop3A_322 : i32
      %parallel_loop3A_324 = arith.index_cast %parallel_loop3A_323 : i32 to index
      %parallel_loop3A_325 = tpu.vector_load %arg5[%parallel_loop3A_324] {strides = array<i32>} : memref<40960xi32, #tpu.memory_space<vmem>>, vector<16xi32>,
      %parallel_loop3A_326 = arith.addi %parallel_loop3A_321, %parallel_loop3A_325 : vector<16xi32>
      %parallel_loop3A_327 = arith.constant 6144 : i32
      %parallel_loop3A_328 = arith.addi %parallel_loop3A_209, %parallel_loop3A_327 : i32
      %parallel_loop3A_329 = arith.index_cast %parallel_loop3A_328 : i32 to index
      %parallel_loop3A_330 = tpu.vector_load %arg5[%parallel_loop3A_329] {strides = array<i32>} : memref<40960xi32, #tpu.memory_space<vmem>>, vector<16xi32>,
      %parallel_loop3A_331 = arith.addi %parallel_loop3A_326, %parallel_loop3A_330 : vector<16xi32>
      %parallel_loop3A_332 = arith.constant 6400 : i32
      %parallel_loop3A_333 = arith.addi %parallel_loop3A_209, %parallel_loop3A_332 : i32
      %parallel_loop3A_334 = arith.index_cast %parallel_loop3A_333 : i32 to index
      %parallel_loop3A_335 = tpu.vector_load %arg5[%parallel_loop3A_334] {strides = array<i32>} : memref<40960xi32, #tpu.memory_space<vmem>>, vector<16xi32>,
      %parallel_loop3A_336 = arith.addi %parallel_loop3A_331, %parallel_loop3A_335 : vector<16xi32>
      %parallel_loop3A_337 = arith.constant 6656 : i32
      %parallel_loop3A_338 = arith.addi %parallel_loop3A_209, %parallel_loop3A_337 : i32
      %parallel_loop3A_339 = arith.index_cast %parallel_loop3A_338 : i32 to index
      %parallel_loop3A_340 = tpu.vector_load %arg5[%parallel_loop3A_339] {strides = array<i32>} : memref<40960xi32, #tpu.memory_space<vmem>>, vector<16xi32>,
      %parallel_loop3A_341 = arith.addi %parallel_loop3A_336, %parallel_loop3A_340 : vector<16xi32>
      %parallel_loop3A_342 = arith.constant 6912 : i32
      %parallel_loop3A_343 = arith.addi %parallel_loop3A_209, %parallel_loop3A_342 : i32
      %parallel_loop3A_344 = arith.index_cast %parallel_loop3A_343 : i32 to index
      %parallel_loop3A_345 = tpu.vector_load %arg5[%parallel_loop3A_344] {strides = array<i32>} : memref<40960xi32, #tpu.memory_space<vmem>>, vector<16xi32>,
      %parallel_loop3A_346 = arith.addi %parallel_loop3A_341, %parallel_loop3A_345 : vector<16xi32>
      %parallel_loop3A_347 = arith.constant 7168 : i32
      %parallel_loop3A_348 = arith.addi %parallel_loop3A_209, %parallel_loop3A_347 : i32
      %parallel_loop3A_349 = arith.index_cast %parallel_loop3A_348 : i32 to index
      %parallel_loop3A_350 = tpu.vector_load %arg5[%parallel_loop3A_349] {strides = array<i32>} : memref<40960xi32, #tpu.memory_space<vmem>>, vector<16xi32>,
      %parallel_loop3A_351 = arith.addi %parallel_loop3A_346, %parallel_loop3A_350 : vector<16xi32>
      %parallel_loop3A_352 = arith.constant 7424 : i32
      %parallel_loop3A_353 = arith.addi %parallel_loop3A_209, %parallel_loop3A_352 : i32
      %parallel_loop3A_354 = arith.index_cast %parallel_loop3A_353 : i32 to index
      %parallel_loop3A_355 = tpu.vector_load %arg5[%parallel_loop3A_354] {strides = array<i32>} : memref<40960xi32, #tpu.memory_space<vmem>>, vector<16xi32>,
      %parallel_loop3A_356 = arith.addi %parallel_loop3A_351, %parallel_loop3A_355 : vector<16xi32>
      %parallel_loop3A_357 = arith.constant 7680 : i32
      %parallel_loop3A_358 = arith.addi %parallel_loop3A_209, %parallel_loop3A_357 : i32
      %parallel_loop3A_359 = arith.index_cast %parallel_loop3A_358 : i32 to index
      %parallel_loop3A_360 = tpu.vector_load %arg5[%parallel_loop3A_359] {strides = array<i32>} : memref<40960xi32, #tpu.memory_space<vmem>>, vector<16xi32>,
      %parallel_loop3A_361 = arith.addi %parallel_loop3A_356, %parallel_loop3A_360 : vector<16xi32>
      %parallel_loop3A_362 = arith.constant 7936 : i32
      %parallel_loop3A_363 = arith.addi %parallel_loop3A_209, %parallel_loop3A_362 : i32
      %parallel_loop3A_364 = arith.index_cast %parallel_loop3A_363 : i32 to index
      %parallel_loop3A_365 = tpu.vector_load %arg5[%parallel_loop3A_364] {strides = array<i32>} : memref<40960xi32, #tpu.memory_space<vmem>>, vector<16xi32>,
      %parallel_loop3A_366 = arith.addi %parallel_loop3A_361, %parallel_loop3A_365 : vector<16xi32>
      %parallel_loop3A_367 = arith.index_cast %parallel_loop3A_209 : i32 to index
      %parallel_loop3A_368 = tpu.vector_load %arg5[%parallel_loop3A_367] {strides = array<i32>} : memref<40960xi32, #tpu.memory_space<vmem>>, vector<16xi32>,
      tpu.vector_store %arg5[%parallel_loop3A_367], %parallel_loop3A_366 {strides = array<i32>} : memref<40960xi32, #tpu.memory_space<vmem>>, vector<16xi32>,
    } {sc.loop_unroll_factor = 1 : i64, sc.parallel_access}
    %mul3A_181 = arith.constant 4 : i32
    %mul3A_182 = arith.muli %add3A, %mul3A_181 : i32
    %add3A_183 = arith.constant 1 : i32
    %add3A_184 = arith.addi %mul3A_182, %add3A_183 : i32
    %mul3A_185 = arith.constant 256 : i32
    %mul3A_186 = arith.muli %add3A_184, %mul3A_185 : i32
    "tpu.region"() ({
      %run_scoped3A = tpu.sem_alloc : memref<!tpu.dma_semaphore, #tpu.memory_space<semaphore_mem>>
      %dma_start3A_205 = arith.constant 8192 : i32
      %dma_start3A_206 = tpu.memref_slice %arg5[%dma_start3A_205] : memref<40960xi32, #tpu.memory_space<vmem>> -> memref<256xi32, #tpu.memory_space<vmem>>
      %dma_start3A_207 = tpu.memref_slice %arg4[%mul3A_186] : memref<32768xi32, #tpu.memory_space<hbm>> -> memref<256xi32, #tpu.memory_space<hbm>>
      %dma_start3A_208 = tpu.memref_slice %arg4[%mul3A_186] : memref<32768xi32, #tpu.memory_space<hbm>> -> memref<256xi32, #tpu.memory_space<hbm>>
      %dma_start3A_209 = arith.constant 8192 : i32
      %dma_start3A_210 = tpu.memref_slice %arg5[%dma_start3A_209] : memref<40960xi32, #tpu.memory_space<vmem>> -> memref<256xi32, #tpu.memory_space<vmem>>
      tpu.enqueue_dma source(%dma_start3A_210 : memref<256xi32, #tpu.memory_space<vmem>>) target(%dma_start3A_208 : memref<256xi32, #tpu.memory_space<hbm>>) target_semaphore(%run_scoped3A : memref<!tpu.dma_semaphore, #tpu.memory_space<semaphore_mem>>)
      %dma_wait3A_211 = arith.constant 8192 : i32
      %dma_wait3A_212 = tpu.memref_slice %arg5[%dma_wait3A_211] : memref<40960xi32, #tpu.memory_space<vmem>> -> memref<256xi32, #tpu.memory_space<vmem>>
      %dma_wait3A_213 = tpu.memref_slice %arg4[%mul3A_186] : memref<32768xi32, #tpu.memory_space<hbm>> -> memref<256xi32, #tpu.memory_space<hbm>>
      %dma_wait3A_214 = tpu.memref_slice %arg4[%mul3A_186] : memref<32768xi32, #tpu.memory_space<hbm>> -> memref<256xi32, #tpu.memory_space<hbm>>
      %dma_wait3A_215 = arith.constant 8192 : i32
      %dma_wait3A_216 = tpu.memref_slice %arg5[%dma_wait3A_215] : memref<40960xi32, #tpu.memory_space<vmem>> -> memref<256xi32, #tpu.memory_space<vmem>>
      tpu.wait_dma2 semaphore(%run_scoped3A : memref<!tpu.dma_semaphore, #tpu.memory_space<semaphore_mem>>) src(%dma_wait3A_216 : memref<256xi32, #tpu.memory_space<vmem>>) dst(%dma_wait3A_214 : memref<256xi32, #tpu.memory_space<hbm>>)
      tpu.yield
    }) : () -> ()
    %parallel_loop3A_187 = arith.constant 0 : i32
    %parallel_loop3A_188 = arith.constant 16 : i32
    %parallel_loop3A_189 = arith.constant 1 : i32
    scf.for %parallel_loop3A_205 = %parallel_loop3A_187 to %parallel_loop3A_188 step %parallel_loop3A_189  : i32 {
      %parallel_loop3A_206 = arith.constant 16 : i32
      %parallel_loop3A_207 = arith.muli %parallel_loop3A_205, %parallel_loop3A_206 : i32
      %parallel_loop3A_208 = arith.constant 16384 : i32
      %parallel_loop3A_209 = arith.addi %parallel_loop3A_208, %parallel_loop3A_207 : i32
      %parallel_loop3A_210 = arith.index_cast %parallel_loop3A_209 : i32 to index
      %parallel_loop3A_211 = tpu.vector_load %arg5[%parallel_loop3A_210] {strides = array<i32>} : memref<40960xi32, #tpu.memory_space<vmem>>, vector<16xi32>,
      %parallel_loop3A_212 = arith.constant 256 : i32
      %parallel_loop3A_213 = arith.addi %parallel_loop3A_209, %parallel_loop3A_212 : i32
      %parallel_loop3A_214 = arith.index_cast %parallel_loop3A_213 : i32 to index
      %parallel_loop3A_215 = tpu.vector_load %arg5[%parallel_loop3A_214] {strides = array<i32>} : memref<40960xi32, #tpu.memory_space<vmem>>, vector<16xi32>,
      %parallel_loop3A_216 = arith.addi %parallel_loop3A_211, %parallel_loop3A_215 : vector<16xi32>
      %parallel_loop3A_217 = arith.constant 512 : i32
      %parallel_loop3A_218 = arith.addi %parallel_loop3A_209, %parallel_loop3A_217 : i32
      %parallel_loop3A_219 = arith.index_cast %parallel_loop3A_218 : i32 to index
      %parallel_loop3A_220 = tpu.vector_load %arg5[%parallel_loop3A_219] {strides = array<i32>} : memref<40960xi32, #tpu.memory_space<vmem>>, vector<16xi32>,
      %parallel_loop3A_221 = arith.addi %parallel_loop3A_216, %parallel_loop3A_220 : vector<16xi32>
      %parallel_loop3A_222 = arith.constant 768 : i32
      %parallel_loop3A_223 = arith.addi %parallel_loop3A_209, %parallel_loop3A_222 : i32
      %parallel_loop3A_224 = arith.index_cast %parallel_loop3A_223 : i32 to index
      %parallel_loop3A_225 = tpu.vector_load %arg5[%parallel_loop3A_224] {strides = array<i32>} : memref<40960xi32, #tpu.memory_space<vmem>>, vector<16xi32>,
      %parallel_loop3A_226 = arith.addi %parallel_loop3A_221, %parallel_loop3A_225 : vector<16xi32>
      %parallel_loop3A_227 = arith.constant 1024 : i32
      %parallel_loop3A_228 = arith.addi %parallel_loop3A_209, %parallel_loop3A_227 : i32
      %parallel_loop3A_229 = arith.index_cast %parallel_loop3A_228 : i32 to index
      %parallel_loop3A_230 = tpu.vector_load %arg5[%parallel_loop3A_229] {strides = array<i32>} : memref<40960xi32, #tpu.memory_space<vmem>>, vector<16xi32>,
      %parallel_loop3A_231 = arith.addi %parallel_loop3A_226, %parallel_loop3A_230 : vector<16xi32>
      %parallel_loop3A_232 = arith.constant 1280 : i32
      %parallel_loop3A_233 = arith.addi %parallel_loop3A_209, %parallel_loop3A_232 : i32
      %parallel_loop3A_234 = arith.index_cast %parallel_loop3A_233 : i32 to index
      %parallel_loop3A_235 = tpu.vector_load %arg5[%parallel_loop3A_234] {strides = array<i32>} : memref<40960xi32, #tpu.memory_space<vmem>>, vector<16xi32>,
      %parallel_loop3A_236 = arith.addi %parallel_loop3A_231, %parallel_loop3A_235 : vector<16xi32>
      %parallel_loop3A_237 = arith.constant 1536 : i32
      %parallel_loop3A_238 = arith.addi %parallel_loop3A_209, %parallel_loop3A_237 : i32
      %parallel_loop3A_239 = arith.index_cast %parallel_loop3A_238 : i32 to index
      %parallel_loop3A_240 = tpu.vector_load %arg5[%parallel_loop3A_239] {strides = array<i32>} : memref<40960xi32, #tpu.memory_space<vmem>>, vector<16xi32>,
      %parallel_loop3A_241 = arith.addi %parallel_loop3A_236, %parallel_loop3A_240 : vector<16xi32>
      %parallel_loop3A_242 = arith.constant 1792 : i32
      %parallel_loop3A_243 = arith.addi %parallel_loop3A_209, %parallel_loop3A_242 : i32
      %parallel_loop3A_244 = arith.index_cast %parallel_loop3A_243 : i32 to index
      %parallel_loop3A_245 = tpu.vector_load %arg5[%parallel_loop3A_244] {strides = array<i32>} : memref<40960xi32, #tpu.memory_space<vmem>>, vector<16xi32>,
      %parallel_loop3A_246 = arith.addi %parallel_loop3A_241, %parallel_loop3A_245 : vector<16xi32>
      %parallel_loop3A_247 = arith.constant 2048 : i32
      %parallel_loop3A_248 = arith.addi %parallel_loop3A_209, %parallel_loop3A_247 : i32
      %parallel_loop3A_249 = arith.index_cast %parallel_loop3A_248 : i32 to index
      %parallel_loop3A_250 = tpu.vector_load %arg5[%parallel_loop3A_249] {strides = array<i32>} : memref<40960xi32, #tpu.memory_space<vmem>>, vector<16xi32>,
      %parallel_loop3A_251 = arith.addi %parallel_loop3A_246, %parallel_loop3A_250 : vector<16xi32>
      %parallel_loop3A_252 = arith.constant 2304 : i32
      %parallel_loop3A_253 = arith.addi %parallel_loop3A_209, %parallel_loop3A_252 : i32
      %parallel_loop3A_254 = arith.index_cast %parallel_loop3A_253 : i32 to index
      %parallel_loop3A_255 = tpu.vector_load %arg5[%parallel_loop3A_254] {strides = array<i32>} : memref<40960xi32, #tpu.memory_space<vmem>>, vector<16xi32>,
      %parallel_loop3A_256 = arith.addi %parallel_loop3A_251, %parallel_loop3A_255 : vector<16xi32>
      %parallel_loop3A_257 = arith.constant 2560 : i32
      %parallel_loop3A_258 = arith.addi %parallel_loop3A_209, %parallel_loop3A_257 : i32
      %parallel_loop3A_259 = arith.index_cast %parallel_loop3A_258 : i32 to index
      %parallel_loop3A_260 = tpu.vector_load %arg5[%parallel_loop3A_259] {strides = array<i32>} : memref<40960xi32, #tpu.memory_space<vmem>>, vector<16xi32>,
      %parallel_loop3A_261 = arith.addi %parallel_loop3A_256, %parallel_loop3A_260 : vector<16xi32>
      %parallel_loop3A_262 = arith.constant 2816 : i32
      %parallel_loop3A_263 = arith.addi %parallel_loop3A_209, %parallel_loop3A_262 : i32
      %parallel_loop3A_264 = arith.index_cast %parallel_loop3A_263 : i32 to index
      %parallel_loop3A_265 = tpu.vector_load %arg5[%parallel_loop3A_264] {strides = array<i32>} : memref<40960xi32, #tpu.memory_space<vmem>>, vector<16xi32>,
      %parallel_loop3A_266 = arith.addi %parallel_loop3A_261, %parallel_loop3A_265 : vector<16xi32>
      %parallel_loop3A_267 = arith.constant 3072 : i32
      %parallel_loop3A_268 = arith.addi %parallel_loop3A_209, %parallel_loop3A_267 : i32
      %parallel_loop3A_269 = arith.index_cast %parallel_loop3A_268 : i32 to index
      %parallel_loop3A_270 = tpu.vector_load %arg5[%parallel_loop3A_269] {strides = array<i32>} : memref<40960xi32, #tpu.memory_space<vmem>>, vector<16xi32>,
      %parallel_loop3A_271 = arith.addi %parallel_loop3A_266, %parallel_loop3A_270 : vector<16xi32>
      %parallel_loop3A_272 = arith.constant 3328 : i32
      %parallel_loop3A_273 = arith.addi %parallel_loop3A_209, %parallel_loop3A_272 : i32
      %parallel_loop3A_274 = arith.index_cast %parallel_loop3A_273 : i32 to index
      %parallel_loop3A_275 = tpu.vector_load %arg5[%parallel_loop3A_274] {strides = array<i32>} : memref<40960xi32, #tpu.memory_space<vmem>>, vector<16xi32>,
      %parallel_loop3A_276 = arith.addi %parallel_loop3A_271, %parallel_loop3A_275 : vector<16xi32>
      %parallel_loop3A_277 = arith.constant 3584 : i32
      %parallel_loop3A_278 = arith.addi %parallel_loop3A_209, %parallel_loop3A_277 : i32
      %parallel_loop3A_279 = arith.index_cast %parallel_loop3A_278 : i32 to index
      %parallel_loop3A_280 = tpu.vector_load %arg5[%parallel_loop3A_279] {strides = array<i32>} : memref<40960xi32, #tpu.memory_space<vmem>>, vector<16xi32>,
      %parallel_loop3A_281 = arith.addi %parallel_loop3A_276, %parallel_loop3A_280 : vector<16xi32>
      %parallel_loop3A_282 = arith.constant 3840 : i32
      %parallel_loop3A_283 = arith.addi %parallel_loop3A_209, %parallel_loop3A_282 : i32
      %parallel_loop3A_284 = arith.index_cast %parallel_loop3A_283 : i32 to index
      %parallel_loop3A_285 = tpu.vector_load %arg5[%parallel_loop3A_284] {strides = array<i32>} : memref<40960xi32, #tpu.memory_space<vmem>>, vector<16xi32>,
      %parallel_loop3A_286 = arith.addi %parallel_loop3A_281, %parallel_loop3A_285 : vector<16xi32>
      %parallel_loop3A_287 = arith.constant 4096 : i32
      %parallel_loop3A_288 = arith.addi %parallel_loop3A_209, %parallel_loop3A_287 : i32
      %parallel_loop3A_289 = arith.index_cast %parallel_loop3A_288 : i32 to index
      %parallel_loop3A_290 = tpu.vector_load %arg5[%parallel_loop3A_289] {strides = array<i32>} : memref<40960xi32, #tpu.memory_space<vmem>>, vector<16xi32>,
      %parallel_loop3A_291 = arith.addi %parallel_loop3A_286, %parallel_loop3A_290 : vector<16xi32>
      %parallel_loop3A_292 = arith.constant 4352 : i32
      %parallel_loop3A_293 = arith.addi %parallel_loop3A_209, %parallel_loop3A_292 : i32
      %parallel_loop3A_294 = arith.index_cast %parallel_loop3A_293 : i32 to index
      %parallel_loop3A_295 = tpu.vector_load %arg5[%parallel_loop3A_294] {strides = array<i32>} : memref<40960xi32, #tpu.memory_space<vmem>>, vector<16xi32>,
      %parallel_loop3A_296 = arith.addi %parallel_loop3A_291, %parallel_loop3A_295 : vector<16xi32>
      %parallel_loop3A_297 = arith.constant 4608 : i32
      %parallel_loop3A_298 = arith.addi %parallel_loop3A_209, %parallel_loop3A_297 : i32
      %parallel_loop3A_299 = arith.index_cast %parallel_loop3A_298 : i32 to index
      %parallel_loop3A_300 = tpu.vector_load %arg5[%parallel_loop3A_299] {strides = array<i32>} : memref<40960xi32, #tpu.memory_space<vmem>>, vector<16xi32>,
      %parallel_loop3A_301 = arith.addi %parallel_loop3A_296, %parallel_loop3A_300 : vector<16xi32>
      %parallel_loop3A_302 = arith.constant 4864 : i32
      %parallel_loop3A_303 = arith.addi %parallel_loop3A_209, %parallel_loop3A_302 : i32
      %parallel_loop3A_304 = arith.index_cast %parallel_loop3A_303 : i32 to index
      %parallel_loop3A_305 = tpu.vector_load %arg5[%parallel_loop3A_304] {strides = array<i32>} : memref<40960xi32, #tpu.memory_space<vmem>>, vector<16xi32>,
      %parallel_loop3A_306 = arith.addi %parallel_loop3A_301, %parallel_loop3A_305 : vector<16xi32>
      %parallel_loop3A_307 = arith.constant 5120 : i32
      %parallel_loop3A_308 = arith.addi %parallel_loop3A_209, %parallel_loop3A_307 : i32
      %parallel_loop3A_309 = arith.index_cast %parallel_loop3A_308 : i32 to index
      %parallel_loop3A_310 = tpu.vector_load %arg5[%parallel_loop3A_309] {strides = array<i32>} : memref<40960xi32, #tpu.memory_space<vmem>>, vector<16xi32>,
      %parallel_loop3A_311 = arith.addi %parallel_loop3A_306, %parallel_loop3A_310 : vector<16xi32>
      %parallel_loop3A_312 = arith.constant 5376 : i32
      %parallel_loop3A_313 = arith.addi %parallel_loop3A_209, %parallel_loop3A_312 : i32
      %parallel_loop3A_314 = arith.index_cast %parallel_loop3A_313 : i32 to index
      %parallel_loop3A_315 = tpu.vector_load %arg5[%parallel_loop3A_314] {strides = array<i32>} : memref<40960xi32, #tpu.memory_space<vmem>>, vector<16xi32>,
      %parallel_loop3A_316 = arith.addi %parallel_loop3A_311, %parallel_loop3A_315 : vector<16xi32>
      %parallel_loop3A_317 = arith.constant 5632 : i32
      %parallel_loop3A_318 = arith.addi %parallel_loop3A_209, %parallel_loop3A_317 : i32
      %parallel_loop3A_319 = arith.index_cast %parallel_loop3A_318 : i32 to index
      %parallel_loop3A_320 = tpu.vector_load %arg5[%parallel_loop3A_319] {strides = array<i32>} : memref<40960xi32, #tpu.memory_space<vmem>>, vector<16xi32>,
      %parallel_loop3A_321 = arith.addi %parallel_loop3A_316, %parallel_loop3A_320 : vector<16xi32>
      %parallel_loop3A_322 = arith.constant 5888 : i32
      %parallel_loop3A_323 = arith.addi %parallel_loop3A_209, %parallel_loop3A_322 : i32
      %parallel_loop3A_324 = arith.index_cast %parallel_loop3A_323 : i32 to index
      %parallel_loop3A_325 = tpu.vector_load %arg5[%parallel_loop3A_324] {strides = array<i32>} : memref<40960xi32, #tpu.memory_space<vmem>>, vector<16xi32>,
      %parallel_loop3A_326 = arith.addi %parallel_loop3A_321, %parallel_loop3A_325 : vector<16xi32>
      %parallel_loop3A_327 = arith.constant 6144 : i32
      %parallel_loop3A_328 = arith.addi %parallel_loop3A_209, %parallel_loop3A_327 : i32
      %parallel_loop3A_329 = arith.index_cast %parallel_loop3A_328 : i32 to index
      %parallel_loop3A_330 = tpu.vector_load %arg5[%parallel_loop3A_329] {strides = array<i32>} : memref<40960xi32, #tpu.memory_space<vmem>>, vector<16xi32>,
      %parallel_loop3A_331 = arith.addi %parallel_loop3A_326, %parallel_loop3A_330 : vector<16xi32>
      %parallel_loop3A_332 = arith.constant 6400 : i32
      %parallel_loop3A_333 = arith.addi %parallel_loop3A_209, %parallel_loop3A_332 : i32
      %parallel_loop3A_334 = arith.index_cast %parallel_loop3A_333 : i32 to index
      %parallel_loop3A_335 = tpu.vector_load %arg5[%parallel_loop3A_334] {strides = array<i32>} : memref<40960xi32, #tpu.memory_space<vmem>>, vector<16xi32>,
      %parallel_loop3A_336 = arith.addi %parallel_loop3A_331, %parallel_loop3A_335 : vector<16xi32>
      %parallel_loop3A_337 = arith.constant 6656 : i32
      %parallel_loop3A_338 = arith.addi %parallel_loop3A_209, %parallel_loop3A_337 : i32
      %parallel_loop3A_339 = arith.index_cast %parallel_loop3A_338 : i32 to index
      %parallel_loop3A_340 = tpu.vector_load %arg5[%parallel_loop3A_339] {strides = array<i32>} : memref<40960xi32, #tpu.memory_space<vmem>>, vector<16xi32>,
      %parallel_loop3A_341 = arith.addi %parallel_loop3A_336, %parallel_loop3A_340 : vector<16xi32>
      %parallel_loop3A_342 = arith.constant 6912 : i32
      %parallel_loop3A_343 = arith.addi %parallel_loop3A_209, %parallel_loop3A_342 : i32
      %parallel_loop3A_344 = arith.index_cast %parallel_loop3A_343 : i32 to index
      %parallel_loop3A_345 = tpu.vector_load %arg5[%parallel_loop3A_344] {strides = array<i32>} : memref<40960xi32, #tpu.memory_space<vmem>>, vector<16xi32>,
      %parallel_loop3A_346 = arith.addi %parallel_loop3A_341, %parallel_loop3A_345 : vector<16xi32>
      %parallel_loop3A_347 = arith.constant 7168 : i32
      %parallel_loop3A_348 = arith.addi %parallel_loop3A_209, %parallel_loop3A_347 : i32
      %parallel_loop3A_349 = arith.index_cast %parallel_loop3A_348 : i32 to index
      %parallel_loop3A_350 = tpu.vector_load %arg5[%parallel_loop3A_349] {strides = array<i32>} : memref<40960xi32, #tpu.memory_space<vmem>>, vector<16xi32>,
      %parallel_loop3A_351 = arith.addi %parallel_loop3A_346, %parallel_loop3A_350 : vector<16xi32>
      %parallel_loop3A_352 = arith.constant 7424 : i32
      %parallel_loop3A_353 = arith.addi %parallel_loop3A_209, %parallel_loop3A_352 : i32
      %parallel_loop3A_354 = arith.index_cast %parallel_loop3A_353 : i32 to index
      %parallel_loop3A_355 = tpu.vector_load %arg5[%parallel_loop3A_354] {strides = array<i32>} : memref<40960xi32, #tpu.memory_space<vmem>>, vector<16xi32>,
      %parallel_loop3A_356 = arith.addi %parallel_loop3A_351, %parallel_loop3A_355 : vector<16xi32>
      %parallel_loop3A_357 = arith.constant 7680 : i32
      %parallel_loop3A_358 = arith.addi %parallel_loop3A_209, %parallel_loop3A_357 : i32
      %parallel_loop3A_359 = arith.index_cast %parallel_loop3A_358 : i32 to index
      %parallel_loop3A_360 = tpu.vector_load %arg5[%parallel_loop3A_359] {strides = array<i32>} : memref<40960xi32, #tpu.memory_space<vmem>>, vector<16xi32>,
      %parallel_loop3A_361 = arith.addi %parallel_loop3A_356, %parallel_loop3A_360 : vector<16xi32>
      %parallel_loop3A_362 = arith.constant 7936 : i32
      %parallel_loop3A_363 = arith.addi %parallel_loop3A_209, %parallel_loop3A_362 : i32
      %parallel_loop3A_364 = arith.index_cast %parallel_loop3A_363 : i32 to index
      %parallel_loop3A_365 = tpu.vector_load %arg5[%parallel_loop3A_364] {strides = array<i32>} : memref<40960xi32, #tpu.memory_space<vmem>>, vector<16xi32>,
      %parallel_loop3A_366 = arith.addi %parallel_loop3A_361, %parallel_loop3A_365 : vector<16xi32>
      %parallel_loop3A_367 = arith.index_cast %parallel_loop3A_209 : i32 to index
      %parallel_loop3A_368 = tpu.vector_load %arg5[%parallel_loop3A_367] {strides = array<i32>} : memref<40960xi32, #tpu.memory_space<vmem>>, vector<16xi32>,
      tpu.vector_store %arg5[%parallel_loop3A_367], %parallel_loop3A_366 {strides = array<i32>} : memref<40960xi32, #tpu.memory_space<vmem>>, vector<16xi32>,
    } {sc.loop_unroll_factor = 1 : i64, sc.parallel_access}
    %mul3A_190 = arith.constant 4 : i32
    %mul3A_191 = arith.muli %add3A, %mul3A_190 : i32
    %add3A_192 = arith.constant 2 : i32
    %add3A_193 = arith.addi %mul3A_191, %add3A_192 : i32
    %mul3A_194 = arith.constant 256 : i32
    %mul3A_195 = arith.muli %add3A_193, %mul3A_194 : i32
    "tpu.region"() ({
      %run_scoped3A = tpu.sem_alloc : memref<!tpu.dma_semaphore, #tpu.memory_space<semaphore_mem>>
      %dma_start3A_205 = arith.constant 16384 : i32
      %dma_start3A_206 = tpu.memref_slice %arg5[%dma_start3A_205] : memref<40960xi32, #tpu.memory_space<vmem>> -> memref<256xi32, #tpu.memory_space<vmem>>
      %dma_start3A_207 = tpu.memref_slice %arg4[%mul3A_195] : memref<32768xi32, #tpu.memory_space<hbm>> -> memref<256xi32, #tpu.memory_space<hbm>>
      %dma_start3A_208 = tpu.memref_slice %arg4[%mul3A_195] : memref<32768xi32, #tpu.memory_space<hbm>> -> memref<256xi32, #tpu.memory_space<hbm>>
      %dma_start3A_209 = arith.constant 16384 : i32
      %dma_start3A_210 = tpu.memref_slice %arg5[%dma_start3A_209] : memref<40960xi32, #tpu.memory_space<vmem>> -> memref<256xi32, #tpu.memory_space<vmem>>
      tpu.enqueue_dma source(%dma_start3A_210 : memref<256xi32, #tpu.memory_space<vmem>>) target(%dma_start3A_208 : memref<256xi32, #tpu.memory_space<hbm>>) target_semaphore(%run_scoped3A : memref<!tpu.dma_semaphore, #tpu.memory_space<semaphore_mem>>)
      %dma_wait3A_211 = arith.constant 16384 : i32
      %dma_wait3A_212 = tpu.memref_slice %arg5[%dma_wait3A_211] : memref<40960xi32, #tpu.memory_space<vmem>> -> memref<256xi32, #tpu.memory_space<vmem>>
      %dma_wait3A_213 = tpu.memref_slice %arg4[%mul3A_195] : memref<32768xi32, #tpu.memory_space<hbm>> -> memref<256xi32, #tpu.memory_space<hbm>>
      %dma_wait3A_214 = tpu.memref_slice %arg4[%mul3A_195] : memref<32768xi32, #tpu.memory_space<hbm>> -> memref<256xi32, #tpu.memory_space<hbm>>
      %dma_wait3A_215 = arith.constant 16384 : i32
      %dma_wait3A_216 = tpu.memref_slice %arg5[%dma_wait3A_215] : memref<40960xi32, #tpu.memory_space<vmem>> -> memref<256xi32, #tpu.memory_space<vmem>>
      tpu.wait_dma2 semaphore(%run_scoped3A : memref<!tpu.dma_semaphore, #tpu.memory_space<semaphore_mem>>) src(%dma_wait3A_216 : memref<256xi32, #tpu.memory_space<vmem>>) dst(%dma_wait3A_214 : memref<256xi32, #tpu.memory_space<hbm>>)
      tpu.yield
    }) : () -> ()
    %parallel_loop3A_196 = arith.constant 0 : i32
    %parallel_loop3A_197 = arith.constant 16 : i32
    %parallel_loop3A_198 = arith.constant 1 : i32
    scf.for %parallel_loop3A_205 = %parallel_loop3A_196 to %parallel_loop3A_197 step %parallel_loop3A_198  : i32 {
      %parallel_loop3A_206 = arith.constant 16 : i32
      %parallel_loop3A_207 = arith.muli %parallel_loop3A_205, %parallel_loop3A_206 : i32
      %parallel_loop3A_208 = arith.constant 24576 : i32
      %parallel_loop3A_209 = arith.addi %parallel_loop3A_208, %parallel_loop3A_207 : i32
      %parallel_loop3A_210 = arith.index_cast %parallel_loop3A_209 : i32 to index
      %parallel_loop3A_211 = tpu.vector_load %arg5[%parallel_loop3A_210] {strides = array<i32>} : memref<40960xi32, #tpu.memory_space<vmem>>, vector<16xi32>,
      %parallel_loop3A_212 = arith.constant 256 : i32
      %parallel_loop3A_213 = arith.addi %parallel_loop3A_209, %parallel_loop3A_212 : i32
      %parallel_loop3A_214 = arith.index_cast %parallel_loop3A_213 : i32 to index
      %parallel_loop3A_215 = tpu.vector_load %arg5[%parallel_loop3A_214] {strides = array<i32>} : memref<40960xi32, #tpu.memory_space<vmem>>, vector<16xi32>,
      %parallel_loop3A_216 = arith.addi %parallel_loop3A_211, %parallel_loop3A_215 : vector<16xi32>
      %parallel_loop3A_217 = arith.constant 512 : i32
      %parallel_loop3A_218 = arith.addi %parallel_loop3A_209, %parallel_loop3A_217 : i32
      %parallel_loop3A_219 = arith.index_cast %parallel_loop3A_218 : i32 to index
      %parallel_loop3A_220 = tpu.vector_load %arg5[%parallel_loop3A_219] {strides = array<i32>} : memref<40960xi32, #tpu.memory_space<vmem>>, vector<16xi32>,
      %parallel_loop3A_221 = arith.addi %parallel_loop3A_216, %parallel_loop3A_220 : vector<16xi32>
      %parallel_loop3A_222 = arith.constant 768 : i32
      %parallel_loop3A_223 = arith.addi %parallel_loop3A_209, %parallel_loop3A_222 : i32
      %parallel_loop3A_224 = arith.index_cast %parallel_loop3A_223 : i32 to index
      %parallel_loop3A_225 = tpu.vector_load %arg5[%parallel_loop3A_224] {strides = array<i32>} : memref<40960xi32, #tpu.memory_space<vmem>>, vector<16xi32>,
      %parallel_loop3A_226 = arith.addi %parallel_loop3A_221, %parallel_loop3A_225 : vector<16xi32>
      %parallel_loop3A_227 = arith.constant 1024 : i32
      %parallel_loop3A_228 = arith.addi %parallel_loop3A_209, %parallel_loop3A_227 : i32
      %parallel_loop3A_229 = arith.index_cast %parallel_loop3A_228 : i32 to index
      %parallel_loop3A_230 = tpu.vector_load %arg5[%parallel_loop3A_229] {strides = array<i32>} : memref<40960xi32, #tpu.memory_space<vmem>>, vector<16xi32>,
      %parallel_loop3A_231 = arith.addi %parallel_loop3A_226, %parallel_loop3A_230 : vector<16xi32>
      %parallel_loop3A_232 = arith.constant 1280 : i32
      %parallel_loop3A_233 = arith.addi %parallel_loop3A_209, %parallel_loop3A_232 : i32
      %parallel_loop3A_234 = arith.index_cast %parallel_loop3A_233 : i32 to index
      %parallel_loop3A_235 = tpu.vector_load %arg5[%parallel_loop3A_234] {strides = array<i32>} : memref<40960xi32, #tpu.memory_space<vmem>>, vector<16xi32>,
      %parallel_loop3A_236 = arith.addi %parallel_loop3A_231, %parallel_loop3A_235 : vector<16xi32>
      %parallel_loop3A_237 = arith.constant 1536 : i32
      %parallel_loop3A_238 = arith.addi %parallel_loop3A_209, %parallel_loop3A_237 : i32
      %parallel_loop3A_239 = arith.index_cast %parallel_loop3A_238 : i32 to index
      %parallel_loop3A_240 = tpu.vector_load %arg5[%parallel_loop3A_239] {strides = array<i32>} : memref<40960xi32, #tpu.memory_space<vmem>>, vector<16xi32>,
      %parallel_loop3A_241 = arith.addi %parallel_loop3A_236, %parallel_loop3A_240 : vector<16xi32>
      %parallel_loop3A_242 = arith.constant 1792 : i32
      %parallel_loop3A_243 = arith.addi %parallel_loop3A_209, %parallel_loop3A_242 : i32
      %parallel_loop3A_244 = arith.index_cast %parallel_loop3A_243 : i32 to index
      %parallel_loop3A_245 = tpu.vector_load %arg5[%parallel_loop3A_244] {strides = array<i32>} : memref<40960xi32, #tpu.memory_space<vmem>>, vector<16xi32>,
      %parallel_loop3A_246 = arith.addi %parallel_loop3A_241, %parallel_loop3A_245 : vector<16xi32>
      %parallel_loop3A_247 = arith.constant 2048 : i32
      %parallel_loop3A_248 = arith.addi %parallel_loop3A_209, %parallel_loop3A_247 : i32
      %parallel_loop3A_249 = arith.index_cast %parallel_loop3A_248 : i32 to index
      %parallel_loop3A_250 = tpu.vector_load %arg5[%parallel_loop3A_249] {strides = array<i32>} : memref<40960xi32, #tpu.memory_space<vmem>>, vector<16xi32>,
      %parallel_loop3A_251 = arith.addi %parallel_loop3A_246, %parallel_loop3A_250 : vector<16xi32>
      %parallel_loop3A_252 = arith.constant 2304 : i32
      %parallel_loop3A_253 = arith.addi %parallel_loop3A_209, %parallel_loop3A_252 : i32
      %parallel_loop3A_254 = arith.index_cast %parallel_loop3A_253 : i32 to index
      %parallel_loop3A_255 = tpu.vector_load %arg5[%parallel_loop3A_254] {strides = array<i32>} : memref<40960xi32, #tpu.memory_space<vmem>>, vector<16xi32>,
      %parallel_loop3A_256 = arith.addi %parallel_loop3A_251, %parallel_loop3A_255 : vector<16xi32>
      %parallel_loop3A_257 = arith.constant 2560 : i32
      %parallel_loop3A_258 = arith.addi %parallel_loop3A_209, %parallel_loop3A_257 : i32
      %parallel_loop3A_259 = arith.index_cast %parallel_loop3A_258 : i32 to index
      %parallel_loop3A_260 = tpu.vector_load %arg5[%parallel_loop3A_259] {strides = array<i32>} : memref<40960xi32, #tpu.memory_space<vmem>>, vector<16xi32>,
      %parallel_loop3A_261 = arith.addi %parallel_loop3A_256, %parallel_loop3A_260 : vector<16xi32>
      %parallel_loop3A_262 = arith.constant 2816 : i32
      %parallel_loop3A_263 = arith.addi %parallel_loop3A_209, %parallel_loop3A_262 : i32
      %parallel_loop3A_264 = arith.index_cast %parallel_loop3A_263 : i32 to index
      %parallel_loop3A_265 = tpu.vector_load %arg5[%parallel_loop3A_264] {strides = array<i32>} : memref<40960xi32, #tpu.memory_space<vmem>>, vector<16xi32>,
      %parallel_loop3A_266 = arith.addi %parallel_loop3A_261, %parallel_loop3A_265 : vector<16xi32>
      %parallel_loop3A_267 = arith.constant 3072 : i32
      %parallel_loop3A_268 = arith.addi %parallel_loop3A_209, %parallel_loop3A_267 : i32
      %parallel_loop3A_269 = arith.index_cast %parallel_loop3A_268 : i32 to index
      %parallel_loop3A_270 = tpu.vector_load %arg5[%parallel_loop3A_269] {strides = array<i32>} : memref<40960xi32, #tpu.memory_space<vmem>>, vector<16xi32>,
      %parallel_loop3A_271 = arith.addi %parallel_loop3A_266, %parallel_loop3A_270 : vector<16xi32>
      %parallel_loop3A_272 = arith.constant 3328 : i32
      %parallel_loop3A_273 = arith.addi %parallel_loop3A_209, %parallel_loop3A_272 : i32
      %parallel_loop3A_274 = arith.index_cast %parallel_loop3A_273 : i32 to index
      %parallel_loop3A_275 = tpu.vector_load %arg5[%parallel_loop3A_274] {strides = array<i32>} : memref<40960xi32, #tpu.memory_space<vmem>>, vector<16xi32>,
      %parallel_loop3A_276 = arith.addi %parallel_loop3A_271, %parallel_loop3A_275 : vector<16xi32>
      %parallel_loop3A_277 = arith.constant 3584 : i32
      %parallel_loop3A_278 = arith.addi %parallel_loop3A_209, %parallel_loop3A_277 : i32
      %parallel_loop3A_279 = arith.index_cast %parallel_loop3A_278 : i32 to index
      %parallel_loop3A_280 = tpu.vector_load %arg5[%parallel_loop3A_279] {strides = array<i32>} : memref<40960xi32, #tpu.memory_space<vmem>>, vector<16xi32>,
      %parallel_loop3A_281 = arith.addi %parallel_loop3A_276, %parallel_loop3A_280 : vector<16xi32>
      %parallel_loop3A_282 = arith.constant 3840 : i32
      %parallel_loop3A_283 = arith.addi %parallel_loop3A_209, %parallel_loop3A_282 : i32
      %parallel_loop3A_284 = arith.index_cast %parallel_loop3A_283 : i32 to index
      %parallel_loop3A_285 = tpu.vector_load %arg5[%parallel_loop3A_284] {strides = array<i32>} : memref<40960xi32, #tpu.memory_space<vmem>>, vector<16xi32>,
      %parallel_loop3A_286 = arith.addi %parallel_loop3A_281, %parallel_loop3A_285 : vector<16xi32>
      %parallel_loop3A_287 = arith.constant 4096 : i32
      %parallel_loop3A_288 = arith.addi %parallel_loop3A_209, %parallel_loop3A_287 : i32
      %parallel_loop3A_289 = arith.index_cast %parallel_loop3A_288 : i32 to index
      %parallel_loop3A_290 = tpu.vector_load %arg5[%parallel_loop3A_289] {strides = array<i32>} : memref<40960xi32, #tpu.memory_space<vmem>>, vector<16xi32>,
      %parallel_loop3A_291 = arith.addi %parallel_loop3A_286, %parallel_loop3A_290 : vector<16xi32>
      %parallel_loop3A_292 = arith.constant 4352 : i32
      %parallel_loop3A_293 = arith.addi %parallel_loop3A_209, %parallel_loop3A_292 : i32
      %parallel_loop3A_294 = arith.index_cast %parallel_loop3A_293 : i32 to index
      %parallel_loop3A_295 = tpu.vector_load %arg5[%parallel_loop3A_294] {strides = array<i32>} : memref<40960xi32, #tpu.memory_space<vmem>>, vector<16xi32>,
      %parallel_loop3A_296 = arith.addi %parallel_loop3A_291, %parallel_loop3A_295 : vector<16xi32>
      %parallel_loop3A_297 = arith.constant 4608 : i32
      %parallel_loop3A_298 = arith.addi %parallel_loop3A_209, %parallel_loop3A_297 : i32
      %parallel_loop3A_299 = arith.index_cast %parallel_loop3A_298 : i32 to index
      %parallel_loop3A_300 = tpu.vector_load %arg5[%parallel_loop3A_299] {strides = array<i32>} : memref<40960xi32, #tpu.memory_space<vmem>>, vector<16xi32>,
      %parallel_loop3A_301 = arith.addi %parallel_loop3A_296, %parallel_loop3A_300 : vector<16xi32>
      %parallel_loop3A_302 = arith.constant 4864 : i32
      %parallel_loop3A_303 = arith.addi %parallel_loop3A_209, %parallel_loop3A_302 : i32
      %parallel_loop3A_304 = arith.index_cast %parallel_loop3A_303 : i32 to index
      %parallel_loop3A_305 = tpu.vector_load %arg5[%parallel_loop3A_304] {strides = array<i32>} : memref<40960xi32, #tpu.memory_space<vmem>>, vector<16xi32>,
      %parallel_loop3A_306 = arith.addi %parallel_loop3A_301, %parallel_loop3A_305 : vector<16xi32>
      %parallel_loop3A_307 = arith.constant 5120 : i32
      %parallel_loop3A_308 = arith.addi %parallel_loop3A_209, %parallel_loop3A_307 : i32
      %parallel_loop3A_309 = arith.index_cast %parallel_loop3A_308 : i32 to index
      %parallel_loop3A_310 = tpu.vector_load %arg5[%parallel_loop3A_309] {strides = array<i32>} : memref<40960xi32, #tpu.memory_space<vmem>>, vector<16xi32>,
      %parallel_loop3A_311 = arith.addi %parallel_loop3A_306, %parallel_loop3A_310 : vector<16xi32>
      %parallel_loop3A_312 = arith.constant 5376 : i32
      %parallel_loop3A_313 = arith.addi %parallel_loop3A_209, %parallel_loop3A_312 : i32
      %parallel_loop3A_314 = arith.index_cast %parallel_loop3A_313 : i32 to index
      %parallel_loop3A_315 = tpu.vector_load %arg5[%parallel_loop3A_314] {strides = array<i32>} : memref<40960xi32, #tpu.memory_space<vmem>>, vector<16xi32>,
      %parallel_loop3A_316 = arith.addi %parallel_loop3A_311, %parallel_loop3A_315 : vector<16xi32>
      %parallel_loop3A_317 = arith.constant 5632 : i32
      %parallel_loop3A_318 = arith.addi %parallel_loop3A_209, %parallel_loop3A_317 : i32
      %parallel_loop3A_319 = arith.index_cast %parallel_loop3A_318 : i32 to index
      %parallel_loop3A_320 = tpu.vector_load %arg5[%parallel_loop3A_319] {strides = array<i32>} : memref<40960xi32, #tpu.memory_space<vmem>>, vector<16xi32>,
      %parallel_loop3A_321 = arith.addi %parallel_loop3A_316, %parallel_loop3A_320 : vector<16xi32>
      %parallel_loop3A_322 = arith.constant 5888 : i32
      %parallel_loop3A_323 = arith.addi %parallel_loop3A_209, %parallel_loop3A_322 : i32
      %parallel_loop3A_324 = arith.index_cast %parallel_loop3A_323 : i32 to index
      %parallel_loop3A_325 = tpu.vector_load %arg5[%parallel_loop3A_324] {strides = array<i32>} : memref<40960xi32, #tpu.memory_space<vmem>>, vector<16xi32>,
      %parallel_loop3A_326 = arith.addi %parallel_loop3A_321, %parallel_loop3A_325 : vector<16xi32>
      %parallel_loop3A_327 = arith.constant 6144 : i32
      %parallel_loop3A_328 = arith.addi %parallel_loop3A_209, %parallel_loop3A_327 : i32
      %parallel_loop3A_329 = arith.index_cast %parallel_loop3A_328 : i32 to index
      %parallel_loop3A_330 = tpu.vector_load %arg5[%parallel_loop3A_329] {strides = array<i32>} : memref<40960xi32, #tpu.memory_space<vmem>>, vector<16xi32>,
      %parallel_loop3A_331 = arith.addi %parallel_loop3A_326, %parallel_loop3A_330 : vector<16xi32>
      %parallel_loop3A_332 = arith.constant 6400 : i32
      %parallel_loop3A_333 = arith.addi %parallel_loop3A_209, %parallel_loop3A_332 : i32
      %parallel_loop3A_334 = arith.index_cast %parallel_loop3A_333 : i32 to index
      %parallel_loop3A_335 = tpu.vector_load %arg5[%parallel_loop3A_334] {strides = array<i32>} : memref<40960xi32, #tpu.memory_space<vmem>>, vector<16xi32>,
      %parallel_loop3A_336 = arith.addi %parallel_loop3A_331, %parallel_loop3A_335 : vector<16xi32>
      %parallel_loop3A_337 = arith.constant 6656 : i32
      %parallel_loop3A_338 = arith.addi %parallel_loop3A_209, %parallel_loop3A_337 : i32
      %parallel_loop3A_339 = arith.index_cast %parallel_loop3A_338 : i32 to index
      %parallel_loop3A_340 = tpu.vector_load %arg5[%parallel_loop3A_339] {strides = array<i32>} : memref<40960xi32, #tpu.memory_space<vmem>>, vector<16xi32>,
      %parallel_loop3A_341 = arith.addi %parallel_loop3A_336, %parallel_loop3A_340 : vector<16xi32>
      %parallel_loop3A_342 = arith.constant 6912 : i32
      %parallel_loop3A_343 = arith.addi %parallel_loop3A_209, %parallel_loop3A_342 : i32
      %parallel_loop3A_344 = arith.index_cast %parallel_loop3A_343 : i32 to index
      %parallel_loop3A_345 = tpu.vector_load %arg5[%parallel_loop3A_344] {strides = array<i32>} : memref<40960xi32, #tpu.memory_space<vmem>>, vector<16xi32>,
      %parallel_loop3A_346 = arith.addi %parallel_loop3A_341, %parallel_loop3A_345 : vector<16xi32>
      %parallel_loop3A_347 = arith.constant 7168 : i32
      %parallel_loop3A_348 = arith.addi %parallel_loop3A_209, %parallel_loop3A_347 : i32
      %parallel_loop3A_349 = arith.index_cast %parallel_loop3A_348 : i32 to index
      %parallel_loop3A_350 = tpu.vector_load %arg5[%parallel_loop3A_349] {strides = array<i32>} : memref<40960xi32, #tpu.memory_space<vmem>>, vector<16xi32>,
      %parallel_loop3A_351 = arith.addi %parallel_loop3A_346, %parallel_loop3A_350 : vector<16xi32>
      %parallel_loop3A_352 = arith.constant 7424 : i32
      %parallel_loop3A_353 = arith.addi %parallel_loop3A_209, %parallel_loop3A_352 : i32
      %parallel_loop3A_354 = arith.index_cast %parallel_loop3A_353 : i32 to index
      %parallel_loop3A_355 = tpu.vector_load %arg5[%parallel_loop3A_354] {strides = array<i32>} : memref<40960xi32, #tpu.memory_space<vmem>>, vector<16xi32>,
      %parallel_loop3A_356 = arith.addi %parallel_loop3A_351, %parallel_loop3A_355 : vector<16xi32>
      %parallel_loop3A_357 = arith.constant 7680 : i32
      %parallel_loop3A_358 = arith.addi %parallel_loop3A_209, %parallel_loop3A_357 : i32
      %parallel_loop3A_359 = arith.index_cast %parallel_loop3A_358 : i32 to index
      %parallel_loop3A_360 = tpu.vector_load %arg5[%parallel_loop3A_359] {strides = array<i32>} : memref<40960xi32, #tpu.memory_space<vmem>>, vector<16xi32>,
      %parallel_loop3A_361 = arith.addi %parallel_loop3A_356, %parallel_loop3A_360 : vector<16xi32>
      %parallel_loop3A_362 = arith.constant 7936 : i32
      %parallel_loop3A_363 = arith.addi %parallel_loop3A_209, %parallel_loop3A_362 : i32
      %parallel_loop3A_364 = arith.index_cast %parallel_loop3A_363 : i32 to index
      %parallel_loop3A_365 = tpu.vector_load %arg5[%parallel_loop3A_364] {strides = array<i32>} : memref<40960xi32, #tpu.memory_space<vmem>>, vector<16xi32>,
      %parallel_loop3A_366 = arith.addi %parallel_loop3A_361, %parallel_loop3A_365 : vector<16xi32>
      %parallel_loop3A_367 = arith.index_cast %parallel_loop3A_209 : i32 to index
      %parallel_loop3A_368 = tpu.vector_load %arg5[%parallel_loop3A_367] {strides = array<i32>} : memref<40960xi32, #tpu.memory_space<vmem>>, vector<16xi32>,
      tpu.vector_store %arg5[%parallel_loop3A_367], %parallel_loop3A_366 {strides = array<i32>} : memref<40960xi32, #tpu.memory_space<vmem>>, vector<16xi32>,
    } {sc.loop_unroll_factor = 1 : i64, sc.parallel_access}
    %mul3A_199 = arith.constant 4 : i32
    %mul3A_200 = arith.muli %add3A, %mul3A_199 : i32
    %add3A_201 = arith.constant 3 : i32
    %add3A_202 = arith.addi %mul3A_200, %add3A_201 : i32
    %mul3A_203 = arith.constant 256 : i32
    %mul3A_204 = arith.muli %add3A_202, %mul3A_203 : i32
    "tpu.region"() ({
      %run_scoped3A = tpu.sem_alloc : memref<!tpu.dma_semaphore, #tpu.memory_space<semaphore_mem>>
      %dma_start3A_205 = arith.constant 24576 : i32
      %dma_start3A_206 = tpu.memref_slice %arg5[%dma_start3A_205] : memref<40960xi32, #tpu.memory_space<vmem>> -> memref<256xi32, #tpu.memory_space<vmem>>
      %dma_start3A_207 = tpu.memref_slice %arg4[%mul3A_204] : memref<32768xi32, #tpu.memory_space<hbm>> -> memref<256xi32, #tpu.memory_space<hbm>>
      %dma_start3A_208 = tpu.memref_slice %arg4[%mul3A_204] : memref<32768xi32, #tpu.memory_space<hbm>> -> memref<256xi32, #tpu.memory_space<hbm>>
      %dma_start3A_209 = arith.constant 24576 : i32
      %dma_start3A_210 = tpu.memref_slice %arg5[%dma_start3A_209] : memref<40960xi32, #tpu.memory_space<vmem>> -> memref<256xi32, #tpu.memory_space<vmem>>
      tpu.enqueue_dma source(%dma_start3A_210 : memref<256xi32, #tpu.memory_space<vmem>>) target(%dma_start3A_208 : memref<256xi32, #tpu.memory_space<hbm>>) target_semaphore(%run_scoped3A : memref<!tpu.dma_semaphore, #tpu.memory_space<semaphore_mem>>)
      %dma_wait3A_211 = arith.constant 24576 : i32
      %dma_wait3A_212 = tpu.memref_slice %arg5[%dma_wait3A_211] : memref<40960xi32, #tpu.memory_space<vmem>> -> memref<256xi32, #tpu.memory_space<vmem>>
      %dma_wait3A_213 = tpu.memref_slice %arg4[%mul3A_204] : memref<32768xi32, #tpu.memory_space<hbm>> -> memref<256xi32, #tpu.memory_space<hbm>>
      %dma_wait3A_214 = tpu.memref_slice %arg4[%mul3A_204] : memref<32768xi32, #tpu.memory_space<hbm>> -> memref<256xi32, #tpu.memory_space<hbm>>
      %dma_wait3A_215 = arith.constant 24576 : i32
      %dma_wait3A_216 = tpu.memref_slice %arg5[%dma_wait3A_215] : memref<40960xi32, #tpu.memory_space<vmem>> -> memref<256xi32, #tpu.memory_space<vmem>>
      tpu.wait_dma2 semaphore(%run_scoped3A : memref<!tpu.dma_semaphore, #tpu.memory_space<semaphore_mem>>) src(%dma_wait3A_216 : memref<256xi32, #tpu.memory_space<vmem>>) dst(%dma_wait3A_214 : memref<256xi32, #tpu.memory_space<hbm>>)
      tpu.yield
    }) : () -> ()
    return
  }
}

</mosaic_0001>

<sc_bundles>
// kernel: kernel.4.cloned.1.call-start
scs
__scs_entry_jumppad:
0x0: {  	(pc) =	sbr.rel $0x88, $3  }
0x1: {  	(tag) =	ssettag $0x0;
	lr =	simm.s32 $0x1  }
0x2: {  	[smem:$0x3F9E] =	sst lr;
	_ =	strace $0xD0000000  }
0x3: {  	_ = 	snop  }
0x4: {  	_ = 	snop  }
0x5: {  	_ = 	snop  }
0x6: {  	_ = 	snop  }
0x7: {  	_ = 	snop  }
__scs_overlays_trampoline_lowered:
0x8: {  	[smem:$0x3FAD] =	sst s0  }
0x9: {  	[smem:$0x3FAE] =	sst s1  }
0xa: {  	[smem:$0x3FAF] =	sst s2  }
0xb: {  	[smem:$0x3FB0] =	sst s3  }
0xc: {  	[smem:$0x3FB1] =	sst s4  }
0xd: {  	[smem:$0x3FB2] =	sst s5  }
0xe: {  	[smem:$0x3FB3] =	sst s6  }
0xf: {  	[smem:$0x3FB4] =	sst s7  }
0x10: {  	[smem:$0x3FB5] =	sst s8  }
0x11: {  	[smem:$0x3FB6] =	sst s9;
	s0 =	simm.s32 @!p0 $0x0  }
0x12: {  	s1 =	sld [smem:$0x3F9C];
	s0 =	simm.s32 @p0 $0x1  }
0x13: {  	[smem:$0x3FB7] =	sst s0;
	s0 =	simm.s32 @!p1 $0x0  }
0x14: {  	s2 =	sld [smem:$0x3F9B];
	s0 =	simm.s32 @p1 $0x1  }
0x15: {  	[smem:$0x3FB8] =	sst s0;
	s0 =	simm.s32 @!p2 $0x0  }
0x16: {  	s3 =	sld [smem:$0x3FDB];
	s0 =	simm.s32 @p2 $0x1  }
0x17: {  	s4 =	simm.s32 $0x1BF5;
	[smem:$0x3FBA] =	sst s0  }
0x18: {  	s0 =	sld [smem:$0x3F9D];
	_ =	swait.ge [sflag:s4], $0x0  }
0x19: {  	s7 =	sld [smem:$0x3F9E]  }
0x1a: {  	s8 =	sadd.s32 $0xFFFFE003, lr  }
0x1b: {  	s9 =	sadd.s32 $0xFFFFFEF7, lr;
	s5 =	simm.s32 $0xFFFFFFFF;
	p2 =	slt.u32 s8, $0xFFFFF086  }
0x1c: {  	p1 =	slt.u32 s9, $0xF7A;
	s5 =	simm.s32 @!p2 $0x0  }
0x1d: {  	s5 =	simm.s32 @p1 $0x1;
	p0 =	seq.s32 s7, s2  }
0x1e: {  	s7 =	smul.u32 @!p0 $0xF7A, s2;
	p2 =	seq.s32 @!p0 s5, $0x0  }
0x1f: {  	s9 =	smul.u32 $0xF7A, s1;
	s8 =	simm.s32 @!p0 $0x1BF5;
	p2 =	por !p2, p0  }
0x20: {  	[sflag:s8] =	ssyncset.s32 @!p0 $0xFFFFF086;
	s6 =	sadd.s32 @!p0 s3, s7;
	s7 =	simm.s32 @!p0 $0x108  }
0x21: {  	s3 =	sadd.s32 s3, s9;
	s6 =	sadd.s32 @!p0 $0x88, s6;
	s7 =	simm.s32 @p2 $0x1082  }
0x22: {  	[simem:s7], [sflag:s8] =	dma.local @!p0 [hbm:s6], $0xF7A  }
0x23: {  	s9 =	sor.u32 $0xD0000000, s2;
	s6 =	simm.s32 $0x108;
	_ =	swait.ge @!p0 [sflag:s8], $0x0  }
0x24: {  	s3 =	sadd.s32 $0x88, s3;
	s6 =	simm.s32 @!p1 $0x1082;
	[sflag:s4] =	ssyncset.s32 $0xFFFFF086  }
0x25: {  	[simem:s6], [sflag:s4] =	dma.local [hbm:s3], $0xF7A  }
0x26: {  	[smem:$0x3F9E] =	sst s1;
	(tag) =	ssettag s2;
	_ =	strace s9  }
0x27: {  	s1 =	sld [smem:$0x3FAE]  }
0x28: {  	s2 =	sld [smem:$0x3FAF]  }
0x29: {  	s4 =	sld [smem:$0x3FB1]  }
0x2a: {  	p0 =	seq.s32 s5, $0x0;
	s5 =	sld [smem:$0x3FB2]  }
0x2b: {  	s6 =	sld [smem:$0x3FB3]  }
0x2c: {  	s7 =	sld [smem:$0x3FB4]  }
0x2d: {  	s3 =	simm.s32 $0x108;
	s8 =	sld [smem:$0x3FB5]  }
0x2e: {  	s3 =	simm.s32 @!p0 $0x1082;
	s9 =	sld [smem:$0x3FB6]  }
0x2f: {  	lr =	sadd.s32 s0, s3;
	s0 =	sld [smem:$0x3FAD]  }
0x30: {  	s3 =	sld [smem:$0x3FB0]  }
0x31: {  	[smem:$0x3FB9] =	sst s10  }
0x32: {  	s10 =	sld [smem:$0x3FB7];
	_ =	sdelay $0x3  }
0x33: {  	p0 =	seq.s32 s10, $0x1;
	s10 =	sld [smem:$0x3FB9];
	_ =	sdelay $0x3  }
0x34: {  	[smem:$0x3FB9] =	sst s10  }
0x35: {  	s10 =	sld [smem:$0x3FB8];
	_ =	sdelay $0x3  }
0x36: {  	p1 =	seq.s32 s10, $0x1;
	s10 =	sld [smem:$0x3FB9];
	_ =	sdelay $0x3  }
0x37: {  	[smem:$0x3FB9] =	sst s10  }
0x38: {  	s10 =	sld [smem:$0x3FBA]  }
0x39: {  	_ = 	snop;
	(pc) =	sbr.ind lr, $3  }
0x3a: {  	_ = 	snop  }
0x3b: {  	_ = 	snop  }
0x3c: {  	p2 =	seq.s32 s10, $0x1;
	s10 =	sld [smem:$0x3FB9]  }
0x3d: {  	_ =	shalt  }
0x3e: {  	_ =	shalt  }
0x3f: {  	_ =	shalt  }
0x40: {  	_ =	shalt  }
0x41: {  	_ =	shalt  }
0x42: {  	_ =	shalt  }
0x43: {  	_ =	shalt  }
0x44: {  	_ =	shalt  }
0x45: {  	_ =	shalt  }
0x46: {  	_ =	shalt  }
0x47: {  	_ =	shalt  }
0x48: {  	_ =	shalt  }
0x49: {  	_ =	shalt  }
0x4a: {  	_ =	shalt  }
0x4b: {  	_ =	shalt  }
0x4c: {  	_ =	shalt  }
0x4d: {  	_ =	shalt  }
0x4e: {  	_ =	shalt  }
0x4f: {  	_ =	shalt  }
0x50: {  	_ =	shalt  }
0x51: {  	_ =	shalt  }
0x52: {  	_ =	shalt  }
0x53: {  	_ =	shalt  }
0x54: {  	_ =	shalt  }
0x55: {  	_ =	shalt  }
0x56: {  	_ =	shalt  }
0x57: {  	_ =	shalt  }
0x58: {  	_ =	shalt  }
0x59: {  	_ =	shalt  }
0x5a: {  	_ =	shalt  }
0x5b: {  	_ =	shalt  }
0x5c: {  	_ =	shalt  }
0x5d: {  	_ =	shalt  }
0x5e: {  	_ =	shalt  }
0x5f: {  	_ =	shalt  }
0x60: {  	_ =	shalt  }
0x61: {  	_ =	shalt  }
0x62: {  	_ =	shalt  }
0x63: {  	_ =	shalt  }
0x64: {  	_ =	shalt  }
0x65: {  	_ =	shalt  }
0x66: {  	_ =	shalt  }
0x67: {  	_ =	shalt  }
0x68: {  	_ =	shalt  }
0x69: {  	_ =	shalt  }
0x6a: {  	_ =	shalt  }
0x6b: {  	_ =	shalt  }
0x6c: {  	_ =	shalt  }
0x6d: {  	_ =	shalt  }
0x6e: {  	_ =	shalt  }
0x6f: {  	_ =	shalt  }
0x70: {  	_ =	shalt  }
0x71: {  	_ =	shalt  }
0x72: {  	_ =	shalt  }
0x73: {  	_ =	shalt  }
0x74: {  	_ =	shalt  }
0x75: {  	_ =	shalt  }
0x76: {  	_ =	shalt  }
0x77: {  	_ =	shalt  }
0x78: {  	_ =	shalt  }
0x79: {  	_ =	shalt  }
0x7a: {  	_ =	shalt  }
0x7b: {  	_ =	shalt  }
0x7c: {  	_ =	shalt  }
0x7d: {  	_ =	shalt  }
0x7e: {  	_ =	shalt  }
0x7f: {  	_ =	shalt  }
0x80: {  	_ =	shalt  }
0x81: {  	_ =	shalt  }
0x82: {  	_ =	shalt  }
0x83: {  	_ =	shalt  }
0x84: {  	_ =	shalt  }
0x85: {  	_ =	shalt  }
0x86: {  	_ =	shalt  }
0x87: {  	_ =	shalt  }
.Lfunc_end0:
.L_simem_size_0:
called_computation_lowered:
.L_overlay_start_0:
0x88: {  	s2 =	sld [smem:$0x3FD9]  }
0x89: {  	s3 =	sld [smem:$0x3FFE];
	_ =	sdelay $0x1  }
0x8a: {  	s1 =	srdreg.scid  }
0x8b: {  	s0 =	sand.u32 $0x1, s1  }
0x8c: {  	s17 =	sshll.u32 s0, $0xA;
	s2 =	sadd.s32 s3, s2  }
0x8d: {  	s2 =	sadd.s32 s2, s17  }
0x8e: {  	[smem:$0x3FC5] =	sst s2  }
0x8f: {  	_ = 	snop  }
0x90: {  	s2 =	sld [smem:$0x3FC9];
	(tm) =	ssettm $0x1  }
0x91: {  	s18 =	sld [smem:$0x3FFB];
	_ =	sdelay $0x3  }
0x92: {  	_ =	strace s18  }
0x93: {  	s3 =	sld [smem:$0x3FFC];
	_ =	sdelay $0x3  }
0x94: {  	_ =	strace s3  }
0x95: {  	s3 =	sld [smem:$0x3FFD];
	_ =	sdelay $0x3  }
0x96: {  	_ =	strace s3  }
0x97: {  	_ =	strace $0x8FFFFFFF  }
0x98: {  	s19 =	sld [smem:$0x3FDB];
	_ =	sdelay $0x1  }
0x99: {  	s4 =	simm.s32 $_scs_section_size  }
0x9a: {  	s5 =	simm.s32 $_size__tile_overlayer_lowered;
	s6 =	simm.s32 $_tile_overlayer_lowered  }
0x9b: {  	s22 =	simm.s32 $0x1BFF;
	s21 =	sshll.u32 s6, $0x1;
	s3 =	sadd.s32 s4, s19  }
0x9c: {  	s7 =	simm.s32 $0x0;
	s20 =	sshll.u32 s5, $0x1;
	s5 =	sadd.s32 s21, s3  }
0x9d: {  	[timem:s7], [sflag:s22] =	dma.local [hbm:s5], s20  }
0x9e: {  	_ =	swait.ge [sflag:s22], s20  }
0x9f: {  	s4 =	ssub.s32 $0x0, s20;
	[sflag:s22] =	ssyncset.done $0x0  }
0xa0: {  	[sflag:s22] =	ssyncadd.s32 s4;
	_ =	sdelay $0x1  }
0xa1: {  	s23 =	simm.s32 $0x1B8B  }
0xa2: {  	_ =	swait.ge [sflag:s23], $0x1  }
0xa3: {  	[sflag:s23] =	ssyncset.done $0x0  }
0xa4: {  	s25 =	simm.s32 $0x1B8E;
	s24 =	sld [smem:$0x3FFE];
	[sflag:s23] =	ssyncadd.s32 $0xFFFFFFFF  }
0xa5: {  	s26 =	simm.s32 $execute0_lowered;
	[smem:$0x3FD2] =	sst s25  }
0xa6: {  	s5 =	sshll.u32 s26, $0x1;
	_ =	strace $0x80000046;
	[dreg:$0x1] =	wrdreg $0xFFFFFFFF  }
0xa7: {  	s28 =	simm.s32 $_size_execute0_lowered;
	s3 =	sadd.s32 s3, s5;
	[dreg:$0x0] =	wrdreg $0x0  }
0xa8: {  	s5 =	sshll.u32 s28, $0x1;
	[dreg:$0x2] =	wrdreg s3  }
0xa9: {  	[dreg:$0x3] =	wrdreg s5  }
0xaa: {  	[dreg:$0x4] =	wrdreg $0xC0  }
0xab: {  	_ =	task [dreg:s7], $0x5FFFF  }
0xac: {  	[dreg:$0x1] =	wrdreg $0xFFFFFFFF  }
0xad: {  	[dreg:$0x0] =	wrdreg $0x60  }
0xae: {  	[dreg:$0x2] =	wrdreg s2  }
0xaf: {  	[dreg:$0x3] =	wrdreg s24  }
0xb0: {  	[dreg:$0x4] =	wrdreg $0x9  }
0xb1: {  	_ =	task.clear_ibuf [dreg:s7], $0x5FFFF;
	_ =	strace $0x90000046  }
0xb2: {  	s29 =	simm.s32 $0x9;
	_ =	strace $0x80000048  }
0xb3: {  	_ =	swait.ge [sflag:s29], $0x1  }
0xb4: {  	[sflag:s29] =	ssyncadd.s32 $0xFFFFFFFF  }
0xb5: {  	_ =	strace $0x90000048  }
0xb6: {  	_ =	sfence  }
0xb7: {  	s30 =	sld [smem:$0x0];
	_ =	sdelay $0x2  }
0xb8: {  	s31 =	sshll.u32 s1, $0xD;
	s1 =	sshrl.u32 s1, $0x2  }
0xb9: {  	s3 =	sand.u32 $0x4000, s31;
	s1 =	sadd.s32 s1, s30  }
0xba: {  	s0 =	sor.u32 s3, s0;
	s1 =	sshll.u32 s1, $0x11  }
0xbb: {  	s0 =	sor.u32 s1, s0  }
0xbc: {  	s0 =	sadd.s32 $0x8F2B, s0  }
0xbd: {  	[sflag:s0] =	ssyncadd.remote.s32 $0x1  }
0xbe: {  	_ =	sfence.sel $0xFFFF  }
0xbf: {  	[dreg:$0x0] =	wrdreg $0xFFFFFFFF;
	(pc) =	sbr.abs _section_cstart, $3  }
0xc0: {  	[dreg:$0x1] =	wrdreg $0xFFFFFFFF  }
0xc1: {  	_ =	task.clear_ibuf [dreg:s7], $0x2FFFF;
	_ =	strace $0x9FFFFFFF  }
0xc2: {  	(tm) =	ssettm $0x7FFFFFFF  }
0xc3: {  	_ =	shalt  }
tec
execute0_lowered:
.L_overlay_start_1:
0x0: {  	(tag) =	ssettag $0x1  }
0x1: {  	s3 =	rddreg [dreg:$0x0]  }
0x2: {  	s7 =	rddreg [dreg:$0x1]  }
0x3: {  	s0 =	rddreg [dreg:$0x2];
	s4 =	srdreg.scid  }
0x4: {  	s2 =	simm.s32 $0x0;
	s1 =	stileid.u32;
	s11 =	simm.s32 $0x3  }
0x5: {  	s12 =	simm.s32 $0x0;
	s6 =	sand.u32 $0x1, s4;
	s8 =	sshll.u32 s1, $0xF  }
0x6: {  	[smem:$0x7FF] =	sst s2;
	s10 =	sshll.u32 s1, $0x8;
	s4 =	ssub.s32 $0x2, s6  }
0x7: {  	s5 =	sshll.u32 s6, $0x6;
	_ =	strace $0x80000047;
	s31 =	sshll.u32 s6, $0x7  }
0x8: {  	v0 =	vlaneseq.u32;
	s9 =	sshrl.u32 s4, $0x1;
	s5 =	sor.u32 s5, s8;
	s7 =	sadd.s32 s7, s31  }
0x9: {  	v0 =	vmul.u32 $0x400, v0;
	s30 =	ssub.s32 s4, s9;
	s3 =	sadd.s32 s3, s5;
	s7 =	sadd.s32 s10, s7  }
0xa: {  	s9 =	simm.s32 $0x1;
	s10 =	simm.s32 $0x2;
	s4 =	sadd.s32 $0x10, s3  }
0xb: {  	v1 =	vimm.s32 $0x0;
	v3 =	vimm.s32 $0x1;
	v2 =	vor.u32 $0x4000, v0;
	s5 =	sadd.s32 $0x20, s3;
	s6 =	sadd.s32 $0x30, s3;
	s8 =	smax.u32 s30, $0x1  }
.LBB2_1:
0xc: {  	s13 =	simm.s32 $0x8000  }
0xd: {  	s14 =	simm.s32 $0x80;
	s16 =	sadd.s32 $0x0, s3;
	s15 =	simm.s32 $0x8100  }
.LBB2_2:
0xe: {  	[tilespmem:s13], [sflag:$0x1] =	stream.linear.gather [hbm4b:s16+s2], $0x80, $0x38;
	[tilespmem:$0x18000] =	vst v63  }
0xf: {  	s16 =	smov.u32 s14;
	s13 =	smov.u32 s15;
	p0 =	sne.s32 s14, $0x7F80  }
.Ltmp0:
0x10: {  	s14 =	sadd.s32 $0x80, s14;
	(pc) =	sbr.rel @p0 .LBB2_2-.Ltmp0, $2  }
0x11: {  	_ =	sdelay $0x2  }
0x12: {  	s15 =	sadd.s32 $0x100, s15;
	s16 =	sadd.s32 s16, s3  }
0x13: {  	[tilespmem:s13], [sflag:$0x1] =	stream.linear.gather [hbm4b:s16+s2], $0x80, $0x38;
	[tilespmem:$0x18000] =	vst v63  }
0x14: {  	s13 =	simm.s32 $0x0;
	s14 =	simm.s32 $0x8080  }
0x15: {  	s15 =	simm.s32 $0x80;
	s17 =	sadd.s32 $0x0, s4;
	s16 =	simm.s32 $0x8180  }
.LBB2_4:
0x16: {  	[tilespmem:s14], [sflag:$0x2] =	stream.linear.gather [hbm4b:s17+s13], $0x80, $0x38;
	[tilespmem:$0x18000] =	vst v63  }
0x17: {  	s17 =	smov.u32 s15;
	s14 =	smov.u32 s16;
	p0 =	sne.s32 s15, $0x7F80  }
.Ltmp1:
0x18: {  	s15 =	sadd.s32 $0x80, s15;
	(pc) =	sbr.rel @p0 .LBB2_4-.Ltmp1, $2  }
0x19: {  	_ =	sdelay $0x2  }
0x1a: {  	s16 =	sadd.s32 $0x100, s16;
	s17 =	sadd.s32 s17, s4  }
0x1b: {  	[tilespmem:s14], [sflag:$0x2] =	stream.linear.gather [hbm4b:s17+s13], $0x80, $0x38;
	[tilespmem:$0x18000] =	vst v63  }
0x1c: {  	s13 =	simm.s32 $0x40;
	s14 =	simm.s32 $0x0  }
.LBB2_6:
0x1d: {  	p0 =	sne.s32 s13, $0x1FFC0;
	[tilespmem:s14+$0x0] =	vst v1;
	s14 =	smov.u32 s13;
	s13 =	sadd.s32 $0x40, s13  }
.Ltmp2:
0x1e: {  	(pc) =	sbr.rel @p0 .LBB2_6-.Ltmp2, $2  }
0x1f: {  	_ =	sdelay $0x2  }
0x20: {  	s14 =	sshra.s32 s14, $0x2  }
0x21: {  	[tilespmem:s14+$0x0] =	vst v1  }
0x22: {  	_ =	swait.ge [sflag:s9], $0x8000  }
0x23: {  	[sflag:s9] =	ssyncset.done $0x0  }
0x24: {  	s31 =	simm.s32 $0x8040;
	[sflag:s9] =	ssyncadd.s32 $0xFFFF8000  }
0x25: {  	v4 =	vld [tilespmem:s31+$0x20];
	_ =	sdelay $0x4  }
0x26: {  	v5 =	vshra.s32 v4, $0x1F  }
0x27: {  	v5 =	vor.u32 $0x80000000, v5  }
0x28: {  	v4 =	vxor.u32 v4, v5  }
0x29: {  	v4 =	vshrl.u32 v4, $0x16  }
0x2a: {  	v5 =	vand.u32 $0x380, v4  }
0x2b: {  	v6 =	vld [tilespmem:s31+$0xFFFFFFC0];
	v4 =	vand.u32 $0x7F, v4;
	v5 =	vor.u32 v0, v5  }
0x2c: {  	v4 =	vor.u32 v4, v5;
	v5 =	vld [tilespmem:s31+$0xFFFFFFE0]  }
0x2d: {  	v7 =	vld [tilespmem:s31+$0x0];
	_ =	sdelay $0x2  }
0x2e: {  	v8 =	vshra.s32 v6, $0x1F  }
0x2f: {  	v8 =	vor.u32 $0x80000000, v8;
	[tilespmem:v4+s2+$0x0] =	vst.idx.add.s32.msk $0xffff, v3;
	v4 =	vshra.s32 v5, $0x1F  }
0x30: {  	v10 =	vshra.s32 v7, $0x1F;
	v6 =	vxor.u32 v6, v8;
	v4 =	vor.u32 $0x80000000, v4  }
0x31: {  	s13 =	simm.s32 $0x8140;
	v8 =	vor.u32 $0x80000000, v10;
	v9 =	vld [tilespmem:s31+$0x30];
	v4 =	vxor.u32 v5, v4;
	v5 =	vshrl.u32 v6, $0x16  }
0x32: {  	v11 =	vld [tilespmem:s13+$0x20];
	v6 =	vxor.u32 v7, v8;
	v7 =	vand.u32 $0x380, v5;
	v4 =	vshrl.u32 v4, $0x16  }
0x33: {  	v6 =	vshrl.u32 v6, $0x16;
	v5 =	vand.u32 $0x7F, v5;
	v7 =	vor.u32 v0, v7  }
0x34: {  	v13 =	vld [tilespmem:s13+$0xFFFFFFE0];
	v8 =	vand.u32 $0x380, v4;
	v10 =	vand.u32 $0x380, v6;
	v4 =	vand.u32 $0x7F, v4  }
0x35: {  	v6 =	vand.u32 $0x7F, v6;
	v8 =	vor.u32 v0, v8;
	v5 =	vor.u32 v5, v7  }
0x36: {  	v10 =	vor.u32 v0, v10;
	v12 =	vshra.s32 v9, $0x1F;
	v4 =	vor.u32 v4, v8;
	v8 =	vld [tilespmem:s13+$0xFFFFFFC0]  }
0x37: {  	v60 =	vshra.s32 v11, $0x1F;
	v6 =	vor.u32 v6, v10;
	v12 =	vor.u32 $0x80000000, v12  }
0x38: {  	v7 =	vld [tilespmem:s13+$0x0];
	v9 =	vxor.u32 v9, v12;
	v12 =	vor.u32 $0x80000000, v60  }
0x39: {  	v14 =	vshra.s32 v13, $0x1F;
	v9 =	vshrl.u32 v9, $0x16;
	v11 =	vxor.u32 v11, v12  }
0x3a: {  	v10 =	vand.u32 $0x380, v9;
	v9 =	vand.u32 $0x7F, v9;
	[tilespmem:v5+s2+$0x0] =	vst.idx.add.s32.msk $0xffff, v3;
	v5 =	vor.u32 $0x80000000, v14  }
0x3b: {  	v11 =	vshrl.u32 v11, $0x16;
	v10 =	vor.u32 v2, v10;
	[tilespmem:v4+s2+$0x0] =	vst.idx.add.s32.msk $0xffff, v3;
	v4 =	vshra.s32 v8, $0x1F  }
0x3c: {  	[tilespmem:v6+s2+$0x0] =	vst.idx.add.s32.msk $0xffff, v3;
	v5 =	vxor.u32 v13, v5;
	v6 =	vand.u32 $0x380, v11;
	v9 =	vor.u32 v9, v10  }
0x3d: {  	v10 =	vshra.s32 v7, $0x1F;
	v4 =	vor.u32 $0x80000000, v4;
	v6 =	vor.u32 v0, v6  }
0x3e: {  	v5 =	vshrl.u32 v5, $0x16;
	v10 =	vor.u32 $0x80000000, v10;
	v4 =	vxor.u32 v8, v4  }
0x3f: {  	v61 =	vld [tilespmem:s31+$0xFFFFFFD0];
	v8 =	vand.u32 $0x7F, v11;
	v62 =	vand.u32 $0x380, v5;
	v7 =	vxor.u32 v7, v10  }
0x40: {  	v11 =	vld [tilespmem:s31+$0xFFFFFFF0];
	v4 =	vshrl.u32 v4, $0x16;
	v6 =	vor.u32 v8, v6;
	v7 =	vshrl.u32 v7, $0x16  }
0x41: {  	v8 =	vld [tilespmem:s31+$0x10];
	v13 =	vor.u32 v0, v62;
	v10 =	vand.u32 $0x380, v4;
	v63 =	vand.u32 $0x380, v7  }
0x42: {  	v4 =	vand.u32 $0x7F, v4;
	v10 =	vor.u32 v0, v10;
	v14 =	vor.u32 v0, v63  }
0x43: {  	v10 =	vor.u32 v4, v10;
	v4 =	vand.u32 $0x7F, v5;
	v5 =	vand.u32 $0x7F, v7  }
0x44: {  	[tilespmem:v9+s2+$0x0] =	vst.idx.add.s32.msk $0xffff, v3;
	v13 =	vor.u32 v4, v13;
	v4 =	vor.u32 v5, v14;
	v5 =	vshra.s32 v61, $0x1F  }
0x45: {  	v5 =	vor.u32 $0x80000000, v5;
	[tilespmem:v6+s2+$0x0] =	vst.idx.add.s32.msk $0xffff, v3  }
0x46: {  	v7 =	vshra.s32 v11, $0x1F;
	v9 =	vshra.s32 v8, $0x1F;
	v6 =	vxor.u32 v61, v5;
	v5 =	vld [tilespmem:s13+$0x30]  }
0x47: {  	v7 =	vor.u32 $0x80000000, v7;
	v9 =	vor.u32 $0x80000000, v9  }
0x48: {  	v7 =	vxor.u32 v11, v7;
	v6 =	vshrl.u32 v6, $0x16;
	v9 =	vxor.u32 v8, v9  }
0x49: {  	v8 =	vshrl.u32 v7, $0x16;
	[tilespmem:v10+s2+$0x0] =	vst.idx.add.s32.msk $0xffff, v3;
	v10 =	vand.u32 $0x380, v6;
	v7 =	vshrl.u32 v9, $0x16  }
0x4a: {  	s14 =	simm.s32 $0x4;
	s15 =	simm.s32 $0x8240;
	v11 =	vand.u32 $0x380, v8;
	[tilespmem:v13+s2+$0x0] =	vst.idx.add.s32.msk $0xffff, v3;
	v9 =	vor.u32 v2, v10;
	v10 =	vand.u32 $0x380, v7  }
.LBB2_8:
0x4b: {  	v12 =	vld [tilespmem:s15+$0x20];
	s14 =	sadd.s32 $0x4, s14;
	v13 =	vshra.s32 v5, $0x1F;
	v11 =	vor.u32 v2, v11;
	v10 =	vor.u32 v2, v10  }
0x4c: {  	v6 =	vand.u32 $0x7F, v6;
	v8 =	vand.u32 $0x7F, v8;
	v14 =	vld [tilespmem:s15+$0xFFFFFFE0];
	p0 =	slt.u32 s14, $0x3FC;
	v13 =	vor.u32 $0x80000000, v13  }
0x4d: {  	v7 =	vand.u32 $0x7F, v7;
	v6 =	vor.u32 v6, v9;
	v15 =	vld [tilespmem:s15+$0x0];
	v5 =	vxor.u32 v5, v13  }
0x4e: {  	v8 =	vor.u32 v8, v11;
	v7 =	vor.u32 v7, v10;
	v9 =	vld [tilespmem:s15+$0xFFFFFFC0];
	v5 =	vshrl.u32 v5, $0x16  }
0x4f: {  	[tilespmem:v4+s2+$0x0] =	vst.idx.add.s32.msk $0xffff, v3;
	v4 =	vand.u32 $0x380, v5  }
0x50: {  	v5 =	vand.u32 $0x7F, v5;
	v10 =	vshra.s32 v12, $0x1F;
	v11 =	vld [tilespmem:s13+$0xFFFFFFD0];
	v4 =	vor.u32 v2, v4  }
0x51: {  	v13 =	vshra.s32 v14, $0x1F;
	v10 =	vor.u32 $0x80000000, v10;
	v16 =	vld [tilespmem:s13+$0xFFFFFFF0];
	v4 =	vor.u32 v5, v4  }
0x52: {  	v5 =	vor.u32 $0x80000000, v13;
	v13 =	vshra.s32 v15, $0x1F;
	v10 =	vxor.u32 v12, v10;
	v12 =	vld [tilespmem:s13+$0x10];
	s13 =	smov.u32 s15  }
0x53: {  	v17 =	vshra.s32 v9, $0x1F;
	v13 =	vor.u32 $0x80000000, v13;
	v10 =	vshrl.u32 v10, $0x16;
	[tilespmem:v6+s2+$0x0] =	vst.idx.add.s32.msk $0xffff, v3  }
0x54: {  	v5 =	vxor.u32 v14, v5;
	v6 =	vor.u32 $0x80000000, v17;
	v14 =	vand.u32 $0x380, v10;
	[tilespmem:v8+s2+$0x0] =	vst.idx.add.s32.msk $0xffff, v3  }
0x55: {  	v8 =	vand.u32 $0x7F, v10;
	v6 =	vxor.u32 v9, v6;
	v9 =	vor.u32 v0, v14;
	[tilespmem:v7+s2+$0x0] =	vst.idx.add.s32.msk $0xffff, v3  }
0x56: {  	v7 =	vxor.u32 v15, v13;
	v6 =	vshrl.u32 v6, $0x16;
	v8 =	vor.u32 v8, v9;
	[tilespmem:v4+s2+$0x0] =	vst.idx.add.s32.msk $0xffff, v3  }
0x57: {  	v5 =	vshrl.u32 v5, $0x16;
	v7 =	vshrl.u32 v7, $0x16;
	v4 =	vand.u32 $0x380, v6  }
0x58: {  	v9 =	vand.u32 $0x380, v5;
	v10 =	vand.u32 $0x380, v7;
	v4 =	vor.u32 v0, v4  }
0x59: {  	v6 =	vand.u32 $0x7F, v6;
	v9 =	vor.u32 v0, v9;
	v10 =	vor.u32 v0, v10  }
0x5a: {  	v13 =	vor.u32 v6, v4;
	v4 =	vand.u32 $0x7F, v5;
	v5 =	vand.u32 $0x7F, v7  }
0x5b: {  	v6 =	vshra.s32 v11, $0x1F;
	v9 =	vor.u32 v4, v9;
	v4 =	vor.u32 v5, v10;
	[tilespmem:v8+s2+$0x0] =	vst.idx.add.s32.msk $0xffff, v3  }
.Ltmp3:
0x5c: {  	v7 =	vshra.s32 v16, $0x1F;
	v6 =	vor.u32 $0x80000000, v6;
	v8 =	vshra.s32 v12, $0x1F;
	v5 =	vld [tilespmem:s15+$0x30];
	(pc) =	sbr.rel @p0 .LBB2_8-.Ltmp3, $4  }
0x5d: {  	v7 =	vor.u32 $0x80000000, v7;
	v6 =	vxor.u32 v11, v6;
	v8 =	vor.u32 $0x80000000, v8  }
0x5e: {  	v7 =	vxor.u32 v16, v7;
	v6 =	vshrl.u32 v6, $0x16;
	v10 =	vxor.u32 v12, v8  }
0x5f: {  	v11 =	vand.u32 $0x380, v6;
	v8 =	vshrl.u32 v7, $0x16;
	v7 =	vshrl.u32 v10, $0x16;
	[tilespmem:v13+s2+$0x0] =	vst.idx.add.s32.msk $0xffff, v3  }
0x60: {  	s15 =	sadd.s32 $0x100, s15;
	v10 =	vand.u32 $0x380, v7;
	[tilespmem:v9+s2+$0x0] =	vst.idx.add.s32.msk $0xffff, v3;
	v9 =	vor.u32 v2, v11;
	v11 =	vand.u32 $0x380, v8  }
0x61: {  	_ =	sdelay $0x3  }
0x62: {  	[tilespmem:v4+s2+$0x0] =	vst.idx.add.s32.msk $0xffff, v3  }
0x63: {  	v4 =	vshra.s32 v5, $0x1F;
	v12 =	vld [tilespmem:s13+$0xFFFFFFD0]  }
0x64: {  	v11 =	vor.u32 v2, v11;
	v13 =	vld [tilespmem:s13+$0xFFFFFFF0];
	v4 =	vor.u32 $0x80000000, v4  }
0x65: {  	v10 =	vor.u32 v2, v10;
	v6 =	vand.u32 $0x7F, v6;
	v4 =	vxor.u32 v5, v4;
	v5 =	vld [tilespmem:s13+$0x10]  }
0x66: {  	v8 =	vand.u32 $0x7F, v8;
	v7 =	vand.u32 $0x7F, v7;
	v4 =	vshrl.u32 v4, $0x16  }
0x67: {  	v6 =	vor.u32 v6, v9;
	v8 =	vor.u32 v8, v11;
	v55 =	vand.u32 $0x380, v4  }
0x68: {  	v7 =	vor.u32 v7, v10;
	v4 =	vand.u32 $0x7F, v4;
	v9 =	vor.u32 v2, v55  }
0x69: {  	v56 =	vshra.s32 v12, $0x1F;
	v58 =	vshra.s32 v13, $0x1F;
	v4 =	vor.u32 v4, v9  }
0x6a: {  	v57 =	vor.u32 $0x80000000, v56;
	v10 =	vor.u32 $0x80000000, v58;
	v59 =	vshra.s32 v5, $0x1F  }
0x6b: {  	v9 =	vxor.u32 v12, v57;
	v10 =	vxor.u32 v13, v10;
	v11 =	vor.u32 $0x80000000, v59  }
0x6c: {  	v9 =	vshrl.u32 v9, $0x16;
	v10 =	vshrl.u32 v10, $0x16;
	v5 =	vxor.u32 v5, v11  }
0x6d: {  	v60 =	vand.u32 $0x380, v9;
	v9 =	vand.u32 $0x7F, v9;
	v61 =	vand.u32 $0x380, v10  }
0x6e: {  	v10 =	vand.u32 $0x7F, v10;
	v11 =	vor.u32 v2, v60;
	v5 =	vshrl.u32 v5, $0x16  }
0x6f: {  	v12 =	vor.u32 v2, v61;
	v9 =	vor.u32 v9, v11;
	v62 =	vand.u32 $0x380, v5  }
0x70: {  	[tilespmem:v6+s2+$0x0] =	vst.idx.add.s32.msk $0xffff, v3;
	v5 =	vand.u32 $0x7F, v5;
	v10 =	vor.u32 v10, v12;
	v63 =	vor.u32 v2, v62  }
0x71: {  	[tilespmem:v8+s2+$0x0] =	vst.idx.add.s32.msk $0xffff, v3;
	v5 =	vor.u32 v5, v63  }
0x72: {  	[tilespmem:v7+s2+$0x0] =	vst.idx.add.s32.msk $0xffff, v3  }
0x73: {  	[tilespmem:v4+s2+$0x0] =	vst.idx.add.s32.msk $0xffff, v3  }
0x74: {  	[tilespmem:v9+s2+$0x0] =	vst.idx.add.s32.msk $0xffff, v3  }
0x75: {  	s14 =	simm.s32 $0x80;
	[tilespmem:v10+s2+$0x0] =	vst.idx.add.s32.msk $0xffff, v3  }
0x76: {  	s16 =	sadd.s32 $0x0, s5;
	s15 =	simm.s32 $0x8100;
	s13 =	simm.s32 $0x8000;
	[tilespmem:v5+s2+$0x0] =	vst.idx.add.s32.msk $0xffff, v3  }
.LBB2_10:
0x77: {  	[tilespmem:s13], [sflag:$0x1] =	stream.linear.gather [hbm4b:s16+s2], $0x80, $0x38;
	[tilespmem:$0x18000] =	vst v63  }
0x78: {  	s16 =	smov.u32 s14;
	s13 =	smov.u32 s15;
	p0 =	sne.s32 s14, $0x7F80  }
.Ltmp4:
0x79: {  	s14 =	sadd.s32 $0x80, s14;
	(pc) =	sbr.rel @p0 .LBB2_10-.Ltmp4, $2  }
0x7a: {  	_ =	sdelay $0x2  }
0x7b: {  	s15 =	sadd.s32 $0x100, s15;
	s16 =	sadd.s32 s16, s5  }
0x7c: {  	[tilespmem:s13], [sflag:$0x1] =	stream.linear.gather [hbm4b:s16+s2], $0x80, $0x38;
	[tilespmem:$0x18000] =	vst v63  }
0x7d: {  	_ =	swait.ge [sflag:s10], $0x8000  }
0x7e: {  	[sflag:s10] =	ssyncset.done $0x0  }
0x7f: {  	s14 =	simm.s32 $0x80F0;
	[sflag:s10] =	ssyncadd.s32 $0xFFFF8000  }
0x80: {  	v4 =	vld [tilespmem:s14+$0xFFFFFFF0];
	_ =	sdelay $0x4  }
0x81: {  	v5 =	vshra.s32 v4, $0x1F  }
0x82: {  	v5 =	vor.u32 $0x80000000, v5  }
0x83: {  	v4 =	vxor.u32 v4, v5  }
0x84: {  	v4 =	vshrl.u32 v4, $0x16  }
0x85: {  	v5 =	vand.u32 $0x380, v4  }
0x86: {  	v6 =	vld [tilespmem:s14+$0xFFFFFF90];
	v4 =	vand.u32 $0x7F, v4;
	v5 =	vor.u32 v0, v5  }
0x87: {  	v4 =	vor.u32 v4, v5;
	v5 =	vld [tilespmem:s14+$0xFFFFFFB0]  }
0x88: {  	v7 =	vld [tilespmem:s14+$0xFFFFFFD0];
	_ =	sdelay $0x2  }
0x89: {  	v8 =	vshra.s32 v6, $0x1F  }
0x8a: {  	v8 =	vor.u32 $0x80000000, v8;
	[tilespmem:v4+s2+$0x0] =	vst.idx.add.s32.msk $0xffff, v3;
	v4 =	vshra.s32 v5, $0x1F  }
0x8b: {  	v10 =	vshra.s32 v7, $0x1F;
	v6 =	vxor.u32 v6, v8;
	v4 =	vor.u32 $0x80000000, v4  }
0x8c: {  	s13 =	simm.s32 $0x81F0;
	v8 =	vor.u32 $0x80000000, v10;
	v9 =	vld [tilespmem:s14+$0x0];
	v4 =	vxor.u32 v5, v4;
	v5 =	vshrl.u32 v6, $0x16  }
0x8d: {  	v11 =	vld [tilespmem:s13+$0xFFFFFFF0];
	v6 =	vxor.u32 v7, v8;
	v7 =	vand.u32 $0x380, v5;
	v4 =	vshrl.u32 v4, $0x16  }
0x8e: {  	v6 =	vshrl.u32 v6, $0x16;
	v5 =	vand.u32 $0x7F, v5;
	v7 =	vor.u32 v0, v7  }
0x8f: {  	v13 =	vld [tilespmem:s13+$0xFFFFFFB0];
	v8 =	vand.u32 $0x380, v4;
	v10 =	vand.u32 $0x380, v6;
	v4 =	vand.u32 $0x7F, v4  }
0x90: {  	v6 =	vand.u32 $0x7F, v6;
	v8 =	vor.u32 v0, v8;
	v5 =	vor.u32 v5, v7  }
0x91: {  	v10 =	vor.u32 v0, v10;
	v12 =	vshra.s32 v9, $0x1F;
	v4 =	vor.u32 v4, v8;
	v8 =	vld [tilespmem:s13+$0xFFFFFF90]  }
0x92: {  	v60 =	vshra.s32 v11, $0x1F;
	v6 =	vor.u32 v6, v10;
	v12 =	vor.u32 $0x80000000, v12  }
0x93: {  	v7 =	vld [tilespmem:s13+$0xFFFFFFD0];
	v9 =	vxor.u32 v9, v12;
	v12 =	vor.u32 $0x80000000, v60  }
0x94: {  	v14 =	vshra.s32 v13, $0x1F;
	v9 =	vshrl.u32 v9, $0x16;
	v11 =	vxor.u32 v11, v12  }
0x95: {  	v10 =	vand.u32 $0x380, v9;
	v9 =	vand.u32 $0x7F, v9;
	[tilespmem:v5+s2+$0x0] =	vst.idx.add.s32.msk $0xffff, v3;
	v5 =	vor.u32 $0x80000000, v14  }
0x96: {  	v11 =	vshrl.u32 v11, $0x16;
	v10 =	vor.u32 v2, v10;
	[tilespmem:v4+s2+$0x0] =	vst.idx.add.s32.msk $0xffff, v3;
	v4 =	vshra.s32 v8, $0x1F  }
0x97: {  	[tilespmem:v6+s2+$0x0] =	vst.idx.add.s32.msk $0xffff, v3;
	v5 =	vxor.u32 v13, v5;
	v6 =	vand.u32 $0x380, v11;
	v9 =	vor.u32 v9, v10  }
0x98: {  	v10 =	vshra.s32 v7, $0x1F;
	v4 =	vor.u32 $0x80000000, v4;
	v6 =	vor.u32 v0, v6  }
0x99: {  	v5 =	vshrl.u32 v5, $0x16;
	v10 =	vor.u32 $0x80000000, v10;
	v4 =	vxor.u32 v8, v4  }
0x9a: {  	v61 =	vld [tilespmem:s14+$0xFFFFFFA0];
	v8 =	vand.u32 $0x7F, v11;
	v62 =	vand.u32 $0x380, v5;
	v7 =	vxor.u32 v7, v10  }
0x9b: {  	v11 =	vld [tilespmem:s14+$0xFFFFFFC0];
	v4 =	vshrl.u32 v4, $0x16;
	v6 =	vor.u32 v8, v6;
	v7 =	vshrl.u32 v7, $0x16  }
0x9c: {  	v8 =	vld [tilespmem:s14+$0xFFFFFFE0];
	v13 =	vor.u32 v0, v62;
	v10 =	vand.u32 $0x380, v4;
	v63 =	vand.u32 $0x380, v7  }
0x9d: {  	v4 =	vand.u32 $0x7F, v4;
	v10 =	vor.u32 v0, v10;
	v14 =	vor.u32 v0, v63  }
0x9e: {  	v10 =	vor.u32 v4, v10;
	v4 =	vand.u32 $0x7F, v5;
	v5 =	vand.u32 $0x7F, v7  }
0x9f: {  	[tilespmem:v9+s2+$0x0] =	vst.idx.add.s32.msk $0xffff, v3;
	v13 =	vor.u32 v4, v13;
	v4 =	vor.u32 v5, v14;
	v5 =	vshra.s32 v61, $0x1F  }
0xa0: {  	v5 =	vor.u32 $0x80000000, v5;
	[tilespmem:v6+s2+$0x0] =	vst.idx.add.s32.msk $0xffff, v3  }
0xa1: {  	v7 =	vshra.s32 v11, $0x1F;
	v9 =	vshra.s32 v8, $0x1F;
	v6 =	vxor.u32 v61, v5;
	v5 =	vld [tilespmem:s13+$0x0]  }
0xa2: {  	v7 =	vor.u32 $0x80000000, v7;
	v9 =	vor.u32 $0x80000000, v9  }
0xa3: {  	v7 =	vxor.u32 v11, v7;
	v6 =	vshrl.u32 v6, $0x16;
	v9 =	vxor.u32 v8, v9  }
0xa4: {  	v8 =	vshrl.u32 v7, $0x16;
	[tilespmem:v10+s2+$0x0] =	vst.idx.add.s32.msk $0xffff, v3;
	v10 =	vand.u32 $0x380, v6;
	v7 =	vshrl.u32 v9, $0x16  }
0xa5: {  	s15 =	simm.s32 $0x82F0;
	s14 =	simm.s32 $0x4;
	v11 =	vand.u32 $0x380, v8;
	[tilespmem:v13+s2+$0x0] =	vst.idx.add.s32.msk $0xffff, v3;
	v9 =	vor.u32 v2, v10;
	v10 =	vand.u32 $0x380, v7  }
.LBB2_12:
0xa6: {  	v12 =	vld [tilespmem:s15+$0xFFFFFFF0];
	s14 =	sadd.s32 $0x4, s14;
	v13 =	vshra.s32 v5, $0x1F;
	v11 =	vor.u32 v2, v11;
	v10 =	vor.u32 v2, v10  }
0xa7: {  	v6 =	vand.u32 $0x7F, v6;
	v8 =	vand.u32 $0x7F, v8;
	v14 =	vld [tilespmem:s15+$0xFFFFFFB0];
	p0 =	slt.u32 s14, $0x3FC;
	v13 =	vor.u32 $0x80000000, v13  }
0xa8: {  	v7 =	vand.u32 $0x7F, v7;
	v6 =	vor.u32 v6, v9;
	v15 =	vld [tilespmem:s15+$0xFFFFFFD0];
	v5 =	vxor.u32 v5, v13  }
0xa9: {  	v8 =	vor.u32 v8, v11;
	v7 =	vor.u32 v7, v10;
	v9 =	vld [tilespmem:s15+$0xFFFFFF90];
	v5 =	vshrl.u32 v5, $0x16  }
0xaa: {  	[tilespmem:v4+s2+$0x0] =	vst.idx.add.s32.msk $0xffff, v3;
	v4 =	vand.u32 $0x380, v5  }
0xab: {  	v5 =	vand.u32 $0x7F, v5;
	v10 =	vshra.s32 v12, $0x1F;
	v11 =	vld [tilespmem:s13+$0xFFFFFFA0];
	v4 =	vor.u32 v2, v4  }
0xac: {  	v13 =	vshra.s32 v14, $0x1F;
	v10 =	vor.u32 $0x80000000, v10;
	v16 =	vld [tilespmem:s13+$0xFFFFFFC0];
	v4 =	vor.u32 v5, v4  }
0xad: {  	v5 =	vor.u32 $0x80000000, v13;
	v13 =	vshra.s32 v15, $0x1F;
	v10 =	vxor.u32 v12, v10;
	v12 =	vld [tilespmem:s13+$0xFFFFFFE0];
	s13 =	smov.u32 s15  }
0xae: {  	v17 =	vshra.s32 v9, $0x1F;
	v13 =	vor.u32 $0x80000000, v13;
	v10 =	vshrl.u32 v10, $0x16;
	[tilespmem:v6+s2+$0x0] =	vst.idx.add.s32.msk $0xffff, v3  }
0xaf: {  	v5 =	vxor.u32 v14, v5;
	v6 =	vor.u32 $0x80000000, v17;
	v14 =	vand.u32 $0x380, v10;
	[tilespmem:v8+s2+$0x0] =	vst.idx.add.s32.msk $0xffff, v3  }
0xb0: {  	v8 =	vand.u32 $0x7F, v10;
	v6 =	vxor.u32 v9, v6;
	v9 =	vor.u32 v0, v14;
	[tilespmem:v7+s2+$0x0] =	vst.idx.add.s32.msk $0xffff, v3  }
0xb1: {  	v7 =	vxor.u32 v15, v13;
	v6 =	vshrl.u32 v6, $0x16;
	v8 =	vor.u32 v8, v9;
	[tilespmem:v4+s2+$0x0] =	vst.idx.add.s32.msk $0xffff, v3  }
0xb2: {  	v5 =	vshrl.u32 v5, $0x16;
	v7 =	vshrl.u32 v7, $0x16;
	v4 =	vand.u32 $0x380, v6  }
0xb3: {  	v9 =	vand.u32 $0x380, v5;
	v10 =	vand.u32 $0x380, v7;
	v4 =	vor.u32 v0, v4  }
0xb4: {  	v6 =	vand.u32 $0x7F, v6;
	v9 =	vor.u32 v0, v9;
	v10 =	vor.u32 v0, v10  }
0xb5: {  	v13 =	vor.u32 v6, v4;
	v4 =	vand.u32 $0x7F, v5;
	v5 =	vand.u32 $0x7F, v7  }
0xb6: {  	v6 =	vshra.s32 v11, $0x1F;
	v9 =	vor.u32 v4, v9;
	v4 =	vor.u32 v5, v10;
	[tilespmem:v8+s2+$0x0] =	vst.idx.add.s32.msk $0xffff, v3  }
.Ltmp5:
0xb7: {  	v7 =	vshra.s32 v16, $0x1F;
	v6 =	vor.u32 $0x80000000, v6;
	v8 =	vshra.s32 v12, $0x1F;
	v5 =	vld [tilespmem:s15+$0x0];
	(pc) =	sbr.rel @p0 .LBB2_12-.Ltmp5, $4  }
0xb8: {  	v7 =	vor.u32 $0x80000000, v7;
	v6 =	vxor.u32 v11, v6;
	v8 =	vor.u32 $0x80000000, v8  }
0xb9: {  	v7 =	vxor.u32 v16, v7;
	v6 =	vshrl.u32 v6, $0x16;
	v10 =	vxor.u32 v12, v8  }
0xba: {  	v11 =	vand.u32 $0x380, v6;
	v8 =	vshrl.u32 v7, $0x16;
	v7 =	vshrl.u32 v10, $0x16;
	[tilespmem:v13+s2+$0x0] =	vst.idx.add.s32.msk $0xffff, v3  }
0xbb: {  	s15 =	sadd.s32 $0x100, s15;
	v10 =	vand.u32 $0x380, v7;
	[tilespmem:v9+s2+$0x0] =	vst.idx.add.s32.msk $0xffff, v3;
	v9 =	vor.u32 v2, v11;
	v11 =	vand.u32 $0x380, v8  }
0xbc: {  	_ =	sdelay $0x3  }
0xbd: {  	[tilespmem:v4+s2+$0x0] =	vst.idx.add.s32.msk $0xffff, v3  }
0xbe: {  	v4 =	vshra.s32 v5, $0x1F;
	v12 =	vld [tilespmem:s13+$0xFFFFFFA0]  }
0xbf: {  	v11 =	vor.u32 v2, v11;
	v13 =	vld [tilespmem:s13+$0xFFFFFFC0];
	v4 =	vor.u32 $0x80000000, v4  }
0xc0: {  	v10 =	vor.u32 v2, v10;
	v6 =	vand.u32 $0x7F, v6;
	v4 =	vxor.u32 v5, v4;
	v5 =	vld [tilespmem:s13+$0xFFFFFFE0]  }
0xc1: {  	v8 =	vand.u32 $0x7F, v8;
	v7 =	vand.u32 $0x7F, v7;
	v4 =	vshrl.u32 v4, $0x16  }
0xc2: {  	v6 =	vor.u32 v6, v9;
	v8 =	vor.u32 v8, v11;
	v55 =	vand.u32 $0x380, v4  }
0xc3: {  	v7 =	vor.u32 v7, v10;
	v4 =	vand.u32 $0x7F, v4;
	v9 =	vor.u32 v2, v55  }
0xc4: {  	v56 =	vshra.s32 v12, $0x1F;
	v58 =	vshra.s32 v13, $0x1F;
	v4 =	vor.u32 v4, v9  }
0xc5: {  	v57 =	vor.u32 $0x80000000, v56;
	v10 =	vor.u32 $0x80000000, v58;
	v59 =	vshra.s32 v5, $0x1F  }
0xc6: {  	v9 =	vxor.u32 v12, v57;
	v10 =	vxor.u32 v13, v10;
	v11 =	vor.u32 $0x80000000, v59  }
0xc7: {  	v9 =	vshrl.u32 v9, $0x16;
	v10 =	vshrl.u32 v10, $0x16;
	v5 =	vxor.u32 v5, v11  }
0xc8: {  	v60 =	vand.u32 $0x380, v9;
	v9 =	vand.u32 $0x7F, v9;
	v61 =	vand.u32 $0x380, v10  }
0xc9: {  	v10 =	vand.u32 $0x7F, v10;
	v11 =	vor.u32 v2, v60;
	v5 =	vshrl.u32 v5, $0x16  }
0xca: {  	v12 =	vor.u32 v2, v61;
	v9 =	vor.u32 v9, v11;
	v62 =	vand.u32 $0x380, v5  }
0xcb: {  	[tilespmem:v6+s2+$0x0] =	vst.idx.add.s32.msk $0xffff, v3;
	v5 =	vand.u32 $0x7F, v5;
	v10 =	vor.u32 v10, v12;
	v63 =	vor.u32 v2, v62  }
0xcc: {  	[tilespmem:v8+s2+$0x0] =	vst.idx.add.s32.msk $0xffff, v3;
	v5 =	vor.u32 v5, v63  }
0xcd: {  	[tilespmem:v7+s2+$0x0] =	vst.idx.add.s32.msk $0xffff, v3  }
0xce: {  	[tilespmem:v4+s2+$0x0] =	vst.idx.add.s32.msk $0xffff, v3  }
0xcf: {  	[tilespmem:v9+s2+$0x0] =	vst.idx.add.s32.msk $0xffff, v3  }
0xd0: {  	s14 =	simm.s32 $0x80;
	[tilespmem:v10+s2+$0x0] =	vst.idx.add.s32.msk $0xffff, v3  }
0xd1: {  	s16 =	sadd.s32 $0x0, s6;
	s15 =	simm.s32 $0x8180;
	s13 =	simm.s32 $0x8080;
	[tilespmem:v5+s2+$0x0] =	vst.idx.add.s32.msk $0xffff, v3  }
.LBB2_14:
0xd2: {  	[tilespmem:s13], [sflag:$0x2] =	stream.linear.gather [hbm4b:s16+s2], $0x80, $0x38;
	[tilespmem:$0x18000] =	vst v63  }
0xd3: {  	s16 =	smov.u32 s14;
	s13 =	smov.u32 s15;
	p0 =	sne.s32 s14, $0x7F80  }
.Ltmp6:
0xd4: {  	s14 =	sadd.s32 $0x80, s14;
	(pc) =	sbr.rel @p0 .LBB2_14-.Ltmp6, $2  }
0xd5: {  	_ =	sdelay $0x2  }
0xd6: {  	s15 =	sadd.s32 $0x100, s15;
	s16 =	sadd.s32 s16, s6  }
0xd7: {  	[tilespmem:s13], [sflag:$0x2] =	stream.linear.gather [hbm4b:s16+s2], $0x80, $0x38;
	[tilespmem:$0x18000] =	vst v63  }
0xd8: {  	_ =	swait.ge [sflag:s9], $0x8000  }
0xd9: {  	[sflag:s9] =	ssyncset.done $0x0  }
0xda: {  	s14 =	simm.s32 $0x8040;
	[sflag:s9] =	ssyncadd.s32 $0xFFFF8000  }
0xdb: {  	v4 =	vld [tilespmem:s14+$0x20];
	_ =	sdelay $0x4  }
0xdc: {  	v5 =	vshra.s32 v4, $0x1F  }
0xdd: {  	v5 =	vor.u32 $0x80000000, v5  }
0xde: {  	v4 =	vxor.u32 v4, v5  }
0xdf: {  	v4 =	vshrl.u32 v4, $0x16  }
0xe0: {  	v5 =	vand.u32 $0x380, v4  }
0xe1: {  	v6 =	vld [tilespmem:s14+$0xFFFFFFC0];
	v4 =	vand.u32 $0x7F, v4;
	v5 =	vor.u32 v0, v5  }
0xe2: {  	v4 =	vor.u32 v4, v5;
	v5 =	vld [tilespmem:s14+$0xFFFFFFE0]  }
0xe3: {  	v7 =	vld [tilespmem:s14+$0x0];
	_ =	sdelay $0x2  }
0xe4: {  	v8 =	vshra.s32 v6, $0x1F  }
0xe5: {  	v8 =	vor.u32 $0x80000000, v8;
	[tilespmem:v4+s2+$0x0] =	vst.idx.add.s32.msk $0xffff, v3;
	v4 =	vshra.s32 v5, $0x1F  }
0xe6: {  	v10 =	vshra.s32 v7, $0x1F;
	v6 =	vxor.u32 v6, v8;
	v4 =	vor.u32 $0x80000000, v4  }
0xe7: {  	s13 =	simm.s32 $0x8140;
	v8 =	vor.u32 $0x80000000, v10;
	v9 =	vld [tilespmem:s14+$0x30];
	v4 =	vxor.u32 v5, v4;
	v5 =	vshrl.u32 v6, $0x16  }
0xe8: {  	v11 =	vld [tilespmem:s13+$0x20];
	v6 =	vxor.u32 v7, v8;
	v7 =	vand.u32 $0x380, v5;
	v4 =	vshrl.u32 v4, $0x16  }
0xe9: {  	v6 =	vshrl.u32 v6, $0x16;
	v5 =	vand.u32 $0x7F, v5;
	v7 =	vor.u32 v0, v7  }
0xea: {  	v13 =	vld [tilespmem:s13+$0xFFFFFFE0];
	v8 =	vand.u32 $0x380, v4;
	v10 =	vand.u32 $0x380, v6;
	v4 =	vand.u32 $0x7F, v4  }
0xeb: {  	v6 =	vand.u32 $0x7F, v6;
	v8 =	vor.u32 v0, v8;
	v5 =	vor.u32 v5, v7  }
0xec: {  	v10 =	vor.u32 v0, v10;
	v12 =	vshra.s32 v9, $0x1F;
	v4 =	vor.u32 v4, v8;
	v8 =	vld [tilespmem:s13+$0xFFFFFFC0]  }
0xed: {  	v60 =	vshra.s32 v11, $0x1F;
	v6 =	vor.u32 v6, v10;
	v12 =	vor.u32 $0x80000000, v12  }
0xee: {  	v7 =	vld [tilespmem:s13+$0x0];
	v9 =	vxor.u32 v9, v12;
	v12 =	vor.u32 $0x80000000, v60  }
0xef: {  	v14 =	vshra.s32 v13, $0x1F;
	v9 =	vshrl.u32 v9, $0x16;
	v11 =	vxor.u32 v11, v12  }
0xf0: {  	v10 =	vand.u32 $0x380, v9;
	v9 =	vand.u32 $0x7F, v9;
	[tilespmem:v5+s2+$0x0] =	vst.idx.add.s32.msk $0xffff, v3;
	v5 =	vor.u32 $0x80000000, v14  }
0xf1: {  	v11 =	vshrl.u32 v11, $0x16;
	v10 =	vor.u32 v2, v10;
	[tilespmem:v4+s2+$0x0] =	vst.idx.add.s32.msk $0xffff, v3;
	v4 =	vshra.s32 v8, $0x1F  }
0xf2: {  	[tilespmem:v6+s2+$0x0] =	vst.idx.add.s32.msk $0xffff, v3;
	v5 =	vxor.u32 v13, v5;
	v6 =	vand.u32 $0x380, v11;
	v9 =	vor.u32 v9, v10  }
0xf3: {  	v10 =	vshra.s32 v7, $0x1F;
	v4 =	vor.u32 $0x80000000, v4;
	v6 =	vor.u32 v0, v6  }
0xf4: {  	v5 =	vshrl.u32 v5, $0x16;
	v10 =	vor.u32 $0x80000000, v10;
	v4 =	vxor.u32 v8, v4  }
0xf5: {  	v61 =	vld [tilespmem:s14+$0xFFFFFFD0];
	v8 =	vand.u32 $0x7F, v11;
	v62 =	vand.u32 $0x380, v5;
	v7 =	vxor.u32 v7, v10  }
0xf6: {  	v11 =	vld [tilespmem:s14+$0xFFFFFFF0];
	v4 =	vshrl.u32 v4, $0x16;
	v6 =	vor.u32 v8, v6;
	v7 =	vshrl.u32 v7, $0x16  }
0xf7: {  	v8 =	vld [tilespmem:s14+$0x10];
	v13 =	vor.u32 v0, v62;
	v10 =	vand.u32 $0x380, v4;
	v63 =	vand.u32 $0x380, v7  }
0xf8: {  	v4 =	vand.u32 $0x7F, v4;
	v10 =	vor.u32 v0, v10;
	v14 =	vor.u32 v0, v63  }
0xf9: {  	v10 =	vor.u32 v4, v10;
	v4 =	vand.u32 $0x7F, v5;
	v5 =	vand.u32 $0x7F, v7  }
0xfa: {  	[tilespmem:v9+s2+$0x0] =	vst.idx.add.s32.msk $0xffff, v3;
	v13 =	vor.u32 v4, v13;
	v4 =	vor.u32 v5, v14;
	v5 =	vshra.s32 v61, $0x1F  }
0xfb: {  	v5 =	vor.u32 $0x80000000, v5;
	[tilespmem:v6+s2+$0x0] =	vst.idx.add.s32.msk $0xffff, v3  }
0xfc: {  	v7 =	vshra.s32 v11, $0x1F;
	v9 =	vshra.s32 v8, $0x1F;
	v6 =	vxor.u32 v61, v5;
	v5 =	vld [tilespmem:s13+$0x30]  }
0xfd: {  	v7 =	vor.u32 $0x80000000, v7;
	v9 =	vor.u32 $0x80000000, v9  }
0xfe: {  	v7 =	vxor.u32 v11, v7;
	v6 =	vshrl.u32 v6, $0x16;
	v9 =	vxor.u32 v8, v9  }
0xff: {  	v8 =	vshrl.u32 v7, $0x16;
	[tilespmem:v10+s2+$0x0] =	vst.idx.add.s32.msk $0xffff, v3;
	v10 =	vand.u32 $0x380, v6;
	v7 =	vshrl.u32 v9, $0x16  }
0x100: {  	s15 =	simm.s32 $0x8240;
	s14 =	simm.s32 $0x4;
	v11 =	vand.u32 $0x380, v8;
	[tilespmem:v13+s2+$0x0] =	vst.idx.add.s32.msk $0xffff, v3;
	v9 =	vor.u32 v2, v10;
	v10 =	vand.u32 $0x380, v7  }
.LBB2_16:
0x101: {  	v12 =	vld [tilespmem:s15+$0x20];
	s14 =	sadd.s32 $0x4, s14;
	v13 =	vshra.s32 v5, $0x1F;
	v11 =	vor.u32 v2, v11;
	v10 =	vor.u32 v2, v10  }
0x102: {  	v6 =	vand.u32 $0x7F, v6;
	v8 =	vand.u32 $0x7F, v8;
	v14 =	vld [tilespmem:s15+$0xFFFFFFE0];
	p0 =	slt.u32 s14, $0x3FC;
	v13 =	vor.u32 $0x80000000, v13  }
0x103: {  	v7 =	vand.u32 $0x7F, v7;
	v6 =	vor.u32 v6, v9;
	v15 =	vld [tilespmem:s15+$0x0];
	v5 =	vxor.u32 v5, v13  }
0x104: {  	v8 =	vor.u32 v8, v11;
	v7 =	vor.u32 v7, v10;
	v9 =	vld [tilespmem:s15+$0xFFFFFFC0];
	v5 =	vshrl.u32 v5, $0x16  }
0x105: {  	[tilespmem:v4+s2+$0x0] =	vst.idx.add.s32.msk $0xffff, v3;
	v4 =	vand.u32 $0x380, v5  }
0x106: {  	v5 =	vand.u32 $0x7F, v5;
	v10 =	vshra.s32 v12, $0x1F;
	v11 =	vld [tilespmem:s13+$0xFFFFFFD0];
	v4 =	vor.u32 v2, v4  }
0x107: {  	v13 =	vshra.s32 v14, $0x1F;
	v10 =	vor.u32 $0x80000000, v10;
	v16 =	vld [tilespmem:s13+$0xFFFFFFF0];
	v4 =	vor.u32 v5, v4  }
0x108: {  	v5 =	vor.u32 $0x80000000, v13;
	v13 =	vshra.s32 v15, $0x1F;
	v10 =	vxor.u32 v12, v10;
	v12 =	vld [tilespmem:s13+$0x10];
	s13 =	smov.u32 s15  }
0x109: {  	v17 =	vshra.s32 v9, $0x1F;
	v13 =	vor.u32 $0x80000000, v13;
	v10 =	vshrl.u32 v10, $0x16;
	[tilespmem:v6+s2+$0x0] =	vst.idx.add.s32.msk $0xffff, v3  }
0x10a: {  	v5 =	vxor.u32 v14, v5;
	v6 =	vor.u32 $0x80000000, v17;
	v14 =	vand.u32 $0x380, v10;
	[tilespmem:v8+s2+$0x0] =	vst.idx.add.s32.msk $0xffff, v3  }
0x10b: {  	v8 =	vand.u32 $0x7F, v10;
	v6 =	vxor.u32 v9, v6;
	v9 =	vor.u32 v0, v14;
	[tilespmem:v7+s2+$0x0] =	vst.idx.add.s32.msk $0xffff, v3  }
0x10c: {  	v7 =	vxor.u32 v15, v13;
	v6 =	vshrl.u32 v6, $0x16;
	v8 =	vor.u32 v8, v9;
	[tilespmem:v4+s2+$0x0] =	vst.idx.add.s32.msk $0xffff, v3  }
0x10d: {  	v5 =	vshrl.u32 v5, $0x16;
	v7 =	vshrl.u32 v7, $0x16;
	v4 =	vand.u32 $0x380, v6  }
0x10e: {  	v9 =	vand.u32 $0x380, v5;
	v10 =	vand.u32 $0x380, v7;
	v4 =	vor.u32 v0, v4  }
0x10f: {  	v6 =	vand.u32 $0x7F, v6;
	v9 =	vor.u32 v0, v9;
	v10 =	vor.u32 v0, v10  }
0x110: {  	v13 =	vor.u32 v6, v4;
	v4 =	vand.u32 $0x7F, v5;
	v5 =	vand.u32 $0x7F, v7  }
0x111: {  	v6 =	vshra.s32 v11, $0x1F;
	v9 =	vor.u32 v4, v9;
	v4 =	vor.u32 v5, v10;
	[tilespmem:v8+s2+$0x0] =	vst.idx.add.s32.msk $0xffff, v3  }
.Ltmp7:
0x112: {  	v7 =	vshra.s32 v16, $0x1F;
	v6 =	vor.u32 $0x80000000, v6;
	v8 =	vshra.s32 v12, $0x1F;
	v5 =	vld [tilespmem:s15+$0x30];
	(pc) =	sbr.rel @p0 .LBB2_16-.Ltmp7, $4  }
0x113: {  	v7 =	vor.u32 $0x80000000, v7;
	v6 =	vxor.u32 v11, v6;
	v8 =	vor.u32 $0x80000000, v8  }
0x114: {  	v7 =	vxor.u32 v16, v7;
	v6 =	vshrl.u32 v6, $0x16;
	v10 =	vxor.u32 v12, v8  }
0x115: {  	v11 =	vand.u32 $0x380, v6;
	v8 =	vshrl.u32 v7, $0x16;
	v7 =	vshrl.u32 v10, $0x16;
	[tilespmem:v13+s2+$0x0] =	vst.idx.add.s32.msk $0xffff, v3  }
0x116: {  	s15 =	sadd.s32 $0x100, s15;
	v10 =	vand.u32 $0x380, v7;
	[tilespmem:v9+s2+$0x0] =	vst.idx.add.s32.msk $0xffff, v3;
	v9 =	vor.u32 v2, v11;
	v11 =	vand.u32 $0x380, v8  }
0x117: {  	_ =	sdelay $0x3  }
0x118: {  	[tilespmem:v4+s2+$0x0] =	vst.idx.add.s32.msk $0xffff, v3  }
0x119: {  	v4 =	vshra.s32 v5, $0x1F;
	v12 =	vld [tilespmem:s13+$0xFFFFFFD0]  }
0x11a: {  	v11 =	vor.u32 v2, v11;
	v13 =	vld [tilespmem:s13+$0xFFFFFFF0];
	v4 =	vor.u32 $0x80000000, v4  }
0x11b: {  	v10 =	vor.u32 v2, v10;
	v6 =	vand.u32 $0x7F, v6;
	v4 =	vxor.u32 v5, v4;
	v5 =	vld [tilespmem:s13+$0x10]  }
0x11c: {  	v8 =	vand.u32 $0x7F, v8;
	v7 =	vand.u32 $0x7F, v7;
	v4 =	vshrl.u32 v4, $0x16  }
0x11d: {  	v6 =	vor.u32 v6, v9;
	v8 =	vor.u32 v8, v11;
	v9 =	vand.u32 $0x380, v4  }
0x11e: {  	v7 =	vor.u32 v7, v10;
	v4 =	vand.u32 $0x7F, v4;
	v9 =	vor.u32 v2, v9  }
0x11f: {  	v11 =	vshra.s32 v12, $0x1F;
	v10 =	vshra.s32 v13, $0x1F;
	v4 =	vor.u32 v4, v9  }
0x120: {  	v9 =	vor.u32 $0x80000000, v11;
	v10 =	vor.u32 $0x80000000, v10;
	v11 =	vshra.s32 v5, $0x1F  }
0x121: {  	v9 =	vxor.u32 v12, v9;
	v10 =	vxor.u32 v13, v10;
	v11 =	vor.u32 $0x80000000, v11  }
0x122: {  	v9 =	vshrl.u32 v9, $0x16;
	v10 =	vshrl.u32 v10, $0x16;
	v5 =	vxor.u32 v5, v11  }
0x123: {  	v11 =	vand.u32 $0x380, v9;
	v56 =	vand.u32 $0x380, v10;
	v9 =	vand.u32 $0x7F, v9  }
0x124: {  	v10 =	vand.u32 $0x7F, v10;
	v5 =	vshrl.u32 v5, $0x16;
	v11 =	vor.u32 v2, v11  }
0x125: {  	v12 =	vor.u32 v2, v56;
	v57 =	vand.u32 $0x380, v5;
	v9 =	vor.u32 v9, v11  }
0x126: {  	[tilespmem:v6+s2+$0x0] =	vst.idx.add.s32.msk $0xffff, v3;
	v5 =	vand.u32 $0x7F, v5;
	v10 =	vor.u32 v10, v12;
	v6 =	vor.u32 v2, v57  }
0x127: {  	[tilespmem:v8+s2+$0x0] =	vst.idx.add.s32.msk $0xffff, v3;
	v5 =	vor.u32 v5, v6  }
0x128: {  	[tilespmem:v7+s2+$0x0] =	vst.idx.add.s32.msk $0xffff, v3  }
0x129: {  	[tilespmem:v4+s2+$0x0] =	vst.idx.add.s32.msk $0xffff, v3  }
0x12a: {  	[tilespmem:v9+s2+$0x0] =	vst.idx.add.s32.msk $0xffff, v3  }
0x12b: {  	[tilespmem:v10+s2+$0x0] =	vst.idx.add.s32.msk $0xffff, v3  }
0x12c: {  	[tilespmem:v5+s2+$0x0] =	vst.idx.add.s32.msk $0xffff, v3  }
0x12d: {  	_ =	swait.ge [sflag:s10], $0x8000  }
0x12e: {  	[sflag:s10] =	ssyncset.done $0x0  }
0x12f: {  	s15 =	simm.s32 $0x80F0;
	[sflag:s10] =	ssyncadd.s32 $0xFFFF8000  }
0x130: {  	v4 =	vld [tilespmem:s15+$0xFFFFFFF0];
	_ =	sdelay $0x4  }
0x131: {  	v5 =	vshra.s32 v4, $0x1F  }
0x132: {  	v5 =	vor.u32 $0x80000000, v5  }
0x133: {  	v4 =	vxor.u32 v4, v5  }
0x134: {  	v4 =	vshrl.u32 v4, $0x16  }
0x135: {  	v5 =	vand.u32 $0x380, v4  }
0x136: {  	v6 =	vld [tilespmem:s15+$0xFFFFFF90];
	v4 =	vand.u32 $0x7F, v4;
	v5 =	vor.u32 v0, v5  }
0x137: {  	v4 =	vor.u32 v4, v5;
	v5 =	vld [tilespmem:s15+$0xFFFFFFB0]  }
0x138: {  	v7 =	vld [tilespmem:s15+$0xFFFFFFD0];
	_ =	sdelay $0x2  }
0x139: {  	s13 =	simm.s32 $0x0;
	v8 =	vshra.s32 v6, $0x1F  }
0x13a: {  	v8 =	vor.u32 $0x80000000, v8;
	[tilespmem:v4+s13+$0x0] =	vst.idx.add.s32.msk $0xffff, v3;
	v4 =	vshra.s32 v5, $0x1F  }
0x13b: {  	v10 =	vshra.s32 v7, $0x1F;
	v6 =	vxor.u32 v6, v8;
	v4 =	vor.u32 $0x80000000, v4  }
0x13c: {  	s14 =	simm.s32 $0x81F0;
	v8 =	vor.u32 $0x80000000, v10;
	v9 =	vld [tilespmem:s15+$0x0];
	v4 =	vxor.u32 v5, v4;
	v5 =	vshrl.u32 v6, $0x16  }
0x13d: {  	v11 =	vld [tilespmem:s14+$0xFFFFFFF0];
	v6 =	vxor.u32 v7, v8;
	v7 =	vand.u32 $0x380, v5;
	v4 =	vshrl.u32 v4, $0x16  }
0x13e: {  	v6 =	vshrl.u32 v6, $0x16;
	v5 =	vand.u32 $0x7F, v5;
	v7 =	vor.u32 v0, v7  }
0x13f: {  	v59 =	vld [tilespmem:s14+$0xFFFFFFB0];
	v8 =	vand.u32 $0x380, v4;
	v10 =	vand.u32 $0x380, v6;
	v4 =	vand.u32 $0x7F, v4  }
0x140: {  	v6 =	vand.u32 $0x7F, v6;
	v8 =	vor.u32 v0, v8;
	v5 =	vor.u32 v5, v7  }
0x141: {  	v10 =	vor.u32 v0, v10;
	v58 =	vshra.s32 v9, $0x1F;
	v4 =	vor.u32 v4, v8;
	v8 =	vld [tilespmem:s14+$0xFFFFFF90]  }
0x142: {  	v60 =	vshra.s32 v11, $0x1F;
	v6 =	vor.u32 v6, v10;
	v12 =	vor.u32 $0x80000000, v58  }
0x143: {  	v7 =	vld [tilespmem:s14+$0xFFFFFFD0];
	v9 =	vxor.u32 v9, v12;
	v12 =	vor.u32 $0x80000000, v60  }
0x144: {  	v14 =	vshra.s32 v59, $0x1F;
	v9 =	vshrl.u32 v9, $0x16;
	v11 =	vxor.u32 v11, v12  }
0x145: {  	v10 =	vand.u32 $0x380, v9;
	v9 =	vand.u32 $0x7F, v9;
	[tilespmem:v5+s13+$0x0] =	vst.idx.add.s32.msk $0xffff, v3;
	v5 =	vor.u32 $0x80000000, v14  }
0x146: {  	v11 =	vshrl.u32 v11, $0x16;
	v10 =	vor.u32 v2, v10;
	[tilespmem:v4+s13+$0x0] =	vst.idx.add.s32.msk $0xffff, v3;
	v4 =	vshra.s32 v8, $0x1F  }
0x147: {  	[tilespmem:v6+s13+$0x0] =	vst.idx.add.s32.msk $0xffff, v3;
	v5 =	vxor.u32 v59, v5;
	v6 =	vand.u32 $0x380, v11;
	v9 =	vor.u32 v9, v10  }
0x148: {  	v10 =	vshra.s32 v7, $0x1F;
	v4 =	vor.u32 $0x80000000, v4;
	v6 =	vor.u32 v0, v6  }
0x149: {  	v5 =	vshrl.u32 v5, $0x16;
	v10 =	vor.u32 $0x80000000, v10;
	v4 =	vxor.u32 v8, v4  }
0x14a: {  	v61 =	vld [tilespmem:s15+$0xFFFFFFA0];
	v8 =	vand.u32 $0x7F, v11;
	v62 =	vand.u32 $0x380, v5;
	v7 =	vxor.u32 v7, v10  }
0x14b: {  	v11 =	vld [tilespmem:s15+$0xFFFFFFC0];
	v4 =	vshrl.u32 v4, $0x16;
	v6 =	vor.u32 v8, v6;
	v7 =	vshrl.u32 v7, $0x16  }
0x14c: {  	v8 =	vld [tilespmem:s15+$0xFFFFFFE0];
	v13 =	vor.u32 v0, v62;
	v10 =	vand.u32 $0x380, v4;
	v63 =	vand.u32 $0x380, v7  }
0x14d: {  	v4 =	vand.u32 $0x7F, v4;
	v10 =	vor.u32 v0, v10;
	v14 =	vor.u32 v0, v63  }
0x14e: {  	v10 =	vor.u32 v4, v10;
	v4 =	vand.u32 $0x7F, v5;
	v5 =	vand.u32 $0x7F, v7  }
0x14f: {  	[tilespmem:v9+s13+$0x0] =	vst.idx.add.s32.msk $0xffff, v3;
	v13 =	vor.u32 v4, v13;
	v4 =	vor.u32 v5, v14;
	v5 =	vshra.s32 v61, $0x1F  }
0x150: {  	v5 =	vor.u32 $0x80000000, v5;
	[tilespmem:v6+s13+$0x0] =	vst.idx.add.s32.msk $0xffff, v3  }
0x151: {  	v7 =	vshra.s32 v11, $0x1F;
	v9 =	vshra.s32 v8, $0x1F;
	v6 =	vxor.u32 v61, v5;
	v5 =	vld [tilespmem:s14+$0x0]  }
0x152: {  	v7 =	vor.u32 $0x80000000, v7;
	v9 =	vor.u32 $0x80000000, v9  }
0x153: {  	v7 =	vxor.u32 v11, v7;
	v6 =	vshrl.u32 v6, $0x16;
	v9 =	vxor.u32 v8, v9  }
0x154: {  	v8 =	vshrl.u32 v7, $0x16;
	[tilespmem:v10+s13+$0x0] =	vst.idx.add.s32.msk $0xffff, v3;
	v10 =	vand.u32 $0x380, v6;
	v7 =	vshrl.u32 v9, $0x16  }
0x155: {  	s16 =	simm.s32 $0x4;
	s17 =	simm.s32 $0x82F0;
	s15 =	simm.s32 $0x0;
	v11 =	vand.u32 $0x380, v8;
	[tilespmem:v13+s13+$0x0] =	vst.idx.add.s32.msk $0xffff, v3;
	v9 =	vor.u32 v2, v10;
	v10 =	vand.u32 $0x380, v7  }
.LBB2_18:
0x156: {  	v12 =	vld [tilespmem:s17+$0xFFFFFFF0];
	s16 =	sadd.s32 $0x4, s16;
	v13 =	vshra.s32 v5, $0x1F;
	v11 =	vor.u32 v2, v11;
	v10 =	vor.u32 v2, v10  }
0x157: {  	v6 =	vand.u32 $0x7F, v6;
	v8 =	vand.u32 $0x7F, v8;
	v14 =	vld [tilespmem:s17+$0xFFFFFFB0];
	p0 =	slt.u32 s16, $0x3FC;
	v13 =	vor.u32 $0x80000000, v13  }
0x158: {  	v7 =	vand.u32 $0x7F, v7;
	v6 =	vor.u32 v6, v9;
	v15 =	vld [tilespmem:s17+$0xFFFFFFD0];
	v5 =	vxor.u32 v5, v13  }
0x159: {  	v8 =	vor.u32 v8, v11;
	v7 =	vor.u32 v7, v10;
	v9 =	vld [tilespmem:s17+$0xFFFFFF90];
	v5 =	vshrl.u32 v5, $0x16  }
0x15a: {  	[tilespmem:v4+s13+$0x0] =	vst.idx.add.s32.msk $0xffff, v3;
	v4 =	vand.u32 $0x380, v5  }
0x15b: {  	v5 =	vand.u32 $0x7F, v5;
	v10 =	vshra.s32 v12, $0x1F;
	v11 =	vld [tilespmem:s14+$0xFFFFFFA0];
	v4 =	vor.u32 v2, v4  }
0x15c: {  	v13 =	vshra.s32 v14, $0x1F;
	v10 =	vor.u32 $0x80000000, v10;
	v16 =	vld [tilespmem:s14+$0xFFFFFFC0];
	v4 =	vor.u32 v5, v4  }
0x15d: {  	v5 =	vor.u32 $0x80000000, v13;
	v13 =	vshra.s32 v15, $0x1F;
	v10 =	vxor.u32 v12, v10;
	v12 =	vld [tilespmem:s14+$0xFFFFFFE0];
	s14 =	smov.u32 s17  }
0x15e: {  	v17 =	vshra.s32 v9, $0x1F;
	v13 =	vor.u32 $0x80000000, v13;
	v10 =	vshrl.u32 v10, $0x16;
	[tilespmem:v6+s15+$0x0] =	vst.idx.add.s32.msk $0xffff, v3  }
0x15f: {  	v5 =	vxor.u32 v14, v5;
	v6 =	vor.u32 $0x80000000, v17;
	v14 =	vand.u32 $0x380, v10;
	[tilespmem:v8+s15+$0x0] =	vst.idx.add.s32.msk $0xffff, v3  }
0x160: {  	v8 =	vand.u32 $0x7F, v10;
	v6 =	vxor.u32 v9, v6;
	v9 =	vor.u32 v0, v14;
	[tilespmem:v7+s15+$0x0] =	vst.idx.add.s32.msk $0xffff, v3;
	s15 =	smov.u32 s13  }
0x161: {  	v7 =	vxor.u32 v15, v13;
	v6 =	vshrl.u32 v6, $0x16;
	v8 =	vor.u32 v8, v9;
	[tilespmem:v4+s15+$0x0] =	vst.idx.add.s32.msk $0xffff, v3  }
0x162: {  	v5 =	vshrl.u32 v5, $0x16;
	v7 =	vshrl.u32 v7, $0x16;
	v4 =	vand.u32 $0x380, v6  }
0x163: {  	v9 =	vand.u32 $0x380, v5;
	v10 =	vand.u32 $0x380, v7;
	v4 =	vor.u32 v0, v4  }
0x164: {  	v6 =	vand.u32 $0x7F, v6;
	v9 =	vor.u32 v0, v9;
	v10 =	vor.u32 v0, v10  }
0x165: {  	v13 =	vor.u32 v6, v4;
	v4 =	vand.u32 $0x7F, v5;
	v5 =	vand.u32 $0x7F, v7  }
0x166: {  	v6 =	vshra.s32 v11, $0x1F;
	v9 =	vor.u32 v4, v9;
	v4 =	vor.u32 v5, v10;
	[tilespmem:v8+s13+$0x0] =	vst.idx.add.s32.msk $0xffff, v3  }
.Ltmp8:
0x167: {  	v7 =	vshra.s32 v16, $0x1F;
	v6 =	vor.u32 $0x80000000, v6;
	v8 =	vshra.s32 v12, $0x1F;
	v5 =	vld [tilespmem:s17+$0x0];
	(pc) =	sbr.rel @p0 .LBB2_18-.Ltmp8, $4  }
0x168: {  	v7 =	vor.u32 $0x80000000, v7;
	v6 =	vxor.u32 v11, v6;
	v8 =	vor.u32 $0x80000000, v8  }
0x169: {  	v7 =	vxor.u32 v16, v7;
	v6 =	vshrl.u32 v6, $0x16;
	v10 =	vxor.u32 v12, v8  }
0x16a: {  	v11 =	vand.u32 $0x380, v6;
	v8 =	vshrl.u32 v7, $0x16;
	v7 =	vshrl.u32 v10, $0x16;
	[tilespmem:v13+s13+$0x0] =	vst.idx.add.s32.msk $0xffff, v3  }
0x16b: {  	s17 =	sadd.s32 $0x100, s17;
	v10 =	vand.u32 $0x380, v7;
	[tilespmem:v9+s13+$0x0] =	vst.idx.add.s32.msk $0xffff, v3;
	v9 =	vor.u32 v2, v11;
	v11 =	vand.u32 $0x380, v8  }
0x16c: {  	_ =	sdelay $0x3  }
0x16d: {  	[tilespmem:v4+s13+$0x0] =	vst.idx.add.s32.msk $0xffff, v3  }
0x16e: {  	v4 =	vshra.s32 v5, $0x1F;
	v12 =	vld [tilespmem:s14+$0xFFFFFFA0]  }
0x16f: {  	v11 =	vor.u32 v2, v11;
	v13 =	vld [tilespmem:s14+$0xFFFFFFC0];
	v4 =	vor.u32 $0x80000000, v4  }
0x170: {  	v10 =	vor.u32 v2, v10;
	v6 =	vand.u32 $0x7F, v6;
	v4 =	vxor.u32 v5, v4;
	v5 =	vld [tilespmem:s14+$0xFFFFFFE0]  }
0x171: {  	v8 =	vand.u32 $0x7F, v8;
	v7 =	vand.u32 $0x7F, v7;
	v4 =	vshrl.u32 v4, $0x16  }
0x172: {  	v6 =	vor.u32 v6, v9;
	v8 =	vor.u32 v8, v11;
	v9 =	vand.u32 $0x380, v4  }
0x173: {  	v7 =	vor.u32 v7, v10;
	v4 =	vand.u32 $0x7F, v4;
	v9 =	vor.u32 v2, v9  }
0x174: {  	v11 =	vshra.s32 v12, $0x1F;
	v10 =	vshra.s32 v13, $0x1F;
	v4 =	vor.u32 v4, v9  }
0x175: {  	v9 =	vor.u32 $0x80000000, v11;
	v10 =	vor.u32 $0x80000000, v10;
	v11 =	vshra.s32 v5, $0x1F  }
0x176: {  	v9 =	vxor.u32 v12, v9;
	v10 =	vxor.u32 v13, v10;
	v11 =	vor.u32 $0x80000000, v11  }
0x177: {  	v9 =	vshrl.u32 v9, $0x16;
	v10 =	vshrl.u32 v10, $0x16;
	v5 =	vxor.u32 v5, v11  }
0x178: {  	v11 =	vand.u32 $0x380, v9;
	v9 =	vand.u32 $0x7F, v9;
	v63 =	vand.u32 $0x380, v10  }
0x179: {  	v10 =	vand.u32 $0x7F, v10;
	v11 =	vor.u32 v2, v11;
	v5 =	vshrl.u32 v5, $0x16  }
0x17a: {  	v12 =	vor.u32 v2, v63;
	v9 =	vor.u32 v9, v11;
	v11 =	vand.u32 $0x380, v5  }
0x17b: {  	[tilespmem:v6+s15+$0x0] =	vst.idx.add.s32.msk $0xffff, v3;
	v5 =	vand.u32 $0x7F, v5;
	v10 =	vor.u32 v10, v12;
	v6 =	vor.u32 v2, v11  }
0x17c: {  	[tilespmem:v8+s15+$0x0] =	vst.idx.add.s32.msk $0xffff, v3;
	v5 =	vor.u32 v5, v6  }
0x17d: {  	[tilespmem:v7+s15+$0x0] =	vst.idx.add.s32.msk $0xffff, v3  }
0x17e: {  	[tilespmem:v4+s13+$0x0] =	vst.idx.add.s32.msk $0xffff, v3  }
0x17f: {  	[tilespmem:v9+s13+$0x0] =	vst.idx.add.s32.msk $0xffff, v3  }
0x180: {  	[tilespmem:v10+s13+$0x0] =	vst.idx.add.s32.msk $0xffff, v3  }
0x181: {  	[tilespmem:v5+s13+$0x0] =	vst.idx.add.s32.msk $0xffff, v3  }
0x182: {  	s31 =	sand.u32 $0x3F0, s13;
	v4 =	vld [tilespmem:s13+$0x0]  }
0x183: {  	v5 =	vld [tilespmem:s31+$0x400]  }
0x184: {  	v6 =	vld [tilespmem:s31+$0x800]  }
0x185: {  	v7 =	vld [tilespmem:s31+$0xC00]  }
0x186: {  	v8 =	vld [tilespmem:s31+$0x1000]  }
0x187: {  	v9 =	vld [tilespmem:s31+$0x1400]  }
0x188: {  	v4 =	vadd.s32 v4, v5;
	v5 =	vld [tilespmem:s31+$0x1800]  }
0x189: {  	v4 =	vadd.s32 v6, v4;
	v6 =	vld [tilespmem:s31+$0x1C00]  }
0x18a: {  	v4 =	vadd.s32 v7, v4;
	v7 =	vld [tilespmem:s31+$0x2000]  }
0x18b: {  	v4 =	vadd.s32 v8, v4;
	v8 =	vld [tilespmem:s31+$0x2400]  }
0x18c: {  	v4 =	vadd.s32 v9, v4;
	v9 =	vld [tilespmem:s31+$0x2800]  }
0x18d: {  	v4 =	vadd.s32 v5, v4;
	v5 =	vld [tilespmem:s31+$0x2C00]  }
0x18e: {  	v4 =	vadd.s32 v6, v4;
	v6 =	vld [tilespmem:s31+$0x3000]  }
0x18f: {  	v4 =	vadd.s32 v7, v4;
	v7 =	vld [tilespmem:s31+$0x3400]  }
0x190: {  	v4 =	vadd.s32 v8, v4;
	v8 =	vld [tilespmem:s31+$0x3800]  }
0x191: {  	v4 =	vadd.s32 v9, v4;
	v9 =	vld [tilespmem:s31+$0x3C00]  }
0x192: {  	v4 =	vadd.s32 v5, v4;
	v5 =	vld [tilespmem:s31+$0x4000]  }
0x193: {  	v4 =	vadd.s32 v6, v4;
	v6 =	vld [tilespmem:s31+$0x4400]  }
0x194: {  	v4 =	vadd.s32 v7, v4;
	v7 =	vld [tilespmem:s31+$0x4800]  }
0x195: {  	v4 =	vadd.s32 v8, v4;
	v8 =	vld [tilespmem:s31+$0x4C00]  }
0x196: {  	v4 =	vadd.s32 v9, v4;
	v9 =	vld [tilespmem:s31+$0x5000]  }
0x197: {  	v4 =	vadd.s32 v5, v4;
	v5 =	vld [tilespmem:s31+$0x5400]  }
0x198: {  	v4 =	vadd.s32 v6, v4;
	v6 =	vld [tilespmem:s31+$0x5800]  }
0x199: {  	v4 =	vadd.s32 v7, v4;
	v7 =	vld [tilespmem:s31+$0x5C00]  }
0x19a: {  	v4 =	vadd.s32 v8, v4;
	v8 =	vld [tilespmem:s31+$0x6000]  }
0x19b: {  	v4 =	vadd.s32 v9, v4;
	v9 =	vld [tilespmem:s31+$0x6400]  }
0x19c: {  	v10 =	vld [tilespmem:s31+$0x6800];
	v4 =	vadd.s32 v5, v4  }
0x19d: {  	v11 =	vld [tilespmem:s31+$0x6C00];
	v4 =	vadd.s32 v6, v4  }
0x19e: {  	v5 =	vadd.s32 v7, v4;
	v4 =	vld [tilespmem:s31+$0x7000]  }
0x19f: {  	v6 =	vadd.s32 v8, v5;
	v5 =	vld [tilespmem:s31+$0x7400]  }
0x1a0: {  	v7 =	vadd.s32 v9, v6;
	v6 =	vld [tilespmem:s31+$0x7800]  }
0x1a1: {  	s14 =	simm.s32 $0x10;
	v8 =	vadd.s32 v10, v7;
	v7 =	vld [tilespmem:s31+$0x7C00]  }
0x1a2: {  	s16 =	simm.s32 $0x20;
	s15 =	sand.u32 $0x3F0, s14;
	v9 =	vld [tilespmem:s14+$0x0];
	v8 =	vadd.s32 v11, v8  }
.LBB2_20:
0x1a3: {  	p0 =	sne.s32 s16, $0x3F0;
	v10 =	vld [tilespmem:s15+$0x400];
	v4 =	vadd.s32 v4, v8  }
0x1a4: {  	v8 =	vld [tilespmem:s15+$0x800];
	v4 =	vadd.s32 v5, v4  }
0x1a5: {  	v5 =	vld [tilespmem:s15+$0xC00];
	v4 =	vadd.s32 v6, v4  }
0x1a6: {  	v6 =	vld [tilespmem:s15+$0x1000];
	v4 =	vadd.s32 v7, v4  }
0x1a7: {  	v7 =	vld [tilespmem:s15+$0x1400];
	[tilespmem:s13+$0x0] =	vst v4;
	s13 =	smov.u32 s14  }
0x1a8: {  	v4 =	vadd.s32 v9, v10;
	v9 =	vld [tilespmem:s15+$0x1800]  }
0x1a9: {  	v4 =	vadd.s32 v8, v4;
	v8 =	vld [tilespmem:s15+$0x1C00]  }
0x1aa: {  	v4 =	vadd.s32 v5, v4;
	v5 =	vld [tilespmem:s15+$0x2000]  }
0x1ab: {  	v4 =	vadd.s32 v6, v4;
	v6 =	vld [tilespmem:s15+$0x2400]  }
0x1ac: {  	v4 =	vadd.s32 v7, v4;
	v7 =	vld [tilespmem:s15+$0x2800]  }
0x1ad: {  	v4 =	vadd.s32 v9, v4;
	v9 =	vld [tilespmem:s15+$0x2C00]  }
0x1ae: {  	v4 =	vadd.s32 v8, v4;
	v8 =	vld [tilespmem:s15+$0x3000]  }
0x1af: {  	v4 =	vadd.s32 v5, v4;
	v5 =	vld [tilespmem:s15+$0x3400]  }
0x1b0: {  	v4 =	vadd.s32 v6, v4;
	v6 =	vld [tilespmem:s15+$0x3800]  }
0x1b1: {  	v4 =	vadd.s32 v7, v4;
	v7 =	vld [tilespmem:s15+$0x3C00]  }
0x1b2: {  	v4 =	vadd.s32 v9, v4;
	v9 =	vld [tilespmem:s15+$0x4000]  }
0x1b3: {  	v4 =	vadd.s32 v8, v4;
	v8 =	vld [tilespmem:s15+$0x4400]  }
0x1b4: {  	v4 =	vadd.s32 v5, v4;
	v5 =	vld [tilespmem:s15+$0x4800]  }
0x1b5: {  	v4 =	vadd.s32 v6, v4;
	v6 =	vld [tilespmem:s15+$0x4C00]  }
0x1b6: {  	v4 =	vadd.s32 v7, v4;
	v7 =	vld [tilespmem:s15+$0x5000]  }
0x1b7: {  	v4 =	vadd.s32 v9, v4;
	v9 =	vld [tilespmem:s15+$0x5400]  }
0x1b8: {  	v4 =	vadd.s32 v8, v4;
	v8 =	vld [tilespmem:s15+$0x5800]  }
0x1b9: {  	v4 =	vadd.s32 v5, v4;
	v5 =	vld [tilespmem:s15+$0x5C00]  }
0x1ba: {  	v4 =	vadd.s32 v6, v4;
	v6 =	vld [tilespmem:s15+$0x6000]  }
0x1bb: {  	v4 =	vadd.s32 v7, v4;
	v7 =	vld [tilespmem:s15+$0x6400]  }
0x1bc: {  	v4 =	vadd.s32 v9, v4;
	v9 =	vld [tilespmem:s15+$0x6800]  }
0x1bd: {  	v4 =	vadd.s32 v8, v4;
	v8 =	vld [tilespmem:s15+$0x6C00]  }
.Ltmp9:
0x1be: {  	v5 =	vadd.s32 v5, v4;
	v4 =	vld [tilespmem:s15+$0x7000];
	(pc) =	sbr.rel @p0 .LBB2_20-.Ltmp9, $4  }
0x1bf: {  	v6 =	vadd.s32 v6, v5;
	v5 =	vld [tilespmem:s15+$0x7400]  }
0x1c0: {  	v7 =	vadd.s32 v7, v6;
	v6 =	vld [tilespmem:s15+$0x7800]  }
0x1c1: {  	s14 =	sadd.s32 $0x10, s14;
	v10 =	vadd.s32 v9, v7;
	v7 =	vld [tilespmem:s15+$0x7C00]  }
0x1c2: {  	s15 =	sand.u32 $0x3F0, s16;
	s16 =	sadd.s32 $0x10, s16;
	v9 =	vld [tilespmem:s14+$0x0];
	v8 =	vadd.s32 v8, v10  }
0x1c3: {  	v10 =	vld [tilespmem:s15+$0x400]  }
0x1c4: {  	v11 =	vld [tilespmem:s15+$0x800]  }
0x1c5: {  	v12 =	vld [tilespmem:s15+$0xC00]  }
0x1c6: {  	v13 =	vld [tilespmem:s15+$0x1000]  }
0x1c7: {  	v14 =	vld [tilespmem:s15+$0x1400]  }
0x1c8: {  	v37 =	vld [tilespmem:s15+$0x1800];
	v9 =	vadd.s32 v9, v10  }
0x1c9: {  	v38 =	vld [tilespmem:s15+$0x1C00];
	v9 =	vadd.s32 v11, v9  }
0x1ca: {  	v39 =	vld [tilespmem:s15+$0x2000];
	v9 =	vadd.s32 v12, v9  }
0x1cb: {  	v40 =	vld [tilespmem:s15+$0x2400];
	v9 =	vadd.s32 v13, v9  }
0x1cc: {  	v41 =	vld [tilespmem:s15+$0x2800];
	v9 =	vadd.s32 v14, v9  }
0x1cd: {  	v42 =	vld [tilespmem:s15+$0x2C00];
	v9 =	vadd.s32 v37, v9  }
0x1ce: {  	v43 =	vld [tilespmem:s15+$0x3000];
	v9 =	vadd.s32 v38, v9  }
0x1cf: {  	v44 =	vld [tilespmem:s15+$0x3400];
	v9 =	vadd.s32 v39, v9  }
0x1d0: {  	v45 =	vld [tilespmem:s15+$0x3800];
	v9 =	vadd.s32 v40, v9  }
0x1d1: {  	v46 =	vld [tilespmem:s15+$0x3C00];
	v9 =	vadd.s32 v41, v9  }
0x1d2: {  	v47 =	vld [tilespmem:s15+$0x4000];
	v9 =	vadd.s32 v42, v9  }
0x1d3: {  	v48 =	vld [tilespmem:s15+$0x4400];
	v9 =	vadd.s32 v43, v9  }
0x1d4: {  	v49 =	vld [tilespmem:s15+$0x4800];
	v9 =	vadd.s32 v44, v9  }
0x1d5: {  	v50 =	vld [tilespmem:s15+$0x4C00];
	v9 =	vadd.s32 v45, v9  }
0x1d6: {  	v51 =	vld [tilespmem:s15+$0x5000];
	v9 =	vadd.s32 v46, v9  }
0x1d7: {  	v52 =	vld [tilespmem:s15+$0x5400];
	v9 =	vadd.s32 v47, v9  }
0x1d8: {  	v53 =	vld [tilespmem:s15+$0x5800];
	v9 =	vadd.s32 v48, v9  }
0x1d9: {  	v54 =	vld [tilespmem:s15+$0x5C00];
	v9 =	vadd.s32 v49, v9  }
0x1da: {  	v55 =	vld [tilespmem:s15+$0x6000];
	v9 =	vadd.s32 v50, v9  }
0x1db: {  	v56 =	vld [tilespmem:s15+$0x6400];
	v9 =	vadd.s32 v51, v9  }
0x1dc: {  	v57 =	vld [tilespmem:s15+$0x6800];
	v9 =	vadd.s32 v52, v9  }
0x1dd: {  	v58 =	vld [tilespmem:s15+$0x6C00];
	v9 =	vadd.s32 v53, v9  }
0x1de: {  	v59 =	vld [tilespmem:s15+$0x7000];
	v9 =	vadd.s32 v54, v9  }
0x1df: {  	v60 =	vld [tilespmem:s15+$0x7400];
	v9 =	vadd.s32 v55, v9  }
0x1e0: {  	v61 =	vld [tilespmem:s15+$0x7800];
	v9 =	vadd.s32 v56, v9  }
0x1e1: {  	v62 =	vld [tilespmem:s15+$0x7C00];
	v9 =	vadd.s32 v57, v9  }
0x1e2: {  	v4 =	vadd.s32 v4, v8;
	v63 =	vadd.s32 v58, v9  }
0x1e3: {  	v4 =	vadd.s32 v5, v4;
	v5 =	vadd.s32 v59, v63  }
0x1e4: {  	v4 =	vadd.s32 v6, v4;
	v5 =	vadd.s32 v60, v5  }
0x1e5: {  	s12 =	sadd.s32 $0x1, s12;
	v4 =	vadd.s32 v7, v4;
	v5 =	vadd.s32 v61, v5  }
0x1e6: {  	p0 =	sne.s32 s12, s8;
	[tilespmem:s13+$0x0] =	vst v4;
	v4 =	vadd.s32 v62, v5  }
.Ltmp10:
0x1e7: {  	[tilespmem:s14+$0x0] =	vst v4;
	(pc) =	sbr.rel @p0 .LBB2_1-.Ltmp10, $4  }
0x1e8: {  	[hbm4b:s7+s2] =	stream.linear.scatter [tilespmem:s2], [sflag:$0x3], $0x400, $0x38;
	[tilespmem:$0x18000] =	vst v63  }
0x1e9: {  	_ =	swait.ge [sflag:s11], $0x400  }
0x1ea: {  	[sflag:s11] =	ssyncset.done $0x0  }
0x1eb: {  	[sflag:s11] =	ssyncadd.s32 $0xFFFFFC00  }
0x1ec: {  	_ =	sfence.sel $0x180000  }
0x1ed: {  	[bflag:$0x0] =	sbarrier.arrive $0xFFFF  }
0x1ee: {  	p0 =	sne.s32 s1, $0x0;
	_ =	strace $0x90000047  }
0x1ef: {  	s0 =	sadd.s32 @!p0 $0x100000, s0;
	[bflag:$0x2] =	sbarrier.arrive $0xFFFF  }
0x1f0: {  	[sflag:s0] =	ssyncadd.tile.s32 @!p0 $0x1;
	_ =	shalt  }
.Lfunc_end2:
_tile_overlayer_lowered:
.L_overlay_start_2:
0x1f1: {  	(tag) =	ssettag $0x2  }
0x1f2: {  	s0 =	rddreg [dreg:$0x0];
	s2 =	stileid.u32  }
0x1f3: {  	s1 =	rddreg [dreg:$0x1];
	p0 =	sne.s32 s2, $0x0  }
0x1f4: {  	s3 =	rddreg [dreg:$0x2];
	[bflag:$0x3] =	sbarrier.arrive $0xFFFF;
	s2 =	simm.s32 @!p0 $0x1C03  }
0x1f5: {  	[timem:s3], [sflag:s2] =	dma.local @!p0 [hbm:s0], s1  }
0x1f6: {  	s0 =	simm.s32 @!p0 $0x3  }
0x1f7: {  	_ =	swait.ge @!p0 [sflag:s0], s1  }
0x1f8: {  	s1 =	ssub.s32 @!p0 $0x0, s1;
	[sflag:s0] =	ssyncset.done @!p0 $0x0  }
0x1f9: {  	[sflag:s0] =	ssyncadd.s32 @!p0 s1  }
0x1fa: {  	[bflag:$0x3] =	sbarrier.arrive $0xFFFF  }
0x1fb: {  	_ =	shalt  }

// kernel: kernel.7.cloned.1.call-start
scs
__scs_entry_jumppad:
0x0: {  	(pc) =	sbr.rel $0x88, $3  }
0x1: {  	(tag) =	ssettag $0x0;
	lr =	simm.s32 $0x1  }
0x2: {  	[smem:$0x3F9E] =	sst lr;
	_ =	strace $0xD0000000  }
0x3: {  	_ = 	snop  }
0x4: {  	_ = 	snop  }
0x5: {  	_ = 	snop  }
0x6: {  	_ = 	snop  }
0x7: {  	_ = 	snop  }
__scs_overlays_trampoline_lowered:
0x8: {  	[smem:$0x3FAD] =	sst s0  }
0x9: {  	[smem:$0x3FAE] =	sst s1  }
0xa: {  	[smem:$0x3FAF] =	sst s2  }
0xb: {  	[smem:$0x3FB0] =	sst s3  }
0xc: {  	[smem:$0x3FB1] =	sst s4  }
0xd: {  	[smem:$0x3FB2] =	sst s5  }
0xe: {  	[smem:$0x3FB3] =	sst s6  }
0xf: {  	[smem:$0x3FB4] =	sst s7  }
0x10: {  	[smem:$0x3FB5] =	sst s8  }
0x11: {  	[smem:$0x3FB6] =	sst s9;
	s0 =	simm.s32 @!p0 $0x0  }
0x12: {  	s1 =	sld [smem:$0x3F9C];
	s0 =	simm.s32 @p0 $0x1  }
0x13: {  	[smem:$0x3FB7] =	sst s0;
	s0 =	simm.s32 @!p1 $0x0  }
0x14: {  	s2 =	sld [smem:$0x3F9B];
	s0 =	simm.s32 @p1 $0x1  }
0x15: {  	[smem:$0x3FB8] =	sst s0;
	s0 =	simm.s32 @!p2 $0x0  }
0x16: {  	s3 =	sld [smem:$0x3FDB];
	s0 =	simm.s32 @p2 $0x1  }
0x17: {  	s4 =	simm.s32 $0x1BF5;
	[smem:$0x3FBA] =	sst s0  }
0x18: {  	s0 =	sld [smem:$0x3F9D];
	_ =	swait.ge [sflag:s4], $0x0  }
0x19: {  	s7 =	sld [smem:$0x3F9E]  }
0x1a: {  	s8 =	sadd.s32 $0xFFFFE003, lr  }
0x1b: {  	s9 =	sadd.s32 $0xFFFFFEF7, lr;
	s5 =	simm.s32 $0xFFFFFFFF;
	p2 =	slt.u32 s8, $0xFFFFF086  }
0x1c: {  	p1 =	slt.u32 s9, $0xF7A;
	s5 =	simm.s32 @!p2 $0x0  }
0x1d: {  	s5 =	simm.s32 @p1 $0x1;
	p0 =	seq.s32 s7, s2  }
0x1e: {  	s7 =	smul.u32 @!p0 $0xF7A, s2;
	p2 =	seq.s32 @!p0 s5, $0x0  }
0x1f: {  	s9 =	smul.u32 $0xF7A, s1;
	s8 =	simm.s32 @!p0 $0x1BF5;
	p2 =	por !p2, p0  }
0x20: {  	[sflag:s8] =	ssyncset.s32 @!p0 $0xFFFFF086;
	s6 =	sadd.s32 @!p0 s3, s7;
	s7 =	simm.s32 @!p0 $0x108  }
0x21: {  	s3 =	sadd.s32 s3, s9;
	s6 =	sadd.s32 @!p0 $0x88, s6;
	s7 =	simm.s32 @p2 $0x1082  }
0x22: {  	[simem:s7], [sflag:s8] =	dma.local @!p0 [hbm:s6], $0xF7A  }
0x23: {  	s9 =	sor.u32 $0xD0000000, s2;
	s6 =	simm.s32 $0x108;
	_ =	swait.ge @!p0 [sflag:s8], $0x0  }
0x24: {  	s3 =	sadd.s32 $0x88, s3;
	s6 =	simm.s32 @!p1 $0x1082;
	[sflag:s4] =	ssyncset.s32 $0xFFFFF086  }
0x25: {  	[simem:s6], [sflag:s4] =	dma.local [hbm:s3], $0xF7A  }
0x26: {  	[smem:$0x3F9E] =	sst s1;
	(tag) =	ssettag s2;
	_ =	strace s9  }
0x27: {  	s1 =	sld [smem:$0x3FAE]  }
0x28: {  	s2 =	sld [smem:$0x3FAF]  }
0x29: {  	s4 =	sld [smem:$0x3FB1]  }
0x2a: {  	p0 =	seq.s32 s5, $0x0;
	s5 =	sld [smem:$0x3FB2]  }
0x2b: {  	s6 =	sld [smem:$0x3FB3]  }
0x2c: {  	s7 =	sld [smem:$0x3FB4]  }
0x2d: {  	s3 =	simm.s32 $0x108;
	s8 =	sld [smem:$0x3FB5]  }
0x2e: {  	s3 =	simm.s32 @!p0 $0x1082;
	s9 =	sld [smem:$0x3FB6]  }
0x2f: {  	lr =	sadd.s32 s0, s3;
	s0 =	sld [smem:$0x3FAD]  }
0x30: {  	s3 =	sld [smem:$0x3FB0]  }
0x31: {  	[smem:$0x3FB9] =	sst s10  }
0x32: {  	s10 =	sld [smem:$0x3FB7];
	_ =	sdelay $0x3  }
0x33: {  	p0 =	seq.s32 s10, $0x1;
	s10 =	sld [smem:$0x3FB9];
	_ =	sdelay $0x3  }
0x34: {  	[smem:$0x3FB9] =	sst s10  }
0x35: {  	s10 =	sld [smem:$0x3FB8];
	_ =	sdelay $0x3  }
0x36: {  	p1 =	seq.s32 s10, $0x1;
	s10 =	sld [smem:$0x3FB9];
	_ =	sdelay $0x3  }
0x37: {  	[smem:$0x3FB9] =	sst s10  }
0x38: {  	s10 =	sld [smem:$0x3FBA]  }
0x39: {  	_ = 	snop;
	(pc) =	sbr.ind lr, $3  }
0x3a: {  	_ = 	snop  }
0x3b: {  	_ = 	snop  }
0x3c: {  	p2 =	seq.s32 s10, $0x1;
	s10 =	sld [smem:$0x3FB9]  }
0x3d: {  	_ =	shalt  }
0x3e: {  	_ =	shalt  }
0x3f: {  	_ =	shalt  }
0x40: {  	_ =	shalt  }
0x41: {  	_ =	shalt  }
0x42: {  	_ =	shalt  }
0x43: {  	_ =	shalt  }
0x44: {  	_ =	shalt  }
0x45: {  	_ =	shalt  }
0x46: {  	_ =	shalt  }
0x47: {  	_ =	shalt  }
0x48: {  	_ =	shalt  }
0x49: {  	_ =	shalt  }
0x4a: {  	_ =	shalt  }
0x4b: {  	_ =	shalt  }
0x4c: {  	_ =	shalt  }
0x4d: {  	_ =	shalt  }
0x4e: {  	_ =	shalt  }
0x4f: {  	_ =	shalt  }
0x50: {  	_ =	shalt  }
0x51: {  	_ =	shalt  }
0x52: {  	_ =	shalt  }
0x53: {  	_ =	shalt  }
0x54: {  	_ =	shalt  }
0x55: {  	_ =	shalt  }
0x56: {  	_ =	shalt  }
0x57: {  	_ =	shalt  }
0x58: {  	_ =	shalt  }
0x59: {  	_ =	shalt  }
0x5a: {  	_ =	shalt  }
0x5b: {  	_ =	shalt  }
0x5c: {  	_ =	shalt  }
0x5d: {  	_ =	shalt  }
0x5e: {  	_ =	shalt  }
0x5f: {  	_ =	shalt  }
0x60: {  	_ =	shalt  }
0x61: {  	_ =	shalt  }
0x62: {  	_ =	shalt  }
0x63: {  	_ =	shalt  }
0x64: {  	_ =	shalt  }
0x65: {  	_ =	shalt  }
0x66: {  	_ =	shalt  }
0x67: {  	_ =	shalt  }
0x68: {  	_ =	shalt  }
0x69: {  	_ =	shalt  }
0x6a: {  	_ =	shalt  }
0x6b: {  	_ =	shalt  }
0x6c: {  	_ =	shalt  }
0x6d: {  	_ =	shalt  }
0x6e: {  	_ =	shalt  }
0x6f: {  	_ =	shalt  }
0x70: {  	_ =	shalt  }
0x71: {  	_ =	shalt  }
0x72: {  	_ =	shalt  }
0x73: {  	_ =	shalt  }
0x74: {  	_ =	shalt  }
0x75: {  	_ =	shalt  }
0x76: {  	_ =	shalt  }
0x77: {  	_ =	shalt  }
0x78: {  	_ =	shalt  }
0x79: {  	_ =	shalt  }
0x7a: {  	_ =	shalt  }
0x7b: {  	_ =	shalt  }
0x7c: {  	_ =	shalt  }
0x7d: {  	_ =	shalt  }
0x7e: {  	_ =	shalt  }
0x7f: {  	_ =	shalt  }
0x80: {  	_ =	shalt  }
0x81: {  	_ =	shalt  }
0x82: {  	_ =	shalt  }
0x83: {  	_ =	shalt  }
0x84: {  	_ =	shalt  }
0x85: {  	_ =	shalt  }
0x86: {  	_ =	shalt  }
0x87: {  	_ =	shalt  }
.Lfunc_end0:
.L_simem_size_0:
called_computation.1_lowered:
.L_overlay_start_0:
0x88: {  	s2 =	sld [smem:$0x3FD9]  }
0x89: {  	s3 =	sld [smem:$0x3FFE];
	_ =	sdelay $0x1  }
0x8a: {  	s1 =	srdreg.scid  }
0x8b: {  	s0 =	sand.u32 $0x1, s1  }
0x8c: {  	s17 =	sshll.u32 s0, $0xA;
	s2 =	sadd.s32 s3, s2  }
0x8d: {  	s2 =	sadd.s32 s2, s17  }
0x8e: {  	[smem:$0x3FC5] =	sst s2  }
0x8f: {  	_ = 	snop  }
0x90: {  	s2 =	sld [smem:$0x3FC9];
	(tm) =	ssettm $0x1  }
0x91: {  	s18 =	sld [smem:$0x3FFB];
	_ =	sdelay $0x3  }
0x92: {  	_ =	strace s18  }
0x93: {  	s3 =	sld [smem:$0x3FFC];
	_ =	sdelay $0x3  }
0x94: {  	_ =	strace s3  }
0x95: {  	s3 =	sld [smem:$0x3FFD];
	_ =	sdelay $0x3  }
0x96: {  	_ =	strace s3  }
0x97: {  	_ =	strace $0x8FFFFFFF  }
0x98: {  	s19 =	sld [smem:$0x3FDB];
	_ =	sdelay $0x1  }
0x99: {  	s4 =	simm.s32 $_scs_section_size  }
0x9a: {  	s5 =	simm.s32 $_size__tile_overlayer_lowered;
	s6 =	simm.s32 $_tile_overlayer_lowered  }
0x9b: {  	s22 =	simm.s32 $0x1BFF;
	s21 =	sshll.u32 s6, $0x1;
	s3 =	sadd.s32 s4, s19  }
0x9c: {  	s7 =	simm.s32 $0x0;
	s20 =	sshll.u32 s5, $0x1;
	s5 =	sadd.s32 s21, s3  }
0x9d: {  	[timem:s7], [sflag:s22] =	dma.local [hbm:s5], s20  }
0x9e: {  	_ =	swait.ge [sflag:s22], s20  }
0x9f: {  	s4 =	ssub.s32 $0x0, s20;
	[sflag:s22] =	ssyncset.done $0x0  }
0xa0: {  	[sflag:s22] =	ssyncadd.s32 s4;
	_ =	sdelay $0x1  }
0xa1: {  	s23 =	simm.s32 $0x1B8B  }
0xa2: {  	_ =	swait.ge [sflag:s23], $0x1  }
0xa3: {  	[sflag:s23] =	ssyncset.done $0x0  }
0xa4: {  	s25 =	simm.s32 $0x1B8E;
	s24 =	sld [smem:$0x3FFE];
	[sflag:s23] =	ssyncadd.s32 $0xFFFFFFFF  }
0xa5: {  	s26 =	simm.s32 $execute0_lowered;
	[smem:$0x3FD2] =	sst s25  }
0xa6: {  	s5 =	sshll.u32 s26, $0x1;
	_ =	strace $0x80000049;
	[dreg:$0x1] =	wrdreg $0xFFFFFFFF  }
0xa7: {  	s28 =	simm.s32 $_size_execute0_lowered;
	s3 =	sadd.s32 s3, s5;
	[dreg:$0x0] =	wrdreg $0x0  }
0xa8: {  	s5 =	sshll.u32 s28, $0x1;
	[dreg:$0x2] =	wrdreg s3  }
0xa9: {  	[dreg:$0x3] =	wrdreg s5  }
0xaa: {  	[dreg:$0x4] =	wrdreg $0xC0  }
0xab: {  	_ =	task [dreg:s7], $0x5FFFF  }
0xac: {  	[dreg:$0x1] =	wrdreg $0xFFFFFFFF  }
0xad: {  	[dreg:$0x0] =	wrdreg $0x60  }
0xae: {  	[dreg:$0x2] =	wrdreg s2  }
0xaf: {  	[dreg:$0x3] =	wrdreg s24  }
0xb0: {  	[dreg:$0x4] =	wrdreg $0x9  }
0xb1: {  	_ =	task.clear_ibuf [dreg:s7], $0x5FFFF;
	_ =	strace $0x90000049  }
0xb2: {  	s29 =	simm.s32 $0x9;
	_ =	strace $0x8000004B  }
0xb3: {  	_ =	swait.ge [sflag:s29], $0x1  }
0xb4: {  	[sflag:s29] =	ssyncadd.s32 $0xFFFFFFFF  }
0xb5: {  	_ =	strace $0x9000004B  }
0xb6: {  	_ =	sfence  }
0xb7: {  	s30 =	sld [smem:$0x0];
	_ =	sdelay $0x2  }
0xb8: {  	s31 =	sshll.u32 s1, $0xD;
	s1 =	sshrl.u32 s1, $0x2  }
0xb9: {  	s3 =	sand.u32 $0x4000, s31;
	s1 =	sadd.s32 s1, s30  }
0xba: {  	s0 =	sor.u32 s3, s0;
	s1 =	sshll.u32 s1, $0x11  }
0xbb: {  	s0 =	sor.u32 s1, s0  }
0xbc: {  	s0 =	sadd.s32 $0x8F2B, s0  }
0xbd: {  	[sflag:s0] =	ssyncadd.remote.s32 $0x1  }
0xbe: {  	_ =	sfence.sel $0xFFFF  }
0xbf: {  	[dreg:$0x0] =	wrdreg $0xFFFFFFFF;
	(pc) =	sbr.abs _section_cstart, $3  }
0xc0: {  	[dreg:$0x1] =	wrdreg $0xFFFFFFFF  }
0xc1: {  	_ =	task.clear_ibuf [dreg:s7], $0x2FFFF;
	_ =	strace $0x9FFFFFFF  }
0xc2: {  	(tm) =	ssettm $0x7FFFFFFF  }
0xc3: {  	_ =	shalt  }
tec
execute0_lowered:
.L_overlay_start_1:
0x0: {  	(tag) =	ssettag $0x1  }
0x1: {  	s7 =	rddreg [dreg:$0x0]  }
0x2: {  	s1 =	rddreg [dreg:$0x1]  }
0x3: {  	s0 =	rddreg [dreg:$0x2]  }
0x4: {  	s3 =	simm.s32 $0x0;
	s4 =	srdreg.scid;
	s2 =	stileid.u32  }
0x5: {  	s16 =	simm.s32 $0x1;
	s17 =	simm.s32 $0x2;
	s18 =	simm.s32 $0x2000  }
0x6: {  	s19 =	simm.s32 $0x4000;
	s20 =	simm.s32 $0x6000;
	s21 =	simm.s32 $0x0  }
0x7: {  	[smem:$0x7FF] =	sst s3;
	s4 =	sand.u32 $0x1, s4;
	s11 =	sadd.s32 $0x200, s1  }
0x8: {  	s6 =	sshll.u32 s2, $0x1;
	s26 =	sshll.u32 s2, $0x12;
	_ =	strace $0x8000004A  }
0x9: {  	s5 =	ssub.s32 $0x2, s4;
	s8 =	sor.u32 s4, s6;
	s4 =	sshll.u32 s4, $0x9  }
0xa: {  	s9 =	sshrl.u32 s5, $0x1;
	s10 =	sshll.u32 s8, $0x2;
	s4 =	sor.u32 s4, s26  }
0xb: {  	s14 =	sshllo.u32 s8, $0x2;
	s8 =	sshll.u32 s8, $0x7;
	s12 =	ssub.s32 s5, s9  }
0xc: {  	s4 =	sshrl.u32 s4, $0x3;
	s28 =	sor.u32 $0x1, s10;
	s10 =	sor.u32 $0x2, s10  }
0xd: {  	s15 =	sshll.u32 s14, $0x7;
	s8 =	sadd.s32 s11, s8;
	s31 =	sshll.u32 s14, $0x5  }
0xe: {  	s14 =	simm.s32 $0x3;
	s4 =	sadd.s32 s7, s4;
	s29 =	sshll.u32 s28, $0x7  }
0xf: {  	s13 =	sshll.u32 s10, $0x7;
	s15 =	sand.u32 $0x380, s15;
	s9 =	sshll.u32 s28, $0x5  }
0x10: {  	s10 =	sshll.u32 s10, $0x5;
	s12 =	smax.u32 s12, $0x1;
	s5 =	sand.u32 $0x280, s29  }
0x11: {  	s13 =	sand.u32 $0x300, s13;
	s15 =	sor.u32 s26, s15;
	s9 =	sadd.s32 s11, s9  }
0x12: {  	v1 =	vlaneseq.u32;
	s10 =	sadd.s32 s11, s10;
	s11 =	sadd.s32 s11, s31;
	s5 =	sor.u32 s26, s5  }
0x13: {  	v0 =	vimm.s32 $0x0;
	v1 =	vmul.u32 $0x100, v1;
	s13 =	sor.u32 s26, s13;
	s30 =	sshrl.u32 s15, $0x3;
	s5 =	sshrl.u32 s5, $0x3  }
0x14: {  	v2 =	vimm.s32 $0x8000;
	v3 =	vimm.s32 $0x6000;
	v4 =	vimm.s32 $0x4000;
	s15 =	simm.s32 $0x1A000;
	s13 =	sshrl.u32 s13, $0x3;
	s5 =	sadd.s32 s7, s5  }
0x15: {  	v5 =	vimm.s32 $0x2000;
	v6 =	vimm.s32 $0x1;
	v7 =	vor.u32 $0x1000, v1;
	s6 =	sadd.s32 s7, s13;
	s7 =	sadd.s32 s7, s30;
	s13 =	simm.s32 $0x1A400  }
.LBB2_1:
0x16: {  	s22 =	simm.s32 $0xA000  }
0x17: {  	s23 =	simm.s32 $0x80;
	s25 =	sadd.s32 $0x0, s4;
	s24 =	simm.s32 $0xA100  }
.LBB2_2:
0x18: {  	[tilespmem:s22], [sflag:$0x1] =	stream.linear.gather [hbm4b:s25+s3], $0x80, $0x38;
	[tilespmem:$0x1A600] =	vst v63  }
0x19: {  	s25 =	smov.u32 s23;
	s22 =	smov.u32 s24;
	p0 =	sne.s32 s23, $0x7F80  }
.Ltmp0:
0x1a: {  	s23 =	sadd.s32 $0x80, s23;
	(pc) =	sbr.rel @p0 .LBB2_2-.Ltmp0, $2  }
0x1b: {  	_ =	sdelay $0x2  }
0x1c: {  	s24 =	sadd.s32 $0x100, s24;
	s25 =	sadd.s32 s25, s4  }
0x1d: {  	[tilespmem:s22], [sflag:$0x1] =	stream.linear.gather [hbm4b:s25+s3], $0x80, $0x38;
	[tilespmem:$0x1A600] =	vst v63  }
0x1e: {  	s22 =	simm.s32 $0x0;
	s23 =	simm.s32 $0xA080  }
0x1f: {  	s24 =	simm.s32 $0x80;
	s26 =	sadd.s32 $0x0, s5;
	s25 =	simm.s32 $0xA180  }
.LBB2_4:
0x20: {  	[tilespmem:s23], [sflag:$0x2] =	stream.linear.gather [hbm4b:s26+s22], $0x80, $0x38;
	[tilespmem:$0x1A600] =	vst v63  }
0x21: {  	s26 =	smov.u32 s24;
	s23 =	smov.u32 s25;
	p0 =	sne.s32 s24, $0x7F80  }
.Ltmp1:
0x22: {  	s24 =	sadd.s32 $0x80, s24;
	(pc) =	sbr.rel @p0 .LBB2_4-.Ltmp1, $2  }
0x23: {  	_ =	sdelay $0x2  }
0x24: {  	s25 =	sadd.s32 $0x100, s25;
	s26 =	sadd.s32 s26, s5  }
0x25: {  	[tilespmem:s23], [sflag:$0x2] =	stream.linear.gather [hbm4b:s26+s22], $0x80, $0x38;
	[tilespmem:$0x1A600] =	vst v63  }
0x26: {  	s22 =	simm.s32 $0x40;
	s23 =	simm.s32 $0x0  }
.LBB2_6:
0x27: {  	p0 =	sne.s32 s22, $0x1FFC0;
	[tilespmem:s23+$0x0] =	vst v0;
	s23 =	smov.u32 s22;
	s22 =	sadd.s32 $0x40, s22  }
.Ltmp2:
0x28: {  	(pc) =	sbr.rel @p0 .LBB2_6-.Ltmp2, $2  }
0x29: {  	_ =	sdelay $0x2  }
0x2a: {  	s23 =	sshra.s32 s23, $0x2  }
0x2b: {  	[tilespmem:s23+$0x0] =	vst v0;
	s22 =	simm.s32 $0x0  }
0x2c: {  	[tilespmem:s13], [sflag:$0x3] =	stream.linear.gather [hbm4b:s1+s22], $0x200, $0x38;
	[tilespmem:$0x1A600] =	vst v63  }
0x2d: {  	_ =	swait.ge [sflag:s14], $0x200  }
0x2e: {  	[sflag:s14] =	ssyncset.done $0x0  }
0x2f: {  	s23 =	simm.s32 $0x0;
	s22 =	simm.s32 $0x40;
	[sflag:s14] =	ssyncadd.s32 $0xFFFFFE00  }
.LBB2_8:
0x30: {  	p0 =	sne.s32 s22, $0xFC0;
	[tilespmem:s23+$0x1A000] =	vst v2;
	s23 =	smov.u32 s22;
	s22 =	sadd.s32 $0x40, s22  }
.Ltmp3:
0x31: {  	(pc) =	sbr.rel @p0 .LBB2_8-.Ltmp3, $2  }
0x32: {  	_ =	sdelay $0x2  }
0x33: {  	s23 =	sshra.s32 s23, $0x2  }
0x34: {  	[tilespmem:s23+$0x1A000] =	vst v2  }
0x35: {  	v8 =	vld [tilespmem:$0x1A580];
	_ =	sdelay $0x7  }
0x36: {  	[tilespmem:v8+s15+$0x0] =	vst.idx.msk $0x1, v3  }
0x37: {  	v8 =	vld [tilespmem:$0x1A500];
	_ =	sdelay $0x7  }
0x38: {  	[tilespmem:v8+s15+$0x0] =	vst.idx.msk $0x1, v4  }
0x39: {  	v8 =	vld [tilespmem:$0x1A480];
	_ =	sdelay $0x7  }
0x3a: {  	[tilespmem:v8+s15+$0x0] =	vst.idx.msk $0x1, v5  }
0x3b: {  	v8 =	vld [tilespmem:$0x1A400];
	_ =	sdelay $0x7  }
0x3c: {  	[tilespmem:v8+s15+$0x0] =	vst.idx.msk $0x1, v0  }
0x3d: {  	_ =	swait.ge [sflag:s16], $0x8000  }
0x3e: {  	[sflag:s16] =	ssyncset.done $0x0  }
0x3f: {  	s22 =	simm.s32 $0xA040;
	[sflag:s16] =	ssyncadd.s32 $0xFFFF8000  }
0x40: {  	v8 =	vld [tilespmem:s22+$0x20];
	_ =	sdelay $0x3  }
0x41: {  	v10 =	vld [tilespmem:s22+$0xFFFFFFE0]  }
0x42: {  	v11 =	vld [tilespmem:s22+$0xFFFFFFC0];
	v9 =	vshra.s32 v8, $0x1F  }
0x43: {  	v9 =	vor.u32 $0x80000000, v9  }
0x44: {  	v12 =	vld [tilespmem:s22+$0x0];
	v8 =	vxor.u32 v8, v9  }
0x45: {  	v9 =	vshrl.u32 v8, $0x16  }
0x46: {  	v13 =	vshra.s32 v10, $0x1F  }
0x47: {  	v14 =	vshra.s32 v11, $0x1F;
	v13 =	vor.u32 $0x80000000, v13  }
0x48: {  	v10 =	vxor.u32 v10, v13;
	v13 =	vor.u32 $0x80000000, v14  }
0x49: {  	v14 =	vshra.s32 v12, $0x1F;
	v11 =	vxor.u32 v11, v13  }
0x4a: {  	v13 =	vor.u32 $0x80000000, v14;
	v14 =	vshrl.u32 v11, $0x16;
	v9 =	vld.idx.msk [tilespmem:v9+s15+$0x0], $0xffff  }
0x4b: {  	v15 =	vshrl.u32 v10, $0x16  }
0x4c: {  	v12 =	vxor.u32 v12, v13  }
0x4d: {  	v8 =	vshrl.u32 v8, $0xE;
	v13 =	vshrl.u32 v12, $0x16  }
0x4e: {  	v8 =	vand.u32 $0xFF, v8  }
0x4f: {  	v14 =	vld.idx.msk [tilespmem:v14+s15+$0x0], $0xffff;
	v8 =	vadd.s32 v8, v9  }
0x50: {  	s31 =	simm.s32 $0xA140;
	v9 =	vld.idx.msk [tilespmem:v15+s15+$0x0], $0xffff;
	v8 =	vadd.s32 v1, v8  }
0x51: {  	v15 =	vld [tilespmem:s31+$0x20]  }
0x52: {  	v11 =	vshrl.u32 v11, $0xE;
	v13 =	vld.idx.msk [tilespmem:v13+s15+$0x0], $0xffff  }
0x53: {  	v11 =	vand.u32 $0xFF, v11  }
0x54: {  	v10 =	vshrl.u32 v10, $0xE;
	v12 =	vshrl.u32 v12, $0xE;
	v11 =	vadd.s32 v11, v14;
	v14 =	vld [tilespmem:s31+$0xFFFFFFC0]  }
0x55: {  	[tilespmem:v8+s3+$0x0] =	vst.idx.add.s32.msk $0xffff, v6;
	v8 =	vand.u32 $0xFF, v10;
	v10 =	vand.u32 $0xFF, v12  }
0x56: {  	v12 =	vld [tilespmem:s22+$0x30];
	v8 =	vadd.s32 v8, v9;
	v9 =	vadd.s32 v1, v11;
	v11 =	vshra.s32 v15, $0x1F  }
0x57: {  	v10 =	vadd.s32 v10, v13;
	v13 =	vld [tilespmem:s31+$0xFFFFFFE0];
	v8 =	vadd.s32 v1, v8;
	v11 =	vor.u32 $0x80000000, v11  }
0x58: {  	v16 =	vld [tilespmem:s31+$0x0];
	v10 =	vadd.s32 v1, v10;
	v11 =	vxor.u32 v15, v11  }
0x59: {  	v15 =	vshrl.u32 v11, $0x16;
	_ =	sdelay $0x1  }
0x5a: {  	[tilespmem:v9+s3+$0x0] =	vst.idx.add.s32.msk $0xffff, v6;
	v9 =	vshra.s32 v14, $0x1F  }
0x5b: {  	v17 =	vshra.s32 v12, $0x1F;
	[tilespmem:v8+s3+$0x0] =	vst.idx.add.s32.msk $0xffff, v6;
	v8 =	vshra.s32 v13, $0x1F;
	v9 =	vor.u32 $0x80000000, v9  }
0x5c: {  	[tilespmem:v10+s3+$0x0] =	vst.idx.add.s32.msk $0xffff, v6;
	v10 =	vshra.s32 v16, $0x1F;
	v8 =	vor.u32 $0x80000000, v8;
	v9 =	vxor.u32 v14, v9  }
0x5d: {  	v10 =	vor.u32 $0x80000000, v10;
	v8 =	vxor.u32 v13, v8;
	v13 =	vld.idx.msk [tilespmem:v15+s15+$0x0], $0xffff;
	v14 =	vshrl.u32 v9, $0x16  }
0x5e: {  	v20 =	vld [tilespmem:s22+$0x10];
	v15 =	vor.u32 $0x80000000, v17;
	v10 =	vxor.u32 v16, v10;
	v18 =	vshrl.u32 v8, $0x16  }
0x5f: {  	v17 =	vld [tilespmem:s22+$0xFFFFFFD0];
	v12 =	vxor.u32 v12, v15;
	v16 =	vshrl.u32 v10, $0x16  }
0x60: {  	v11 =	vshrl.u32 v11, $0xE;
	v15 =	vld [tilespmem:s22+$0xFFFFFFF0];
	v19 =	vshrl.u32 v12, $0x16  }
0x61: {  	v11 =	vand.u32 $0xFF, v11;
	v9 =	vshrl.u32 v9, $0xE  }
0x62: {  	v8 =	vshrl.u32 v8, $0xE;
	v10 =	vshrl.u32 v10, $0xE;
	v14 =	vld.idx.msk [tilespmem:v14+s15+$0x0], $0xffff;
	v11 =	vadd.s32 v11, v13  }
0x63: {  	v9 =	vand.u32 $0xFF, v9;
	v12 =	vshrl.u32 v12, $0xE;
	v13 =	vld.idx.msk [tilespmem:v18+s15+$0x0], $0xffff;
	v11 =	vadd.s32 v1, v11  }
0x64: {  	v8 =	vand.u32 $0xFF, v8;
	v10 =	vand.u32 $0xFF, v10;
	v12 =	vand.u32 $0xFF, v12;
	v16 =	vld.idx.msk [tilespmem:v16+s15+$0x0], $0xffff  }
0x65: {  	v22 =	vshra.s32 v20, $0x1F;
	v18 =	vshra.s32 v17, $0x1F;
	v21 =	vshra.s32 v15, $0x1F;
	v19 =	vld.idx.msk [tilespmem:v19+s15+$0x0], $0xffff  }
0x66: {  	s22 =	simm.s32 $0xA240;
	v22 =	vor.u32 $0x80000000, v22;
	v18 =	vor.u32 $0x80000000, v18;
	v21 =	vor.u32 $0x80000000, v21  }
0x67: {  	v17 =	vxor.u32 v17, v18;
	v15 =	vxor.u32 v15, v21;
	v18 =	vld [tilespmem:s22+$0x20];
	v9 =	vadd.s32 v9, v14  }
0x68: {  	v14 =	vshrl.u32 v17, $0x16;
	v8 =	vadd.s32 v8, v13;
	[tilespmem:v11+s3+$0x0] =	vst.idx.add.s32.msk $0xffff, v6;
	v11 =	vadd.s32 v1, v9  }
0x69: {  	v9 =	vxor.u32 v20, v22;
	v13 =	vadd.s32 v1, v8;
	v8 =	vadd.s32 v10, v16;
	v16 =	vld [tilespmem:s31+$0x30]  }
0x6a: {  	v20 =	vld [tilespmem:s22+$0xFFFFFFE0];
	v10 =	vadd.s32 v12, v19;
	v12 =	vshrl.u32 v15, $0x16;
	v21 =	vshrl.u32 v9, $0x16  }
0x6b: {  	v24 =	vld [tilespmem:s22+$0xFFFFFFC0];
	v19 =	vadd.s32 v1, v8;
	v22 =	vadd.s32 v7, v10;
	v8 =	vshrl.u32 v17, $0xE  }
0x6c: {  	v17 =	vld [tilespmem:s22+$0x0];
	v10 =	vshrl.u32 v15, $0xE;
	v15 =	vshrl.u32 v9, $0xE;
	v23 =	vshra.s32 v18, $0x1F  }
0x6d: {  	v9 =	vand.u32 $0xFF, v8;
	v10 =	vand.u32 $0xFF, v10;
	v23 =	vor.u32 $0x80000000, v23  }
0x6e: {  	v8 =	vand.u32 $0xFF, v15;
	[tilespmem:v11+s3+$0x0] =	vst.idx.add.s32.msk $0xffff, v6;
	v11 =	vxor.u32 v18, v23;
	v15 =	vshra.s32 v16, $0x1F  }
0x6f: {  	v18 =	vshra.s32 v20, $0x1F;
	[tilespmem:v13+s3+$0x0] =	vst.idx.add.s32.msk $0xffff, v6;
	v13 =	vshrl.u32 v11, $0x16;
	v15 =	vor.u32 $0x80000000, v15  }
0x70: {  	v11 =	vshrl.u32 v11, $0xE;
	[tilespmem:v19+s3+$0x0] =	vst.idx.add.s32.msk $0xffff, v6;
	v19 =	vshra.s32 v24, $0x1F;
	v15 =	vxor.u32 v16, v15  }
0x71: {  	v23 =	vld [tilespmem:s31+$0xFFFFFFD0];
	v16 =	vor.u32 $0x80000000, v18;
	v18 =	vshra.s32 v17, $0x1F;
	v25 =	vshrl.u32 v15, $0x16  }
0x72: {  	v11 =	vand.u32 $0xFF, v11;
	v27 =	vld [tilespmem:s31+$0x10];
	v16 =	vxor.u32 v20, v16;
	v18 =	vor.u32 $0x80000000, v18  }
0x73: {  	v19 =	vor.u32 $0x80000000, v19;
	v20 =	vld [tilespmem:s31+$0xFFFFFFF0];
	v26 =	vshrl.u32 v16, $0x16;
	v17 =	vxor.u32 v17, v18  }
0x74: {  	v18 =	vxor.u32 v24, v19;
	v16 =	vshrl.u32 v16, $0xE;
	v24 =	vshrl.u32 v17, $0x16;
	v13 =	vld.idx.msk [tilespmem:v13+s15+$0x0], $0xffff  }
0x75: {  	v28 =	vshrl.u32 v18, $0x16;
	v18 =	vshrl.u32 v18, $0xE;
	v19 =	vshrl.u32 v17, $0xE  }
0x76: {  	v29 =	vand.u32 $0xFF, v16;
	v17 =	vand.u32 $0xFF, v18;
	v18 =	vshra.s32 v23, $0x1F;
	v16 =	vld.idx.msk [tilespmem:v25+s15+$0x0], $0xffff  }
0x77: {  	[tilespmem:v22+s3+$0x0] =	vst.idx.add.s32.msk $0xffff, v6;
	v19 =	vand.u32 $0xFF, v19;
	v18 =	vor.u32 $0x80000000, v18;
	v22 =	vshra.s32 v27, $0x1F  }
0x78: {  	v25 =	vshra.s32 v20, $0x1F;
	v30 =	vor.u32 $0x80000000, v22;
	v31 =	vxor.u32 v23, v18;
	v26 =	vld.idx.msk [tilespmem:v26+s15+$0x0], $0xffff  }
0x79: {  	v25 =	vor.u32 $0x80000000, v25;
	v11 =	vadd.s32 v11, v13;
	v13 =	vshrl.u32 v15, $0xE;
	v23 =	vld.idx.msk [tilespmem:v24+s15+$0x0], $0xffff  }
0x7a: {  	v32 =	vxor.u32 v20, v25;
	v25 =	vld.idx.msk [tilespmem:v28+s15+$0x0], $0xffff;
	v22 =	vadd.s32 v1, v11;
	v11 =	vand.u32 $0xFF, v13  }
0x7b: {  	v14 =	vld.idx.msk [tilespmem:v14+s15+$0x0], $0xffff;
	v20 =	vxor.u32 v27, v30;
	v24 =	vshrl.u32 v31, $0xE;
	v16 =	vadd.s32 v11, v16  }
0x7c: {  	v15 =	vld.idx.msk [tilespmem:v12+s15+$0x0], $0xffff;
	v13 =	vshrl.u32 v31, $0x16;
	v12 =	vshrl.u32 v32, $0x16;
	v18 =	vadd.s32 v7, v16  }
0x7d: {  	s23 =	simm.s32 $0x8;
	s24 =	simm.s32 $0xA340;
	v11 =	vshrl.u32 v20, $0x16;
	v16 =	vld.idx.msk [tilespmem:v21+s15+$0x0], $0xffff;
	v26 =	vadd.s32 v29, v26;
	v21 =	vshrl.u32 v32, $0xE  }
.LBB2_10:
0x7e: {  	v27 =	vld [tilespmem:s24+$0x20];
	s23 =	sadd.s32 $0x4, s23;
	v26 =	vadd.s32 v1, v26;
	v19 =	vadd.s32 v19, v23;
	v20 =	vshrl.u32 v20, $0xE  }
0x7f: {  	v17 =	vadd.s32 v17, v25;
	p0 =	slt.u32 s23, $0x3FC;
	v19 =	vadd.s32 v1, v19;
	[tilespmem:v22+s3+$0x0] =	vst.idx.add.s32.msk $0xffff, v6;
	v22 =	vand.u32 $0xFF, v24  }
0x80: {  	v21 =	vand.u32 $0xFF, v21;
	v17 =	vadd.s32 v1, v17;
	v20 =	vand.u32 $0xFF, v20;
	v23 =	vld [tilespmem:s22+$0x30]  }
0x81: {  	v14 =	vadd.s32 v9, v14;
	v25 =	vadd.s32 v10, v15;
	v9 =	vmov v22;
	[tilespmem:v18+s3+$0x0] =	vst.idx.add.s32.msk $0xffff, v6  }
0x82: {  	v24 =	vadd.s32 v7, v25;
	v10 =	vmovc v21;
	v22 =	vadd.s32 v8, v16;
	v18 =	vadd.s32 v7, v14;
	v15 =	vld [tilespmem:s24+$0xFFFFFFE0]  }
0x83: {  	v8 =	vmov v20;
	v28 =	vadd.s32 v7, v22;
	v14 =	vld [tilespmem:s24+$0x0];
	v16 =	vshra.s32 v27, $0x1F  }
0x84: {  	v20 =	vld [tilespmem:s24+$0xFFFFFFC0];
	v16 =	vor.u32 $0x80000000, v16  }
0x85: {  	v16 =	vxor.u32 v27, v16;
	[tilespmem:v17+s3+$0x0] =	vst.idx.add.s32.msk $0xffff, v6;
	v17 =	vshra.s32 v23, $0x1F  }
0x86: {  	v21 =	vshrl.u32 v16, $0x16;
	[tilespmem:v26+s3+$0x0] =	vst.idx.add.s32.msk $0xffff, v6;
	v17 =	vor.u32 $0x80000000, v17  }
0x87: {  	v22 =	vshra.s32 v15, $0x1F;
	[tilespmem:v19+s3+$0x0] =	vst.idx.add.s32.msk $0xffff, v6;
	v26 =	vxor.u32 v23, v17  }
0x88: {  	v17 =	vor.u32 $0x80000000, v22;
	v19 =	vshra.s32 v14, $0x1F;
	v22 =	vld [tilespmem:s22+$0xFFFFFFD0];
	v23 =	vshrl.u32 v26, $0x16  }
0x89: {  	v25 =	vshra.s32 v20, $0x1F;
	v15 =	vxor.u32 v15, v17;
	v17 =	vor.u32 $0x80000000, v19;
	v27 =	vld [tilespmem:s22+$0xFFFFFFF0]  }
0x8a: {  	v19 =	vor.u32 $0x80000000, v25;
	v25 =	vshrl.u32 v15, $0x16;
	v14 =	vxor.u32 v14, v17;
	v29 =	vld [tilespmem:s22+$0x10];
	s22 =	smov.u32 s24  }
0x8b: {  	v15 =	vshrl.u32 v15, $0xE;
	v17 =	vxor.u32 v20, v19;
	v20 =	vshrl.u32 v14, $0x16;
	v21 =	vld.idx.msk [tilespmem:v21+s15+$0x0], $0xffff  }
0x8c: {  	v19 =	vshrl.u32 v14, $0xE;
	v30 =	vshrl.u32 v17, $0x16;
	v17 =	vshrl.u32 v17, $0xE;
	v14 =	vld.idx.msk [tilespmem:v13+s15+$0x0], $0xffff  }
0x8d: {  	v31 =	vand.u32 $0xFF, v15;
	v19 =	vand.u32 $0xFF, v19;
	v17 =	vand.u32 $0xFF, v17;
	v32 =	vld.idx.msk [tilespmem:v23+s15+$0x0], $0xffff  }
0x8e: {  	v13 =	vshra.s32 v22, $0x1F;
	v33 =	vshra.s32 v27, $0x1F;
	v15 =	vld.idx.msk [tilespmem:v12+s15+$0x0], $0xffff  }
0x8f: {  	v12 =	vshrl.u32 v16, $0xE;
	v13 =	vor.u32 $0x80000000, v13;
	v34 =	vld.idx.msk [tilespmem:v25+s15+$0x0], $0xffff;
	v16 =	vshra.s32 v29, $0x1F  }
0x90: {  	v12 =	vand.u32 $0xFF, v12;
	v23 =	vld.idx.msk [tilespmem:v20+s15+$0x0], $0xffff;
	v20 =	vor.u32 $0x80000000, v33;
	v33 =	vor.u32 $0x80000000, v16  }
.Ltmp4:
0x91: {  	v12 =	vadd.s32 v12, v21;
	v21 =	vxor.u32 v22, v13;
	v13 =	vshrl.u32 v26, $0xE;
	v25 =	vld.idx.msk [tilespmem:v30+s15+$0x0], $0xffff;
	(pc) =	sbr.rel @p0 .LBB2_10-.Ltmp4, $4  }
0x92: {  	v22 =	vadd.s32 v1, v12;
	v27 =	vxor.u32 v27, v20;
	v12 =	vand.u32 $0xFF, v13;
	v16 =	vld.idx.msk [tilespmem:v11+s15+$0x0], $0xffff  }
0x93: {  	v13 =	vshrl.u32 v21, $0x16;
	v20 =	vxor.u32 v29, v33;
	v26 =	vadd.s32 v12, v32;
	[tilespmem:v18+s3+$0x0] =	vst.idx.add.s32.msk $0xffff, v6  }
0x94: {  	v12 =	vshrl.u32 v27, $0x16;
	v11 =	vshrl.u32 v20, $0x16;
	v18 =	vadd.s32 v7, v26;
	[tilespmem:v24+s3+$0x0] =	vst.idx.add.s32.msk $0xffff, v6  }
0x95: {  	s24 =	sadd.s32 $0x100, s24;
	v26 =	vadd.s32 v31, v34;
	v24 =	vshrl.u32 v21, $0xE;
	v21 =	vshrl.u32 v27, $0xE;
	[tilespmem:v28+s3+$0x0] =	vst.idx.add.s32.msk $0xffff, v6  }
0x96: {  	_ = 	snop  }
0x97: {  	v17 =	vadd.s32 v17, v25;
	v45 =	vadd.s32 v1, v26  }
0x98: {  	v19 =	vadd.s32 v19, v23;
	v17 =	vadd.s32 v1, v17  }
0x99: {  	v19 =	vadd.s32 v1, v19  }
0x9a: {  	[tilespmem:v22+s3+$0x0] =	vst.idx.add.s32.msk $0xffff, v6  }
0x9b: {  	v22 =	vld [tilespmem:s22+$0x30]  }
0x9c: {  	[tilespmem:v45+s3+$0x0] =	vst.idx.add.s32.msk $0xffff, v6  }
0x9d: {  	[tilespmem:v17+s3+$0x0] =	vst.idx.add.s32.msk $0xffff, v6  }
0x9e: {  	[tilespmem:v19+s3+$0x0] =	vst.idx.add.s32.msk $0xffff, v6  }
0x9f: {  	v48 =	vld [tilespmem:s22+$0xFFFFFFF0]  }
0xa0: {  	v47 =	vld [tilespmem:s22+$0xFFFFFFD0]  }
0xa1: {  	v49 =	vld [tilespmem:s22+$0x10]  }
0xa2: {  	v46 =	vshra.s32 v22, $0x1F  }
0xa3: {  	v17 =	vor.u32 $0x80000000, v46  }
0xa4: {  	v17 =	vxor.u32 v22, v17;
	v27 =	vshra.s32 v48, $0x1F  }
0xa5: {  	v50 =	vshrl.u32 v17, $0x16;
	v51 =	vshra.s32 v47, $0x1F;
	v27 =	vor.u32 $0x80000000, v27  }
0xa6: {  	v13 =	vld.idx.msk [tilespmem:v13+s15+$0x0], $0xffff;
	v52 =	vshra.s32 v49, $0x1F;
	v26 =	vor.u32 $0x80000000, v51;
	v23 =	vxor.u32 v48, v27  }
0xa7: {  	v12 =	vld.idx.msk [tilespmem:v12+s15+$0x0], $0xffff;
	v19 =	vxor.u32 v47, v26;
	v26 =	vor.u32 $0x80000000, v52;
	v54 =	vshrl.u32 v23, $0x16  }
0xa8: {  	v11 =	vld.idx.msk [tilespmem:v11+s15+$0x0], $0xffff;
	v53 =	vshrl.u32 v19, $0x16;
	v22 =	vxor.u32 v49, v26  }
0xa9: {  	v9 =	vadd.s32 v9, v14;
	v10 =	vadd.s32 v10, v15;
	v55 =	vshrl.u32 v22, $0x16  }
0xaa: {  	v56 =	vshrl.u32 v20, $0xE;
	v57 =	vand.u32 $0xFF, v24;
	v21 =	vand.u32 $0xFF, v21  }
0xab: {  	v9 =	vadd.s32 v7, v9;
	v10 =	vadd.s32 v7, v10;
	v8 =	vadd.s32 v8, v16;
	v25 =	vld.idx.msk [tilespmem:v50+s15+$0x0], $0xffff  }
0xac: {  	v15 =	vand.u32 $0xFF, v56;
	v8 =	vadd.s32 v7, v8;
	v13 =	vadd.s32 v57, v13;
	v60 =	vld.idx.msk [tilespmem:v54+s15+$0x0], $0xffff  }
0xad: {  	v12 =	vadd.s32 v21, v12;
	v11 =	vadd.s32 v15, v11;
	v13 =	vadd.s32 v7, v13;
	v59 =	vld.idx.msk [tilespmem:v53+s15+$0x0], $0xffff  }
0xae: {  	v12 =	vadd.s32 v7, v12;
	v11 =	vadd.s32 v7, v11;
	v17 =	vshrl.u32 v17, $0xE;
	v14 =	vld.idx.msk [tilespmem:v55+s15+$0x0], $0xffff  }
0xaf: {  	[tilespmem:v18+s3+$0x0] =	vst.idx.add.s32.msk $0xffff, v6;
	v17 =	vand.u32 $0xFF, v17;
	v23 =	vshrl.u32 v23, $0xE;
	v19 =	vshrl.u32 v19, $0xE  }
0xb0: {  	[tilespmem:v9+s3+$0x0] =	vst.idx.add.s32.msk $0xffff, v6;
	v63 =	vand.u32 $0xFF, v23;
	v61 =	vshrl.u32 v22, $0xE;
	v58 =	vadd.s32 v17, v25  }
0xb1: {  	[tilespmem:v10+s3+$0x0] =	vst.idx.add.s32.msk $0xffff, v6;
	v62 =	vand.u32 $0xFF, v19;
	v16 =	vadd.s32 v7, v58;
	v10 =	vadd.s32 v63, v60  }
0xb2: {  	[tilespmem:v8+s3+$0x0] =	vst.idx.add.s32.msk $0xffff, v6;
	v8 =	vand.u32 $0xFF, v61;
	v9 =	vadd.s32 v62, v59;
	v10 =	vadd.s32 v7, v10  }
0xb3: {  	[tilespmem:v13+s3+$0x0] =	vst.idx.add.s32.msk $0xffff, v6;
	v9 =	vadd.s32 v7, v9;
	v8 =	vadd.s32 v8, v14  }
0xb4: {  	[tilespmem:v12+s3+$0x0] =	vst.idx.add.s32.msk $0xffff, v6;
	v8 =	vadd.s32 v7, v8  }
0xb5: {  	[tilespmem:v11+s3+$0x0] =	vst.idx.add.s32.msk $0xffff, v6  }
0xb6: {  	[tilespmem:v16+s3+$0x0] =	vst.idx.add.s32.msk $0xffff, v6  }
0xb7: {  	[tilespmem:v10+s3+$0x0] =	vst.idx.add.s32.msk $0xffff, v6  }
0xb8: {  	s23 =	simm.s32 $0x80;
	[tilespmem:v9+s3+$0x0] =	vst.idx.add.s32.msk $0xffff, v6  }
0xb9: {  	s25 =	sadd.s32 $0x0, s6;
	s24 =	simm.s32 $0xA100;
	s22 =	simm.s32 $0xA000;
	[tilespmem:v8+s3+$0x0] =	vst.idx.add.s32.msk $0xffff, v6  }
.LBB2_12:
0xba: {  	[tilespmem:s22], [sflag:$0x1] =	stream.linear.gather [hbm4b:s25+s3], $0x80, $0x38;
	[tilespmem:$0x1A600] =	vst v63  }
0xbb: {  	s25 =	smov.u32 s23;
	s22 =	smov.u32 s24;
	p0 =	sne.s32 s23, $0x7F80  }
.Ltmp5:
0xbc: {  	s23 =	sadd.s32 $0x80, s23;
	(pc) =	sbr.rel @p0 .LBB2_12-.Ltmp5, $2  }
0xbd: {  	_ =	sdelay $0x2  }
0xbe: {  	s24 =	sadd.s32 $0x100, s24;
	s25 =	sadd.s32 s25, s6  }
0xbf: {  	[tilespmem:s22], [sflag:$0x1] =	stream.linear.gather [hbm4b:s25+s3], $0x80, $0x38;
	[tilespmem:$0x1A600] =	vst v63  }
0xc0: {  	_ =	swait.ge [sflag:s17], $0x8000  }
0xc1: {  	[sflag:s17] =	ssyncset.done $0x0  }
0xc2: {  	s31 =	simm.s32 $0xA0F0;
	[sflag:s17] =	ssyncadd.s32 $0xFFFF8000  }
0xc3: {  	v8 =	vld [tilespmem:s31+$0xFFFFFFF0];
	_ =	sdelay $0x3  }
0xc4: {  	v10 =	vld [tilespmem:s31+$0xFFFFFFB0]  }
0xc5: {  	v11 =	vld [tilespmem:s31+$0xFFFFFF90];
	v9 =	vshra.s32 v8, $0x1F  }
0xc6: {  	v9 =	vor.u32 $0x80000000, v9  }
0xc7: {  	v12 =	vld [tilespmem:s31+$0xFFFFFFD0];
	v8 =	vxor.u32 v8, v9  }
0xc8: {  	v9 =	vshrl.u32 v8, $0x16  }
0xc9: {  	v13 =	vshra.s32 v10, $0x1F  }
0xca: {  	v14 =	vshra.s32 v11, $0x1F;
	v13 =	vor.u32 $0x80000000, v13  }
0xcb: {  	v10 =	vxor.u32 v10, v13;
	v13 =	vor.u32 $0x80000000, v14  }
0xcc: {  	v14 =	vshra.s32 v12, $0x1F;
	v11 =	vxor.u32 v11, v13  }
0xcd: {  	v13 =	vor.u32 $0x80000000, v14;
	v14 =	vshrl.u32 v11, $0x16;
	v9 =	vld.idx.msk [tilespmem:v9+s15+$0x0], $0xffff  }
0xce: {  	v15 =	vshrl.u32 v10, $0x16  }
0xcf: {  	v12 =	vxor.u32 v12, v13  }
0xd0: {  	v8 =	vshrl.u32 v8, $0xE;
	v13 =	vshrl.u32 v12, $0x16  }
0xd1: {  	v8 =	vand.u32 $0xFF, v8  }
0xd2: {  	v14 =	vld.idx.msk [tilespmem:v14+s15+$0x0], $0xffff;
	v8 =	vadd.s32 v8, v9  }
0xd3: {  	s23 =	simm.s32 $0xA1F0;
	v9 =	vld.idx.msk [tilespmem:v15+s15+$0x0], $0xffff;
	v8 =	vadd.s32 v1, v8  }
0xd4: {  	v15 =	vld [tilespmem:s23+$0xFFFFFFF0]  }
0xd5: {  	v11 =	vshrl.u32 v11, $0xE;
	v13 =	vld.idx.msk [tilespmem:v13+s15+$0x0], $0xffff  }
0xd6: {  	v11 =	vand.u32 $0xFF, v11  }
0xd7: {  	v10 =	vshrl.u32 v10, $0xE;
	v12 =	vshrl.u32 v12, $0xE;
	v11 =	vadd.s32 v11, v14;
	v14 =	vld [tilespmem:s23+$0xFFFFFF90]  }
0xd8: {  	[tilespmem:v8+s3+$0x0] =	vst.idx.add.s32.msk $0xffff, v6;
	v8 =	vand.u32 $0xFF, v10;
	v10 =	vand.u32 $0xFF, v12  }
0xd9: {  	v12 =	vld [tilespmem:s31+$0x0];
	v8 =	vadd.s32 v8, v9;
	v9 =	vadd.s32 v1, v11;
	v11 =	vshra.s32 v15, $0x1F  }
0xda: {  	v10 =	vadd.s32 v10, v13;
	v13 =	vld [tilespmem:s23+$0xFFFFFFB0];
	v8 =	vadd.s32 v1, v8;
	v11 =	vor.u32 $0x80000000, v11  }
0xdb: {  	v16 =	vld [tilespmem:s23+$0xFFFFFFD0];
	v10 =	vadd.s32 v1, v10;
	v11 =	vxor.u32 v15, v11  }
0xdc: {  	v15 =	vshrl.u32 v11, $0x16;
	_ =	sdelay $0x1  }
0xdd: {  	[tilespmem:v9+s3+$0x0] =	vst.idx.add.s32.msk $0xffff, v6;
	v9 =	vshra.s32 v14, $0x1F  }
0xde: {  	v17 =	vshra.s32 v12, $0x1F;
	[tilespmem:v8+s3+$0x0] =	vst.idx.add.s32.msk $0xffff, v6;
	v8 =	vshra.s32 v13, $0x1F;
	v9 =	vor.u32 $0x80000000, v9  }
0xdf: {  	[tilespmem:v10+s3+$0x0] =	vst.idx.add.s32.msk $0xffff, v6;
	v10 =	vshra.s32 v16, $0x1F;
	v8 =	vor.u32 $0x80000000, v8;
	v9 =	vxor.u32 v14, v9  }
0xe0: {  	v10 =	vor.u32 $0x80000000, v10;
	v8 =	vxor.u32 v13, v8;
	v13 =	vld.idx.msk [tilespmem:v15+s15+$0x0], $0xffff;
	v14 =	vshrl.u32 v9, $0x16  }
0xe1: {  	v20 =	vld [tilespmem:s31+$0xFFFFFFE0];
	v15 =	vor.u32 $0x80000000, v17;
	v10 =	vxor.u32 v16, v10;
	v18 =	vshrl.u32 v8, $0x16  }
0xe2: {  	v17 =	vld [tilespmem:s31+$0xFFFFFFA0];
	v12 =	vxor.u32 v12, v15;
	v16 =	vshrl.u32 v10, $0x16  }
0xe3: {  	v11 =	vshrl.u32 v11, $0xE;
	v15 =	vld [tilespmem:s31+$0xFFFFFFC0];
	v19 =	vshrl.u32 v12, $0x16  }
0xe4: {  	v11 =	vand.u32 $0xFF, v11;
	v9 =	vshrl.u32 v9, $0xE  }
0xe5: {  	v8 =	vshrl.u32 v8, $0xE;
	v10 =	vshrl.u32 v10, $0xE;
	v14 =	vld.idx.msk [tilespmem:v14+s15+$0x0], $0xffff;
	v11 =	vadd.s32 v11, v13  }
0xe6: {  	v9 =	vand.u32 $0xFF, v9;
	v12 =	vshrl.u32 v12, $0xE;
	v13 =	vld.idx.msk [tilespmem:v18+s15+$0x0], $0xffff;
	v11 =	vadd.s32 v1, v11  }
0xe7: {  	v8 =	vand.u32 $0xFF, v8;
	v10 =	vand.u32 $0xFF, v10;
	v12 =	vand.u32 $0xFF, v12;
	v16 =	vld.idx.msk [tilespmem:v16+s15+$0x0], $0xffff  }
0xe8: {  	v22 =	vshra.s32 v20, $0x1F;
	v18 =	vshra.s32 v17, $0x1F;
	v21 =	vshra.s32 v15, $0x1F;
	v19 =	vld.idx.msk [tilespmem:v19+s15+$0x0], $0xffff  }
0xe9: {  	s22 =	simm.s32 $0xA2F0;
	v22 =	vor.u32 $0x80000000, v22;
	v18 =	vor.u32 $0x80000000, v18;
	v21 =	vor.u32 $0x80000000, v21  }
0xea: {  	v17 =	vxor.u32 v17, v18;
	v15 =	vxor.u32 v15, v21;
	v18 =	vld [tilespmem:s22+$0xFFFFFFF0];
	v9 =	vadd.s32 v9, v14  }
0xeb: {  	v14 =	vshrl.u32 v17, $0x16;
	v8 =	vadd.s32 v8, v13;
	[tilespmem:v11+s3+$0x0] =	vst.idx.add.s32.msk $0xffff, v6;
	v11 =	vadd.s32 v1, v9  }
0xec: {  	v9 =	vxor.u32 v20, v22;
	v13 =	vadd.s32 v1, v8;
	v8 =	vadd.s32 v10, v16;
	v16 =	vld [tilespmem:s23+$0x0]  }
0xed: {  	v20 =	vld [tilespmem:s22+$0xFFFFFFB0];
	v10 =	vadd.s32 v12, v19;
	v12 =	vshrl.u32 v15, $0x16;
	v21 =	vshrl.u32 v9, $0x16  }
0xee: {  	v24 =	vld [tilespmem:s22+$0xFFFFFF90];
	v19 =	vadd.s32 v1, v8;
	v22 =	vadd.s32 v7, v10;
	v8 =	vshrl.u32 v17, $0xE  }
0xef: {  	v17 =	vld [tilespmem:s22+$0xFFFFFFD0];
	v10 =	vshrl.u32 v15, $0xE;
	v15 =	vshrl.u32 v9, $0xE;
	v23 =	vshra.s32 v18, $0x1F  }
0xf0: {  	v9 =	vand.u32 $0xFF, v8;
	v10 =	vand.u32 $0xFF, v10;
	v23 =	vor.u32 $0x80000000, v23  }
0xf1: {  	v8 =	vand.u32 $0xFF, v15;
	[tilespmem:v11+s3+$0x0] =	vst.idx.add.s32.msk $0xffff, v6;
	v11 =	vxor.u32 v18, v23;
	v15 =	vshra.s32 v16, $0x1F  }
0xf2: {  	v18 =	vshra.s32 v20, $0x1F;
	[tilespmem:v13+s3+$0x0] =	vst.idx.add.s32.msk $0xffff, v6;
	v13 =	vshrl.u32 v11, $0x16;
	v15 =	vor.u32 $0x80000000, v15  }
0xf3: {  	v11 =	vshrl.u32 v11, $0xE;
	[tilespmem:v19+s3+$0x0] =	vst.idx.add.s32.msk $0xffff, v6;
	v19 =	vshra.s32 v24, $0x1F;
	v15 =	vxor.u32 v16, v15  }
0xf4: {  	v23 =	vld [tilespmem:s23+$0xFFFFFFA0];
	v16 =	vor.u32 $0x80000000, v18;
	v18 =	vshra.s32 v17, $0x1F;
	v25 =	vshrl.u32 v15, $0x16  }
0xf5: {  	v11 =	vand.u32 $0xFF, v11;
	v27 =	vld [tilespmem:s23+$0xFFFFFFE0];
	v16 =	vxor.u32 v20, v16;
	v18 =	vor.u32 $0x80000000, v18  }
0xf6: {  	v19 =	vor.u32 $0x80000000, v19;
	v20 =	vld [tilespmem:s23+$0xFFFFFFC0];
	v26 =	vshrl.u32 v16, $0x16;
	v17 =	vxor.u32 v17, v18  }
0xf7: {  	v18 =	vxor.u32 v24, v19;
	v16 =	vshrl.u32 v16, $0xE;
	v24 =	vshrl.u32 v17, $0x16;
	v13 =	vld.idx.msk [tilespmem:v13+s15+$0x0], $0xffff  }
0xf8: {  	v28 =	vshrl.u32 v18, $0x16;
	v18 =	vshrl.u32 v18, $0xE;
	v19 =	vshrl.u32 v17, $0xE  }
0xf9: {  	v29 =	vand.u32 $0xFF, v16;
	v17 =	vand.u32 $0xFF, v18;
	v18 =	vshra.s32 v23, $0x1F;
	v16 =	vld.idx.msk [tilespmem:v25+s15+$0x0], $0xffff  }
0xfa: {  	[tilespmem:v22+s3+$0x0] =	vst.idx.add.s32.msk $0xffff, v6;
	v19 =	vand.u32 $0xFF, v19;
	v18 =	vor.u32 $0x80000000, v18;
	v22 =	vshra.s32 v27, $0x1F  }
0xfb: {  	v25 =	vshra.s32 v20, $0x1F;
	v30 =	vor.u32 $0x80000000, v22;
	v31 =	vxor.u32 v23, v18;
	v26 =	vld.idx.msk [tilespmem:v26+s15+$0x0], $0xffff  }
0xfc: {  	v25 =	vor.u32 $0x80000000, v25;
	v11 =	vadd.s32 v11, v13;
	v13 =	vshrl.u32 v15, $0xE;
	v23 =	vld.idx.msk [tilespmem:v24+s15+$0x0], $0xffff  }
0xfd: {  	v32 =	vxor.u32 v20, v25;
	v25 =	vld.idx.msk [tilespmem:v28+s15+$0x0], $0xffff;
	v22 =	vadd.s32 v1, v11;
	v11 =	vand.u32 $0xFF, v13  }
0xfe: {  	v14 =	vld.idx.msk [tilespmem:v14+s15+$0x0], $0xffff;
	v20 =	vxor.u32 v27, v30;
	v24 =	vshrl.u32 v31, $0xE;
	v16 =	vadd.s32 v11, v16  }
0xff: {  	v15 =	vld.idx.msk [tilespmem:v12+s15+$0x0], $0xffff;
	v13 =	vshrl.u32 v31, $0x16;
	v12 =	vshrl.u32 v32, $0x16;
	v18 =	vadd.s32 v7, v16  }
0x100: {  	s24 =	simm.s32 $0xA3F0;
	s23 =	simm.s32 $0x8;
	v11 =	vshrl.u32 v20, $0x16;
	v16 =	vld.idx.msk [tilespmem:v21+s15+$0x0], $0xffff;
	v26 =	vadd.s32 v29, v26;
	v21 =	vshrl.u32 v32, $0xE  }
.LBB2_14:
0x101: {  	v27 =	vld [tilespmem:s24+$0xFFFFFFF0];
	s23 =	sadd.s32 $0x4, s23;
	v26 =	vadd.s32 v1, v26;
	v19 =	vadd.s32 v19, v23;
	v20 =	vshrl.u32 v20, $0xE  }
0x102: {  	v17 =	vadd.s32 v17, v25;
	p0 =	slt.u32 s23, $0x3FC;
	v19 =	vadd.s32 v1, v19;
	[tilespmem:v22+s3+$0x0] =	vst.idx.add.s32.msk $0xffff, v6;
	v22 =	vand.u32 $0xFF, v24  }
0x103: {  	v21 =	vand.u32 $0xFF, v21;
	v17 =	vadd.s32 v1, v17;
	v20 =	vand.u32 $0xFF, v20;
	v23 =	vld [tilespmem:s22+$0x0]  }
0x104: {  	v14 =	vadd.s32 v9, v14;
	v25 =	vadd.s32 v10, v15;
	v9 =	vmov v22;
	[tilespmem:v18+s3+$0x0] =	vst.idx.add.s32.msk $0xffff, v6  }
0x105: {  	v24 =	vadd.s32 v7, v25;
	v10 =	vmovc v21;
	v22 =	vadd.s32 v8, v16;
	v18 =	vadd.s32 v7, v14;
	v15 =	vld [tilespmem:s24+$0xFFFFFFB0]  }
0x106: {  	v8 =	vmov v20;
	v28 =	vadd.s32 v7, v22;
	v14 =	vld [tilespmem:s24+$0xFFFFFFD0];
	v16 =	vshra.s32 v27, $0x1F  }
0x107: {  	v20 =	vld [tilespmem:s24+$0xFFFFFF90];
	v16 =	vor.u32 $0x80000000, v16  }
0x108: {  	v16 =	vxor.u32 v27, v16;
	[tilespmem:v17+s3+$0x0] =	vst.idx.add.s32.msk $0xffff, v6;
	v17 =	vshra.s32 v23, $0x1F  }
0x109: {  	v21 =	vshrl.u32 v16, $0x16;
	[tilespmem:v26+s3+$0x0] =	vst.idx.add.s32.msk $0xffff, v6;
	v17 =	vor.u32 $0x80000000, v17  }
0x10a: {  	v22 =	vshra.s32 v15, $0x1F;
	[tilespmem:v19+s3+$0x0] =	vst.idx.add.s32.msk $0xffff, v6;
	v26 =	vxor.u32 v23, v17  }
0x10b: {  	v17 =	vor.u32 $0x80000000, v22;
	v19 =	vshra.s32 v14, $0x1F;
	v22 =	vld [tilespmem:s22+$0xFFFFFFA0];
	v23 =	vshrl.u32 v26, $0x16  }
0x10c: {  	v25 =	vshra.s32 v20, $0x1F;
	v15 =	vxor.u32 v15, v17;
	v17 =	vor.u32 $0x80000000, v19;
	v27 =	vld [tilespmem:s22+$0xFFFFFFC0]  }
0x10d: {  	v19 =	vor.u32 $0x80000000, v25;
	v25 =	vshrl.u32 v15, $0x16;
	v14 =	vxor.u32 v14, v17;
	v29 =	vld [tilespmem:s22+$0xFFFFFFE0];
	s22 =	smov.u32 s24  }
0x10e: {  	v15 =	vshrl.u32 v15, $0xE;
	v17 =	vxor.u32 v20, v19;
	v20 =	vshrl.u32 v14, $0x16;
	v21 =	vld.idx.msk [tilespmem:v21+s15+$0x0], $0xffff  }
0x10f: {  	v19 =	vshrl.u32 v14, $0xE;
	v30 =	vshrl.u32 v17, $0x16;
	v17 =	vshrl.u32 v17, $0xE;
	v14 =	vld.idx.msk [tilespmem:v13+s15+$0x0], $0xffff  }
0x110: {  	v31 =	vand.u32 $0xFF, v15;
	v19 =	vand.u32 $0xFF, v19;
	v17 =	vand.u32 $0xFF, v17;
	v32 =	vld.idx.msk [tilespmem:v23+s15+$0x0], $0xffff  }
0x111: {  	v13 =	vshra.s32 v22, $0x1F;
	v33 =	vshra.s32 v27, $0x1F;
	v15 =	vld.idx.msk [tilespmem:v12+s15+$0x0], $0xffff  }
0x112: {  	v12 =	vshrl.u32 v16, $0xE;
	v13 =	vor.u32 $0x80000000, v13;
	v34 =	vld.idx.msk [tilespmem:v25+s15+$0x0], $0xffff;
	v16 =	vshra.s32 v29, $0x1F  }
0x113: {  	v12 =	vand.u32 $0xFF, v12;
	v23 =	vld.idx.msk [tilespmem:v20+s15+$0x0], $0xffff;
	v20 =	vor.u32 $0x80000000, v33;
	v33 =	vor.u32 $0x80000000, v16  }
.Ltmp6:
0x114: {  	v12 =	vadd.s32 v12, v21;
	v21 =	vxor.u32 v22, v13;
	v13 =	vshrl.u32 v26, $0xE;
	v25 =	vld.idx.msk [tilespmem:v30+s15+$0x0], $0xffff;
	(pc) =	sbr.rel @p0 .LBB2_14-.Ltmp6, $4  }
0x115: {  	v22 =	vadd.s32 v1, v12;
	v27 =	vxor.u32 v27, v20;
	v12 =	vand.u32 $0xFF, v13;
	v16 =	vld.idx.msk [tilespmem:v11+s15+$0x0], $0xffff  }
0x116: {  	v13 =	vshrl.u32 v21, $0x16;
	v20 =	vxor.u32 v29, v33;
	v26 =	vadd.s32 v12, v32;
	[tilespmem:v18+s3+$0x0] =	vst.idx.add.s32.msk $0xffff, v6  }
0x117: {  	v12 =	vshrl.u32 v27, $0x16;
	v11 =	vshrl.u32 v20, $0x16;
	v18 =	vadd.s32 v7, v26;
	[tilespmem:v24+s3+$0x0] =	vst.idx.add.s32.msk $0xffff, v6  }
0x118: {  	s24 =	sadd.s32 $0x100, s24;
	v26 =	vadd.s32 v31, v34;
	v24 =	vshrl.u32 v21, $0xE;
	v21 =	vshrl.u32 v27, $0xE;
	[tilespmem:v28+s3+$0x0] =	vst.idx.add.s32.msk $0xffff, v6  }
0x119: {  	_ = 	snop  }
0x11a: {  	v17 =	vadd.s32 v17, v25;
	v45 =	vadd.s32 v1, v26  }
0x11b: {  	v19 =	vadd.s32 v19, v23;
	v17 =	vadd.s32 v1, v17  }
0x11c: {  	v19 =	vadd.s32 v1, v19  }
0x11d: {  	[tilespmem:v22+s3+$0x0] =	vst.idx.add.s32.msk $0xffff, v6  }
0x11e: {  	v22 =	vld [tilespmem:s22+$0x0]  }
0x11f: {  	[tilespmem:v45+s3+$0x0] =	vst.idx.add.s32.msk $0xffff, v6  }
0x120: {  	[tilespmem:v17+s3+$0x0] =	vst.idx.add.s32.msk $0xffff, v6  }
0x121: {  	[tilespmem:v19+s3+$0x0] =	vst.idx.add.s32.msk $0xffff, v6  }
0x122: {  	v48 =	vld [tilespmem:s22+$0xFFFFFFC0]  }
0x123: {  	v47 =	vld [tilespmem:s22+$0xFFFFFFA0]  }
0x124: {  	v49 =	vld [tilespmem:s22+$0xFFFFFFE0]  }
0x125: {  	v46 =	vshra.s32 v22, $0x1F  }
0x126: {  	v17 =	vor.u32 $0x80000000, v46  }
0x127: {  	v17 =	vxor.u32 v22, v17;
	v27 =	vshra.s32 v48, $0x1F  }
0x128: {  	v50 =	vshrl.u32 v17, $0x16;
	v51 =	vshra.s32 v47, $0x1F;
	v27 =	vor.u32 $0x80000000, v27  }
0x129: {  	v13 =	vld.idx.msk [tilespmem:v13+s15+$0x0], $0xffff;
	v52 =	vshra.s32 v49, $0x1F;
	v26 =	vor.u32 $0x80000000, v51;
	v23 =	vxor.u32 v48, v27  }
0x12a: {  	v12 =	vld.idx.msk [tilespmem:v12+s15+$0x0], $0xffff;
	v19 =	vxor.u32 v47, v26;
	v26 =	vor.u32 $0x80000000, v52;
	v54 =	vshrl.u32 v23, $0x16  }
0x12b: {  	v11 =	vld.idx.msk [tilespmem:v11+s15+$0x0], $0xffff;
	v53 =	vshrl.u32 v19, $0x16;
	v22 =	vxor.u32 v49, v26  }
0x12c: {  	v9 =	vadd.s32 v9, v14;
	v10 =	vadd.s32 v10, v15;
	v55 =	vshrl.u32 v22, $0x16  }
0x12d: {  	v56 =	vshrl.u32 v20, $0xE;
	v57 =	vand.u32 $0xFF, v24;
	v21 =	vand.u32 $0xFF, v21  }
0x12e: {  	v9 =	vadd.s32 v7, v9;
	v10 =	vadd.s32 v7, v10;
	v8 =	vadd.s32 v8, v16;
	v25 =	vld.idx.msk [tilespmem:v50+s15+$0x0], $0xffff  }
0x12f: {  	v15 =	vand.u32 $0xFF, v56;
	v8 =	vadd.s32 v7, v8;
	v13 =	vadd.s32 v57, v13;
	v60 =	vld.idx.msk [tilespmem:v54+s15+$0x0], $0xffff  }
0x130: {  	v12 =	vadd.s32 v21, v12;
	v11 =	vadd.s32 v15, v11;
	v13 =	vadd.s32 v7, v13;
	v59 =	vld.idx.msk [tilespmem:v53+s15+$0x0], $0xffff  }
0x131: {  	v12 =	vadd.s32 v7, v12;
	v11 =	vadd.s32 v7, v11;
	v17 =	vshrl.u32 v17, $0xE;
	v14 =	vld.idx.msk [tilespmem:v55+s15+$0x0], $0xffff  }
0x132: {  	[tilespmem:v18+s3+$0x0] =	vst.idx.add.s32.msk $0xffff, v6;
	v17 =	vand.u32 $0xFF, v17;
	v23 =	vshrl.u32 v23, $0xE;
	v19 =	vshrl.u32 v19, $0xE  }
0x133: {  	[tilespmem:v9+s3+$0x0] =	vst.idx.add.s32.msk $0xffff, v6;
	v63 =	vand.u32 $0xFF, v23;
	v61 =	vshrl.u32 v22, $0xE;
	v58 =	vadd.s32 v17, v25  }
0x134: {  	[tilespmem:v10+s3+$0x0] =	vst.idx.add.s32.msk $0xffff, v6;
	v62 =	vand.u32 $0xFF, v19;
	v16 =	vadd.s32 v7, v58;
	v10 =	vadd.s32 v63, v60  }
0x135: {  	[tilespmem:v8+s3+$0x0] =	vst.idx.add.s32.msk $0xffff, v6;
	v8 =	vand.u32 $0xFF, v61;
	v9 =	vadd.s32 v62, v59;
	v10 =	vadd.s32 v7, v10  }
0x136: {  	[tilespmem:v13+s3+$0x0] =	vst.idx.add.s32.msk $0xffff, v6;
	v9 =	vadd.s32 v7, v9;
	v8 =	vadd.s32 v8, v14  }
0x137: {  	[tilespmem:v12+s3+$0x0] =	vst.idx.add.s32.msk $0xffff, v6;
	v8 =	vadd.s32 v7, v8  }
0x138: {  	[tilespmem:v11+s3+$0x0] =	vst.idx.add.s32.msk $0xffff, v6  }
0x139: {  	[tilespmem:v16+s3+$0x0] =	vst.idx.add.s32.msk $0xffff, v6  }
0x13a: {  	[tilespmem:v10+s3+$0x0] =	vst.idx.add.s32.msk $0xffff, v6  }
0x13b: {  	s23 =	simm.s32 $0x80;
	[tilespmem:v9+s3+$0x0] =	vst.idx.add.s32.msk $0xffff, v6  }
0x13c: {  	s25 =	sadd.s32 $0x0, s7;
	s24 =	simm.s32 $0xA180;
	s22 =	simm.s32 $0xA080;
	[tilespmem:v8+s3+$0x0] =	vst.idx.add.s32.msk $0xffff, v6  }
.LBB2_16:
0x13d: {  	[tilespmem:s22], [sflag:$0x2] =	stream.linear.gather [hbm4b:s25+s3], $0x80, $0x38;
	[tilespmem:$0x1A600] =	vst v63  }
0x13e: {  	s25 =	smov.u32 s23;
	s22 =	smov.u32 s24;
	p0 =	sne.s32 s23, $0x7F80  }
.Ltmp7:
0x13f: {  	s23 =	sadd.s32 $0x80, s23;
	(pc) =	sbr.rel @p0 .LBB2_16-.Ltmp7, $2  }
0x140: {  	_ =	sdelay $0x2  }
0x141: {  	s24 =	sadd.s32 $0x100, s24;
	s25 =	sadd.s32 s25, s7  }
0x142: {  	[tilespmem:s22], [sflag:$0x2] =	stream.linear.gather [hbm4b:s25+s3], $0x80, $0x38;
	[tilespmem:$0x1A600] =	vst v63  }
0x143: {  	_ =	swait.ge [sflag:s16], $0x8000  }
0x144: {  	[sflag:s16] =	ssyncset.done $0x0  }
0x145: {  	s31 =	simm.s32 $0xA040;
	[sflag:s16] =	ssyncadd.s32 $0xFFFF8000  }
0x146: {  	v8 =	vld [tilespmem:s31+$0x20];
	_ =	sdelay $0x3  }
0x147: {  	v10 =	vld [tilespmem:s31+$0xFFFFFFE0]  }
0x148: {  	v11 =	vld [tilespmem:s31+$0xFFFFFFC0];
	v9 =	vshra.s32 v8, $0x1F  }
0x149: {  	v9 =	vor.u32 $0x80000000, v9  }
0x14a: {  	v12 =	vld [tilespmem:s31+$0x0];
	v8 =	vxor.u32 v8, v9  }
0x14b: {  	v9 =	vshrl.u32 v8, $0x16  }
0x14c: {  	v13 =	vshra.s32 v10, $0x1F  }
0x14d: {  	v14 =	vshra.s32 v11, $0x1F;
	v13 =	vor.u32 $0x80000000, v13  }
0x14e: {  	v10 =	vxor.u32 v10, v13;
	v13 =	vor.u32 $0x80000000, v14  }
0x14f: {  	v14 =	vshra.s32 v12, $0x1F;
	v11 =	vxor.u32 v11, v13  }
0x150: {  	v13 =	vor.u32 $0x80000000, v14;
	v14 =	vshrl.u32 v11, $0x16;
	v9 =	vld.idx.msk [tilespmem:v9+s15+$0x0], $0xffff  }
0x151: {  	v15 =	vshrl.u32 v10, $0x16  }
0x152: {  	v12 =	vxor.u32 v12, v13  }
0x153: {  	v8 =	vshrl.u32 v8, $0xE;
	v13 =	vshrl.u32 v12, $0x16  }
0x154: {  	v8 =	vand.u32 $0xFF, v8  }
0x155: {  	v14 =	vld.idx.msk [tilespmem:v14+s15+$0x0], $0xffff;
	v8 =	vadd.s32 v8, v9  }
0x156: {  	s23 =	simm.s32 $0xA140;
	v9 =	vld.idx.msk [tilespmem:v15+s15+$0x0], $0xffff;
	v8 =	vadd.s32 v1, v8  }
0x157: {  	v15 =	vld [tilespmem:s23+$0x20]  }
0x158: {  	v11 =	vshrl.u32 v11, $0xE;
	v13 =	vld.idx.msk [tilespmem:v13+s15+$0x0], $0xffff  }
0x159: {  	v11 =	vand.u32 $0xFF, v11  }
0x15a: {  	v10 =	vshrl.u32 v10, $0xE;
	v12 =	vshrl.u32 v12, $0xE;
	v11 =	vadd.s32 v11, v14;
	v14 =	vld [tilespmem:s23+$0xFFFFFFC0]  }
0x15b: {  	[tilespmem:v8+s3+$0x0] =	vst.idx.add.s32.msk $0xffff, v6;
	v8 =	vand.u32 $0xFF, v10;
	v10 =	vand.u32 $0xFF, v12  }
0x15c: {  	v12 =	vld [tilespmem:s31+$0x30];
	v8 =	vadd.s32 v8, v9;
	v9 =	vadd.s32 v1, v11;
	v11 =	vshra.s32 v15, $0x1F  }
0x15d: {  	v10 =	vadd.s32 v10, v13;
	v13 =	vld [tilespmem:s23+$0xFFFFFFE0];
	v8 =	vadd.s32 v1, v8;
	v11 =	vor.u32 $0x80000000, v11  }
0x15e: {  	v16 =	vld [tilespmem:s23+$0x0];
	v10 =	vadd.s32 v1, v10;
	v11 =	vxor.u32 v15, v11  }
0x15f: {  	v15 =	vshrl.u32 v11, $0x16;
	_ =	sdelay $0x1  }
0x160: {  	[tilespmem:v9+s3+$0x0] =	vst.idx.add.s32.msk $0xffff, v6;
	v9 =	vshra.s32 v14, $0x1F  }
0x161: {  	v17 =	vshra.s32 v12, $0x1F;
	[tilespmem:v8+s3+$0x0] =	vst.idx.add.s32.msk $0xffff, v6;
	v8 =	vshra.s32 v13, $0x1F;
	v9 =	vor.u32 $0x80000000, v9  }
0x162: {  	[tilespmem:v10+s3+$0x0] =	vst.idx.add.s32.msk $0xffff, v6;
	v10 =	vshra.s32 v16, $0x1F;
	v8 =	vor.u32 $0x80000000, v8;
	v9 =	vxor.u32 v14, v9  }
0x163: {  	v10 =	vor.u32 $0x80000000, v10;
	v8 =	vxor.u32 v13, v8;
	v13 =	vld.idx.msk [tilespmem:v15+s15+$0x0], $0xffff;
	v14 =	vshrl.u32 v9, $0x16  }
0x164: {  	v20 =	vld [tilespmem:s31+$0x10];
	v15 =	vor.u32 $0x80000000, v17;
	v10 =	vxor.u32 v16, v10;
	v18 =	vshrl.u32 v8, $0x16  }
0x165: {  	v17 =	vld [tilespmem:s31+$0xFFFFFFD0];
	v12 =	vxor.u32 v12, v15;
	v16 =	vshrl.u32 v10, $0x16  }
0x166: {  	v11 =	vshrl.u32 v11, $0xE;
	v15 =	vld [tilespmem:s31+$0xFFFFFFF0];
	v19 =	vshrl.u32 v12, $0x16  }
0x167: {  	v11 =	vand.u32 $0xFF, v11;
	v9 =	vshrl.u32 v9, $0xE  }
0x168: {  	v8 =	vshrl.u32 v8, $0xE;
	v10 =	vshrl.u32 v10, $0xE;
	v14 =	vld.idx.msk [tilespmem:v14+s15+$0x0], $0xffff;
	v11 =	vadd.s32 v11, v13  }
0x169: {  	v9 =	vand.u32 $0xFF, v9;
	v12 =	vshrl.u32 v12, $0xE;
	v13 =	vld.idx.msk [tilespmem:v18+s15+$0x0], $0xffff;
	v11 =	vadd.s32 v1, v11  }
0x16a: {  	v8 =	vand.u32 $0xFF, v8;
	v10 =	vand.u32 $0xFF, v10;
	v12 =	vand.u32 $0xFF, v12;
	v16 =	vld.idx.msk [tilespmem:v16+s15+$0x0], $0xffff  }
0x16b: {  	v22 =	vshra.s32 v20, $0x1F;
	v18 =	vshra.s32 v17, $0x1F;
	v21 =	vshra.s32 v15, $0x1F;
	v19 =	vld.idx.msk [tilespmem:v19+s15+$0x0], $0xffff  }
0x16c: {  	s22 =	simm.s32 $0xA240;
	v22 =	vor.u32 $0x80000000, v22;
	v18 =	vor.u32 $0x80000000, v18;
	v21 =	vor.u32 $0x80000000, v21  }
0x16d: {  	v17 =	vxor.u32 v17, v18;
	v15 =	vxor.u32 v15, v21;
	v18 =	vld [tilespmem:s22+$0x20];
	v9 =	vadd.s32 v9, v14  }
0x16e: {  	v14 =	vshrl.u32 v17, $0x16;
	v8 =	vadd.s32 v8, v13;
	[tilespmem:v11+s3+$0x0] =	vst.idx.add.s32.msk $0xffff, v6;
	v9 =	vadd.s32 v1, v9  }
0x16f: {  	v11 =	vxor.u32 v20, v22;
	v13 =	vadd.s32 v1, v8;
	v8 =	vadd.s32 v10, v16;
	v16 =	vld [tilespmem:s23+$0x30]  }
0x170: {  	v20 =	vld [tilespmem:s22+$0xFFFFFFE0];
	v10 =	vadd.s32 v12, v19;
	v12 =	vshrl.u32 v15, $0x16;
	v23 =	vshrl.u32 v11, $0x16  }
0x171: {  	v22 =	vld [tilespmem:s22+$0xFFFFFFC0];
	v11 =	vshrl.u32 v11, $0xE;
	v19 =	vadd.s32 v1, v8;
	v21 =	vadd.s32 v7, v10  }
0x172: {  	v8 =	vshrl.u32 v17, $0xE;
	v17 =	vld [tilespmem:s22+$0x0];
	v10 =	vshrl.u32 v15, $0xE;
	v15 =	vshra.s32 v18, $0x1F  }
0x173: {  	v8 =	vand.u32 $0xFF, v8;
	v10 =	vand.u32 $0xFF, v10;
	v15 =	vor.u32 $0x80000000, v15  }
0x174: {  	[tilespmem:v9+s3+$0x0] =	vst.idx.add.s32.msk $0xffff, v6;
	v9 =	vand.u32 $0xFF, v11;
	v11 =	vxor.u32 v18, v15;
	v15 =	vshra.s32 v16, $0x1F  }
0x175: {  	v18 =	vshra.s32 v20, $0x1F;
	[tilespmem:v13+s3+$0x0] =	vst.idx.add.s32.msk $0xffff, v6;
	v13 =	vshrl.u32 v11, $0x16;
	v15 =	vor.u32 $0x80000000, v15  }
0x176: {  	v11 =	vshrl.u32 v11, $0xE;
	[tilespmem:v19+s3+$0x0] =	vst.idx.add.s32.msk $0xffff, v6;
	v19 =	vshra.s32 v22, $0x1F;
	v15 =	vxor.u32 v16, v15  }
0x177: {  	v24 =	vld [tilespmem:s23+$0xFFFFFFD0];
	v16 =	vor.u32 $0x80000000, v18;
	v18 =	vshra.s32 v17, $0x1F;
	v25 =	vshrl.u32 v15, $0x16  }
0x178: {  	v11 =	vand.u32 $0xFF, v11;
	v27 =	vld [tilespmem:s23+$0x10];
	v16 =	vxor.u32 v20, v16;
	v18 =	vor.u32 $0x80000000, v18  }
0x179: {  	v19 =	vor.u32 $0x80000000, v19;
	v20 =	vld [tilespmem:s23+$0xFFFFFFF0];
	v26 =	vshrl.u32 v16, $0x16;
	v17 =	vxor.u32 v17, v18  }
0x17a: {  	v18 =	vxor.u32 v22, v19;
	v16 =	vshrl.u32 v16, $0xE;
	v22 =	vshrl.u32 v17, $0x16;
	v13 =	vld.idx.msk [tilespmem:v13+s15+$0x0], $0xffff  }
0x17b: {  	v28 =	vshrl.u32 v18, $0x16;
	v18 =	vshrl.u32 v18, $0xE;
	v19 =	vshrl.u32 v17, $0xE  }
0x17c: {  	v29 =	vand.u32 $0xFF, v16;
	v17 =	vand.u32 $0xFF, v18;
	v18 =	vshra.s32 v24, $0x1F;
	v16 =	vld.idx.msk [tilespmem:v25+s15+$0x0], $0xffff  }
0x17d: {  	[tilespmem:v21+s3+$0x0] =	vst.idx.add.s32.msk $0xffff, v6;
	v19 =	vand.u32 $0xFF, v19;
	v18 =	vor.u32 $0x80000000, v18;
	v21 =	vshra.s32 v27, $0x1F  }
0x17e: {  	v25 =	vshra.s32 v20, $0x1F;
	v30 =	vor.u32 $0x80000000, v21;
	v24 =	vxor.u32 v24, v18;
	v26 =	vld.idx.msk [tilespmem:v26+s15+$0x0], $0xffff  }
0x17f: {  	v25 =	vor.u32 $0x80000000, v25;
	v11 =	vadd.s32 v11, v13;
	v13 =	vshrl.u32 v15, $0xE;
	v22 =	vld.idx.msk [tilespmem:v22+s15+$0x0], $0xffff  }
0x180: {  	v31 =	vxor.u32 v20, v25;
	v25 =	vld.idx.msk [tilespmem:v28+s15+$0x0], $0xffff;
	v21 =	vadd.s32 v1, v11;
	v11 =	vand.u32 $0xFF, v13  }
0x181: {  	v14 =	vld.idx.msk [tilespmem:v14+s15+$0x0], $0xffff;
	v20 =	vxor.u32 v27, v30;
	v13 =	vshrl.u32 v24, $0x16;
	v16 =	vadd.s32 v11, v16  }
0x182: {  	v15 =	vld.idx.msk [tilespmem:v12+s15+$0x0], $0xffff;
	v12 =	vshrl.u32 v31, $0x16;
	v24 =	vshrl.u32 v24, $0xE;
	v18 =	vadd.s32 v7, v16  }
0x183: {  	s24 =	simm.s32 $0xA340;
	s23 =	simm.s32 $0x8;
	v11 =	vshrl.u32 v20, $0x16;
	v16 =	vld.idx.msk [tilespmem:v23+s15+$0x0], $0xffff;
	v26 =	vadd.s32 v29, v26;
	v23 =	vshrl.u32 v31, $0xE  }
.LBB2_18:
0x184: {  	v27 =	vld [tilespmem:s24+$0x20];
	s23 =	sadd.s32 $0x4, s23;
	v26 =	vadd.s32 v1, v26;
	v19 =	vadd.s32 v19, v22;
	v20 =	vshrl.u32 v20, $0xE  }
0x185: {  	v17 =	vadd.s32 v17, v25;
	p0 =	slt.u32 s23, $0x3FC;
	v19 =	vadd.s32 v1, v19;
	[tilespmem:v21+s3+$0x0] =	vst.idx.add.s32.msk $0xffff, v6;
	v21 =	vand.u32 $0xFF, v24  }
0x186: {  	v23 =	vand.u32 $0xFF, v23;
	v17 =	vadd.s32 v1, v17;
	v20 =	vand.u32 $0xFF, v20;
	v22 =	vld [tilespmem:s22+$0x30]  }
0x187: {  	v14 =	vadd.s32 v8, v14;
	v25 =	vadd.s32 v10, v15;
	v8 =	vmov v21;
	[tilespmem:v18+s3+$0x0] =	vst.idx.add.s32.msk $0xffff, v6  }
0x188: {  	v24 =	vadd.s32 v7, v25;
	v10 =	vmovc v23;
	v21 =	vadd.s32 v9, v16;
	v18 =	vadd.s32 v7, v14;
	v15 =	vld [tilespmem:s24+$0xFFFFFFE0]  }
0x189: {  	v9 =	vmov v20;
	v28 =	vadd.s32 v7, v21;
	v14 =	vld [tilespmem:s24+$0x0];
	v16 =	vshra.s32 v27, $0x1F  }
0x18a: {  	v20 =	vld [tilespmem:s24+$0xFFFFFFC0];
	v16 =	vor.u32 $0x80000000, v16  }
0x18b: {  	v16 =	vxor.u32 v27, v16;
	[tilespmem:v17+s3+$0x0] =	vst.idx.add.s32.msk $0xffff, v6;
	v17 =	vshra.s32 v22, $0x1F  }
0x18c: {  	v21 =	vshrl.u32 v16, $0x16;
	[tilespmem:v26+s3+$0x0] =	vst.idx.add.s32.msk $0xffff, v6;
	v17 =	vor.u32 $0x80000000, v17  }
0x18d: {  	v23 =	vshra.s32 v15, $0x1F;
	[tilespmem:v19+s3+$0x0] =	vst.idx.add.s32.msk $0xffff, v6;
	v26 =	vxor.u32 v22, v17  }
0x18e: {  	v17 =	vor.u32 $0x80000000, v23;
	v19 =	vshra.s32 v14, $0x1F;
	v23 =	vld [tilespmem:s22+$0xFFFFFFD0];
	v22 =	vshrl.u32 v26, $0x16  }
0x18f: {  	v25 =	vshra.s32 v20, $0x1F;
	v15 =	vxor.u32 v15, v17;
	v17 =	vor.u32 $0x80000000, v19;
	v27 =	vld [tilespmem:s22+$0xFFFFFFF0]  }
0x190: {  	v19 =	vor.u32 $0x80000000, v25;
	v25 =	vshrl.u32 v15, $0x16;
	v14 =	vxor.u32 v14, v17;
	v29 =	vld [tilespmem:s22+$0x10];
	s22 =	smov.u32 s24  }
0x191: {  	v15 =	vshrl.u32 v15, $0xE;
	v17 =	vxor.u32 v20, v19;
	v20 =	vshrl.u32 v14, $0x16;
	v21 =	vld.idx.msk [tilespmem:v21+s15+$0x0], $0xffff  }
0x192: {  	v19 =	vshrl.u32 v14, $0xE;
	v30 =	vshrl.u32 v17, $0x16;
	v17 =	vshrl.u32 v17, $0xE;
	v14 =	vld.idx.msk [tilespmem:v13+s15+$0x0], $0xffff  }
0x193: {  	v31 =	vand.u32 $0xFF, v15;
	v19 =	vand.u32 $0xFF, v19;
	v17 =	vand.u32 $0xFF, v17;
	v32 =	vld.idx.msk [tilespmem:v22+s15+$0x0], $0xffff  }
0x194: {  	v13 =	vshra.s32 v23, $0x1F;
	v33 =	vshra.s32 v27, $0x1F;
	v15 =	vld.idx.msk [tilespmem:v12+s15+$0x0], $0xffff  }
0x195: {  	v12 =	vshrl.u32 v16, $0xE;
	v13 =	vor.u32 $0x80000000, v13;
	v34 =	vld.idx.msk [tilespmem:v25+s15+$0x0], $0xffff;
	v16 =	vshra.s32 v29, $0x1F  }
0x196: {  	v12 =	vand.u32 $0xFF, v12;
	v22 =	vld.idx.msk [tilespmem:v20+s15+$0x0], $0xffff;
	v20 =	vor.u32 $0x80000000, v33;
	v33 =	vor.u32 $0x80000000, v16  }
.Ltmp8:
0x197: {  	v23 =	vxor.u32 v23, v13;
	v13 =	vshrl.u32 v26, $0xE;
	v12 =	vadd.s32 v12, v21;
	v25 =	vld.idx.msk [tilespmem:v30+s15+$0x0], $0xffff;
	(pc) =	sbr.rel @p0 .LBB2_18-.Ltmp8, $4  }
0x198: {  	v21 =	vadd.s32 v1, v12;
	v27 =	vxor.u32 v27, v20;
	v12 =	vand.u32 $0xFF, v13;
	v16 =	vld.idx.msk [tilespmem:v11+s15+$0x0], $0xffff  }
0x199: {  	v13 =	vshrl.u32 v23, $0x16;
	v20 =	vxor.u32 v29, v33;
	v26 =	vadd.s32 v12, v32;
	[tilespmem:v18+s3+$0x0] =	vst.idx.add.s32.msk $0xffff, v6  }
0x19a: {  	v12 =	vshrl.u32 v27, $0x16;
	v11 =	vshrl.u32 v20, $0x16;
	v18 =	vadd.s32 v7, v26;
	[tilespmem:v24+s3+$0x0] =	vst.idx.add.s32.msk $0xffff, v6  }
0x19b: {  	s24 =	sadd.s32 $0x100, s24;
	v26 =	vadd.s32 v31, v34;
	v24 =	vshrl.u32 v23, $0xE;
	v23 =	vshrl.u32 v27, $0xE;
	[tilespmem:v28+s3+$0x0] =	vst.idx.add.s32.msk $0xffff, v6  }
0x19c: {  	_ =	sdelay $0x1  }
0x19d: {  	v17 =	vadd.s32 v17, v25;
	v25 =	vadd.s32 v1, v26  }
0x19e: {  	v19 =	vadd.s32 v19, v22;
	v17 =	vadd.s32 v1, v17  }
0x19f: {  	[tilespmem:v21+s3+$0x0] =	vst.idx.add.s32.msk $0xffff, v6;
	v19 =	vadd.s32 v1, v19  }
0x1a0: {  	v21 =	vld [tilespmem:s22+$0x30];
	_ =	sdelay $0x1  }
0x1a1: {  	[tilespmem:v25+s3+$0x0] =	vst.idx.add.s32.msk $0xffff, v6  }
0x1a2: {  	[tilespmem:v17+s3+$0x0] =	vst.idx.add.s32.msk $0xffff, v6  }
0x1a3: {  	[tilespmem:v19+s3+$0x0] =	vst.idx.add.s32.msk $0xffff, v6  }
0x1a4: {  	v17 =	vshra.s32 v21, $0x1F;
	v19 =	vld [tilespmem:s22+$0xFFFFFFD0]  }
0x1a5: {  	v22 =	vld [tilespmem:s22+$0xFFFFFFF0];
	v17 =	vor.u32 $0x80000000, v17  }
0x1a6: {  	v17 =	vxor.u32 v21, v17;
	v21 =	vld [tilespmem:s22+$0x10];
	_ =	sdelay $0x2  }
0x1a7: {  	v26 =	vshra.s32 v19, $0x1F  }
0x1a8: {  	v25 =	vshrl.u32 v17, $0x16;
	v27 =	vshra.s32 v22, $0x1F;
	v26 =	vor.u32 $0x80000000, v26  }
0x1a9: {  	v13 =	vld.idx.msk [tilespmem:v13+s15+$0x0], $0xffff;
	v27 =	vor.u32 $0x80000000, v27;
	v28 =	vshra.s32 v21, $0x1F;
	v19 =	vxor.u32 v19, v26  }
0x1aa: {  	v12 =	vld.idx.msk [tilespmem:v12+s15+$0x0], $0xffff;
	v22 =	vxor.u32 v22, v27;
	v26 =	vor.u32 $0x80000000, v28;
	v27 =	vshrl.u32 v19, $0x16  }
0x1ab: {  	v11 =	vld.idx.msk [tilespmem:v11+s15+$0x0], $0xffff;
	v21 =	vxor.u32 v21, v26;
	v26 =	vshrl.u32 v22, $0x16  }
0x1ac: {  	v20 =	vshrl.u32 v20, $0xE;
	v8 =	vadd.s32 v8, v14;
	v62 =	vshrl.u32 v21, $0x16  }
0x1ad: {  	v24 =	vand.u32 $0xFF, v24;
	v10 =	vadd.s32 v10, v15;
	v8 =	vadd.s32 v7, v8  }
0x1ae: {  	v23 =	vand.u32 $0xFF, v23;
	v10 =	vadd.s32 v7, v10;
	v9 =	vadd.s32 v9, v16;
	v25 =	vld.idx.msk [tilespmem:v25+s15+$0x0], $0xffff  }
0x1af: {  	v16 =	vand.u32 $0xFF, v20;
	v9 =	vadd.s32 v7, v9;
	v13 =	vadd.s32 v24, v13;
	v15 =	vld.idx.msk [tilespmem:v27+s15+$0x0], $0xffff  }
0x1b0: {  	v12 =	vadd.s32 v23, v12;
	v11 =	vadd.s32 v16, v11;
	v14 =	vshrl.u32 v17, $0xE;
	v17 =	vld.idx.msk [tilespmem:v26+s15+$0x0], $0xffff  }
0x1b1: {  	v13 =	vadd.s32 v7, v13;
	v12 =	vadd.s32 v7, v12;
	v20 =	vshrl.u32 v22, $0xE;
	v22 =	vld.idx.msk [tilespmem:v62+s15+$0x0], $0xffff  }
0x1b2: {  	[tilespmem:v8+s3+$0x0] =	vst.idx.add.s32.msk $0xffff, v6;
	v11 =	vadd.s32 v7, v11;
	v14 =	vand.u32 $0xFF, v14;
	v19 =	vshrl.u32 v19, $0xE  }
0x1b3: {  	[tilespmem:v10+s3+$0x0] =	vst.idx.add.s32.msk $0xffff, v6;
	v10 =	vand.u32 $0xFF, v20;
	v8 =	vand.u32 $0xFF, v19;
	v14 =	vadd.s32 v14, v25  }
0x1b4: {  	[tilespmem:v18+s3+$0x0] =	vst.idx.add.s32.msk $0xffff, v6;
	v18 =	vshrl.u32 v21, $0xE;
	v14 =	vadd.s32 v7, v14;
	v8 =	vadd.s32 v8, v15  }
0x1b5: {  	[tilespmem:v9+s3+$0x0] =	vst.idx.add.s32.msk $0xffff, v6;
	v9 =	vand.u32 $0xFF, v18;
	v10 =	vadd.s32 v10, v17;
	v8 =	vadd.s32 v7, v8  }
0x1b6: {  	[tilespmem:v13+s3+$0x0] =	vst.idx.add.s32.msk $0xffff, v6;
	v10 =	vadd.s32 v7, v10;
	v9 =	vadd.s32 v9, v22  }
0x1b7: {  	[tilespmem:v12+s3+$0x0] =	vst.idx.add.s32.msk $0xffff, v6;
	v9 =	vadd.s32 v7, v9  }
0x1b8: {  	[tilespmem:v11+s3+$0x0] =	vst.idx.add.s32.msk $0xffff, v6  }
0x1b9: {  	[tilespmem:v14+s3+$0x0] =	vst.idx.add.s32.msk $0xffff, v6  }
0x1ba: {  	[tilespmem:v8+s3+$0x0] =	vst.idx.add.s32.msk $0xffff, v6  }
0x1bb: {  	[tilespmem:v10+s3+$0x0] =	vst.idx.add.s32.msk $0xffff, v6  }
0x1bc: {  	[tilespmem:v9+s3+$0x0] =	vst.idx.add.s32.msk $0xffff, v6  }
0x1bd: {  	_ =	swait.ge [sflag:s17], $0x8000  }
0x1be: {  	[sflag:s17] =	ssyncset.done $0x0  }
0x1bf: {  	s23 =	simm.s32 $0xA0F0;
	[sflag:s17] =	ssyncadd.s32 $0xFFFF8000  }
0x1c0: {  	v8 =	vld [tilespmem:s23+$0xFFFFFFF0];
	_ =	sdelay $0x3  }
0x1c1: {  	v10 =	vld [tilespmem:s23+$0xFFFFFFB0]  }
0x1c2: {  	v11 =	vld [tilespmem:s23+$0xFFFFFF90];
	v9 =	vshra.s32 v8, $0x1F  }
0x1c3: {  	v9 =	vor.u32 $0x80000000, v9  }
0x1c4: {  	v12 =	vld [tilespmem:s23+$0xFFFFFFD0];
	v8 =	vxor.u32 v8, v9  }
0x1c5: {  	v9 =	vshrl.u32 v8, $0x16  }
0x1c6: {  	v13 =	vshra.s32 v10, $0x1F  }
0x1c7: {  	v14 =	vshra.s32 v11, $0x1F;
	v13 =	vor.u32 $0x80000000, v13  }
0x1c8: {  	v10 =	vxor.u32 v10, v13;
	v13 =	vor.u32 $0x80000000, v14  }
0x1c9: {  	v14 =	vshra.s32 v12, $0x1F;
	v11 =	vxor.u32 v11, v13  }
0x1ca: {  	v13 =	vor.u32 $0x80000000, v14;
	v14 =	vshrl.u32 v11, $0x16;
	v9 =	vld.idx.msk [tilespmem:v9+s15+$0x0], $0xffff  }
0x1cb: {  	v15 =	vshrl.u32 v10, $0x16  }
0x1cc: {  	v12 =	vxor.u32 v12, v13  }
0x1cd: {  	v8 =	vshrl.u32 v8, $0xE;
	v13 =	vshrl.u32 v12, $0x16  }
0x1ce: {  	v8 =	vand.u32 $0xFF, v8  }
0x1cf: {  	v14 =	vld.idx.msk [tilespmem:v14+s15+$0x0], $0xffff;
	v8 =	vadd.s32 v8, v9  }
0x1d0: {  	s24 =	simm.s32 $0xA1F0;
	v9 =	vld.idx.msk [tilespmem:v15+s15+$0x0], $0xffff;
	v8 =	vadd.s32 v1, v8  }
0x1d1: {  	v15 =	vld [tilespmem:s24+$0xFFFFFFF0]  }
0x1d2: {  	v11 =	vshrl.u32 v11, $0xE;
	v13 =	vld.idx.msk [tilespmem:v13+s15+$0x0], $0xffff  }
0x1d3: {  	v11 =	vand.u32 $0xFF, v11  }
0x1d4: {  	s22 =	simm.s32 $0x0;
	v10 =	vshrl.u32 v10, $0xE;
	v12 =	vshrl.u32 v12, $0xE;
	v11 =	vadd.s32 v11, v14;
	v14 =	vld [tilespmem:s24+$0xFFFFFF90]  }
0x1d5: {  	[tilespmem:v8+s22+$0x0] =	vst.idx.add.s32.msk $0xffff, v6;
	v8 =	vand.u32 $0xFF, v10;
	v10 =	vand.u32 $0xFF, v12  }
0x1d6: {  	v12 =	vld [tilespmem:s23+$0x0];
	v8 =	vadd.s32 v8, v9;
	v9 =	vadd.s32 v1, v11;
	v11 =	vshra.s32 v15, $0x1F  }
0x1d7: {  	v10 =	vadd.s32 v10, v13;
	v13 =	vld [tilespmem:s24+$0xFFFFFFB0];
	v8 =	vadd.s32 v1, v8;
	v11 =	vor.u32 $0x80000000, v11  }
0x1d8: {  	v16 =	vld [tilespmem:s24+$0xFFFFFFD0];
	v10 =	vadd.s32 v1, v10;
	v11 =	vxor.u32 v15, v11  }
0x1d9: {  	v15 =	vshrl.u32 v11, $0x16;
	_ =	sdelay $0x1  }
0x1da: {  	[tilespmem:v9+s22+$0x0] =	vst.idx.add.s32.msk $0xffff, v6;
	v9 =	vshra.s32 v14, $0x1F  }
0x1db: {  	v17 =	vshra.s32 v12, $0x1F;
	[tilespmem:v8+s22+$0x0] =	vst.idx.add.s32.msk $0xffff, v6;
	v8 =	vshra.s32 v13, $0x1F;
	v9 =	vor.u32 $0x80000000, v9  }
0x1dc: {  	[tilespmem:v10+s22+$0x0] =	vst.idx.add.s32.msk $0xffff, v6;
	v10 =	vshra.s32 v16, $0x1F;
	v8 =	vor.u32 $0x80000000, v8;
	v9 =	vxor.u32 v14, v9  }
0x1dd: {  	v10 =	vor.u32 $0x80000000, v10;
	v8 =	vxor.u32 v13, v8;
	v13 =	vld.idx.msk [tilespmem:v15+s15+$0x0], $0xffff;
	v14 =	vshrl.u32 v9, $0x16  }
0x1de: {  	v20 =	vld [tilespmem:s23+$0xFFFFFFE0];
	v15 =	vor.u32 $0x80000000, v17;
	v10 =	vxor.u32 v16, v10;
	v18 =	vshrl.u32 v8, $0x16  }
0x1df: {  	v17 =	vld [tilespmem:s23+$0xFFFFFFA0];
	v12 =	vxor.u32 v12, v15;
	v16 =	vshrl.u32 v10, $0x16  }
0x1e0: {  	v11 =	vshrl.u32 v11, $0xE;
	v15 =	vld [tilespmem:s23+$0xFFFFFFC0];
	v19 =	vshrl.u32 v12, $0x16  }
0x1e1: {  	v11 =	vand.u32 $0xFF, v11;
	v9 =	vshrl.u32 v9, $0xE  }
0x1e2: {  	v8 =	vshrl.u32 v8, $0xE;
	v10 =	vshrl.u32 v10, $0xE;
	v14 =	vld.idx.msk [tilespmem:v14+s15+$0x0], $0xffff;
	v11 =	vadd.s32 v11, v13  }
0x1e3: {  	v9 =	vand.u32 $0xFF, v9;
	v12 =	vshrl.u32 v12, $0xE;
	v13 =	vld.idx.msk [tilespmem:v18+s15+$0x0], $0xffff;
	v11 =	vadd.s32 v1, v11  }
0x1e4: {  	v8 =	vand.u32 $0xFF, v8;
	v10 =	vand.u32 $0xFF, v10;
	v12 =	vand.u32 $0xFF, v12;
	v16 =	vld.idx.msk [tilespmem:v16+s15+$0x0], $0xffff  }
0x1e5: {  	v22 =	vshra.s32 v20, $0x1F;
	v18 =	vshra.s32 v17, $0x1F;
	v21 =	vshra.s32 v15, $0x1F;
	v19 =	vld.idx.msk [tilespmem:v19+s15+$0x0], $0xffff  }
0x1e6: {  	s23 =	simm.s32 $0xA2F0;
	v22 =	vor.u32 $0x80000000, v22;
	v18 =	vor.u32 $0x80000000, v18;
	v21 =	vor.u32 $0x80000000, v21  }
0x1e7: {  	v17 =	vxor.u32 v17, v18;
	v15 =	vxor.u32 v15, v21;
	v18 =	vld [tilespmem:s23+$0xFFFFFFF0];
	v9 =	vadd.s32 v9, v14  }
0x1e8: {  	v14 =	vshrl.u32 v17, $0x16;
	v8 =	vadd.s32 v8, v13;
	[tilespmem:v11+s22+$0x0] =	vst.idx.add.s32.msk $0xffff, v6;
	v11 =	vadd.s32 v1, v9  }
0x1e9: {  	v9 =	vxor.u32 v20, v22;
	v13 =	vadd.s32 v1, v8;
	v8 =	vadd.s32 v10, v16;
	v16 =	vld [tilespmem:s24+$0x0]  }
0x1ea: {  	v20 =	vld [tilespmem:s23+$0xFFFFFFB0];
	v10 =	vadd.s32 v12, v19;
	v12 =	vshrl.u32 v15, $0x16;
	v21 =	vshrl.u32 v9, $0x16  }
0x1eb: {  	v24 =	vld [tilespmem:s23+$0xFFFFFF90];
	v19 =	vadd.s32 v1, v8;
	v22 =	vadd.s32 v7, v10;
	v8 =	vshrl.u32 v17, $0xE  }
0x1ec: {  	v17 =	vld [tilespmem:s23+$0xFFFFFFD0];
	v10 =	vshrl.u32 v15, $0xE;
	v15 =	vshrl.u32 v9, $0xE;
	v23 =	vshra.s32 v18, $0x1F  }
0x1ed: {  	v9 =	vand.u32 $0xFF, v8;
	v10 =	vand.u32 $0xFF, v10;
	v23 =	vor.u32 $0x80000000, v23  }
0x1ee: {  	v8 =	vand.u32 $0xFF, v15;
	[tilespmem:v11+s22+$0x0] =	vst.idx.add.s32.msk $0xffff, v6;
	v11 =	vxor.u32 v18, v23;
	v15 =	vshra.s32 v16, $0x1F  }
0x1ef: {  	v18 =	vshra.s32 v20, $0x1F;
	[tilespmem:v13+s22+$0x0] =	vst.idx.add.s32.msk $0xffff, v6;
	v13 =	vshrl.u32 v11, $0x16;
	v15 =	vor.u32 $0x80000000, v15  }
0x1f0: {  	v11 =	vshrl.u32 v11, $0xE;
	[tilespmem:v19+s22+$0x0] =	vst.idx.add.s32.msk $0xffff, v6;
	v19 =	vshra.s32 v24, $0x1F;
	v15 =	vxor.u32 v16, v15  }
0x1f1: {  	v23 =	vld [tilespmem:s24+$0xFFFFFFA0];
	v16 =	vor.u32 $0x80000000, v18;
	v18 =	vshra.s32 v17, $0x1F;
	v25 =	vshrl.u32 v15, $0x16  }
0x1f2: {  	v11 =	vand.u32 $0xFF, v11;
	v27 =	vld [tilespmem:s24+$0xFFFFFFE0];
	v16 =	vxor.u32 v20, v16;
	v18 =	vor.u32 $0x80000000, v18  }
0x1f3: {  	v19 =	vor.u32 $0x80000000, v19;
	v20 =	vld [tilespmem:s24+$0xFFFFFFC0];
	v26 =	vshrl.u32 v16, $0x16;
	v17 =	vxor.u32 v17, v18  }
0x1f4: {  	v18 =	vxor.u32 v24, v19;
	v16 =	vshrl.u32 v16, $0xE;
	v24 =	vshrl.u32 v17, $0x16;
	v13 =	vld.idx.msk [tilespmem:v13+s15+$0x0], $0xffff  }
0x1f5: {  	v63 =	vshrl.u32 v18, $0x16;
	v18 =	vshrl.u32 v18, $0xE;
	v19 =	vshrl.u32 v17, $0xE  }
0x1f6: {  	v29 =	vand.u32 $0xFF, v16;
	v17 =	vand.u32 $0xFF, v18;
	v18 =	vshra.s32 v23, $0x1F;
	v16 =	vld.idx.msk [tilespmem:v25+s15+$0x0], $0xffff  }
0x1f7: {  	[tilespmem:v22+s22+$0x0] =	vst.idx.add.s32.msk $0xffff, v6;
	v19 =	vand.u32 $0xFF, v19;
	v18 =	vor.u32 $0x80000000, v18;
	v22 =	vshra.s32 v27, $0x1F  }
0x1f8: {  	v25 =	vshra.s32 v20, $0x1F;
	v30 =	vor.u32 $0x80000000, v22;
	v31 =	vxor.u32 v23, v18;
	v26 =	vld.idx.msk [tilespmem:v26+s15+$0x0], $0xffff  }
0x1f9: {  	v25 =	vor.u32 $0x80000000, v25;
	v11 =	vadd.s32 v11, v13;
	v13 =	vshrl.u32 v15, $0xE;
	v23 =	vld.idx.msk [tilespmem:v24+s15+$0x0], $0xffff  }
0x1fa: {  	v32 =	vxor.u32 v20, v25;
	v25 =	vld.idx.msk [tilespmem:v63+s15+$0x0], $0xffff;
	v22 =	vadd.s32 v1, v11;
	v11 =	vand.u32 $0xFF, v13  }
0x1fb: {  	v14 =	vld.idx.msk [tilespmem:v14+s15+$0x0], $0xffff;
	v20 =	vxor.u32 v27, v30;
	v24 =	vshrl.u32 v31, $0xE;
	v16 =	vadd.s32 v11, v16  }
0x1fc: {  	s26 =	simm.s32 $0x8;
	v15 =	vld.idx.msk [tilespmem:v12+s15+$0x0], $0xffff;
	v13 =	vshrl.u32 v31, $0x16;
	v12 =	vshrl.u32 v32, $0x16;
	v18 =	vadd.s32 v7, v16  }
0x1fd: {  	s28 =	simm.s32 $0xA3F0;
	s25 =	simm.s32 $0x0;
	s24 =	simm.s32 $0x0;
	v11 =	vshrl.u32 v20, $0x16;
	v16 =	vld.idx.msk [tilespmem:v21+s15+$0x0], $0xffff;
	v26 =	vadd.s32 v29, v26;
	v21 =	vshrl.u32 v32, $0xE  }
.LBB2_20:
0x1fe: {  	v27 =	vld [tilespmem:s28+$0xFFFFFFF0];
	s26 =	sadd.s32 $0x4, s26;
	v26 =	vadd.s32 v1, v26;
	v19 =	vadd.s32 v19, v23;
	v20 =	vshrl.u32 v20, $0xE  }
0x1ff: {  	v17 =	vadd.s32 v17, v25;
	p0 =	slt.u32 s26, $0x3FC;
	v19 =	vadd.s32 v1, v19;
	[tilespmem:v22+s22+$0x0] =	vst.idx.add.s32.msk $0xffff, v6;
	v22 =	vand.u32 $0xFF, v24  }
0x200: {  	v21 =	vand.u32 $0xFF, v21;
	v17 =	vadd.s32 v1, v17;
	v20 =	vand.u32 $0xFF, v20;
	v23 =	vld [tilespmem:s23+$0x0]  }
0x201: {  	v14 =	vadd.s32 v9, v14;
	v25 =	vadd.s32 v10, v15;
	v9 =	vmov v22;
	[tilespmem:v18+s24+$0x0] =	vst.idx.add.s32.msk $0xffff, v6  }
0x202: {  	v24 =	vadd.s32 v7, v25;
	v10 =	vmovc v21;
	v22 =	vadd.s32 v8, v16;
	v18 =	vadd.s32 v7, v14;
	v15 =	vld [tilespmem:s28+$0xFFFFFFB0]  }
0x203: {  	v8 =	vmov v20;
	v28 =	vadd.s32 v7, v22;
	v14 =	vld [tilespmem:s28+$0xFFFFFFD0];
	v16 =	vshra.s32 v27, $0x1F  }
0x204: {  	v20 =	vld [tilespmem:s28+$0xFFFFFF90];
	v16 =	vor.u32 $0x80000000, v16  }
0x205: {  	v16 =	vxor.u32 v27, v16;
	[tilespmem:v17+s22+$0x0] =	vst.idx.add.s32.msk $0xffff, v6;
	v17 =	vshra.s32 v23, $0x1F  }
0x206: {  	v21 =	vshrl.u32 v16, $0x16;
	[tilespmem:v26+s22+$0x0] =	vst.idx.add.s32.msk $0xffff, v6;
	v17 =	vor.u32 $0x80000000, v17  }
0x207: {  	v22 =	vshra.s32 v15, $0x1F;
	[tilespmem:v19+s22+$0x0] =	vst.idx.add.s32.msk $0xffff, v6;
	v26 =	vxor.u32 v23, v17  }
0x208: {  	v17 =	vor.u32 $0x80000000, v22;
	v19 =	vshra.s32 v14, $0x1F;
	v22 =	vld [tilespmem:s23+$0xFFFFFFA0];
	v23 =	vshrl.u32 v26, $0x16  }
0x209: {  	v25 =	vshra.s32 v20, $0x1F;
	v15 =	vxor.u32 v15, v17;
	v17 =	vor.u32 $0x80000000, v19;
	v27 =	vld [tilespmem:s23+$0xFFFFFFC0]  }
0x20a: {  	v19 =	vor.u32 $0x80000000, v25;
	v25 =	vshrl.u32 v15, $0x16;
	v14 =	vxor.u32 v14, v17;
	v29 =	vld [tilespmem:s23+$0xFFFFFFE0];
	s23 =	smov.u32 s28  }
0x20b: {  	v15 =	vshrl.u32 v15, $0xE;
	v17 =	vxor.u32 v20, v19;
	v20 =	vshrl.u32 v14, $0x16;
	v21 =	vld.idx.msk [tilespmem:v21+s15+$0x0], $0xffff  }
0x20c: {  	v19 =	vshrl.u32 v14, $0xE;
	v30 =	vshrl.u32 v17, $0x16;
	v17 =	vshrl.u32 v17, $0xE;
	v14 =	vld.idx.msk [tilespmem:v13+s15+$0x0], $0xffff  }
0x20d: {  	v31 =	vand.u32 $0xFF, v15;
	v19 =	vand.u32 $0xFF, v19;
	v17 =	vand.u32 $0xFF, v17;
	v32 =	vld.idx.msk [tilespmem:v23+s15+$0x0], $0xffff  }
0x20e: {  	v13 =	vshra.s32 v22, $0x1F;
	v33 =	vshra.s32 v27, $0x1F;
	v15 =	vld.idx.msk [tilespmem:v12+s15+$0x0], $0xffff  }
0x20f: {  	v12 =	vshrl.u32 v16, $0xE;
	v13 =	vor.u32 $0x80000000, v13;
	v34 =	vld.idx.msk [tilespmem:v25+s15+$0x0], $0xffff;
	v16 =	vshra.s32 v29, $0x1F  }
0x210: {  	v12 =	vand.u32 $0xFF, v12;
	v23 =	vld.idx.msk [tilespmem:v20+s15+$0x0], $0xffff;
	v20 =	vor.u32 $0x80000000, v33;
	v33 =	vor.u32 $0x80000000, v16  }
.Ltmp9:
0x211: {  	v12 =	vadd.s32 v12, v21;
	v21 =	vxor.u32 v22, v13;
	v13 =	vshrl.u32 v26, $0xE;
	v25 =	vld.idx.msk [tilespmem:v30+s15+$0x0], $0xffff;
	(pc) =	sbr.rel @p0 .LBB2_20-.Ltmp9, $4  }
0x212: {  	v22 =	vadd.s32 v1, v12;
	v27 =	vxor.u32 v27, v20;
	v12 =	vand.u32 $0xFF, v13;
	v16 =	vld.idx.msk [tilespmem:v11+s15+$0x0], $0xffff  }
0x213: {  	v13 =	vshrl.u32 v21, $0x16;
	v20 =	vxor.u32 v29, v33;
	v26 =	vadd.s32 v12, v32;
	[tilespmem:v18+s25+$0x0] =	vst.idx.add.s32.msk $0xffff, v6  }
0x214: {  	v12 =	vshrl.u32 v27, $0x16;
	v11 =	vshrl.u32 v20, $0x16;
	v18 =	vadd.s32 v7, v26;
	[tilespmem:v24+s25+$0x0] =	vst.idx.add.s32.msk $0xffff, v6  }
0x215: {  	s28 =	sadd.s32 $0x100, s28;
	v26 =	vadd.s32 v31, v34;
	v24 =	vshrl.u32 v21, $0xE;
	v21 =	vshrl.u32 v27, $0xE;
	[tilespmem:v28+s25+$0x0] =	vst.idx.add.s32.msk $0xffff, v6;
	s25 =	smov.u32 s24;
	s24 =	smov.u32 s22  }
0x216: {  	_ = 	snop  }
0x217: {  	v17 =	vadd.s32 v17, v25;
	v47 =	vadd.s32 v1, v26  }
0x218: {  	v19 =	vadd.s32 v19, v23;
	v17 =	vadd.s32 v1, v17  }
0x219: {  	s22 =	simm.s32 $0x0;
	v19 =	vadd.s32 v1, v19  }
0x21a: {  	[tilespmem:v22+s22+$0x0] =	vst.idx.add.s32.msk $0xffff, v6  }
0x21b: {  	v22 =	vld [tilespmem:s23+$0x0]  }
0x21c: {  	[tilespmem:v47+s22+$0x0] =	vst.idx.add.s32.msk $0xffff, v6  }
0x21d: {  	[tilespmem:v17+s22+$0x0] =	vst.idx.add.s32.msk $0xffff, v6  }
0x21e: {  	[tilespmem:v19+s22+$0x0] =	vst.idx.add.s32.msk $0xffff, v6  }
0x21f: {  	v50 =	vld [tilespmem:s23+$0xFFFFFFC0]  }
0x220: {  	v49 =	vld [tilespmem:s23+$0xFFFFFFA0]  }
0x221: {  	v51 =	vld [tilespmem:s23+$0xFFFFFFE0]  }
0x222: {  	v48 =	vshra.s32 v22, $0x1F  }
0x223: {  	v17 =	vor.u32 $0x80000000, v48  }
0x224: {  	v17 =	vxor.u32 v22, v17;
	v27 =	vshra.s32 v50, $0x1F  }
0x225: {  	v52 =	vshrl.u32 v17, $0x16;
	v53 =	vshra.s32 v49, $0x1F;
	v27 =	vor.u32 $0x80000000, v27  }
0x226: {  	v13 =	vld.idx.msk [tilespmem:v13+s15+$0x0], $0xffff;
	v54 =	vshra.s32 v51, $0x1F;
	v26 =	vor.u32 $0x80000000, v53;
	v23 =	vxor.u32 v50, v27  }
0x227: {  	v12 =	vld.idx.msk [tilespmem:v12+s15+$0x0], $0xffff;
	v19 =	vxor.u32 v49, v26;
	v26 =	vor.u32 $0x80000000, v54;
	v56 =	vshrl.u32 v23, $0x16  }
0x228: {  	v11 =	vld.idx.msk [tilespmem:v11+s15+$0x0], $0xffff;
	v55 =	vshrl.u32 v19, $0x16;
	v22 =	vxor.u32 v51, v26  }
0x229: {  	v9 =	vadd.s32 v9, v14;
	v10 =	vadd.s32 v10, v15;
	v14 =	vshrl.u32 v22, $0x16  }
0x22a: {  	v15 =	vshrl.u32 v20, $0xE;
	v57 =	vand.u32 $0xFF, v24;
	v21 =	vand.u32 $0xFF, v21  }
0x22b: {  	v9 =	vadd.s32 v7, v9;
	v10 =	vadd.s32 v7, v10;
	v8 =	vadd.s32 v8, v16;
	v25 =	vld.idx.msk [tilespmem:v52+s15+$0x0], $0xffff  }
0x22c: {  	v15 =	vand.u32 $0xFF, v15;
	v8 =	vadd.s32 v7, v8;
	v13 =	vadd.s32 v57, v13;
	v60 =	vld.idx.msk [tilespmem:v56+s15+$0x0], $0xffff  }
0x22d: {  	v12 =	vadd.s32 v21, v12;
	v11 =	vadd.s32 v15, v11;
	v13 =	vadd.s32 v7, v13;
	v59 =	vld.idx.msk [tilespmem:v55+s15+$0x0], $0xffff  }
0x22e: {  	v12 =	vadd.s32 v7, v12;
	v11 =	vadd.s32 v7, v11;
	v17 =	vshrl.u32 v17, $0xE;
	v14 =	vld.idx.msk [tilespmem:v14+s15+$0x0], $0xffff  }
0x22f: {  	[tilespmem:v18+s24+$0x0] =	vst.idx.add.s32.msk $0xffff, v6;
	v17 =	vand.u32 $0xFF, v17;
	v23 =	vshrl.u32 v23, $0xE;
	v19 =	vshrl.u32 v19, $0xE  }
0x230: {  	[tilespmem:v9+s25+$0x0] =	vst.idx.add.s32.msk $0xffff, v6;
	v63 =	vand.u32 $0xFF, v23;
	v61 =	vshrl.u32 v22, $0xE;
	v58 =	vadd.s32 v17, v25  }
0x231: {  	[tilespmem:v10+s25+$0x0] =	vst.idx.add.s32.msk $0xffff, v6;
	v62 =	vand.u32 $0xFF, v19;
	v16 =	vadd.s32 v7, v58;
	v10 =	vadd.s32 v63, v60  }
0x232: {  	[tilespmem:v8+s25+$0x0] =	vst.idx.add.s32.msk $0xffff, v6;
	v8 =	vand.u32 $0xFF, v61;
	v9 =	vadd.s32 v62, v59;
	v10 =	vadd.s32 v7, v10  }
0x233: {  	[tilespmem:v13+s24+$0x0] =	vst.idx.add.s32.msk $0xffff, v6;
	v9 =	vadd.s32 v7, v9;
	v8 =	vadd.s32 v8, v14  }
0x234: {  	[tilespmem:v12+s24+$0x0] =	vst.idx.add.s32.msk $0xffff, v6;
	v8 =	vadd.s32 v7, v8  }
0x235: {  	p1 =	por $0x1, $0x1;
	[tilespmem:v11+s24+$0x0] =	vst.idx.add.s32.msk $0xffff, v6  }
.Ltmp10:
0x236: {  	[tilespmem:v16+s22+$0x0] =	vst.idx.add.s32.msk $0xffff, v6;
	(pc) =	sbr.rel @!p1 .LBB2_22-.Ltmp10, $4  }
0x237: {  	[tilespmem:v10+s22+$0x0] =	vst.idx.add.s32.msk $0xffff, v6  }
0x238: {  	[tilespmem:v9+s22+$0x0] =	vst.idx.add.s32.msk $0xffff, v6  }
0x239: {  	[tilespmem:v8+s22+$0x0] =	vst.idx.add.s32.msk $0xffff, v6  }
0x23a: {  	p0 =	por $0x0, $0x0;
	s23 =	simm.s32 $0x10;
	s24 =	sand.u32 $0xF0, s22;
	v13 =	vld [tilespmem:s22+$0x0]  }
0x23b: {  	v8 =	vld [tilespmem:s24+$0x100]  }
0x23c: {  	v9 =	vld [tilespmem:s24+$0x200]  }
0x23d: {  	v10 =	vld [tilespmem:s24+$0x300]  }
0x23e: {  	v11 =	vld [tilespmem:s24+$0x400]  }
0x23f: {  	v12 =	vld [tilespmem:s24+$0x500]  }
0x240: {  	v14 =	vld [tilespmem:s24+$0x600];
	v8 =	vadd.s32 v13, v8  }
0x241: {  	v13 =	vld [tilespmem:s24+$0x700];
	v8 =	vadd.s32 v9, v8  }
0x242: {  	v9 =	vld [tilespmem:s24+$0x800];
	v8 =	vadd.s32 v10, v8  }
0x243: {  	v10 =	vld [tilespmem:s24+$0x900];
	v8 =	vadd.s32 v11, v8  }
0x244: {  	v11 =	vld [tilespmem:s24+$0xA00];
	v8 =	vadd.s32 v12, v8  }
0x245: {  	v12 =	vld [tilespmem:s24+$0xB00];
	v8 =	vadd.s32 v14, v8  }
0x246: {  	v14 =	vld [tilespmem:s24+$0xC00];
	v8 =	vadd.s32 v13, v8  }
0x247: {  	v13 =	vld [tilespmem:s24+$0xD00];
	v8 =	vadd.s32 v9, v8  }
0x248: {  	v9 =	vld [tilespmem:s24+$0xE00];
	v8 =	vadd.s32 v10, v8  }
0x249: {  	v10 =	vld [tilespmem:s24+$0xF00];
	v8 =	vadd.s32 v11, v8  }
0x24a: {  	v11 =	vld [tilespmem:s24+$0x1000];
	v8 =	vadd.s32 v12, v8  }
0x24b: {  	v12 =	vld [tilespmem:s24+$0x1100];
	v8 =	vadd.s32 v14, v8  }
0x24c: {  	v14 =	vld [tilespmem:s24+$0x1200];
	v8 =	vadd.s32 v13, v8  }
0x24d: {  	v13 =	vld [tilespmem:s24+$0x1300];
	v8 =	vadd.s32 v9, v8  }
0x24e: {  	v9 =	vld [tilespmem:s24+$0x1400];
	v8 =	vadd.s32 v10, v8  }
0x24f: {  	v10 =	vld [tilespmem:s24+$0x1500];
	v8 =	vadd.s32 v11, v8  }
0x250: {  	v11 =	vld [tilespmem:s24+$0x1600];
	v8 =	vadd.s32 v12, v8  }
0x251: {  	v12 =	vld [tilespmem:s24+$0x1700];
	v8 =	vadd.s32 v14, v8  }
0x252: {  	v14 =	vld [tilespmem:s24+$0x1800];
	v8 =	vadd.s32 v13, v8  }
0x253: {  	v13 =	vld [tilespmem:s24+$0x1900];
	v8 =	vadd.s32 v9, v8  }
0x254: {  	v15 =	vld [tilespmem:s24+$0x1A00];
	v8 =	vadd.s32 v10, v8  }
0x255: {  	v16 =	vld [tilespmem:s24+$0x1B00];
	p1 =	por $0x1, $0x1;
	v9 =	vadd.s32 v11, v8  }
.Ltmp11:
0x256: {  	v8 =	vld [tilespmem:s24+$0x1C00];
	v10 =	vadd.s32 v12, v9;
	(pc) =	sbr.rel @!p1 .LBB2_24-.Ltmp11, $4  }
0x257: {  	v9 =	vld [tilespmem:s24+$0x1D00];
	v11 =	vadd.s32 v14, v10  }
0x258: {  	v10 =	vld [tilespmem:s24+$0x1E00];
	v12 =	vadd.s32 v13, v11  }
0x259: {  	s26 =	simm.s32 $0x20;
	v11 =	vld [tilespmem:s24+$0x1F00];
	v12 =	vadd.s32 v15, v12  }
0x25a: {  	p0 =	por $0x1, $0x1;
	s25 =	simm.s32 $0x0;
	s24 =	sand.u32 $0xF0, s23;
	v13 =	vld [tilespmem:s23+$0x0];
	v12 =	vadd.s32 v16, v12  }
.LBB2_25:
0x25b: {  	p1 =	sne.s32 s26, $0xF0;
	v14 =	vld [tilespmem:s24+$0x100];
	v8 =	vadd.s32 v8, v12  }
0x25c: {  	v12 =	vld [tilespmem:s24+$0x200];
	v8 =	vadd.s32 v9, v8  }
0x25d: {  	v9 =	vld [tilespmem:s24+$0x300];
	v8 =	vadd.s32 v10, v8  }
0x25e: {  	v10 =	vld [tilespmem:s24+$0x400];
	v8 =	vadd.s32 v11, v8  }
0x25f: {  	v11 =	vld [tilespmem:s24+$0x500];
	[tilespmem:s25+$0x0] =	vst v8;
	s25 =	smov.u32 s23  }
0x260: {  	v8 =	vadd.s32 v13, v14;
	v13 =	vld [tilespmem:s24+$0x600]  }
0x261: {  	v8 =	vadd.s32 v12, v8;
	v12 =	vld [tilespmem:s24+$0x700]  }
0x262: {  	v8 =	vadd.s32 v9, v8;
	v9 =	vld [tilespmem:s24+$0x800]  }
0x263: {  	v8 =	vadd.s32 v10, v8;
	v10 =	vld [tilespmem:s24+$0x900]  }
0x264: {  	v8 =	vadd.s32 v11, v8;
	v11 =	vld [tilespmem:s24+$0xA00]  }
0x265: {  	v8 =	vadd.s32 v13, v8;
	v13 =	vld [tilespmem:s24+$0xB00]  }
0x266: {  	v8 =	vadd.s32 v12, v8;
	v12 =	vld [tilespmem:s24+$0xC00]  }
0x267: {  	v8 =	vadd.s32 v9, v8;
	v9 =	vld [tilespmem:s24+$0xD00]  }
0x268: {  	v8 =	vadd.s32 v10, v8;
	v10 =	vld [tilespmem:s24+$0xE00]  }
0x269: {  	v8 =	vadd.s32 v11, v8;
	v11 =	vld [tilespmem:s24+$0xF00]  }
0x26a: {  	v8 =	vadd.s32 v13, v8;
	v13 =	vld [tilespmem:s24+$0x1000]  }
0x26b: {  	v8 =	vadd.s32 v12, v8;
	v12 =	vld [tilespmem:s24+$0x1100]  }
0x26c: {  	v8 =	vadd.s32 v9, v8;
	v9 =	vld [tilespmem:s24+$0x1200]  }
0x26d: {  	v8 =	vadd.s32 v10, v8;
	v10 =	vld [tilespmem:s24+$0x1300]  }
0x26e: {  	v8 =	vadd.s32 v11, v8;
	v11 =	vld [tilespmem:s24+$0x1400]  }
0x26f: {  	v8 =	vadd.s32 v13, v8;
	v13 =	vld [tilespmem:s24+$0x1500]  }
0x270: {  	v8 =	vadd.s32 v12, v8;
	v12 =	vld [tilespmem:s24+$0x1600]  }
0x271: {  	v8 =	vadd.s32 v9, v8;
	v9 =	vld [tilespmem:s24+$0x1700]  }
0x272: {  	v8 =	vadd.s32 v10, v8;
	v10 =	vld [tilespmem:s24+$0x1800]  }
0x273: {  	v8 =	vadd.s32 v11, v8;
	v11 =	vld [tilespmem:s24+$0x1900]  }
0x274: {  	v8 =	vadd.s32 v13, v8;
	v13 =	vld [tilespmem:s24+$0x1A00]  }
0x275: {  	v8 =	vadd.s32 v12, v8;
	v12 =	vld [tilespmem:s24+$0x1B00]  }
.Ltmp12:
0x276: {  	v9 =	vadd.s32 v9, v8;
	v8 =	vld [tilespmem:s24+$0x1C00];
	(pc) =	sbr.rel @p1 .LBB2_25-.Ltmp12, $4  }
0x277: {  	v10 =	vadd.s32 v10, v9;
	v9 =	vld [tilespmem:s24+$0x1D00]  }
0x278: {  	v11 =	vadd.s32 v11, v10;
	v10 =	vld [tilespmem:s24+$0x1E00]  }
0x279: {  	s23 =	sadd.s32 $0x10, s23;
	v14 =	vadd.s32 v13, v11;
	v11 =	vld [tilespmem:s24+$0x1F00]  }
0x27a: {  	s24 =	sand.u32 $0xF0, s26;
	s26 =	sadd.s32 $0x10, s26;
	v13 =	vld [tilespmem:s23+$0x0];
	v12 =	vadd.s32 v12, v14  }
.LBB2_26:
0x27b: {  	v14 =	vld [tilespmem:s24+$0x100]  }
0x27c: {  	v15 =	vld [tilespmem:s24+$0x200]  }
0x27d: {  	v16 =	vld [tilespmem:s24+$0x300]  }
0x27e: {  	v17 =	vld [tilespmem:s24+$0x400]  }
0x27f: {  	v18 =	vld [tilespmem:s24+$0x500]  }
0x280: {  	v13 =	vadd.s32 v13, v14;
	v14 =	vld [tilespmem:s24+$0x600]  }
0x281: {  	v13 =	vadd.s32 v15, v13;
	v15 =	vld [tilespmem:s24+$0x700]  }
0x282: {  	v49 =	vld [tilespmem:s24+$0x800];
	v13 =	vadd.s32 v16, v13  }
0x283: {  	v50 =	vld [tilespmem:s24+$0x900];
	v13 =	vadd.s32 v17, v13  }
0x284: {  	v51 =	vld [tilespmem:s24+$0xA00];
	v13 =	vadd.s32 v18, v13  }
0x285: {  	v13 =	vadd.s32 v14, v13;
	v14 =	vld [tilespmem:s24+$0xB00]  }
0x286: {  	v13 =	vadd.s32 v15, v13;
	v15 =	vld [tilespmem:s24+$0xC00]  }
0x287: {  	v52 =	vld [tilespmem:s24+$0xD00];
	v13 =	vadd.s32 v49, v13  }
0x288: {  	v53 =	vld [tilespmem:s24+$0xE00];
	v13 =	vadd.s32 v50, v13  }
0x289: {  	v54 =	vld [tilespmem:s24+$0xF00];
	v13 =	vadd.s32 v51, v13  }
0x28a: {  	v13 =	vadd.s32 v14, v13;
	v14 =	vld [tilespmem:s24+$0x1000]  }
0x28b: {  	v13 =	vadd.s32 v15, v13;
	v15 =	vld [tilespmem:s24+$0x1100]  }
0x28c: {  	v55 =	vld [tilespmem:s24+$0x1200];
	v13 =	vadd.s32 v52, v13  }
0x28d: {  	v56 =	vld [tilespmem:s24+$0x1300];
	v13 =	vadd.s32 v53, v13  }
0x28e: {  	v57 =	vld [tilespmem:s24+$0x1400];
	v13 =	vadd.s32 v54, v13  }
0x28f: {  	v13 =	vadd.s32 v14, v13;
	v14 =	vld [tilespmem:s24+$0x1500]  }
0x290: {  	v13 =	vadd.s32 v15, v13;
	v15 =	vld [tilespmem:s24+$0x1600]  }
0x291: {  	v58 =	vld [tilespmem:s24+$0x1700];
	v13 =	vadd.s32 v55, v13  }
0x292: {  	v59 =	vld [tilespmem:s24+$0x1800];
	v13 =	vadd.s32 v56, v13  }
0x293: {  	v60 =	vld [tilespmem:s24+$0x1900];
	v13 =	vadd.s32 v57, v13  }
0x294: {  	v13 =	vadd.s32 v14, v13;
	v14 =	vld [tilespmem:s24+$0x1A00]  }
0x295: {  	v13 =	vadd.s32 v15, v13;
	v15 =	vld [tilespmem:s24+$0x1B00]  }
0x296: {  	v61 =	vld [tilespmem:s24+$0x1C00];
	v13 =	vadd.s32 v58, v13  }
0x297: {  	v62 =	vld [tilespmem:s24+$0x1D00];
	v13 =	vadd.s32 v59, v13  }
0x298: {  	v63 =	vld [tilespmem:s24+$0x1E00];
	v13 =	vadd.s32 v60, v13  }
0x299: {  	v13 =	vadd.s32 v14, v13;
	v14 =	vld [tilespmem:s24+$0x1F00]  }
0x29a: {  	v8 =	vadd.s32 @p0 v8, v12;
	v12 =	vadd.s32 v15, v13  }
0x29b: {  	v8 =	vadd.s32 @p0 v9, v8;
	v9 =	vadd.s32 v61, v12  }
0x29c: {  	v8 =	vadd.s32 @p0 v10, v8;
	v9 =	vadd.s32 v62, v9  }
0x29d: {  	v8 =	vadd.s32 @p0 v11, v8;
	v9 =	vadd.s32 v63, v9  }
0x29e: {  	[tilespmem:s25+$0x0] =	vst @p0 v8;
	v8 =	vadd.s32 v14, v9  }
0x29f: {  	[tilespmem:s23+$0x0] =	vst v8  }
0x2a0: {  	[hbm4b:s8+s22] =	stream.linear.scatter [tilespmem:s22], [sflag:$0x3], $0x100, $0x38;
	[tilespmem:$0x1A600] =	vst v63  }
0x2a1: {  	_ =	swait.ge [sflag:s14], $0x100  }
0x2a2: {  	[sflag:s14] =	ssyncset.done $0x0  }
0x2a3: {  	s22 =	sand.u32 $0xF0, s22;
	[sflag:s14] =	ssyncadd.s32 $0xFFFFFF00  }
0x2a4: {  	v8 =	vld [tilespmem:s22+$0x2000]  }
0x2a5: {  	v9 =	vld [tilespmem:s22+$0x2100]  }
0x2a6: {  	v10 =	vld [tilespmem:s22+$0x2200]  }
0x2a7: {  	v11 =	vld [tilespmem:s22+$0x2300]  }
0x2a8: {  	v12 =	vld [tilespmem:s22+$0x2400]  }
0x2a9: {  	v13 =	vld [tilespmem:s22+$0x2500]  }
0x2aa: {  	v8 =	vadd.s32 v8, v9;
	v9 =	vld [tilespmem:s22+$0x2600]  }
0x2ab: {  	v8 =	vadd.s32 v10, v8;
	v10 =	vld [tilespmem:s22+$0x2700]  }
0x2ac: {  	v8 =	vadd.s32 v11, v8;
	v11 =	vld [tilespmem:s22+$0x2800]  }
0x2ad: {  	v8 =	vadd.s32 v12, v8;
	v12 =	vld [tilespmem:s22+$0x2900]  }
0x2ae: {  	v8 =	vadd.s32 v13, v8;
	v13 =	vld [tilespmem:s22+$0x2A00]  }
0x2af: {  	v8 =	vadd.s32 v9, v8;
	v9 =	vld [tilespmem:s22+$0x2B00]  }
0x2b0: {  	v8 =	vadd.s32 v10, v8;
	v10 =	vld [tilespmem:s22+$0x2C00]  }
0x2b1: {  	v8 =	vadd.s32 v11, v8;
	v11 =	vld [tilespmem:s22+$0x2D00]  }
0x2b2: {  	v8 =	vadd.s32 v12, v8;
	v12 =	vld [tilespmem:s22+$0x2E00]  }
0x2b3: {  	v8 =	vadd.s32 v13, v8;
	v13 =	vld [tilespmem:s22+$0x2F00]  }
0x2b4: {  	v8 =	vadd.s32 v9, v8;
	v9 =	vld [tilespmem:s22+$0x3000]  }
0x2b5: {  	v8 =	vadd.s32 v10, v8;
	v10 =	vld [tilespmem:s22+$0x3100]  }
0x2b6: {  	v8 =	vadd.s32 v11, v8;
	v11 =	vld [tilespmem:s22+$0x3200]  }
0x2b7: {  	v8 =	vadd.s32 v12, v8;
	v12 =	vld [tilespmem:s22+$0x3300]  }
0x2b8: {  	v8 =	vadd.s32 v13, v8;
	v13 =	vld [tilespmem:s22+$0x3400]  }
0x2b9: {  	v8 =	vadd.s32 v9, v8;
	v9 =	vld [tilespmem:s22+$0x3500]  }
0x2ba: {  	v8 =	vadd.s32 v10, v8;
	v10 =	vld [tilespmem:s22+$0x3600]  }
0x2bb: {  	v8 =	vadd.s32 v11, v8;
	v11 =	vld [tilespmem:s22+$0x3700]  }
0x2bc: {  	v8 =	vadd.s32 v12, v8;
	v12 =	vld [tilespmem:s22+$0x3800]  }
0x2bd: {  	v8 =	vadd.s32 v13, v8;
	v13 =	vld [tilespmem:s22+$0x3900]  }
0x2be: {  	v14 =	vld [tilespmem:s22+$0x3A00];
	v8 =	vadd.s32 v9, v8  }
0x2bf: {  	v15 =	vld [tilespmem:s22+$0x3B00];
	v8 =	vadd.s32 v10, v8  }
0x2c0: {  	v9 =	vadd.s32 v11, v8;
	v8 =	vld [tilespmem:s22+$0x3C00]  }
0x2c1: {  	v10 =	vadd.s32 v12, v9;
	v9 =	vld [tilespmem:s22+$0x3D00]  }
0x2c2: {  	s31 =	simm.s32 $0x10;
	v11 =	vadd.s32 v13, v10;
	v10 =	vld [tilespmem:s22+$0x3E00]  }
0x2c3: {  	s24 =	sand.u32 $0xF0, s31;
	v12 =	vadd.s32 v14, v11;
	v11 =	vld [tilespmem:s22+$0x3F00]  }
0x2c4: {  	s23 =	simm.s32 $0x20;
	v13 =	vld [tilespmem:s24+$0x2000];
	v12 =	vadd.s32 v15, v12  }
.LBB2_27:
0x2c5: {  	p0 =	sne.s32 s23, $0xF0;
	v14 =	vld [tilespmem:s24+$0x2100];
	v8 =	vadd.s32 v8, v12  }
0x2c6: {  	v12 =	vld [tilespmem:s24+$0x2200];
	v8 =	vadd.s32 v9, v8  }
0x2c7: {  	v9 =	vld [tilespmem:s24+$0x2300];
	v8 =	vadd.s32 v10, v8  }
0x2c8: {  	v10 =	vld [tilespmem:s24+$0x2400];
	v8 =	vadd.s32 v11, v8  }
0x2c9: {  	v11 =	vld [tilespmem:s24+$0x2500];
	[tilespmem:s22+$0x2000] =	vst v8;
	s22 =	smov.u32 s24  }
0x2ca: {  	v8 =	vadd.s32 v13, v14;
	v13 =	vld [tilespmem:s22+$0x2600]  }
0x2cb: {  	v8 =	vadd.s32 v12, v8;
	v12 =	vld [tilespmem:s22+$0x2700]  }
0x2cc: {  	v8 =	vadd.s32 v9, v8;
	v9 =	vld [tilespmem:s22+$0x2800]  }
0x2cd: {  	v8 =	vadd.s32 v10, v8;
	v10 =	vld [tilespmem:s22+$0x2900]  }
0x2ce: {  	v8 =	vadd.s32 v11, v8;
	v11 =	vld [tilespmem:s22+$0x2A00]  }
0x2cf: {  	v8 =	vadd.s32 v13, v8;
	v13 =	vld [tilespmem:s22+$0x2B00]  }
0x2d0: {  	v8 =	vadd.s32 v12, v8;
	v12 =	vld [tilespmem:s22+$0x2C00]  }
0x2d1: {  	v8 =	vadd.s32 v9, v8;
	v9 =	vld [tilespmem:s22+$0x2D00]  }
0x2d2: {  	v8 =	vadd.s32 v10, v8;
	v10 =	vld [tilespmem:s22+$0x2E00]  }
0x2d3: {  	v8 =	vadd.s32 v11, v8;
	v11 =	vld [tilespmem:s22+$0x2F00]  }
0x2d4: {  	v8 =	vadd.s32 v13, v8;
	v13 =	vld [tilespmem:s22+$0x3000]  }
0x2d5: {  	v8 =	vadd.s32 v12, v8;
	v12 =	vld [tilespmem:s22+$0x3100]  }
0x2d6: {  	v8 =	vadd.s32 v9, v8;
	v9 =	vld [tilespmem:s22+$0x3200]  }
0x2d7: {  	v8 =	vadd.s32 v10, v8;
	v10 =	vld [tilespmem:s22+$0x3300]  }
0x2d8: {  	v8 =	vadd.s32 v11, v8;
	v11 =	vld [tilespmem:s22+$0x3400]  }
0x2d9: {  	v8 =	vadd.s32 v13, v8;
	v13 =	vld [tilespmem:s22+$0x3500]  }
0x2da: {  	v8 =	vadd.s32 v12, v8;
	v12 =	vld [tilespmem:s22+$0x3600]  }
0x2db: {  	v8 =	vadd.s32 v9, v8;
	v9 =	vld [tilespmem:s22+$0x3700]  }
0x2dc: {  	v8 =	vadd.s32 v10, v8;
	v10 =	vld [tilespmem:s22+$0x3800]  }
0x2dd: {  	v8 =	vadd.s32 v11, v8;
	v11 =	vld [tilespmem:s22+$0x3900]  }
0x2de: {  	v8 =	vadd.s32 v13, v8;
	v13 =	vld [tilespmem:s22+$0x3A00]  }
0x2df: {  	v8 =	vadd.s32 v12, v8;
	v12 =	vld [tilespmem:s22+$0x3B00]  }
.Ltmp13:
0x2e0: {  	v9 =	vadd.s32 v9, v8;
	v8 =	vld [tilespmem:s22+$0x3C00];
	(pc) =	sbr.rel @p0 .LBB2_27-.Ltmp13, $4  }
0x2e1: {  	v10 =	vadd.s32 v10, v9;
	v9 =	vld [tilespmem:s22+$0x3D00]  }
0x2e2: {  	v11 =	vadd.s32 v11, v10;
	v10 =	vld [tilespmem:s22+$0x3E00]  }
0x2e3: {  	s24 =	sand.u32 $0xF0, s23;
	v14 =	vadd.s32 v13, v11;
	v11 =	vld [tilespmem:s22+$0x3F00]  }
0x2e4: {  	s23 =	sadd.s32 $0x10, s23;
	v13 =	vld [tilespmem:s24+$0x2000];
	v12 =	vadd.s32 v12, v14  }
0x2e5: {  	v14 =	vld [tilespmem:s24+$0x2100]  }
0x2e6: {  	v15 =	vld [tilespmem:s24+$0x2200]  }
0x2e7: {  	v16 =	vld [tilespmem:s24+$0x2300]  }
0x2e8: {  	v17 =	vld [tilespmem:s24+$0x2400]  }
0x2e9: {  	v18 =	vld [tilespmem:s24+$0x2500]  }
0x2ea: {  	v13 =	vadd.s32 v13, v14;
	v14 =	vld [tilespmem:s24+$0x2600]  }
0x2eb: {  	v13 =	vadd.s32 v15, v13;
	v15 =	vld [tilespmem:s24+$0x2700]  }
0x2ec: {  	v49 =	vld [tilespmem:s24+$0x2800];
	v13 =	vadd.s32 v16, v13  }
0x2ed: {  	v50 =	vld [tilespmem:s24+$0x2900];
	v13 =	vadd.s32 v17, v13  }
0x2ee: {  	v51 =	vld [tilespmem:s24+$0x2A00];
	v13 =	vadd.s32 v18, v13  }
0x2ef: {  	v13 =	vadd.s32 v14, v13;
	v14 =	vld [tilespmem:s24+$0x2B00]  }
0x2f0: {  	v13 =	vadd.s32 v15, v13;
	v15 =	vld [tilespmem:s24+$0x2C00]  }
0x2f1: {  	v52 =	vld [tilespmem:s24+$0x2D00];
	v13 =	vadd.s32 v49, v13  }
0x2f2: {  	v53 =	vld [tilespmem:s24+$0x2E00];
	v13 =	vadd.s32 v50, v13  }
0x2f3: {  	v54 =	vld [tilespmem:s24+$0x2F00];
	v13 =	vadd.s32 v51, v13  }
0x2f4: {  	v13 =	vadd.s32 v14, v13;
	v14 =	vld [tilespmem:s24+$0x3000]  }
0x2f5: {  	v13 =	vadd.s32 v15, v13;
	v15 =	vld [tilespmem:s24+$0x3100]  }
0x2f6: {  	v55 =	vld [tilespmem:s24+$0x3200];
	v13 =	vadd.s32 v52, v13  }
0x2f7: {  	v56 =	vld [tilespmem:s24+$0x3300];
	v13 =	vadd.s32 v53, v13  }
0x2f8: {  	v57 =	vld [tilespmem:s24+$0x3400];
	v13 =	vadd.s32 v54, v13  }
0x2f9: {  	v13 =	vadd.s32 v14, v13;
	v14 =	vld [tilespmem:s24+$0x3500]  }
0x2fa: {  	v13 =	vadd.s32 v15, v13;
	v15 =	vld [tilespmem:s24+$0x3600]  }
0x2fb: {  	v58 =	vld [tilespmem:s24+$0x3700];
	v13 =	vadd.s32 v55, v13  }
0x2fc: {  	v59 =	vld [tilespmem:s24+$0x3800];
	v13 =	vadd.s32 v56, v13  }
0x2fd: {  	v60 =	vld [tilespmem:s24+$0x3900];
	v13 =	vadd.s32 v57, v13  }
0x2fe: {  	v13 =	vadd.s32 v14, v13;
	v14 =	vld [tilespmem:s24+$0x3A00]  }
0x2ff: {  	v13 =	vadd.s32 v15, v13;
	v15 =	vld [tilespmem:s24+$0x3B00]  }
0x300: {  	v61 =	vld [tilespmem:s24+$0x3C00];
	v13 =	vadd.s32 v58, v13  }
0x301: {  	v62 =	vld [tilespmem:s24+$0x3D00];
	v13 =	vadd.s32 v59, v13  }
0x302: {  	v63 =	vld [tilespmem:s24+$0x3E00];
	v13 =	vadd.s32 v60, v13  }
0x303: {  	v13 =	vadd.s32 v14, v13;
	v14 =	vld [tilespmem:s24+$0x3F00]  }
0x304: {  	v8 =	vadd.s32 v8, v12;
	v12 =	vadd.s32 v15, v13  }
0x305: {  	v8 =	vadd.s32 v9, v8;
	v9 =	vadd.s32 v61, v12  }
0x306: {  	v8 =	vadd.s32 v10, v8;
	v9 =	vadd.s32 v62, v9  }
0x307: {  	v8 =	vadd.s32 v11, v8;
	v9 =	vadd.s32 v63, v9  }
0x308: {  	[tilespmem:s22+$0x2000] =	vst v8;
	v8 =	vadd.s32 v14, v9  }
0x309: {  	s31 =	simm.s32 $0x0;
	[tilespmem:s24+$0x2000] =	vst v8  }
0x30a: {  	[hbm4b:s9+s31] =	stream.linear.scatter [tilespmem:s18], [sflag:$0x3], $0x100, $0x38;
	[tilespmem:$0x1A600] =	vst v63  }
0x30b: {  	_ =	swait.ge [sflag:s14], $0x100  }
0x30c: {  	[sflag:s14] =	ssyncset.done $0x0  }
0x30d: {  	s22 =	sand.u32 $0xF0, s31;
	[sflag:s14] =	ssyncadd.s32 $0xFFFFFF00  }
0x30e: {  	v8 =	vld [tilespmem:s22+$0x4000]  }
0x30f: {  	v9 =	vld [tilespmem:s22+$0x4100]  }
0x310: {  	v10 =	vld [tilespmem:s22+$0x4200]  }
0x311: {  	v11 =	vld [tilespmem:s22+$0x4300]  }
0x312: {  	v12 =	vld [tilespmem:s22+$0x4400]  }
0x313: {  	v13 =	vld [tilespmem:s22+$0x4500]  }
0x314: {  	v8 =	vadd.s32 v8, v9;
	v9 =	vld [tilespmem:s22+$0x4600]  }
0x315: {  	v8 =	vadd.s32 v10, v8;
	v10 =	vld [tilespmem:s22+$0x4700]  }
0x316: {  	v8 =	vadd.s32 v11, v8;
	v11 =	vld [tilespmem:s22+$0x4800]  }
0x317: {  	v8 =	vadd.s32 v12, v8;
	v12 =	vld [tilespmem:s22+$0x4900]  }
0x318: {  	v8 =	vadd.s32 v13, v8;
	v13 =	vld [tilespmem:s22+$0x4A00]  }
0x319: {  	v8 =	vadd.s32 v9, v8;
	v9 =	vld [tilespmem:s22+$0x4B00]  }
0x31a: {  	v8 =	vadd.s32 v10, v8;
	v10 =	vld [tilespmem:s22+$0x4C00]  }
0x31b: {  	v8 =	vadd.s32 v11, v8;
	v11 =	vld [tilespmem:s22+$0x4D00]  }
0x31c: {  	v8 =	vadd.s32 v12, v8;
	v12 =	vld [tilespmem:s22+$0x4E00]  }
0x31d: {  	v8 =	vadd.s32 v13, v8;
	v13 =	vld [tilespmem:s22+$0x4F00]  }
0x31e: {  	v8 =	vadd.s32 v9, v8;
	v9 =	vld [tilespmem:s22+$0x5000]  }
0x31f: {  	v8 =	vadd.s32 v10, v8;
	v10 =	vld [tilespmem:s22+$0x5100]  }
0x320: {  	v8 =	vadd.s32 v11, v8;
	v11 =	vld [tilespmem:s22+$0x5200]  }
0x321: {  	v8 =	vadd.s32 v12, v8;
	v12 =	vld [tilespmem:s22+$0x5300]  }
0x322: {  	v8 =	vadd.s32 v13, v8;
	v13 =	vld [tilespmem:s22+$0x5400]  }
0x323: {  	v8 =	vadd.s32 v9, v8;
	v9 =	vld [tilespmem:s22+$0x5500]  }
0x324: {  	v8 =	vadd.s32 v10, v8;
	v10 =	vld [tilespmem:s22+$0x5600]  }
0x325: {  	v8 =	vadd.s32 v11, v8;
	v11 =	vld [tilespmem:s22+$0x5700]  }
0x326: {  	v8 =	vadd.s32 v12, v8;
	v12 =	vld [tilespmem:s22+$0x5800]  }
0x327: {  	v8 =	vadd.s32 v13, v8;
	v13 =	vld [tilespmem:s22+$0x5900]  }
0x328: {  	v14 =	vld [tilespmem:s22+$0x5A00];
	v8 =	vadd.s32 v9, v8  }
0x329: {  	v15 =	vld [tilespmem:s22+$0x5B00];
	v8 =	vadd.s32 v10, v8  }
0x32a: {  	v9 =	vadd.s32 v11, v8;
	v8 =	vld [tilespmem:s22+$0x5C00]  }
0x32b: {  	v10 =	vadd.s32 v12, v9;
	v9 =	vld [tilespmem:s22+$0x5D00]  }
0x32c: {  	s23 =	simm.s32 $0x10;
	v11 =	vadd.s32 v13, v10;
	v10 =	vld [tilespmem:s22+$0x5E00]  }
0x32d: {  	s24 =	sand.u32 $0xF0, s23;
	v12 =	vadd.s32 v14, v11;
	v11 =	vld [tilespmem:s22+$0x5F00]  }
0x32e: {  	s23 =	simm.s32 $0x20;
	v13 =	vld [tilespmem:s24+$0x4000];
	v12 =	vadd.s32 v15, v12  }
.LBB2_29:
0x32f: {  	p0 =	sne.s32 s23, $0xF0;
	v14 =	vld [tilespmem:s24+$0x4100];
	v8 =	vadd.s32 v8, v12  }
0x330: {  	v12 =	vld [tilespmem:s24+$0x4200];
	v8 =	vadd.s32 v9, v8  }
0x331: {  	v9 =	vld [tilespmem:s24+$0x4300];
	v8 =	vadd.s32 v10, v8  }
0x332: {  	v10 =	vld [tilespmem:s24+$0x4400];
	v8 =	vadd.s32 v11, v8  }
0x333: {  	v11 =	vld [tilespmem:s24+$0x4500];
	[tilespmem:s22+$0x4000] =	vst v8;
	s22 =	smov.u32 s24  }
0x334: {  	v8 =	vadd.s32 v13, v14;
	v13 =	vld [tilespmem:s22+$0x4600]  }
0x335: {  	v8 =	vadd.s32 v12, v8;
	v12 =	vld [tilespmem:s22+$0x4700]  }
0x336: {  	v8 =	vadd.s32 v9, v8;
	v9 =	vld [tilespmem:s22+$0x4800]  }
0x337: {  	v8 =	vadd.s32 v10, v8;
	v10 =	vld [tilespmem:s22+$0x4900]  }
0x338: {  	v8 =	vadd.s32 v11, v8;
	v11 =	vld [tilespmem:s22+$0x4A00]  }
0x339: {  	v8 =	vadd.s32 v13, v8;
	v13 =	vld [tilespmem:s22+$0x4B00]  }
0x33a: {  	v8 =	vadd.s32 v12, v8;
	v12 =	vld [tilespmem:s22+$0x4C00]  }
0x33b: {  	v8 =	vadd.s32 v9, v8;
	v9 =	vld [tilespmem:s22+$0x4D00]  }
0x33c: {  	v8 =	vadd.s32 v10, v8;
	v10 =	vld [tilespmem:s22+$0x4E00]  }
0x33d: {  	v8 =	vadd.s32 v11, v8;
	v11 =	vld [tilespmem:s22+$0x4F00]  }
0x33e: {  	v8 =	vadd.s32 v13, v8;
	v13 =	vld [tilespmem:s22+$0x5000]  }
0x33f: {  	v8 =	vadd.s32 v12, v8;
	v12 =	vld [tilespmem:s22+$0x5100]  }
0x340: {  	v8 =	vadd.s32 v9, v8;
	v9 =	vld [tilespmem:s22+$0x5200]  }
0x341: {  	v8 =	vadd.s32 v10, v8;
	v10 =	vld [tilespmem:s22+$0x5300]  }
0x342: {  	v8 =	vadd.s32 v11, v8;
	v11 =	vld [tilespmem:s22+$0x5400]  }
0x343: {  	v8 =	vadd.s32 v13, v8;
	v13 =	vld [tilespmem:s22+$0x5500]  }
0x344: {  	v8 =	vadd.s32 v12, v8;
	v12 =	vld [tilespmem:s22+$0x5600]  }
0x345: {  	v8 =	vadd.s32 v9, v8;
	v9 =	vld [tilespmem:s22+$0x5700]  }
0x346: {  	v8 =	vadd.s32 v10, v8;
	v10 =	vld [tilespmem:s22+$0x5800]  }
0x347: {  	v8 =	vadd.s32 v11, v8;
	v11 =	vld [tilespmem:s22+$0x5900]  }
0x348: {  	v8 =	vadd.s32 v13, v8;
	v13 =	vld [tilespmem:s22+$0x5A00]  }
0x349: {  	v8 =	vadd.s32 v12, v8;
	v12 =	vld [tilespmem:s22+$0x5B00]  }
.Ltmp14:
0x34a: {  	v9 =	vadd.s32 v9, v8;
	v8 =	vld [tilespmem:s22+$0x5C00];
	(pc) =	sbr.rel @p0 .LBB2_29-.Ltmp14, $4  }
0x34b: {  	v10 =	vadd.s32 v10, v9;
	v9 =	vld [tilespmem:s22+$0x5D00]  }
0x34c: {  	v11 =	vadd.s32 v11, v10;
	v10 =	vld [tilespmem:s22+$0x5E00]  }
0x34d: {  	s24 =	sand.u32 $0xF0, s23;
	v14 =	vadd.s32 v13, v11;
	v11 =	vld [tilespmem:s22+$0x5F00]  }
0x34e: {  	s23 =	sadd.s32 $0x10, s23;
	v13 =	vld [tilespmem:s24+$0x4000];
	v12 =	vadd.s32 v12, v14  }
0x34f: {  	v14 =	vld [tilespmem:s24+$0x4100]  }
0x350: {  	v15 =	vld [tilespmem:s24+$0x4200]  }
0x351: {  	v16 =	vld [tilespmem:s24+$0x4300]  }
0x352: {  	v17 =	vld [tilespmem:s24+$0x4400]  }
0x353: {  	v18 =	vld [tilespmem:s24+$0x4500]  }
0x354: {  	v13 =	vadd.s32 v13, v14;
	v14 =	vld [tilespmem:s24+$0x4600]  }
0x355: {  	v13 =	vadd.s32 v15, v13;
	v15 =	vld [tilespmem:s24+$0x4700]  }
0x356: {  	v49 =	vld [tilespmem:s24+$0x4800];
	v13 =	vadd.s32 v16, v13  }
0x357: {  	v50 =	vld [tilespmem:s24+$0x4900];
	v13 =	vadd.s32 v17, v13  }
0x358: {  	v51 =	vld [tilespmem:s24+$0x4A00];
	v13 =	vadd.s32 v18, v13  }
0x359: {  	v13 =	vadd.s32 v14, v13;
	v14 =	vld [tilespmem:s24+$0x4B00]  }
0x35a: {  	v13 =	vadd.s32 v15, v13;
	v15 =	vld [tilespmem:s24+$0x4C00]  }
0x35b: {  	v52 =	vld [tilespmem:s24+$0x4D00];
	v13 =	vadd.s32 v49, v13  }
0x35c: {  	v53 =	vld [tilespmem:s24+$0x4E00];
	v13 =	vadd.s32 v50, v13  }
0x35d: {  	v54 =	vld [tilespmem:s24+$0x4F00];
	v13 =	vadd.s32 v51, v13  }
0x35e: {  	v13 =	vadd.s32 v14, v13;
	v14 =	vld [tilespmem:s24+$0x5000]  }
0x35f: {  	v13 =	vadd.s32 v15, v13;
	v15 =	vld [tilespmem:s24+$0x5100]  }
0x360: {  	v55 =	vld [tilespmem:s24+$0x5200];
	v13 =	vadd.s32 v52, v13  }
0x361: {  	v56 =	vld [tilespmem:s24+$0x5300];
	v13 =	vadd.s32 v53, v13  }
0x362: {  	v57 =	vld [tilespmem:s24+$0x5400];
	v13 =	vadd.s32 v54, v13  }
0x363: {  	v13 =	vadd.s32 v14, v13;
	v14 =	vld [tilespmem:s24+$0x5500]  }
0x364: {  	v13 =	vadd.s32 v15, v13;
	v15 =	vld [tilespmem:s24+$0x5600]  }
0x365: {  	v58 =	vld [tilespmem:s24+$0x5700];
	v13 =	vadd.s32 v55, v13  }
0x366: {  	v59 =	vld [tilespmem:s24+$0x5800];
	v13 =	vadd.s32 v56, v13  }
0x367: {  	v60 =	vld [tilespmem:s24+$0x5900];
	v13 =	vadd.s32 v57, v13  }
0x368: {  	v13 =	vadd.s32 v14, v13;
	v14 =	vld [tilespmem:s24+$0x5A00]  }
0x369: {  	v13 =	vadd.s32 v15, v13;
	v15 =	vld [tilespmem:s24+$0x5B00]  }
0x36a: {  	v61 =	vld [tilespmem:s24+$0x5C00];
	v13 =	vadd.s32 v58, v13  }
0x36b: {  	v62 =	vld [tilespmem:s24+$0x5D00];
	v13 =	vadd.s32 v59, v13  }
0x36c: {  	v63 =	vld [tilespmem:s24+$0x5E00];
	v13 =	vadd.s32 v60, v13  }
0x36d: {  	v13 =	vadd.s32 v14, v13;
	v14 =	vld [tilespmem:s24+$0x5F00]  }
0x36e: {  	v8 =	vadd.s32 v8, v12;
	v12 =	vadd.s32 v15, v13  }
0x36f: {  	v8 =	vadd.s32 v9, v8;
	v9 =	vadd.s32 v61, v12  }
0x370: {  	v8 =	vadd.s32 v10, v8;
	v9 =	vadd.s32 v62, v9  }
0x371: {  	v8 =	vadd.s32 v11, v8;
	v9 =	vadd.s32 v63, v9  }
0x372: {  	[tilespmem:s22+$0x4000] =	vst v8;
	v8 =	vadd.s32 v14, v9  }
0x373: {  	s31 =	simm.s32 $0x0;
	[tilespmem:s24+$0x4000] =	vst v8  }
0x374: {  	[hbm4b:s10+s31] =	stream.linear.scatter [tilespmem:s19], [sflag:$0x3], $0x100, $0x38;
	[tilespmem:$0x1A600] =	vst v63  }
0x375: {  	_ =	swait.ge [sflag:s14], $0x100  }
0x376: {  	[sflag:s14] =	ssyncset.done $0x0  }
0x377: {  	s22 =	sand.u32 $0xF0, s31;
	[sflag:s14] =	ssyncadd.s32 $0xFFFFFF00  }
0x378: {  	v8 =	vld [tilespmem:s22+$0x6000]  }
0x379: {  	v9 =	vld [tilespmem:s22+$0x6100]  }
0x37a: {  	v10 =	vld [tilespmem:s22+$0x6200]  }
0x37b: {  	v11 =	vld [tilespmem:s22+$0x6300]  }
0x37c: {  	v12 =	vld [tilespmem:s22+$0x6400]  }
0x37d: {  	v13 =	vld [tilespmem:s22+$0x6500]  }
0x37e: {  	v8 =	vadd.s32 v8, v9;
	v9 =	vld [tilespmem:s22+$0x6600]  }
0x37f: {  	v8 =	vadd.s32 v10, v8;
	v10 =	vld [tilespmem:s22+$0x6700]  }
0x380: {  	v8 =	vadd.s32 v11, v8;
	v11 =	vld [tilespmem:s22+$0x6800]  }
0x381: {  	v8 =	vadd.s32 v12, v8;
	v12 =	vld [tilespmem:s22+$0x6900]  }
0x382: {  	v8 =	vadd.s32 v13, v8;
	v13 =	vld [tilespmem:s22+$0x6A00]  }
0x383: {  	v8 =	vadd.s32 v9, v8;
	v9 =	vld [tilespmem:s22+$0x6B00]  }
0x384: {  	v8 =	vadd.s32 v10, v8;
	v10 =	vld [tilespmem:s22+$0x6C00]  }
0x385: {  	v8 =	vadd.s32 v11, v8;
	v11 =	vld [tilespmem:s22+$0x6D00]  }
0x386: {  	v8 =	vadd.s32 v12, v8;
	v12 =	vld [tilespmem:s22+$0x6E00]  }
0x387: {  	v8 =	vadd.s32 v13, v8;
	v13 =	vld [tilespmem:s22+$0x6F00]  }
0x388: {  	v8 =	vadd.s32 v9, v8;
	v9 =	vld [tilespmem:s22+$0x7000]  }
0x389: {  	v8 =	vadd.s32 v10, v8;
	v10 =	vld [tilespmem:s22+$0x7100]  }
0x38a: {  	v8 =	vadd.s32 v11, v8;
	v11 =	vld [tilespmem:s22+$0x7200]  }
0x38b: {  	v8 =	vadd.s32 v12, v8;
	v12 =	vld [tilespmem:s22+$0x7300]  }
0x38c: {  	v8 =	vadd.s32 v13, v8;
	v13 =	vld [tilespmem:s22+$0x7400]  }
0x38d: {  	v8 =	vadd.s32 v9, v8;
	v9 =	vld [tilespmem:s22+$0x7500]  }
0x38e: {  	v8 =	vadd.s32 v10, v8;
	v10 =	vld [tilespmem:s22+$0x7600]  }
0x38f: {  	v8 =	vadd.s32 v11, v8;
	v11 =	vld [tilespmem:s22+$0x7700]  }
0x390: {  	v8 =	vadd.s32 v12, v8;
	v12 =	vld [tilespmem:s22+$0x7800]  }
0x391: {  	v8 =	vadd.s32 v13, v8;
	v13 =	vld [tilespmem:s22+$0x7900]  }
0x392: {  	v14 =	vld [tilespmem:s22+$0x7A00];
	v8 =	vadd.s32 v9, v8  }
0x393: {  	v15 =	vld [tilespmem:s22+$0x7B00];
	v8 =	vadd.s32 v10, v8  }
0x394: {  	v9 =	vadd.s32 v11, v8;
	v8 =	vld [tilespmem:s22+$0x7C00]  }
0x395: {  	v10 =	vadd.s32 v12, v9;
	v9 =	vld [tilespmem:s22+$0x7D00]  }
0x396: {  	s23 =	simm.s32 $0x10;
	v11 =	vadd.s32 v13, v10;
	v10 =	vld [tilespmem:s22+$0x7E00]  }
0x397: {  	s24 =	sand.u32 $0xF0, s23;
	v12 =	vadd.s32 v14, v11;
	v11 =	vld [tilespmem:s22+$0x7F00]  }
0x398: {  	s23 =	simm.s32 $0x20;
	v13 =	vld [tilespmem:s24+$0x6000];
	v12 =	vadd.s32 v15, v12  }
.LBB2_31:
0x399: {  	p0 =	sne.s32 s23, $0xF0;
	v14 =	vld [tilespmem:s24+$0x6100];
	v8 =	vadd.s32 v8, v12  }
0x39a: {  	v12 =	vld [tilespmem:s24+$0x6200];
	v8 =	vadd.s32 v9, v8  }
0x39b: {  	v9 =	vld [tilespmem:s24+$0x6300];
	v8 =	vadd.s32 v10, v8  }
0x39c: {  	v10 =	vld [tilespmem:s24+$0x6400];
	v8 =	vadd.s32 v11, v8  }
0x39d: {  	v11 =	vld [tilespmem:s24+$0x6500];
	[tilespmem:s22+$0x6000] =	vst v8;
	s22 =	smov.u32 s24  }
0x39e: {  	v8 =	vadd.s32 v13, v14;
	v13 =	vld [tilespmem:s22+$0x6600]  }
0x39f: {  	v8 =	vadd.s32 v12, v8;
	v12 =	vld [tilespmem:s22+$0x6700]  }
0x3a0: {  	v8 =	vadd.s32 v9, v8;
	v9 =	vld [tilespmem:s22+$0x6800]  }
0x3a1: {  	v8 =	vadd.s32 v10, v8;
	v10 =	vld [tilespmem:s22+$0x6900]  }
0x3a2: {  	v8 =	vadd.s32 v11, v8;
	v11 =	vld [tilespmem:s22+$0x6A00]  }
0x3a3: {  	v8 =	vadd.s32 v13, v8;
	v13 =	vld [tilespmem:s22+$0x6B00]  }
0x3a4: {  	v8 =	vadd.s32 v12, v8;
	v12 =	vld [tilespmem:s22+$0x6C00]  }
0x3a5: {  	v8 =	vadd.s32 v9, v8;
	v9 =	vld [tilespmem:s22+$0x6D00]  }
0x3a6: {  	v8 =	vadd.s32 v10, v8;
	v10 =	vld [tilespmem:s22+$0x6E00]  }
0x3a7: {  	v8 =	vadd.s32 v11, v8;
	v11 =	vld [tilespmem:s22+$0x6F00]  }
0x3a8: {  	v8 =	vadd.s32 v13, v8;
	v13 =	vld [tilespmem:s22+$0x7000]  }
0x3a9: {  	v8 =	vadd.s32 v12, v8;
	v12 =	vld [tilespmem:s22+$0x7100]  }
0x3aa: {  	v8 =	vadd.s32 v9, v8;
	v9 =	vld [tilespmem:s22+$0x7200]  }
0x3ab: {  	v8 =	vadd.s32 v10, v8;
	v10 =	vld [tilespmem:s22+$0x7300]  }
0x3ac: {  	v8 =	vadd.s32 v11, v8;
	v11 =	vld [tilespmem:s22+$0x7400]  }
0x3ad: {  	v8 =	vadd.s32 v13, v8;
	v13 =	vld [tilespmem:s22+$0x7500]  }
0x3ae: {  	v8 =	vadd.s32 v12, v8;
	v12 =	vld [tilespmem:s22+$0x7600]  }
0x3af: {  	v8 =	vadd.s32 v9, v8;
	v9 =	vld [tilespmem:s22+$0x7700]  }
0x3b0: {  	v8 =	vadd.s32 v10, v8;
	v10 =	vld [tilespmem:s22+$0x7800]  }
0x3b1: {  	v8 =	vadd.s32 v11, v8;
	v11 =	vld [tilespmem:s22+$0x7900]  }
0x3b2: {  	v8 =	vadd.s32 v13, v8;
	v13 =	vld [tilespmem:s22+$0x7A00]  }
0x3b3: {  	v8 =	vadd.s32 v12, v8;
	v12 =	vld [tilespmem:s22+$0x7B00]  }
.Ltmp15:
0x3b4: {  	v9 =	vadd.s32 v9, v8;
	v8 =	vld [tilespmem:s22+$0x7C00];
	(pc) =	sbr.rel @p0 .LBB2_31-.Ltmp15, $4  }
0x3b5: {  	v10 =	vadd.s32 v10, v9;
	v9 =	vld [tilespmem:s22+$0x7D00]  }
0x3b6: {  	v11 =	vadd.s32 v11, v10;
	v10 =	vld [tilespmem:s22+$0x7E00]  }
0x3b7: {  	s24 =	sand.u32 $0xF0, s23;
	v14 =	vadd.s32 v13, v11;
	v11 =	vld [tilespmem:s22+$0x7F00]  }
0x3b8: {  	s23 =	sadd.s32 $0x10, s23;
	v13 =	vld [tilespmem:s24+$0x6000];
	v12 =	vadd.s32 v12, v14  }
0x3b9: {  	v14 =	vld [tilespmem:s24+$0x6100]  }
0x3ba: {  	v15 =	vld [tilespmem:s24+$0x6200]  }
0x3bb: {  	v16 =	vld [tilespmem:s24+$0x6300]  }
0x3bc: {  	v17 =	vld [tilespmem:s24+$0x6400]  }
0x3bd: {  	v18 =	vld [tilespmem:s24+$0x6500]  }
0x3be: {  	v36 =	vld [tilespmem:s24+$0x6600];
	v13 =	vadd.s32 v13, v14  }
0x3bf: {  	v37 =	vld [tilespmem:s24+$0x6700];
	v13 =	vadd.s32 v15, v13  }
0x3c0: {  	v38 =	vld [tilespmem:s24+$0x6800];
	v13 =	vadd.s32 v16, v13  }
0x3c1: {  	v39 =	vld [tilespmem:s24+$0x6900];
	v13 =	vadd.s32 v17, v13  }
0x3c2: {  	v40 =	vld [tilespmem:s24+$0x6A00];
	v13 =	vadd.s32 v18, v13  }
0x3c3: {  	v41 =	vld [tilespmem:s24+$0x6B00];
	v13 =	vadd.s32 v36, v13  }
0x3c4: {  	v42 =	vld [tilespmem:s24+$0x6C00];
	v13 =	vadd.s32 v37, v13  }
0x3c5: {  	v43 =	vld [tilespmem:s24+$0x6D00];
	v13 =	vadd.s32 v38, v13  }
0x3c6: {  	v44 =	vld [tilespmem:s24+$0x6E00];
	v13 =	vadd.s32 v39, v13  }
0x3c7: {  	v45 =	vld [tilespmem:s24+$0x6F00];
	v13 =	vadd.s32 v40, v13  }
0x3c8: {  	v46 =	vld [tilespmem:s24+$0x7000];
	v13 =	vadd.s32 v41, v13  }
0x3c9: {  	v47 =	vld [tilespmem:s24+$0x7100];
	v13 =	vadd.s32 v42, v13  }
0x3ca: {  	v48 =	vld [tilespmem:s24+$0x7200];
	v13 =	vadd.s32 v43, v13  }
0x3cb: {  	v49 =	vld [tilespmem:s24+$0x7300];
	v13 =	vadd.s32 v44, v13  }
0x3cc: {  	v50 =	vld [tilespmem:s24+$0x7400];
	v13 =	vadd.s32 v45, v13  }
0x3cd: {  	v51 =	vld [tilespmem:s24+$0x7500];
	v13 =	vadd.s32 v46, v13  }
0x3ce: {  	v52 =	vld [tilespmem:s24+$0x7600];
	v13 =	vadd.s32 v47, v13  }
0x3cf: {  	v53 =	vld [tilespmem:s24+$0x7700];
	v13 =	vadd.s32 v48, v13  }
0x3d0: {  	v54 =	vld [tilespmem:s24+$0x7800];
	v13 =	vadd.s32 v49, v13  }
0x3d1: {  	v55 =	vld [tilespmem:s24+$0x7900];
	v13 =	vadd.s32 v50, v13  }
0x3d2: {  	v56 =	vld [tilespmem:s24+$0x7A00];
	v13 =	vadd.s32 v51, v13  }
0x3d3: {  	v57 =	vld [tilespmem:s24+$0x7B00];
	v13 =	vadd.s32 v52, v13  }
0x3d4: {  	v58 =	vld [tilespmem:s24+$0x7C00];
	v13 =	vadd.s32 v53, v13  }
0x3d5: {  	v59 =	vld [tilespmem:s24+$0x7D00];
	v13 =	vadd.s32 v54, v13  }
0x3d6: {  	v60 =	vld [tilespmem:s24+$0x7E00];
	v13 =	vadd.s32 v55, v13  }
0x3d7: {  	v61 =	vld [tilespmem:s24+$0x7F00];
	v13 =	vadd.s32 v56, v13  }
0x3d8: {  	v8 =	vadd.s32 v8, v12;
	v62 =	vadd.s32 v57, v13  }
0x3d9: {  	v8 =	vadd.s32 v9, v8;
	v63 =	vadd.s32 v58, v62  }
0x3da: {  	v8 =	vadd.s32 v10, v8;
	v9 =	vadd.s32 v59, v63  }
0x3db: {  	v8 =	vadd.s32 v11, v8;
	v9 =	vadd.s32 v60, v9  }
0x3dc: {  	s21 =	sadd.s32 $0x1, s21;
	[tilespmem:s22+$0x6000] =	vst v8;
	v8 =	vadd.s32 v61, v9  }
0x3dd: {  	p0 =	sne.s32 s21, s12;
	[tilespmem:s24+$0x6000] =	vst v8  }
0x3de: {  	[hbm4b:s11+s3] =	stream.linear.scatter [tilespmem:s20], [sflag:$0x3], $0x100, $0x38;
	[tilespmem:$0x1A600] =	vst v63  }
.Ltmp16:
0x3df: {  	_ = 	snop;
	(pc) =	sbr.rel @p0 .LBB2_1-.Ltmp16, $4  }
.Ltmp17:
0x3e0: {  	_ = 	snop;
	(pc) =	sbr.rel @!p0 .LBB2_33-.Ltmp17, $4  }
0x3e1: {  	_ =	swait.ge [sflag:s14], $0x100  }
0x3e2: {  	[sflag:s14] =	ssyncset.done $0x0  }
0x3e3: {  	[sflag:s14] =	ssyncadd.s32 $0xFFFFFF00  }
0x3e4: {  	_ = 	snop  }
.LBB2_22:
.Ltmp18:
0x3e5: {  	(pc) =	sbr.rel .LBB2_26-.Ltmp18, $2  }
0x3e6: {  	_ =	sdelay $0x2  }
0x3e7: {  	s23 =	simm.s32 $0x0  }
.LBB2_24:
.Ltmp19:
0x3e8: {  	(pc) =	sbr.rel .LBB2_26-.Ltmp19, $2  }
0x3e9: {  	_ =	sdelay $0x2  }
0x3ea: {  	s25 =	simm.s32 $0x0  }
.LBB2_33:
0x3eb: {  	_ =	sfence.sel $0x180000  }
0x3ec: {  	[bflag:$0x0] =	sbarrier.arrive $0xFFFF  }
0x3ed: {  	p0 =	sne.s32 s2, $0x0;
	_ =	strace $0x9000004A  }
0x3ee: {  	s0 =	sadd.s32 @!p0 $0x100000, s0;
	[bflag:$0x2] =	sbarrier.arrive $0xFFFF  }
0x3ef: {  	[sflag:s0] =	ssyncadd.tile.s32 @!p0 $0x1;
	_ =	shalt  }
.Lfunc_end2:
_tile_overlayer_lowered:
.L_overlay_start_2:
0x3f0: {  	(tag) =	ssettag $0x2  }
0x3f1: {  	s0 =	rddreg [dreg:$0x0];
	s2 =	stileid.u32  }
0x3f2: {  	s1 =	rddreg [dreg:$0x1];
	p0 =	sne.s32 s2, $0x0  }
0x3f3: {  	s3 =	rddreg [dreg:$0x2];
	[bflag:$0x3] =	sbarrier.arrive $0xFFFF;
	s2 =	simm.s32 @!p0 $0x1C03  }
0x3f4: {  	[timem:s3], [sflag:s2] =	dma.local @!p0 [hbm:s0], s1  }
0x3f5: {  	s0 =	simm.s32 @!p0 $0x3  }
0x3f6: {  	_ =	swait.ge @!p0 [sflag:s0], s1  }
0x3f7: {  	s1 =	ssub.s32 @!p0 $0x0, s1;
	[sflag:s0] =	ssyncset.done @!p0 $0x0  }
0x3f8: {  	[sflag:s0] =	ssyncadd.s32 @!p0 s1  }
0x3f9: {  	[bflag:$0x3] =	sbarrier.arrive $0xFFFF  }
0x3fa: {  	_ =	shalt  }

</sc_bundles>
